<compile_context>
chip_gen: v7x
topology: tpu7x:2x2x1
jax: 0.10.2.dev20260603
libtpu: 0.0.44.dev20260713+nightly
codegen_flags: <defaults>
</compile_context>

<pallas_src>
import functools

import jax
import jax.numpy as jnp
from jax import lax
from jax.experimental import pallas as pl
from jax.experimental.pallas import tpu as pltpu
from jax.experimental.pallas import tpu_sc as plsc

N = 10000
E = 320000
F = 128
H = 4
C = 32
FE = 16
NEG = 0.2

NC = 2
NS = 16
NW = NC * NS
L = 16
EPT = E // NW
G = 32
NCHUNK = 312
GT = EPT - NCHUNK * G
DR = 320
RPT = 632
RLAST = N - (NS - 1) * RPT



def _proj_body(x_ref, wl_ref, bl_ref, wr_ref, br_ref, xl_ref, xr_ref):
    xb = x_ref[...]
    xl_ref[...] = jnp.dot(xb, wl_ref[...], preferred_element_type=jnp.float32) + bl_ref[...]
    xr_ref[...] = jnp.dot(xb, wr_ref[...], preferred_element_type=jnp.float32) + br_ref[...]


def _ee_body(ea_ref, we_ref, ee_ref):
    ee_ref[...] = jnp.dot(ea_ref[...], we_ref[...], preferred_element_type=jnp.float32)


def _final_body(a0_ref, a1_ref, d0_ref, d1_ref, b_ref, x_ref, o_ref):
    acc = a0_ref[...] + a1_ref[...]
    den4 = d0_ref[...] + d1_ref[...]
    heads = lax.broadcasted_iota(jnp.int32, (4, F), 0)
    feats = lax.broadcasted_iota(jnp.int32, (4, F), 1)
    expand = (feats // C == heads).astype(jnp.float32)
    denf = jnp.dot(den4, expand, preferred_element_type=jnp.float32) + 1e-16
    o_ref[...] = jnp.maximum(acc / denf + b_ref[...], 0.0) + x_ref[...]



def _edge_block(xl_b, xr_b, ee_b, al_b, dst_b, attb, iota, ones, hcols, n_ed,
                cb_b=None):
    m31 = jnp.full((L,), C - 1, jnp.int32)
    for g in range(n_ed // L):
        rows = jnp.full((L,), g * L, jnp.int32) + iota
        alphas = []
        for h in range(H):
            hv = jnp.full((L,), h * C, jnp.int32)

            def _logit(c, carry):
                r, acc = carry
                col = hv + r
                av = plsc.load_gather(attb, [col])
                a = plsc.load_gather(xl_b, [rows, col])
                b = plsc.load_gather(xr_b, [rows, col])
                e2 = plsc.load_gather(ee_b, [rows, col])
                z = a + b + e2
                lk = jnp.maximum(z, NEG * z)
                return (r + ones) & m31, acc + lk * av
            _, acc = pl.loop(
                0, C,
                init_carry=(iota & m31,
                            jnp.zeros((L,), jnp.float32)),
                unroll=2,
            )(_logit)
            alphas.append(jnp.exp(acc))
        dstv = dst_b[pl.ds(g * L, L)]
        colb = (dstv & 31) * 4
        if cb_b is not None:
            cb_b[g, :] = colb
        for h in range(H):
            plsc.store_scatter(al_b, [rows, colb + hcols[h]], alphas[h])
        for h in range(H):
            al = alphas[h]
            hv = jnp.full((L,), h * C, jnp.int32)

            def _msg(c, r):
                col = hv + r
                v = plsc.load_gather(xl_b, [rows, col])
                plsc.store_scatter(xl_b, [rows, col], v * al)
                return (r + ones) & m31
            pl.loop(0, C, init_carry=iota & m31, unroll=2)(_msg)


def _undo_alpha_cb(al_b, cb_b, iota, hcols, zv, n_ed):
    for g in range(n_ed // L):
        rows = jnp.full((L,), g * L, jnp.int32) + iota
        colb = cb_b[g, :]
        for h in range(H):
            plsc.store_scatter(al_b, [rows, colb + hcols[h]], zv)


def _undo_alpha(al_b, dst_b, iota, hcols, zv, n_ed):
    for g in range(n_ed // L):
        rows = jnp.full((L,), g * L, jnp.int32) + iota
        dstv = dst_b[pl.ds(g * L, L)]
        colb = (dstv & 31) * 4
        for h in range(H):
            plsc.store_scatter(al_b, [rows, colb + hcols[h]], zv)


def _gat_sc_body(xl_hbm, xr_hbm, ee_hbm, src_hbm, dst_hbm, att_hbm,
                 zacc_hbm, zden_hbm,
                 accp_hbm, denp_hbm,
                 xl0, xl1, xr0, xr1, ee0, ee1, al0, al1,
                 src0, src1, dst0, dst1, dsc0, dsc1, dd0, dd1, cb0, cb1,
                 srct_b, dstt_b, ddt_b, attb, acc_s, den_s,
                 isem0, isem1, gsem0, gsem1, ssem0, ssem1):
    cid = lax.axis_index("c")
    sid = lax.axis_index("s")
    wid = cid * NS + sid
    r0 = sid * RPT

    xlb = (xl0, xl1)
    xrb = (xr0, xr1)
    eeb = (ee0, ee1)
    alb = (al0, al1)
    srcb = (src0, src1)
    dstb = (dst0, dst1)
    dscb = (dsc0, dsc1)
    ddb = (dd0, dd1)
    cbb = (cb0, cb1)
    isem = (isem0, isem1)
    gsem = (gsem0, gsem1)
    ssem = (ssem0, ssem1)

    @pl.when(sid < NS - 1)
    def _():
        pltpu.sync_copy(zacc_hbm.at[pl.ds(r0, RPT)], acc_s.at[pl.ds(r0, RPT)])

    @pl.when(sid == NS - 1)
    def _():
        pltpu.sync_copy(zacc_hbm.at[pl.ds(r0, RLAST)],
                        acc_s.at[pl.ds(r0, RLAST)])

    @pl.when(sid < 2)
    def _():
        hdr = DR // 2
        pltpu.sync_copy(zden_hbm.at[pl.ds(sid * hdr, hdr)],
                        den_s.at[pl.ds(sid * hdr, hdr)])

    pltpu.sync_copy(att_hbm, attb)
    zv = jnp.zeros((L,), jnp.float32)

    @pl.loop(0, G)
    def _zal(j):
        for v in range(F // L):
            al0[j, pl.ds(v * L, L)] = zv
            al1[j, pl.ds(v * L, L)] = zv

    plsc.subcore_barrier()

    iota = lax.iota(jnp.int32, L)
    ones = jnp.full((L,), 1, jnp.int32)
    hcols = [jnp.full((L,), h, jnp.int32) for h in range(H)]
    ebase = wid * EPT

    def issue_idx(k, b):
        base = ebase + k * G
        pltpu.async_copy(src_hbm.at[pl.ds(base, G)], srcb[b], isem[b])
        pltpu.async_copy(dst_hbm.at[pl.ds(base, G)], dstb[b], isem[b])

    def drain_idx(k, b):
        base = ebase + k * G
        pltpu.make_async_copy(src_hbm.at[pl.ds(base, G)], srcb[b],
                              isem[b]).wait()
        pltpu.make_async_copy(dst_hbm.at[pl.ds(base, G)], dstb[b],
                              isem[b]).wait()

    def issue_gath(k, b):
        base = ebase + k * G
        pltpu.async_copy(xl_hbm.at[srcb[b]], xlb[b], gsem[b])
        pltpu.async_copy(xr_hbm.at[dstb[b]], xrb[b], gsem[b])
        pltpu.async_copy(ee_hbm.at[pl.ds(base, G)], eeb[b], gsem[b])

    def drain_gath(k, b):
        base = ebase + k * G
        pltpu.make_async_copy(xl_hbm.at[srcb[b]], xlb[b], gsem[b]).wait()
        pltpu.make_async_copy(xr_hbm.at[dstb[b]], xrb[b], gsem[b]).wait()
        pltpu.make_async_copy(ee_hbm.at[pl.ds(base, G)], eeb[b],
                              gsem[b]).wait()

    def issue_scat(b):
        pltpu.async_copy(xlb[b], acc_s.at[dscb[b]], ssem[b], add=True)
        pltpu.async_copy(alb[b], den_s.at[ddb[b]], ssem[b], add=True)

    def drain_scat(b):
        pltpu.make_async_copy(xlb[b], acc_s.at[dscb[b]], ssem[b]).wait()
        pltpu.make_async_copy(alb[b], den_s.at[ddb[b]], ssem[b]).wait()

    issue_idx(0, 0)
    issue_idx(1, 1)
    drain_idx(0, 0)
    issue_gath(0, 0)

    @pl.loop(0, NCHUNK // 2)
    def _outer(u2):
        for ph in range(2):
            b = ph
            o = b ^ 1
            u = 2 * u2 + ph
            drain_gath(u, b)
            if ph == 0:
                @pl.when(u2 > 0)
                def _():
                    drain_scat(o)
                    _undo_alpha_cb(alb[o], cbb[o], iota, hcols, zv, G)
            else:
                drain_scat(o)
                _undo_alpha_cb(alb[o], cbb[o], iota, hcols, zv, G)
            if ph == 0:
                drain_idx(u + 1, o)
                issue_gath(u + 1, o)
            else:
                @pl.when(u2 < NCHUNK // 2 - 1)
                def _():
                    drain_idx(u + 1, o)
                    issue_gath(u + 1, o)
            for g in range(G // L):
                dv = dstb[b][pl.ds(g * L, L)]
                ddb[b][pl.ds(g * L, L)] = lax.shift_right_logical(dv, 5)
                dscb[b][pl.ds(g * L, L)] = dv
            _edge_block(xlb[b], xrb[b], eeb[b], alb[b], dstb[b], attb,
                        iota, ones, hcols, G, cb_b=cbb[b])
            @pl.when(u2 < NCHUNK // 2 - 1)
            def _():
                issue_idx(u + 2, b)
            issue_scat(b)

    drain_scat(1)

    tbase = ebase + NCHUNK * G
    pltpu.sync_copy(src_hbm.at[pl.ds(tbase, GT)], srct_b)
    pltpu.sync_copy(dst_hbm.at[pl.ds(tbase, GT)], dstt_b)
    d1 = pltpu.async_copy(xl_hbm.at[srct_b], xl0.at[pl.ds(0, GT)], gsem0)
    d2 = pltpu.async_copy(xr_hbm.at[dstt_b], xr0.at[pl.ds(0, GT)], gsem0)
    pltpu.sync_copy(ee_hbm.at[pl.ds(tbase, GT)], ee0.at[pl.ds(0, GT)])
    dv = dstt_b[pl.ds(0, L)]
    ddt_b[pl.ds(0, L)] = lax.shift_right_logical(dv, 5)
    d1.wait()
    d2.wait()
    _edge_block(xl0, xr0, ee0, al0, dstt_b, attb, iota, ones, hcols, GT)
    pltpu.sync_copy(xl0.at[pl.ds(0, GT)], acc_s.at[dstt_b], add=True)
    pltpu.sync_copy(al0.at[pl.ds(0, GT)], den_s.at[ddt_b], add=True)
    _undo_alpha(al0, dstt_b, iota, hcols, zv, GT)

    plsc.subcore_barrier()

    @pl.when(sid < NS - 1)
    def _():
        pltpu.sync_copy(acc_s.at[pl.ds(r0, RPT)],
                        accp_hbm.at[pl.ds(cid * N + r0, RPT)])

    @pl.when(sid == NS - 1)
    def _():
        pltpu.sync_copy(acc_s.at[pl.ds(r0, RLAST)],
                        accp_hbm.at[pl.ds(cid * N + r0, RLAST)])

    @pl.when(sid < 2)
    def _():
        hdr = DR // 2
        pltpu.sync_copy(den_s.at[pl.ds(sid * hdr, hdr)],
                        denp_hbm.at[pl.ds(cid * DR + sid * hdr, hdr)])


def _build_gat_sc(interpret=False):
    return functools.partial(
        pl.kernel,
        out_type=(jax.ShapeDtypeStruct((2 * N, F), jnp.float32),
                  jax.ShapeDtypeStruct((2 * DR, F), jnp.float32)),
        mesh=plsc.VectorSubcoreMesh(core_axis_name="c", subcore_axis_name="s",
                                    num_cores=NC, num_subcores=NS),
        compiler_params=pltpu.CompilerParams(needs_layout_passes=False),
        interpret=interpret,
        scratch_types=[
            pltpu.VMEM((G, F), jnp.float32),
            pltpu.VMEM((G, F), jnp.float32),
            pltpu.VMEM((G, F), jnp.float32),
            pltpu.VMEM((G, F), jnp.float32),
            pltpu.VMEM((G, F), jnp.float32),
            pltpu.VMEM((G, F), jnp.float32),
            pltpu.VMEM((G, F), jnp.float32),
            pltpu.VMEM((G, F), jnp.float32),
            pltpu.VMEM((G,), jnp.int32),
            pltpu.VMEM((G,), jnp.int32),
            pltpu.VMEM((G,), jnp.int32),
            pltpu.VMEM((G,), jnp.int32),
            pltpu.VMEM((G,), jnp.int32),
            pltpu.VMEM((G,), jnp.int32),
            pltpu.VMEM((G,), jnp.int32),
            pltpu.VMEM((G,), jnp.int32),
            pltpu.VMEM((G // L, L), jnp.int32),
            pltpu.VMEM((G // L, L), jnp.int32),
            pltpu.VMEM((L,), jnp.int32),
            pltpu.VMEM((L,), jnp.int32),
            pltpu.VMEM((L,), jnp.int32),
            pltpu.VMEM((F,), jnp.float32),
            pltpu.VMEM_SHARED((N, F), jnp.float32),
            pltpu.VMEM_SHARED((DR, F), jnp.float32),
            pltpu.SemaphoreType.DMA,
            pltpu.SemaphoreType.DMA,
            pltpu.SemaphoreType.DMA,
            pltpu.SemaphoreType.DMA,
            pltpu.SemaphoreType.DMA,
            pltpu.SemaphoreType.DMA,
        ],
    )(_gat_sc_body)


_gat_sc = _build_gat_sc()



def kernel(x, edge_index, edge_attr, u, batch, Wl, bl, Wr, br, We, att, bias):
    del u, batch
    xl, xr = pl.pallas_call(
        _proj_body,
        grid=(10,),
        in_specs=[
            pl.BlockSpec((N // 10, F), lambda i: (i, 0)),
            pl.BlockSpec((F, F), lambda i: (0, 0)),
            pl.BlockSpec((1, F), lambda i: (0, 0)),
            pl.BlockSpec((F, F), lambda i: (0, 0)),
            pl.BlockSpec((1, F), lambda i: (0, 0)),
        ],
        out_specs=[
            pl.BlockSpec((N // 10, F), lambda i: (i, 0)),
            pl.BlockSpec((N // 10, F), lambda i: (i, 0)),
        ],
        out_shape=[
            jax.ShapeDtypeStruct((N, F), jnp.float32),
            jax.ShapeDtypeStruct((N, F), jnp.float32),
        ],
    )(x, Wl, bl.reshape(1, F), Wr, br.reshape(1, F))

    EB = 2000
    ee = pl.pallas_call(
        _ee_body,
        grid=(E // EB,),
        in_specs=[
            pl.BlockSpec((EB, FE), lambda i: (i, 0)),
            pl.BlockSpec((FE, F), lambda i: (0, 0)),
        ],
        out_specs=pl.BlockSpec((EB, F), lambda i: (i, 0)),
        out_shape=jax.ShapeDtypeStruct((E, F), jnp.float32),
    )(edge_attr, We)

    src = edge_index[0]
    dst = edge_index[1]
    att_flat = att.reshape(F)
    zacc = jnp.zeros((N, F), jnp.float32)
    zden = jnp.zeros((DR, F), jnp.float32)

    accp, denp = _gat_sc(xl, xr, ee, src, dst, att_flat, zacc, zden)

    d0 = denp[:DR].reshape(-1)[:N * H].reshape(N, H)
    d1 = denp[DR:].reshape(-1)[:N * H].reshape(N, H)

    out = pl.pallas_call(
        _final_body,
        grid=(10,),
        in_specs=[
            pl.BlockSpec((N // 10, F), lambda i: (i, 0)),
            pl.BlockSpec((N // 10, F), lambda i: (i, 0)),
            pl.BlockSpec((N // 10, H), lambda i: (i, 0)),
            pl.BlockSpec((N // 10, H), lambda i: (i, 0)),
            pl.BlockSpec((1, F), lambda i: (0, 0)),
            pl.BlockSpec((N // 10, F), lambda i: (i, 0)),
        ],
        out_specs=pl.BlockSpec((N // 10, F), lambda i: (i, 0)),
        out_shape=jax.ShapeDtypeStruct((N, F), jnp.float32),
    )(accp[:N], accp[N:], d0, d1, bias.reshape(1, F), x)
    return out

# --- scband reference (transcript-rebuilt; emitter-appended) ---
"""Pipeline reference for scband-node-model-13984413516158 (READ-ONLY COPY).

The authoritative reference and input builder live on the scoring server;
editing this copy changes nothing except your own understanding.
"""

import jax, jax.numpy as jnp
import numpy as np

N = 10000
E = 320000
F_IN = 128
F_EDGE = 16
H = 4
C = 32  # out_dim / heads = 128 / 4


def setup_inputs(seed: int = 0) -> dict:
    key = jax.random.key(seed)
    ks = jax.random.split(key, 12)
    x = jax.random.normal(ks[0], (N, F_IN), dtype=jnp.float32)
    edge_index = jax.random.randint(ks[1], (2, E), 0, N)
    edge_attr = jax.random.normal(ks[2], (E, F_EDGE), dtype=jnp.float32)
    u = jnp.zeros((1, F_IN), dtype=jnp.float32)
    batch = jnp.zeros((N,), dtype=jnp.int32)
    s_in = 1.0 / np.sqrt(F_IN)
    s_e = 1.0 / np.sqrt(F_EDGE)
    s_c = 1.0 / np.sqrt(C)
    Wl = jax.random.normal(ks[3], (F_IN, H * C), dtype=jnp.float32) * s_in
    bl = jnp.zeros((H * C,), dtype=jnp.float32)
    Wr = jax.random.normal(ks[4], (F_IN, H * C), dtype=jnp.float32) * s_in
    br = jnp.zeros((H * C,), dtype=jnp.float32)
    We = jax.random.normal(ks[5], (F_EDGE, H * C), dtype=jnp.float32) * s_e
    att = jax.random.normal(ks[6], (H, C), dtype=jnp.float32) * s_c
    bias = jnp.zeros((H * C,), dtype=jnp.float32)
    return {"x": x, "edge_index": edge_index, "edge_attr": edge_attr, "u": u,
            "batch": batch, "Wl": Wl, "bl": bl, "Wr": Wr, "br": br,
            "We": We, "att": att, "bias": bias}


def _gatv2_conv(x, edge_index, edge_attr, Wl, bl, Wr, br, We, att, bias):
    n = x.shape[0]
    src = edge_index[0]
    dst = edge_index[1]
    xl = (x @ Wl + bl).reshape(n, H, C)
    xr = (x @ Wr + br).reshape(n, H, C)
    ee = (edge_attr @ We).reshape(-1, H, C)
    # GATv2 attention: e = leaky_relu(x_j + x_i + edge), alpha = softmax_dst(att . e)
    e = xl[src] + xr[dst] + ee                       # gather: [E, H, C]
    e = jax.nn.leaky_relu(e, negative_slope=0.2)
    alpha = jnp.sum(e * att[None, :, :], axis=-1)    # [E, H]
    amax = jax.ops.segment_max(alpha, dst, num_segments=n)   # [N, H]
    amax = jnp.where(jnp.isfinite(amax), amax, 0.0)
    alpha = jnp.exp(alpha - amax[dst])
    denom = jax.ops.segment_sum(alpha, dst, num_segments=n)  # [N, H]
    alpha = alpha / (denom[dst] + 1e-16)
    msg = xl[src] * alpha[:, :, None]                # [E, H, C]
    out = jax.ops.segment_sum(msg, dst, num_segments=n)      # scatter-add: [N, H, C]
    out = out.reshape(n, H * C) + bias
    return out


def reference(x, edge_index, edge_attr, u, batch, Wl, bl, Wr, br, We, att, bias):
    out = _gatv2_conv(x, edge_index, edge_attr, Wl, bl, Wr, br, We, att, bias)
    out = jax.nn.relu(out)
    out = out + x  # residuals=True
    return out

if __name__ == "__main__":
    import jax
    _d = setup_inputs()
    print(jax.jit(kernel)(*tuple(_d.values())))

</pallas_src>

<mosaic_0001>
#map = affine_map<(d0, d1) -> (0, 0)>
#map1 = affine_map<(d0, d1) -> (0)>
module attributes {stable_mosaic.version = 14 : i64} {
  func.func @_gat_sc_body(%arg0: i32, %arg1: i32, %arg2: memref<10000x128xf32, #tpu.memory_space<hbm>>, %arg3: memref<10000x128xf32, #tpu.memory_space<hbm>>, %arg4: memref<320000x128xf32, #tpu.memory_space<hbm>>, %arg5: memref<320000xi32, #tpu.memory_space<hbm>>, %arg6: memref<320000xi32, #tpu.memory_space<hbm>>, %arg7: memref<128xf32, #tpu.memory_space<hbm>>, %arg8: memref<10000x128xf32, #tpu.memory_space<hbm>>, %arg9: memref<320x128xf32, #tpu.memory_space<hbm>>, %arg10: memref<20000x128xf32, #tpu.memory_space<hbm>>, %arg11: memref<640x128xf32, #tpu.memory_space<hbm>>, %arg12: memref<32x128xf32, #tpu.memory_space<vmem>>, %arg13: memref<32x128xf32, #tpu.memory_space<vmem>>, %arg14: memref<32x128xf32, #tpu.memory_space<vmem>>, %arg15: memref<32x128xf32, #tpu.memory_space<vmem>>, %arg16: memref<32x128xf32, #tpu.memory_space<vmem>>, %arg17: memref<32x128xf32, #tpu.memory_space<vmem>>, %arg18: memref<32x128xf32, #tpu.memory_space<vmem>>, %arg19: memref<32x128xf32, #tpu.memory_space<vmem>>, %arg20: memref<32xi32, #tpu.memory_space<vmem>>, %arg21: memref<32xi32, #tpu.memory_space<vmem>>, %arg22: memref<32xi32, #tpu.memory_space<vmem>>, %arg23: memref<32xi32, #tpu.memory_space<vmem>>, %arg24: memref<32xi32, #tpu.memory_space<vmem>>, %arg25: memref<32xi32, #tpu.memory_space<vmem>>, %arg26: memref<32xi32, #tpu.memory_space<vmem>>, %arg27: memref<32xi32, #tpu.memory_space<vmem>>, %arg28: memref<2x16xi32, #tpu.memory_space<vmem>>, %arg29: memref<2x16xi32, #tpu.memory_space<vmem>>, %arg30: memref<16xi32, #tpu.memory_space<vmem>>, %arg31: memref<16xi32, #tpu.memory_space<vmem>>, %arg32: memref<16xi32, #tpu.memory_space<vmem>>, %arg33: memref<128xf32, #tpu.memory_space<vmem>>, %arg34: memref<10000x128xf32, #tpu.memory_space<vmem_shared>>, %arg35: memref<320x128xf32, #tpu.memory_space<vmem_shared>>, %arg36: memref<!tpu.dma_semaphore, #tpu.memory_space<semaphore_mem>>, %arg37: memref<!tpu.dma_semaphore, #tpu.memory_space<semaphore_mem>>, %arg38: memref<!tpu.dma_semaphore, #tpu.memory_space<semaphore_mem>>, %arg39: memref<!tpu.dma_semaphore, #tpu.memory_space<semaphore_mem>>, %arg40: memref<!tpu.dma_semaphore, #tpu.memory_space<semaphore_mem>>, %arg41: memref<!tpu.dma_semaphore, #tpu.memory_space<semaphore_mem>>) attributes {dimension_semantics = [#tpu.dimension_semantics<core_parallel>, #tpu.dimension_semantics<subcore_parallel>], iteration_bounds = array<i64: 2, 16>, scalar_prefetch = 0 : i64, scratch_operands = 30 : i64, tpu.core_type = #tpu.core_type<sc_vector_subcore>, window_params = [{transform_indices = #map}, {transform_indices = #map}, {transform_indices = #map}, {transform_indices = #map1}, {transform_indices = #map1}, {transform_indices = #map1}, {transform_indices = #map}, {transform_indices = #map}, {transform_indices = #map}, {transform_indices = #map}]} {
    %mul3A = arith.constant 16 : i32
    %mul3A_0 = arith.muli %arg0, %mul3A : i32
    %add3A = arith.addi %mul3A_0, %arg1 : i32
    %mul3A_1 = arith.constant 632 : i32
    %mul3A_2 = arith.muli %arg1, %mul3A_1 : i32
    %lt3A = arith.constant 15 : i32
    %lt3A_3 = arith.cmpi slt, %arg1, %lt3A : i32
    %convert_element_type3A = arith.extui %lt3A_3 : i1 to i32
    %cond3A = arith.constant 0 : i32
    %cond3A_4 = arith.cmpi ne, %convert_element_type3A, %cond3A : i32
    scf.if %cond3A_4 {
      "tpu.region"() ({
        %run_scoped3A = tpu.sem_alloc : memref<!tpu.dma_semaphore, #tpu.memory_space<semaphore_mem>>
        %dma_start3A_230 = arith.constant 0 : i32
        %dma_start3A_231 = tpu.memref_slice %arg34[%mul3A_2, %dma_start3A_230] : memref<10000x128xf32, #tpu.memory_space<vmem_shared>> -> memref<632x128xf32, #tpu.memory_space<vmem_shared>>
        %dma_start3A_232 = arith.constant 0 : i32
        %dma_start3A_233 = tpu.memref_slice %arg8[%mul3A_2, %dma_start3A_232] : memref<10000x128xf32, #tpu.memory_space<hbm>> -> memref<632x128xf32, #tpu.memory_space<hbm>>
        tpu.enqueue_dma source(%dma_start3A_233 : memref<632x128xf32, #tpu.memory_space<hbm>>) target(%dma_start3A_231 : memref<632x128xf32, #tpu.memory_space<vmem_shared>>) target_semaphore(%run_scoped3A : memref<!tpu.dma_semaphore, #tpu.memory_space<semaphore_mem>>)
        %dma_wait3A_234 = arith.constant 0 : i32
        %dma_wait3A_235 = tpu.memref_slice %arg34[%mul3A_2, %dma_wait3A_234] : memref<10000x128xf32, #tpu.memory_space<vmem_shared>> -> memref<632x128xf32, #tpu.memory_space<vmem_shared>>
        %dma_wait3A_236 = arith.constant 0 : i32
        %dma_wait3A_237 = tpu.memref_slice %arg8[%mul3A_2, %dma_wait3A_236] : memref<10000x128xf32, #tpu.memory_space<hbm>> -> memref<632x128xf32, #tpu.memory_space<hbm>>
        tpu.wait_dma2 semaphore(%run_scoped3A : memref<!tpu.dma_semaphore, #tpu.memory_space<semaphore_mem>>) src(%dma_wait3A_237 : memref<632x128xf32, #tpu.memory_space<hbm>>) dst(%dma_wait3A_235 : memref<632x128xf32, #tpu.memory_space<vmem_shared>>)
        tpu.yield
      }) : () -> ()
    } else {
    }
    %eq3A = arith.constant 15 : i32
    %eq3A_5 = arith.cmpi eq, %arg1, %eq3A : i32
    %convert_element_type3A_6 = arith.extui %eq3A_5 : i1 to i32
    %cond3A_7 = arith.constant 0 : i32
    %cond3A_8 = arith.cmpi ne, %convert_element_type3A_6, %cond3A_7 : i32
    scf.if %cond3A_8 {
      "tpu.region"() ({
        %run_scoped3A = tpu.sem_alloc : memref<!tpu.dma_semaphore, #tpu.memory_space<semaphore_mem>>
        %dma_start3A_230 = arith.constant 0 : i32
        %dma_start3A_231 = tpu.memref_slice %arg34[%mul3A_2, %dma_start3A_230] : memref<10000x128xf32, #tpu.memory_space<vmem_shared>> -> memref<520x128xf32, #tpu.memory_space<vmem_shared>>
        %dma_start3A_232 = arith.constant 0 : i32
        %dma_start3A_233 = tpu.memref_slice %arg8[%mul3A_2, %dma_start3A_232] : memref<10000x128xf32, #tpu.memory_space<hbm>> -> memref<520x128xf32, #tpu.memory_space<hbm>>
        tpu.enqueue_dma source(%dma_start3A_233 : memref<520x128xf32, #tpu.memory_space<hbm>>) target(%dma_start3A_231 : memref<520x128xf32, #tpu.memory_space<vmem_shared>>) target_semaphore(%run_scoped3A : memref<!tpu.dma_semaphore, #tpu.memory_space<semaphore_mem>>)
        %dma_wait3A_234 = arith.constant 0 : i32
        %dma_wait3A_235 = tpu.memref_slice %arg34[%mul3A_2, %dma_wait3A_234] : memref<10000x128xf32, #tpu.memory_space<vmem_shared>> -> memref<520x128xf32, #tpu.memory_space<vmem_shared>>
        %dma_wait3A_236 = arith.constant 0 : i32
        %dma_wait3A_237 = tpu.memref_slice %arg8[%mul3A_2, %dma_wait3A_236] : memref<10000x128xf32, #tpu.memory_space<hbm>> -> memref<520x128xf32, #tpu.memory_space<hbm>>
        tpu.wait_dma2 semaphore(%run_scoped3A : memref<!tpu.dma_semaphore, #tpu.memory_space<semaphore_mem>>) src(%dma_wait3A_237 : memref<520x128xf32, #tpu.memory_space<hbm>>) dst(%dma_wait3A_235 : memref<520x128xf32, #tpu.memory_space<vmem_shared>>)
        tpu.yield
      }) : () -> ()
    } else {
    }
    %lt3A_9 = arith.constant 2 : i32
    %lt3A_10 = arith.cmpi slt, %arg1, %lt3A_9 : i32
    %convert_element_type3A_11 = arith.extui %lt3A_10 : i1 to i32
    %cond3A_12 = arith.constant 0 : i32
    %cond3A_13 = arith.cmpi ne, %convert_element_type3A_11, %cond3A_12 : i32
    scf.if %cond3A_13 {
      %mul3A_230 = arith.constant 160 : i32
      %mul3A_231 = arith.muli %arg1, %mul3A_230 : i32
      %mul3A_232 = arith.constant 160 : i32
      %mul3A_233 = arith.muli %arg1, %mul3A_232 : i32
      "tpu.region"() ({
        %run_scoped3A = tpu.sem_alloc : memref<!tpu.dma_semaphore, #tpu.memory_space<semaphore_mem>>
        %dma_start3A_234 = arith.constant 0 : i32
        %dma_start3A_235 = tpu.memref_slice %arg35[%mul3A_233, %dma_start3A_234] : memref<320x128xf32, #tpu.memory_space<vmem_shared>> -> memref<160x128xf32, #tpu.memory_space<vmem_shared>>
        %dma_start3A_236 = arith.constant 0 : i32
        %dma_start3A_237 = tpu.memref_slice %arg9[%mul3A_231, %dma_start3A_236] : memref<320x128xf32, #tpu.memory_space<hbm>> -> memref<160x128xf32, #tpu.memory_space<hbm>>
        tpu.enqueue_dma source(%dma_start3A_237 : memref<160x128xf32, #tpu.memory_space<hbm>>) target(%dma_start3A_235 : memref<160x128xf32, #tpu.memory_space<vmem_shared>>) target_semaphore(%run_scoped3A : memref<!tpu.dma_semaphore, #tpu.memory_space<semaphore_mem>>)
        %dma_wait3A_238 = arith.constant 0 : i32
        %dma_wait3A_239 = tpu.memref_slice %arg35[%mul3A_233, %dma_wait3A_238] : memref<320x128xf32, #tpu.memory_space<vmem_shared>> -> memref<160x128xf32, #tpu.memory_space<vmem_shared>>
        %dma_wait3A_240 = arith.constant 0 : i32
        %dma_wait3A_241 = tpu.memref_slice %arg9[%mul3A_231, %dma_wait3A_240] : memref<320x128xf32, #tpu.memory_space<hbm>> -> memref<160x128xf32, #tpu.memory_space<hbm>>
        tpu.wait_dma2 semaphore(%run_scoped3A : memref<!tpu.dma_semaphore, #tpu.memory_space<semaphore_mem>>) src(%dma_wait3A_241 : memref<160x128xf32, #tpu.memory_space<hbm>>) dst(%dma_wait3A_239 : memref<160x128xf32, #tpu.memory_space<vmem_shared>>)
        tpu.yield
      }) : () -> ()
    } else {
    }
    "tpu.region"() ({
      %run_scoped3A = tpu.sem_alloc : memref<!tpu.dma_semaphore, #tpu.memory_space<semaphore_mem>>
      tpu.enqueue_dma source(%arg7 : memref<128xf32, #tpu.memory_space<hbm>>) target(%arg33 : memref<128xf32, #tpu.memory_space<vmem>>) target_semaphore(%run_scoped3A : memref<!tpu.dma_semaphore, #tpu.memory_space<semaphore_mem>>)
      tpu.wait_dma2 semaphore(%run_scoped3A : memref<!tpu.dma_semaphore, #tpu.memory_space<semaphore_mem>>) src(%arg7 : memref<128xf32, #tpu.memory_space<hbm>>) dst(%arg33 : memref<128xf32, #tpu.memory_space<vmem>>)
      tpu.yield
    }) : () -> ()
    %broadcast_in_dim3A = arith.constant 0.000000e+00 : f32
    %broadcast_in_dim3A_14 = vector.broadcast %broadcast_in_dim3A : f32 to vector<16xf32>
    %scan3A = arith.constant 0 : i32
    %scan3A_15 = arith.constant 32 : i32
    %scan3A_16 = arith.addi %scan3A, %scan3A_15 : i32
    %scan3A_17 = arith.constant 1 : i32
    scf.for %scan3A_230 = %scan3A to %scan3A_16 step %scan3A_17  : i32 {
      %mul3A_231 = arith.constant 1 : i32
      %mul3A_232 = arith.muli %scan3A_230, %mul3A_231 : i32
      %add3A_233 = arith.constant 0 : i32
      %add3A_234 = arith.addi %add3A_233, %mul3A_232 : i32
      %swap3A_235 = arith.index_cast %add3A_234 : i32 to index
      %swap3A_236 = arith.constant 0 : index
      %swap3A_237 = tpu.vector_load %arg18[%swap3A_235, %swap3A_236] {strides = array<i32>} : memref<32x128xf32, #tpu.memory_space<vmem>>, vector<16xf32>,
      tpu.vector_store %arg18[%swap3A_235, %swap3A_236], %broadcast_in_dim3A_14 {strides = array<i32>} : memref<32x128xf32, #tpu.memory_space<vmem>>, vector<16xf32>,
      %swap3A_238 = arith.index_cast %add3A_234 : i32 to index
      %swap3A_239 = arith.constant 0 : index
      %swap3A_240 = tpu.vector_load %arg19[%swap3A_238, %swap3A_239] {strides = array<i32>} : memref<32x128xf32, #tpu.memory_space<vmem>>, vector<16xf32>,
      tpu.vector_store %arg19[%swap3A_238, %swap3A_239], %broadcast_in_dim3A_14 {strides = array<i32>} : memref<32x128xf32, #tpu.memory_space<vmem>>, vector<16xf32>,
      %swap3A_241 = arith.index_cast %add3A_234 : i32 to index
      %swap3A_242 = arith.constant 16 : index
      %swap3A_243 = tpu.vector_load %arg18[%swap3A_241, %swap3A_242] {strides = array<i32>} : memref<32x128xf32, #tpu.memory_space<vmem>>, vector<16xf32>,
      tpu.vector_store %arg18[%swap3A_241, %swap3A_242], %broadcast_in_dim3A_14 {strides = array<i32>} : memref<32x128xf32, #tpu.memory_space<vmem>>, vector<16xf32>,
      %swap3A_244 = arith.index_cast %add3A_234 : i32 to index
      %swap3A_245 = arith.constant 16 : index
      %swap3A_246 = tpu.vector_load %arg19[%swap3A_244, %swap3A_245] {strides = array<i32>} : memref<32x128xf32, #tpu.memory_space<vmem>>, vector<16xf32>,
      tpu.vector_store %arg19[%swap3A_244, %swap3A_245], %broadcast_in_dim3A_14 {strides = array<i32>} : memref<32x128xf32, #tpu.memory_space<vmem>>, vector<16xf32>,
      %swap3A_247 = arith.index_cast %add3A_234 : i32 to index
      %swap3A_248 = arith.constant 32 : index
      %swap3A_249 = tpu.vector_load %arg18[%swap3A_247, %swap3A_248] {strides = array<i32>} : memref<32x128xf32, #tpu.memory_space<vmem>>, vector<16xf32>,
      tpu.vector_store %arg18[%swap3A_247, %swap3A_248], %broadcast_in_dim3A_14 {strides = array<i32>} : memref<32x128xf32, #tpu.memory_space<vmem>>, vector<16xf32>,
      %swap3A_250 = arith.index_cast %add3A_234 : i32 to index
      %swap3A_251 = arith.constant 32 : index
      %swap3A_252 = tpu.vector_load %arg19[%swap3A_250, %swap3A_251] {strides = array<i32>} : memref<32x128xf32, #tpu.memory_space<vmem>>, vector<16xf32>,
      tpu.vector_store %arg19[%swap3A_250, %swap3A_251], %broadcast_in_dim3A_14 {strides = array<i32>} : memref<32x128xf32, #tpu.memory_space<vmem>>, vector<16xf32>,
      %swap3A_253 = arith.index_cast %add3A_234 : i32 to index
      %swap3A_254 = arith.constant 48 : index
      %swap3A_255 = tpu.vector_load %arg18[%swap3A_253, %swap3A_254] {strides = array<i32>} : memref<32x128xf32, #tpu.memory_space<vmem>>, vector<16xf32>,
      tpu.vector_store %arg18[%swap3A_253, %swap3A_254], %broadcast_in_dim3A_14 {strides = array<i32>} : memref<32x128xf32, #tpu.memory_space<vmem>>, vector<16xf32>,
      %swap3A_256 = arith.index_cast %add3A_234 : i32 to index
      %swap3A_257 = arith.constant 48 : index
      %swap3A_258 = tpu.vector_load %arg19[%swap3A_256, %swap3A_257] {strides = array<i32>} : memref<32x128xf32, #tpu.memory_space<vmem>>, vector<16xf32>,
      tpu.vector_store %arg19[%swap3A_256, %swap3A_257], %broadcast_in_dim3A_14 {strides = array<i32>} : memref<32x128xf32, #tpu.memory_space<vmem>>, vector<16xf32>,
      %swap3A_259 = arith.index_cast %add3A_234 : i32 to index
      %swap3A_260 = arith.constant 64 : index
      %swap3A_261 = tpu.vector_load %arg18[%swap3A_259, %swap3A_260] {strides = array<i32>} : memref<32x128xf32, #tpu.memory_space<vmem>>, vector<16xf32>,
      tpu.vector_store %arg18[%swap3A_259, %swap3A_260], %broadcast_in_dim3A_14 {strides = array<i32>} : memref<32x128xf32, #tpu.memory_space<vmem>>, vector<16xf32>,
      %swap3A_262 = arith.index_cast %add3A_234 : i32 to index
      %swap3A_263 = arith.constant 64 : index
      %swap3A_264 = tpu.vector_load %arg19[%swap3A_262, %swap3A_263] {strides = array<i32>} : memref<32x128xf32, #tpu.memory_space<vmem>>, vector<16xf32>,
      tpu.vector_store %arg19[%swap3A_262, %swap3A_263], %broadcast_in_dim3A_14 {strides = array<i32>} : memref<32x128xf32, #tpu.memory_space<vmem>>, vector<16xf32>,
      %swap3A_265 = arith.index_cast %add3A_234 : i32 to index
      %swap3A_266 = arith.constant 80 : index
      %swap3A_267 = tpu.vector_load %arg18[%swap3A_265, %swap3A_266] {strides = array<i32>} : memref<32x128xf32, #tpu.memory_space<vmem>>, vector<16xf32>,
      tpu.vector_store %arg18[%swap3A_265, %swap3A_266], %broadcast_in_dim3A_14 {strides = array<i32>} : memref<32x128xf32, #tpu.memory_space<vmem>>, vector<16xf32>,
      %swap3A_268 = arith.index_cast %add3A_234 : i32 to index
      %swap3A_269 = arith.constant 80 : index
      %swap3A_270 = tpu.vector_load %arg19[%swap3A_268, %swap3A_269] {strides = array<i32>} : memref<32x128xf32, #tpu.memory_space<vmem>>, vector<16xf32>,
      tpu.vector_store %arg19[%swap3A_268, %swap3A_269], %broadcast_in_dim3A_14 {strides = array<i32>} : memref<32x128xf32, #tpu.memory_space<vmem>>, vector<16xf32>,
      %swap3A_271 = arith.index_cast %add3A_234 : i32 to index
      %swap3A_272 = arith.constant 96 : index
      %swap3A_273 = tpu.vector_load %arg18[%swap3A_271, %swap3A_272] {strides = array<i32>} : memref<32x128xf32, #tpu.memory_space<vmem>>, vector<16xf32>,
      tpu.vector_store %arg18[%swap3A_271, %swap3A_272], %broadcast_in_dim3A_14 {strides = array<i32>} : memref<32x128xf32, #tpu.memory_space<vmem>>, vector<16xf32>,
      %swap3A_274 = arith.index_cast %add3A_234 : i32 to index
      %swap3A_275 = arith.constant 96 : index
      %swap3A_276 = tpu.vector_load %arg19[%swap3A_274, %swap3A_275] {strides = array<i32>} : memref<32x128xf32, #tpu.memory_space<vmem>>, vector<16xf32>,
      tpu.vector_store %arg19[%swap3A_274, %swap3A_275], %broadcast_in_dim3A_14 {strides = array<i32>} : memref<32x128xf32, #tpu.memory_space<vmem>>, vector<16xf32>,
      %swap3A_277 = arith.index_cast %add3A_234 : i32 to index
      %swap3A_278 = arith.constant 112 : index
      %swap3A_279 = tpu.vector_load %arg18[%swap3A_277, %swap3A_278] {strides = array<i32>} : memref<32x128xf32, #tpu.memory_space<vmem>>, vector<16xf32>,
      tpu.vector_store %arg18[%swap3A_277, %swap3A_278], %broadcast_in_dim3A_14 {strides = array<i32>} : memref<32x128xf32, #tpu.memory_space<vmem>>, vector<16xf32>,
      %swap3A_280 = arith.index_cast %add3A_234 : i32 to index
      %swap3A_281 = arith.constant 112 : index
      %swap3A_282 = tpu.vector_load %arg19[%swap3A_280, %swap3A_281] {strides = array<i32>} : memref<32x128xf32, #tpu.memory_space<vmem>>, vector<16xf32>,
      tpu.vector_store %arg19[%swap3A_280, %swap3A_281], %broadcast_in_dim3A_14 {strides = array<i32>} : memref<32x128xf32, #tpu.memory_space<vmem>>, vector<16xf32>,
    }
    %scan3A_18 = arith.constant 32 : i32
    %barrier3A = arith.constant 0 : index
    tpu.barrier barrier_id(%barrier3A)
    %iota3A = tpu.iota {dimensions = array<i32: 0>} : vector<16xi32>
    %broadcast_in_dim3A_19 = arith.constant 1 : i32
    %broadcast_in_dim3A_20 = vector.broadcast %broadcast_in_dim3A_19 : i32 to vector<16xi32>
    %broadcast_in_dim3A_21 = arith.constant 0 : i32
    %broadcast_in_dim3A_22 = vector.broadcast %broadcast_in_dim3A_21 : i32 to vector<16xi32>
    %broadcast_in_dim3A_23 = arith.constant 1 : i32
    %broadcast_in_dim3A_24 = vector.broadcast %broadcast_in_dim3A_23 : i32 to vector<16xi32>
    %broadcast_in_dim3A_25 = arith.constant 2 : i32
    %broadcast_in_dim3A_26 = vector.broadcast %broadcast_in_dim3A_25 : i32 to vector<16xi32>
    %broadcast_in_dim3A_27 = arith.constant 3 : i32
    %broadcast_in_dim3A_28 = vector.broadcast %broadcast_in_dim3A_27 : i32 to vector<16xi32>
    %mul3A_29 = arith.constant 10000 : i32
    %mul3A_30 = arith.muli %add3A, %mul3A_29 : i32
    %add3A_31 = arith.constant 0 : i32
    %add3A_32 = arith.addi %mul3A_30, %add3A_31 : i32
    %dma_start3A = tpu.memref_slice %arg5[%add3A_32] : memref<320000xi32, #tpu.memory_space<hbm>> -> memref<32xi32, #tpu.memory_space<hbm>>
    %dma_start3A_33 = tpu.memref_slice %arg5[%add3A_32] : memref<320000xi32, #tpu.memory_space<hbm>> -> memref<32xi32, #tpu.memory_space<hbm>>
    tpu.enqueue_dma source(%dma_start3A_33 : memref<32xi32, #tpu.memory_space<hbm>>) target(%arg20 : memref<32xi32, #tpu.memory_space<vmem>>) target_semaphore(%arg36 : memref<!tpu.dma_semaphore, #tpu.memory_space<semaphore_mem>>)
    %dma_start3A_34 = tpu.memref_slice %arg6[%add3A_32] : memref<320000xi32, #tpu.memory_space<hbm>> -> memref<32xi32, #tpu.memory_space<hbm>>
    %dma_start3A_35 = tpu.memref_slice %arg6[%add3A_32] : memref<320000xi32, #tpu.memory_space<hbm>> -> memref<32xi32, #tpu.memory_space<hbm>>
    tpu.enqueue_dma source(%dma_start3A_35 : memref<32xi32, #tpu.memory_space<hbm>>) target(%arg22 : memref<32xi32, #tpu.memory_space<vmem>>) target_semaphore(%arg36 : memref<!tpu.dma_semaphore, #tpu.memory_space<semaphore_mem>>)
    %add3A_36 = arith.constant 32 : i32
    %add3A_37 = arith.addi %mul3A_30, %add3A_36 : i32
    %dma_start3A_38 = tpu.memref_slice %arg5[%add3A_37] : memref<320000xi32, #tpu.memory_space<hbm>> -> memref<32xi32, #tpu.memory_space<hbm>>
    %dma_start3A_39 = tpu.memref_slice %arg5[%add3A_37] : memref<320000xi32, #tpu.memory_space<hbm>> -> memref<32xi32, #tpu.memory_space<hbm>>
    tpu.enqueue_dma source(%dma_start3A_39 : memref<32xi32, #tpu.memory_space<hbm>>) target(%arg21 : memref<32xi32, #tpu.memory_space<vmem>>) target_semaphore(%arg37 : memref<!tpu.dma_semaphore, #tpu.memory_space<semaphore_mem>>)
    %dma_start3A_40 = tpu.memref_slice %arg6[%add3A_37] : memref<320000xi32, #tpu.memory_space<hbm>> -> memref<32xi32, #tpu.memory_space<hbm>>
    %dma_start3A_41 = tpu.memref_slice %arg6[%add3A_37] : memref<320000xi32, #tpu.memory_space<hbm>> -> memref<32xi32, #tpu.memory_space<hbm>>
    tpu.enqueue_dma source(%dma_start3A_41 : memref<32xi32, #tpu.memory_space<hbm>>) target(%arg23 : memref<32xi32, #tpu.memory_space<vmem>>) target_semaphore(%arg37 : memref<!tpu.dma_semaphore, #tpu.memory_space<semaphore_mem>>)
    %add3A_42 = arith.constant 0 : i32
    %add3A_43 = arith.addi %mul3A_30, %add3A_42 : i32
    %dma_wait3A = tpu.memref_slice %arg5[%add3A_43] : memref<320000xi32, #tpu.memory_space<hbm>> -> memref<32xi32, #tpu.memory_space<hbm>>
    %dma_wait3A_44 = tpu.memref_slice %arg5[%add3A_43] : memref<320000xi32, #tpu.memory_space<hbm>> -> memref<32xi32, #tpu.memory_space<hbm>>
    tpu.wait_dma2 semaphore(%arg36 : memref<!tpu.dma_semaphore, #tpu.memory_space<semaphore_mem>>) src(%dma_wait3A_44 : memref<32xi32, #tpu.memory_space<hbm>>) dst(%arg20 : memref<32xi32, #tpu.memory_space<vmem>>)
    %dma_wait3A_45 = tpu.memref_slice %arg6[%add3A_43] : memref<320000xi32, #tpu.memory_space<hbm>> -> memref<32xi32, #tpu.memory_space<hbm>>
    %dma_wait3A_46 = tpu.memref_slice %arg6[%add3A_43] : memref<320000xi32, #tpu.memory_space<hbm>> -> memref<32xi32, #tpu.memory_space<hbm>>
    tpu.wait_dma2 semaphore(%arg36 : memref<!tpu.dma_semaphore, #tpu.memory_space<semaphore_mem>>) src(%dma_wait3A_46 : memref<32xi32, #tpu.memory_space<hbm>>) dst(%arg22 : memref<32xi32, #tpu.memory_space<vmem>>)
    %add3A_47 = arith.constant 0 : i32
    %add3A_48 = arith.addi %mul3A_30, %add3A_47 : i32
    %dma_start3A_49 = arith.constant 0 : i32
    %dma_start3A_50 = arith.constant 0 : i32
    %dma_start3A_51 = tpu.memref_slice %arg2[%dma_start3A_49, %dma_start3A_50] : memref<10000x128xf32, #tpu.memory_space<hbm>> -> memref<10000x128xf32, #tpu.memory_space<hbm>>
    tpu.enqueue_indirect_dma source(%dma_start3A_51 : memref<10000x128xf32, #tpu.memory_space<hbm>>) target(%arg12 : memref<32x128xf32, #tpu.memory_space<vmem>>) offsets(%arg20 : memref<32xi32, #tpu.memory_space<vmem>>) semaphore(%arg38 : memref<!tpu.dma_semaphore, #tpu.memory_space<semaphore_mem>>)
    %dma_start3A_52 = arith.constant 0 : i32
    %dma_start3A_53 = arith.constant 0 : i32
    %dma_start3A_54 = tpu.memref_slice %arg3[%dma_start3A_52, %dma_start3A_53] : memref<10000x128xf32, #tpu.memory_space<hbm>> -> memref<10000x128xf32, #tpu.memory_space<hbm>>
    tpu.enqueue_indirect_dma source(%dma_start3A_54 : memref<10000x128xf32, #tpu.memory_space<hbm>>) target(%arg14 : memref<32x128xf32, #tpu.memory_space<vmem>>) offsets(%arg22 : memref<32xi32, #tpu.memory_space<vmem>>) semaphore(%arg38 : memref<!tpu.dma_semaphore, #tpu.memory_space<semaphore_mem>>)
    %dma_start3A_55 = arith.constant 0 : i32
    %dma_start3A_56 = tpu.memref_slice %arg4[%add3A_48, %dma_start3A_55] : memref<320000x128xf32, #tpu.memory_space<hbm>> -> memref<32x128xf32, #tpu.memory_space<hbm>>
    %dma_start3A_57 = arith.constant 0 : i32
    %dma_start3A_58 = tpu.memref_slice %arg4[%add3A_48, %dma_start3A_57] : memref<320000x128xf32, #tpu.memory_space<hbm>> -> memref<32x128xf32, #tpu.memory_space<hbm>>
    tpu.enqueue_dma source(%dma_start3A_58 : memref<32x128xf32, #tpu.memory_space<hbm>>) target(%arg16 : memref<32x128xf32, #tpu.memory_space<vmem>>) target_semaphore(%arg38 : memref<!tpu.dma_semaphore, #tpu.memory_space<semaphore_mem>>)
    %scan3A_59 = arith.constant 0 : i32
    %scan3A_60 = arith.constant 156 : i32
    %scan3A_61 = arith.addi %scan3A_59, %scan3A_60 : i32
    %scan3A_62 = arith.constant 1 : i32
    scf.for %scan3A_230 = %scan3A_59 to %scan3A_61 step %scan3A_62  : i32 {
      %mul3A_231 = arith.constant 1 : i32
      %mul3A_232 = arith.muli %scan3A_230, %mul3A_231 : i32
      %add3A_233 = arith.constant 0 : i32
      %add3A_234 = arith.addi %add3A_233, %mul3A_232 : i32
      %mul3A_235 = arith.constant 2 : i32
      %mul3A_236 = arith.muli %mul3A_235, %add3A_234 : i32
      %add3A_237 = arith.constant 0 : i32
      %add3A_238 = arith.addi %mul3A_236, %add3A_237 : i32
      %mul3A_239 = arith.constant 32 : i32
      %mul3A_240 = arith.muli %add3A_238, %mul3A_239 : i32
      %add3A_241 = arith.addi %mul3A_30, %mul3A_240 : i32
      %dma_wait3A_242 = arith.constant 0 : i32
      %dma_wait3A_243 = arith.constant 0 : i32
      %dma_wait3A_244 = tpu.memref_slice %arg2[%dma_wait3A_242, %dma_wait3A_243] : memref<10000x128xf32, #tpu.memory_space<hbm>> -> memref<10000x128xf32, #tpu.memory_space<hbm>>
      tpu.wait_indirect_dma semaphore(%arg38 : memref<!tpu.dma_semaphore, #tpu.memory_space<semaphore_mem>>) src(%dma_wait3A_244 : memref<10000x128xf32, #tpu.memory_space<hbm>>) dst(%arg12 : memref<32x128xf32, #tpu.memory_space<vmem>>)
      %dma_wait3A_245 = arith.constant 0 : i32
      %dma_wait3A_246 = arith.constant 0 : i32
      %dma_wait3A_247 = tpu.memref_slice %arg3[%dma_wait3A_245, %dma_wait3A_246] : memref<10000x128xf32, #tpu.memory_space<hbm>> -> memref<10000x128xf32, #tpu.memory_space<hbm>>
      tpu.wait_indirect_dma semaphore(%arg38 : memref<!tpu.dma_semaphore, #tpu.memory_space<semaphore_mem>>) src(%dma_wait3A_247 : memref<10000x128xf32, #tpu.memory_space<hbm>>) dst(%arg14 : memref<32x128xf32, #tpu.memory_space<vmem>>)
      %dma_wait3A_248 = arith.constant 0 : i32
      %dma_wait3A_249 = tpu.memref_slice %arg4[%add3A_241, %dma_wait3A_248] : memref<320000x128xf32, #tpu.memory_space<hbm>> -> memref<32x128xf32, #tpu.memory_space<hbm>>
      %dma_wait3A_250 = arith.constant 0 : i32
      %dma_wait3A_251 = tpu.memref_slice %arg4[%add3A_241, %dma_wait3A_250] : memref<320000x128xf32, #tpu.memory_space<hbm>> -> memref<32x128xf32, #tpu.memory_space<hbm>>
      tpu.wait_dma2 semaphore(%arg38 : memref<!tpu.dma_semaphore, #tpu.memory_space<semaphore_mem>>) src(%dma_wait3A_251 : memref<32x128xf32, #tpu.memory_space<hbm>>) dst(%arg16 : memref<32x128xf32, #tpu.memory_space<vmem>>)
      %gt3A = arith.constant 0 : i32
      %gt3A_252 = arith.cmpi sgt, %add3A_234, %gt3A : i32
      %convert_element_type3A_253 = arith.extui %gt3A_252 : i1 to i32
      %cond3A_254 = arith.constant 0 : i32
      %cond3A_255 = arith.cmpi ne, %convert_element_type3A_253, %cond3A_254 : i32
      scf.if %cond3A_255 {
        %dma_wait3A_804 = arith.constant 0 : i32
        %dma_wait3A_805 = arith.constant 0 : i32
        %dma_wait3A_806 = tpu.memref_slice %arg34[%dma_wait3A_804, %dma_wait3A_805] : memref<10000x128xf32, #tpu.memory_space<vmem_shared>> -> memref<10000x128xf32, #tpu.memory_space<vmem_shared>>
        tpu.wait_indirect_dma semaphore(%arg41 : memref<!tpu.dma_semaphore, #tpu.memory_space<semaphore_mem>>) src(%arg13 : memref<32x128xf32, #tpu.memory_space<vmem>>) dst(%dma_wait3A_806 : memref<10000x128xf32, #tpu.memory_space<vmem_shared>>)
        %dma_wait3A_807 = arith.constant 0 : i32
        %dma_wait3A_808 = arith.constant 0 : i32
        %dma_wait3A_809 = tpu.memref_slice %arg35[%dma_wait3A_807, %dma_wait3A_808] : memref<320x128xf32, #tpu.memory_space<vmem_shared>> -> memref<320x128xf32, #tpu.memory_space<vmem_shared>>
        tpu.wait_indirect_dma semaphore(%arg41 : memref<!tpu.dma_semaphore, #tpu.memory_space<semaphore_mem>>) src(%arg19 : memref<32x128xf32, #tpu.memory_space<vmem>>) dst(%dma_wait3A_809 : memref<320x128xf32, #tpu.memory_space<vmem_shared>>)
        %broadcast_in_dim3A_810 = arith.constant 0 : i32
        %broadcast_in_dim3A_811 = vector.broadcast %broadcast_in_dim3A_810 : i32 to vector<16xi32>
        %add3A_812 = arith.addi %broadcast_in_dim3A_811, %iota3A : vector<16xi32>
        %get3A_813 = arith.constant 0 : i32
        %get3A_814 = arith.index_cast %get3A_813 : i32 to index
        %get3A_815 = arith.constant 0 : index
        %get3A_816 = tpu.vector_load %arg29[%get3A_814, %get3A_815] {strides = array<i32>} : memref<2x16xi32, #tpu.memory_space<vmem>>, vector<16xi32>,
        %add3A_817 = arith.addi %get3A_816, %broadcast_in_dim3A_22 : vector<16xi32>
        tpu.vector_store_idx %arg19[%add3A_812, %add3A_817], %broadcast_in_dim3A_14 : memref<32x128xf32, #tpu.memory_space<vmem>>[vector<16xi32>, vector<16xi32>], vector<16xf32>,
        %add3A_818 = arith.addi %get3A_816, %broadcast_in_dim3A_24 : vector<16xi32>
        tpu.vector_store_idx %arg19[%add3A_812, %add3A_818], %broadcast_in_dim3A_14 : memref<32x128xf32, #tpu.memory_space<vmem>>[vector<16xi32>, vector<16xi32>], vector<16xf32>,
        %add3A_819 = arith.addi %get3A_816, %broadcast_in_dim3A_26 : vector<16xi32>
        tpu.vector_store_idx %arg19[%add3A_812, %add3A_819], %broadcast_in_dim3A_14 : memref<32x128xf32, #tpu.memory_space<vmem>>[vector<16xi32>, vector<16xi32>], vector<16xf32>,
        %add3A_820 = arith.addi %get3A_816, %broadcast_in_dim3A_28 : vector<16xi32>
        tpu.vector_store_idx %arg19[%add3A_812, %add3A_820], %broadcast_in_dim3A_14 : memref<32x128xf32, #tpu.memory_space<vmem>>[vector<16xi32>, vector<16xi32>], vector<16xf32>,
        %broadcast_in_dim3A_821 = arith.constant 16 : i32
        %broadcast_in_dim3A_822 = vector.broadcast %broadcast_in_dim3A_821 : i32 to vector<16xi32>
        %add3A_823 = arith.addi %broadcast_in_dim3A_822, %iota3A : vector<16xi32>
        %get3A_824 = arith.constant 1 : i32
        %get3A_825 = arith.index_cast %get3A_824 : i32 to index
        %get3A_826 = arith.constant 0 : index
        %get3A_827 = tpu.vector_load %arg29[%get3A_825, %get3A_826] {strides = array<i32>} : memref<2x16xi32, #tpu.memory_space<vmem>>, vector<16xi32>,
        %add3A_828 = arith.addi %get3A_827, %broadcast_in_dim3A_22 : vector<16xi32>
        tpu.vector_store_idx %arg19[%add3A_823, %add3A_828], %broadcast_in_dim3A_14 : memref<32x128xf32, #tpu.memory_space<vmem>>[vector<16xi32>, vector<16xi32>], vector<16xf32>,
        %add3A_829 = arith.addi %get3A_827, %broadcast_in_dim3A_24 : vector<16xi32>
        tpu.vector_store_idx %arg19[%add3A_823, %add3A_829], %broadcast_in_dim3A_14 : memref<32x128xf32, #tpu.memory_space<vmem>>[vector<16xi32>, vector<16xi32>], vector<16xf32>,
        %add3A_830 = arith.addi %get3A_827, %broadcast_in_dim3A_26 : vector<16xi32>
        tpu.vector_store_idx %arg19[%add3A_823, %add3A_830], %broadcast_in_dim3A_14 : memref<32x128xf32, #tpu.memory_space<vmem>>[vector<16xi32>, vector<16xi32>], vector<16xf32>,
        %add3A_831 = arith.addi %get3A_827, %broadcast_in_dim3A_28 : vector<16xi32>
        tpu.vector_store_idx %arg19[%add3A_823, %add3A_831], %broadcast_in_dim3A_14 : memref<32x128xf32, #tpu.memory_space<vmem>>[vector<16xi32>, vector<16xi32>], vector<16xf32>,
      } else {
      }
      %add3A_256 = arith.constant 1 : i32
      %add3A_257 = arith.addi %add3A_238, %add3A_256 : i32
      %mul3A_258 = arith.constant 32 : i32
      %mul3A_259 = arith.muli %add3A_257, %mul3A_258 : i32
      %add3A_260 = arith.addi %mul3A_30, %mul3A_259 : i32
      %dma_wait3A_261 = tpu.memref_slice %arg5[%add3A_260] : memref<320000xi32, #tpu.memory_space<hbm>> -> memref<32xi32, #tpu.memory_space<hbm>>
      %dma_wait3A_262 = tpu.memref_slice %arg5[%add3A_260] : memref<320000xi32, #tpu.memory_space<hbm>> -> memref<32xi32, #tpu.memory_space<hbm>>
      tpu.wait_dma2 semaphore(%arg37 : memref<!tpu.dma_semaphore, #tpu.memory_space<semaphore_mem>>) src(%dma_wait3A_262 : memref<32xi32, #tpu.memory_space<hbm>>) dst(%arg21 : memref<32xi32, #tpu.memory_space<vmem>>)
      %dma_wait3A_263 = tpu.memref_slice %arg6[%add3A_260] : memref<320000xi32, #tpu.memory_space<hbm>> -> memref<32xi32, #tpu.memory_space<hbm>>
      %dma_wait3A_264 = tpu.memref_slice %arg6[%add3A_260] : memref<320000xi32, #tpu.memory_space<hbm>> -> memref<32xi32, #tpu.memory_space<hbm>>
      tpu.wait_dma2 semaphore(%arg37 : memref<!tpu.dma_semaphore, #tpu.memory_space<semaphore_mem>>) src(%dma_wait3A_264 : memref<32xi32, #tpu.memory_space<hbm>>) dst(%arg23 : memref<32xi32, #tpu.memory_space<vmem>>)
      %add3A_265 = arith.constant 1 : i32
      %add3A_266 = arith.addi %add3A_238, %add3A_265 : i32
      %mul3A_267 = arith.constant 32 : i32
      %mul3A_268 = arith.muli %add3A_266, %mul3A_267 : i32
      %add3A_269 = arith.addi %mul3A_30, %mul3A_268 : i32
      %dma_start3A_270 = arith.constant 0 : i32
      %dma_start3A_271 = arith.constant 0 : i32
      %dma_start3A_272 = tpu.memref_slice %arg2[%dma_start3A_270, %dma_start3A_271] : memref<10000x128xf32, #tpu.memory_space<hbm>> -> memref<10000x128xf32, #tpu.memory_space<hbm>>
      tpu.enqueue_indirect_dma source(%dma_start3A_272 : memref<10000x128xf32, #tpu.memory_space<hbm>>) target(%arg13 : memref<32x128xf32, #tpu.memory_space<vmem>>) offsets(%arg21 : memref<32xi32, #tpu.memory_space<vmem>>) semaphore(%arg39 : memref<!tpu.dma_semaphore, #tpu.memory_space<semaphore_mem>>)
      %dma_start3A_273 = arith.constant 0 : i32
      %dma_start3A_274 = arith.constant 0 : i32
      %dma_start3A_275 = tpu.memref_slice %arg3[%dma_start3A_273, %dma_start3A_274] : memref<10000x128xf32, #tpu.memory_space<hbm>> -> memref<10000x128xf32, #tpu.memory_space<hbm>>
      tpu.enqueue_indirect_dma source(%dma_start3A_275 : memref<10000x128xf32, #tpu.memory_space<hbm>>) target(%arg15 : memref<32x128xf32, #tpu.memory_space<vmem>>) offsets(%arg23 : memref<32xi32, #tpu.memory_space<vmem>>) semaphore(%arg39 : memref<!tpu.dma_semaphore, #tpu.memory_space<semaphore_mem>>)
      %dma_start3A_276 = arith.constant 0 : i32
      %dma_start3A_277 = tpu.memref_slice %arg4[%add3A_269, %dma_start3A_276] : memref<320000x128xf32, #tpu.memory_space<hbm>> -> memref<32x128xf32, #tpu.memory_space<hbm>>
      %dma_start3A_278 = arith.constant 0 : i32
      %dma_start3A_279 = tpu.memref_slice %arg4[%add3A_269, %dma_start3A_278] : memref<320000x128xf32, #tpu.memory_space<hbm>> -> memref<32x128xf32, #tpu.memory_space<hbm>>
      tpu.enqueue_dma source(%dma_start3A_279 : memref<32x128xf32, #tpu.memory_space<hbm>>) target(%arg17 : memref<32x128xf32, #tpu.memory_space<vmem>>) target_semaphore(%arg39 : memref<!tpu.dma_semaphore, #tpu.memory_space<semaphore_mem>>)
      %get3A_280 = arith.constant 0 : index
      %get3A_281 = tpu.vector_load %arg22[%get3A_280] {strides = array<i32>} : memref<32xi32, #tpu.memory_space<vmem>>, vector<16xi32>,
      %shift_right_logical3A_282 = arith.constant 5 : i32
      %shift_right_logical3A_283 = vector.broadcast %shift_right_logical3A_282 : i32 to vector<16xi32>
      %shift_right_logical3A_284 = arith.shrui %get3A_281, %shift_right_logical3A_283 : vector<16xi32>
      %swap3A_285 = arith.constant 0 : index
      %swap3A_286 = tpu.vector_load %arg26[%swap3A_285] {strides = array<i32>} : memref<32xi32, #tpu.memory_space<vmem>>, vector<16xi32>,
      tpu.vector_store %arg26[%swap3A_285], %shift_right_logical3A_284 {strides = array<i32>} : memref<32xi32, #tpu.memory_space<vmem>>, vector<16xi32>,
      %swap3A_287 = arith.constant 0 : index
      %swap3A_288 = tpu.vector_load %arg24[%swap3A_287] {strides = array<i32>} : memref<32xi32, #tpu.memory_space<vmem>>, vector<16xi32>,
      tpu.vector_store %arg24[%swap3A_287], %get3A_281 {strides = array<i32>} : memref<32xi32, #tpu.memory_space<vmem>>, vector<16xi32>,
      %get3A_289 = arith.constant 16 : index
      %get3A_290 = tpu.vector_load %arg22[%get3A_289] {strides = array<i32>} : memref<32xi32, #tpu.memory_space<vmem>>, vector<16xi32>,
      %shift_right_logical3A_291 = arith.constant 5 : i32
      %shift_right_logical3A_292 = vector.broadcast %shift_right_logical3A_291 : i32 to vector<16xi32>
      %shift_right_logical3A_293 = arith.shrui %get3A_290, %shift_right_logical3A_292 : vector<16xi32>
      %swap3A_294 = arith.constant 16 : index
      %swap3A_295 = tpu.vector_load %arg26[%swap3A_294] {strides = array<i32>} : memref<32xi32, #tpu.memory_space<vmem>>, vector<16xi32>,
      tpu.vector_store %arg26[%swap3A_294], %shift_right_logical3A_293 {strides = array<i32>} : memref<32xi32, #tpu.memory_space<vmem>>, vector<16xi32>,
      %swap3A_296 = arith.constant 16 : index
      %swap3A_297 = tpu.vector_load %arg24[%swap3A_296] {strides = array<i32>} : memref<32xi32, #tpu.memory_space<vmem>>, vector<16xi32>,
      tpu.vector_store %arg24[%swap3A_296], %get3A_290 {strides = array<i32>} : memref<32xi32, #tpu.memory_space<vmem>>, vector<16xi32>,
      %broadcast_in_dim3A_298 = arith.constant 31 : i32
      %broadcast_in_dim3A_299 = vector.broadcast %broadcast_in_dim3A_298 : i32 to vector<16xi32>
      %broadcast_in_dim3A_300 = arith.constant 0 : i32
      %broadcast_in_dim3A_301 = vector.broadcast %broadcast_in_dim3A_300 : i32 to vector<16xi32>
      %add3A_302 = arith.addi %broadcast_in_dim3A_301, %iota3A : vector<16xi32>
      %broadcast_in_dim3A_303 = arith.constant 0 : i32
      %broadcast_in_dim3A_304 = vector.broadcast %broadcast_in_dim3A_303 : i32 to vector<16xi32>
      %and3A_305 = arith.andi %iota3A, %broadcast_in_dim3A_299 : vector<16xi32>
      %broadcast_in_dim3A_306 = arith.constant 0.000000e+00 : f32
      %broadcast_in_dim3A_307 = vector.broadcast %broadcast_in_dim3A_306 : f32 to vector<16xf32>
      %scan3A_308 = arith.constant 0 : i32
      %scan3A_309 = arith.constant 32 : i32
      %scan3A_310 = arith.addi %scan3A_308, %scan3A_309 : i32
      %scan3A_311 = arith.constant 2 : i32
      %scan3A_312:2 = scf.for %scan3A_804 = %scan3A_308 to %scan3A_310 step %scan3A_311 iter_args(%scan3A_805 = %and3A_305, %scan3A_806 = %broadcast_in_dim3A_307) -> (vector<16xi32>, vector<16xf32>)  : i32 {
        %mul3A_807 = arith.constant 1 : i32
        %mul3A_808 = arith.muli %scan3A_804, %mul3A_807 : i32
        %add3A_809 = arith.constant 0 : i32
        %add3A_810 = arith.addi %add3A_809, %mul3A_808 : i32
        %add3A_811 = arith.addi %broadcast_in_dim3A_304, %scan3A_805 : vector<16xi32>
        %gather3A = tpu.vector_load_idx %arg33[%add3A_811] : memref<128xf32, #tpu.memory_space<vmem>>[vector<16xi32>], vector<16xf32>,
        %gather3A_812 = tpu.vector_load_idx %arg12[%add3A_302, %add3A_811] : memref<32x128xf32, #tpu.memory_space<vmem>>[vector<16xi32>, vector<16xi32>], vector<16xf32>,
        %gather3A_813 = tpu.vector_load_idx %arg14[%add3A_302, %add3A_811] : memref<32x128xf32, #tpu.memory_space<vmem>>[vector<16xi32>, vector<16xi32>], vector<16xf32>,
        %gather3A_814 = tpu.vector_load_idx %arg16[%add3A_302, %add3A_811] : memref<32x128xf32, #tpu.memory_space<vmem>>[vector<16xi32>, vector<16xi32>], vector<16xf32>,
        %add3A_815 = arith.addf %gather3A_812, %gather3A_813 : vector<16xf32>
        %add3A_816 = arith.addf %add3A_815, %gather3A_814 : vector<16xf32>
        %mul3A_817 = arith.constant 2.000000e-01 : f32
        %mul3A_818 = vector.broadcast %mul3A_817 : f32 to vector<16xf32>
        %mul3A_819 = arith.mulf %mul3A_818, %add3A_816 : vector<16xf32>
        %max3A = arith.maximumf %add3A_816, %mul3A_819 : vector<16xf32>
        %add3A_820 = arith.addi %scan3A_805, %broadcast_in_dim3A_20 : vector<16xi32>
        %and3A_821 = arith.andi %add3A_820, %broadcast_in_dim3A_299 : vector<16xi32>
        %mul3A_822 = arith.mulf %max3A, %gather3A : vector<16xf32>
        %add3A_823 = arith.addf %scan3A_806, %mul3A_822 : vector<16xf32>
        %scan3A_824 = arith.constant 1 : i32
        %scan3A_825 = arith.addi %scan3A_804, %scan3A_824 : i32
        %mul3A_826 = arith.constant 1 : i32
        %mul3A_827 = arith.muli %scan3A_825, %mul3A_826 : i32
        %add3A_828 = arith.constant 0 : i32
        %add3A_829 = arith.addi %add3A_828, %mul3A_827 : i32
        %add3A_830 = arith.addi %broadcast_in_dim3A_304, %and3A_821 : vector<16xi32>
        %gather3A_831 = tpu.vector_load_idx %arg33[%add3A_830] : memref<128xf32, #tpu.memory_space<vmem>>[vector<16xi32>], vector<16xf32>,
        %gather3A_832 = tpu.vector_load_idx %arg12[%add3A_302, %add3A_830] : memref<32x128xf32, #tpu.memory_space<vmem>>[vector<16xi32>, vector<16xi32>], vector<16xf32>,
        %gather3A_833 = tpu.vector_load_idx %arg14[%add3A_302, %add3A_830] : memref<32x128xf32, #tpu.memory_space<vmem>>[vector<16xi32>, vector<16xi32>], vector<16xf32>,
        %gather3A_834 = tpu.vector_load_idx %arg16[%add3A_302, %add3A_830] : memref<32x128xf32, #tpu.memory_space<vmem>>[vector<16xi32>, vector<16xi32>], vector<16xf32>,
        %add3A_835 = arith.addf %gather3A_832, %gather3A_833 : vector<16xf32>
        %add3A_836 = arith.addf %add3A_835, %gather3A_834 : vector<16xf32>
        %mul3A_837 = arith.constant 2.000000e-01 : f32
        %mul3A_838 = vector.broadcast %mul3A_837 : f32 to vector<16xf32>
        %mul3A_839 = arith.mulf %mul3A_838, %add3A_836 : vector<16xf32>
        %max3A_840 = arith.maximumf %add3A_836, %mul3A_839 : vector<16xf32>
        %add3A_841 = arith.addi %and3A_821, %broadcast_in_dim3A_20 : vector<16xi32>
        %and3A_842 = arith.andi %add3A_841, %broadcast_in_dim3A_299 : vector<16xi32>
        %mul3A_843 = arith.mulf %max3A_840, %gather3A_831 : vector<16xf32>
        %add3A_844 = arith.addf %add3A_823, %mul3A_843 : vector<16xf32>
        scf.yield %and3A_842, %add3A_844 : vector<16xi32>, vector<16xf32>
      }
      %scan3A_313 = arith.constant 32 : i32
      %exp3A_314 = math.exp %scan3A_312#1 : vector<16xf32>
      %broadcast_in_dim3A_315 = arith.constant 32 : i32
      %broadcast_in_dim3A_316 = vector.broadcast %broadcast_in_dim3A_315 : i32 to vector<16xi32>
      %and3A_317 = arith.andi %iota3A, %broadcast_in_dim3A_299 : vector<16xi32>
      %broadcast_in_dim3A_318 = arith.constant 0.000000e+00 : f32
      %broadcast_in_dim3A_319 = vector.broadcast %broadcast_in_dim3A_318 : f32 to vector<16xf32>
      %scan3A_320 = arith.constant 0 : i32
      %scan3A_321 = arith.constant 32 : i32
      %scan3A_322 = arith.addi %scan3A_320, %scan3A_321 : i32
      %scan3A_323 = arith.constant 2 : i32
      %scan3A_324:2 = scf.for %scan3A_804 = %scan3A_320 to %scan3A_322 step %scan3A_323 iter_args(%scan3A_805 = %and3A_317, %scan3A_806 = %broadcast_in_dim3A_319) -> (vector<16xi32>, vector<16xf32>)  : i32 {
        %mul3A_807 = arith.constant 1 : i32
        %mul3A_808 = arith.muli %scan3A_804, %mul3A_807 : i32
        %add3A_809 = arith.constant 0 : i32
        %add3A_810 = arith.addi %add3A_809, %mul3A_808 : i32
        %add3A_811 = arith.addi %broadcast_in_dim3A_316, %scan3A_805 : vector<16xi32>
        %gather3A = tpu.vector_load_idx %arg33[%add3A_811] : memref<128xf32, #tpu.memory_space<vmem>>[vector<16xi32>], vector<16xf32>,
        %gather3A_812 = tpu.vector_load_idx %arg12[%add3A_302, %add3A_811] : memref<32x128xf32, #tpu.memory_space<vmem>>[vector<16xi32>, vector<16xi32>], vector<16xf32>,
        %gather3A_813 = tpu.vector_load_idx %arg14[%add3A_302, %add3A_811] : memref<32x128xf32, #tpu.memory_space<vmem>>[vector<16xi32>, vector<16xi32>], vector<16xf32>,
        %gather3A_814 = tpu.vector_load_idx %arg16[%add3A_302, %add3A_811] : memref<32x128xf32, #tpu.memory_space<vmem>>[vector<16xi32>, vector<16xi32>], vector<16xf32>,
        %add3A_815 = arith.addf %gather3A_812, %gather3A_813 : vector<16xf32>
        %add3A_816 = arith.addf %add3A_815, %gather3A_814 : vector<16xf32>
        %mul3A_817 = arith.constant 2.000000e-01 : f32
        %mul3A_818 = vector.broadcast %mul3A_817 : f32 to vector<16xf32>
        %mul3A_819 = arith.mulf %mul3A_818, %add3A_816 : vector<16xf32>
        %max3A = arith.maximumf %add3A_816, %mul3A_819 : vector<16xf32>
        %add3A_820 = arith.addi %scan3A_805, %broadcast_in_dim3A_20 : vector<16xi32>
        %and3A_821 = arith.andi %add3A_820, %broadcast_in_dim3A_299 : vector<16xi32>
        %mul3A_822 = arith.mulf %max3A, %gather3A : vector<16xf32>
        %add3A_823 = arith.addf %scan3A_806, %mul3A_822 : vector<16xf32>
        %scan3A_824 = arith.constant 1 : i32
        %scan3A_825 = arith.addi %scan3A_804, %scan3A_824 : i32
        %mul3A_826 = arith.constant 1 : i32
        %mul3A_827 = arith.muli %scan3A_825, %mul3A_826 : i32
        %add3A_828 = arith.constant 0 : i32
        %add3A_829 = arith.addi %add3A_828, %mul3A_827 : i32
        %add3A_830 = arith.addi %broadcast_in_dim3A_316, %and3A_821 : vector<16xi32>
        %gather3A_831 = tpu.vector_load_idx %arg33[%add3A_830] : memref<128xf32, #tpu.memory_space<vmem>>[vector<16xi32>], vector<16xf32>,
        %gather3A_832 = tpu.vector_load_idx %arg12[%add3A_302, %add3A_830] : memref<32x128xf32, #tpu.memory_space<vmem>>[vector<16xi32>, vector<16xi32>], vector<16xf32>,
        %gather3A_833 = tpu.vector_load_idx %arg14[%add3A_302, %add3A_830] : memref<32x128xf32, #tpu.memory_space<vmem>>[vector<16xi32>, vector<16xi32>], vector<16xf32>,
        %gather3A_834 = tpu.vector_load_idx %arg16[%add3A_302, %add3A_830] : memref<32x128xf32, #tpu.memory_space<vmem>>[vector<16xi32>, vector<16xi32>], vector<16xf32>,
        %add3A_835 = arith.addf %gather3A_832, %gather3A_833 : vector<16xf32>
        %add3A_836 = arith.addf %add3A_835, %gather3A_834 : vector<16xf32>
        %mul3A_837 = arith.constant 2.000000e-01 : f32
        %mul3A_838 = vector.broadcast %mul3A_837 : f32 to vector<16xf32>
        %mul3A_839 = arith.mulf %mul3A_838, %add3A_836 : vector<16xf32>
        %max3A_840 = arith.maximumf %add3A_836, %mul3A_839 : vector<16xf32>
        %add3A_841 = arith.addi %and3A_821, %broadcast_in_dim3A_20 : vector<16xi32>
        %and3A_842 = arith.andi %add3A_841, %broadcast_in_dim3A_299 : vector<16xi32>
        %mul3A_843 = arith.mulf %max3A_840, %gather3A_831 : vector<16xf32>
        %add3A_844 = arith.addf %add3A_823, %mul3A_843 : vector<16xf32>
        scf.yield %and3A_842, %add3A_844 : vector<16xi32>, vector<16xf32>
      }
      %scan3A_325 = arith.constant 32 : i32
      %exp3A_326 = math.exp %scan3A_324#1 : vector<16xf32>
      %broadcast_in_dim3A_327 = arith.constant 64 : i32
      %broadcast_in_dim3A_328 = vector.broadcast %broadcast_in_dim3A_327 : i32 to vector<16xi32>
      %and3A_329 = arith.andi %iota3A, %broadcast_in_dim3A_299 : vector<16xi32>
      %broadcast_in_dim3A_330 = arith.constant 0.000000e+00 : f32
      %broadcast_in_dim3A_331 = vector.broadcast %broadcast_in_dim3A_330 : f32 to vector<16xf32>
      %scan3A_332 = arith.constant 0 : i32
      %scan3A_333 = arith.constant 32 : i32
      %scan3A_334 = arith.addi %scan3A_332, %scan3A_333 : i32
      %scan3A_335 = arith.constant 2 : i32
      %scan3A_336:2 = scf.for %scan3A_804 = %scan3A_332 to %scan3A_334 step %scan3A_335 iter_args(%scan3A_805 = %and3A_329, %scan3A_806 = %broadcast_in_dim3A_331) -> (vector<16xi32>, vector<16xf32>)  : i32 {
        %mul3A_807 = arith.constant 1 : i32
        %mul3A_808 = arith.muli %scan3A_804, %mul3A_807 : i32
        %add3A_809 = arith.constant 0 : i32
        %add3A_810 = arith.addi %add3A_809, %mul3A_808 : i32
        %add3A_811 = arith.addi %broadcast_in_dim3A_328, %scan3A_805 : vector<16xi32>
        %gather3A = tpu.vector_load_idx %arg33[%add3A_811] : memref<128xf32, #tpu.memory_space<vmem>>[vector<16xi32>], vector<16xf32>,
        %gather3A_812 = tpu.vector_load_idx %arg12[%add3A_302, %add3A_811] : memref<32x128xf32, #tpu.memory_space<vmem>>[vector<16xi32>, vector<16xi32>], vector<16xf32>,
        %gather3A_813 = tpu.vector_load_idx %arg14[%add3A_302, %add3A_811] : memref<32x128xf32, #tpu.memory_space<vmem>>[vector<16xi32>, vector<16xi32>], vector<16xf32>,
        %gather3A_814 = tpu.vector_load_idx %arg16[%add3A_302, %add3A_811] : memref<32x128xf32, #tpu.memory_space<vmem>>[vector<16xi32>, vector<16xi32>], vector<16xf32>,
        %add3A_815 = arith.addf %gather3A_812, %gather3A_813 : vector<16xf32>
        %add3A_816 = arith.addf %add3A_815, %gather3A_814 : vector<16xf32>
        %mul3A_817 = arith.constant 2.000000e-01 : f32
        %mul3A_818 = vector.broadcast %mul3A_817 : f32 to vector<16xf32>
        %mul3A_819 = arith.mulf %mul3A_818, %add3A_816 : vector<16xf32>
        %max3A = arith.maximumf %add3A_816, %mul3A_819 : vector<16xf32>
        %add3A_820 = arith.addi %scan3A_805, %broadcast_in_dim3A_20 : vector<16xi32>
        %and3A_821 = arith.andi %add3A_820, %broadcast_in_dim3A_299 : vector<16xi32>
        %mul3A_822 = arith.mulf %max3A, %gather3A : vector<16xf32>
        %add3A_823 = arith.addf %scan3A_806, %mul3A_822 : vector<16xf32>
        %scan3A_824 = arith.constant 1 : i32
        %scan3A_825 = arith.addi %scan3A_804, %scan3A_824 : i32
        %mul3A_826 = arith.constant 1 : i32
        %mul3A_827 = arith.muli %scan3A_825, %mul3A_826 : i32
        %add3A_828 = arith.constant 0 : i32
        %add3A_829 = arith.addi %add3A_828, %mul3A_827 : i32
        %add3A_830 = arith.addi %broadcast_in_dim3A_328, %and3A_821 : vector<16xi32>
        %gather3A_831 = tpu.vector_load_idx %arg33[%add3A_830] : memref<128xf32, #tpu.memory_space<vmem>>[vector<16xi32>], vector<16xf32>,
        %gather3A_832 = tpu.vector_load_idx %arg12[%add3A_302, %add3A_830] : memref<32x128xf32, #tpu.memory_space<vmem>>[vector<16xi32>, vector<16xi32>], vector<16xf32>,
        %gather3A_833 = tpu.vector_load_idx %arg14[%add3A_302, %add3A_830] : memref<32x128xf32, #tpu.memory_space<vmem>>[vector<16xi32>, vector<16xi32>], vector<16xf32>,
        %gather3A_834 = tpu.vector_load_idx %arg16[%add3A_302, %add3A_830] : memref<32x128xf32, #tpu.memory_space<vmem>>[vector<16xi32>, vector<16xi32>], vector<16xf32>,
        %add3A_835 = arith.addf %gather3A_832, %gather3A_833 : vector<16xf32>
        %add3A_836 = arith.addf %add3A_835, %gather3A_834 : vector<16xf32>
        %mul3A_837 = arith.constant 2.000000e-01 : f32
        %mul3A_838 = vector.broadcast %mul3A_837 : f32 to vector<16xf32>
        %mul3A_839 = arith.mulf %mul3A_838, %add3A_836 : vector<16xf32>
        %max3A_840 = arith.maximumf %add3A_836, %mul3A_839 : vector<16xf32>
        %add3A_841 = arith.addi %and3A_821, %broadcast_in_dim3A_20 : vector<16xi32>
        %and3A_842 = arith.andi %add3A_841, %broadcast_in_dim3A_299 : vector<16xi32>
        %mul3A_843 = arith.mulf %max3A_840, %gather3A_831 : vector<16xf32>
        %add3A_844 = arith.addf %add3A_823, %mul3A_843 : vector<16xf32>
        scf.yield %and3A_842, %add3A_844 : vector<16xi32>, vector<16xf32>
      }
      %scan3A_337 = arith.constant 32 : i32
      %exp3A_338 = math.exp %scan3A_336#1 : vector<16xf32>
      %broadcast_in_dim3A_339 = arith.constant 96 : i32
      %broadcast_in_dim3A_340 = vector.broadcast %broadcast_in_dim3A_339 : i32 to vector<16xi32>
      %and3A_341 = arith.andi %iota3A, %broadcast_in_dim3A_299 : vector<16xi32>
      %broadcast_in_dim3A_342 = arith.constant 0.000000e+00 : f32
      %broadcast_in_dim3A_343 = vector.broadcast %broadcast_in_dim3A_342 : f32 to vector<16xf32>
      %scan3A_344 = arith.constant 0 : i32
      %scan3A_345 = arith.constant 32 : i32
      %scan3A_346 = arith.addi %scan3A_344, %scan3A_345 : i32
      %scan3A_347 = arith.constant 2 : i32
      %scan3A_348:2 = scf.for %scan3A_804 = %scan3A_344 to %scan3A_346 step %scan3A_347 iter_args(%scan3A_805 = %and3A_341, %scan3A_806 = %broadcast_in_dim3A_343) -> (vector<16xi32>, vector<16xf32>)  : i32 {
        %mul3A_807 = arith.constant 1 : i32
        %mul3A_808 = arith.muli %scan3A_804, %mul3A_807 : i32
        %add3A_809 = arith.constant 0 : i32
        %add3A_810 = arith.addi %add3A_809, %mul3A_808 : i32
        %add3A_811 = arith.addi %broadcast_in_dim3A_340, %scan3A_805 : vector<16xi32>
        %gather3A = tpu.vector_load_idx %arg33[%add3A_811] : memref<128xf32, #tpu.memory_space<vmem>>[vector<16xi32>], vector<16xf32>,
        %gather3A_812 = tpu.vector_load_idx %arg12[%add3A_302, %add3A_811] : memref<32x128xf32, #tpu.memory_space<vmem>>[vector<16xi32>, vector<16xi32>], vector<16xf32>,
        %gather3A_813 = tpu.vector_load_idx %arg14[%add3A_302, %add3A_811] : memref<32x128xf32, #tpu.memory_space<vmem>>[vector<16xi32>, vector<16xi32>], vector<16xf32>,
        %gather3A_814 = tpu.vector_load_idx %arg16[%add3A_302, %add3A_811] : memref<32x128xf32, #tpu.memory_space<vmem>>[vector<16xi32>, vector<16xi32>], vector<16xf32>,
        %add3A_815 = arith.addf %gather3A_812, %gather3A_813 : vector<16xf32>
        %add3A_816 = arith.addf %add3A_815, %gather3A_814 : vector<16xf32>
        %mul3A_817 = arith.constant 2.000000e-01 : f32
        %mul3A_818 = vector.broadcast %mul3A_817 : f32 to vector<16xf32>
        %mul3A_819 = arith.mulf %mul3A_818, %add3A_816 : vector<16xf32>
        %max3A = arith.maximumf %add3A_816, %mul3A_819 : vector<16xf32>
        %add3A_820 = arith.addi %scan3A_805, %broadcast_in_dim3A_20 : vector<16xi32>
        %and3A_821 = arith.andi %add3A_820, %broadcast_in_dim3A_299 : vector<16xi32>
        %mul3A_822 = arith.mulf %max3A, %gather3A : vector<16xf32>
        %add3A_823 = arith.addf %scan3A_806, %mul3A_822 : vector<16xf32>
        %scan3A_824 = arith.constant 1 : i32
        %scan3A_825 = arith.addi %scan3A_804, %scan3A_824 : i32
        %mul3A_826 = arith.constant 1 : i32
        %mul3A_827 = arith.muli %scan3A_825, %mul3A_826 : i32
        %add3A_828 = arith.constant 0 : i32
        %add3A_829 = arith.addi %add3A_828, %mul3A_827 : i32
        %add3A_830 = arith.addi %broadcast_in_dim3A_340, %and3A_821 : vector<16xi32>
        %gather3A_831 = tpu.vector_load_idx %arg33[%add3A_830] : memref<128xf32, #tpu.memory_space<vmem>>[vector<16xi32>], vector<16xf32>,
        %gather3A_832 = tpu.vector_load_idx %arg12[%add3A_302, %add3A_830] : memref<32x128xf32, #tpu.memory_space<vmem>>[vector<16xi32>, vector<16xi32>], vector<16xf32>,
        %gather3A_833 = tpu.vector_load_idx %arg14[%add3A_302, %add3A_830] : memref<32x128xf32, #tpu.memory_space<vmem>>[vector<16xi32>, vector<16xi32>], vector<16xf32>,
        %gather3A_834 = tpu.vector_load_idx %arg16[%add3A_302, %add3A_830] : memref<32x128xf32, #tpu.memory_space<vmem>>[vector<16xi32>, vector<16xi32>], vector<16xf32>,
        %add3A_835 = arith.addf %gather3A_832, %gather3A_833 : vector<16xf32>
        %add3A_836 = arith.addf %add3A_835, %gather3A_834 : vector<16xf32>
        %mul3A_837 = arith.constant 2.000000e-01 : f32
        %mul3A_838 = vector.broadcast %mul3A_837 : f32 to vector<16xf32>
        %mul3A_839 = arith.mulf %mul3A_838, %add3A_836 : vector<16xf32>
        %max3A_840 = arith.maximumf %add3A_836, %mul3A_839 : vector<16xf32>
        %add3A_841 = arith.addi %and3A_821, %broadcast_in_dim3A_20 : vector<16xi32>
        %and3A_842 = arith.andi %add3A_841, %broadcast_in_dim3A_299 : vector<16xi32>
        %mul3A_843 = arith.mulf %max3A_840, %gather3A_831 : vector<16xf32>
        %add3A_844 = arith.addf %add3A_823, %mul3A_843 : vector<16xf32>
        scf.yield %and3A_842, %add3A_844 : vector<16xi32>, vector<16xf32>
      }
      %scan3A_349 = arith.constant 32 : i32
      %exp3A_350 = math.exp %scan3A_348#1 : vector<16xf32>
      %get3A_351 = arith.constant 0 : index
      %get3A_352 = tpu.vector_load %arg22[%get3A_351] {strides = array<i32>} : memref<32xi32, #tpu.memory_space<vmem>>, vector<16xi32>,
      %and3A_353 = arith.constant 31 : i32
      %and3A_354 = vector.broadcast %and3A_353 : i32 to vector<16xi32>
      %and3A_355 = arith.andi %get3A_352, %and3A_354 : vector<16xi32>
      %mul3A_356 = arith.constant 4 : i32
      %mul3A_357 = vector.broadcast %mul3A_356 : i32 to vector<16xi32>
      %mul3A_358 = arith.muli %and3A_355, %mul3A_357 : vector<16xi32>
      %swap3A_359 = arith.constant 0 : i32
      %swap3A_360 = arith.index_cast %swap3A_359 : i32 to index
      %swap3A_361 = arith.constant 0 : index
      %swap3A_362 = tpu.vector_load %arg28[%swap3A_360, %swap3A_361] {strides = array<i32>} : memref<2x16xi32, #tpu.memory_space<vmem>>, vector<16xi32>,
      tpu.vector_store %arg28[%swap3A_360, %swap3A_361], %mul3A_358 {strides = array<i32>} : memref<2x16xi32, #tpu.memory_space<vmem>>, vector<16xi32>,
      %add3A_363 = arith.addi %mul3A_358, %broadcast_in_dim3A_22 : vector<16xi32>
      tpu.vector_store_idx %arg18[%add3A_302, %add3A_363], %exp3A_314 : memref<32x128xf32, #tpu.memory_space<vmem>>[vector<16xi32>, vector<16xi32>], vector<16xf32>,
      %add3A_364 = arith.addi %mul3A_358, %broadcast_in_dim3A_24 : vector<16xi32>
      tpu.vector_store_idx %arg18[%add3A_302, %add3A_364], %exp3A_326 : memref<32x128xf32, #tpu.memory_space<vmem>>[vector<16xi32>, vector<16xi32>], vector<16xf32>,
      %add3A_365 = arith.addi %mul3A_358, %broadcast_in_dim3A_26 : vector<16xi32>
      tpu.vector_store_idx %arg18[%add3A_302, %add3A_365], %exp3A_338 : memref<32x128xf32, #tpu.memory_space<vmem>>[vector<16xi32>, vector<16xi32>], vector<16xf32>,
      %add3A_366 = arith.addi %mul3A_358, %broadcast_in_dim3A_28 : vector<16xi32>
      tpu.vector_store_idx %arg18[%add3A_302, %add3A_366], %exp3A_350 : memref<32x128xf32, #tpu.memory_space<vmem>>[vector<16xi32>, vector<16xi32>], vector<16xf32>,
      %broadcast_in_dim3A_367 = arith.constant 0 : i32
      %broadcast_in_dim3A_368 = vector.broadcast %broadcast_in_dim3A_367 : i32 to vector<16xi32>
      %and3A_369 = arith.andi %iota3A, %broadcast_in_dim3A_299 : vector<16xi32>
      %scan3A_370 = arith.constant 0 : i32
      %scan3A_371 = arith.constant 32 : i32
      %scan3A_372 = arith.addi %scan3A_370, %scan3A_371 : i32
      %scan3A_373 = arith.constant 2 : i32
      %scan3A_374 = scf.for %scan3A_804 = %scan3A_370 to %scan3A_372 step %scan3A_373 iter_args(%scan3A_805 = %and3A_369) -> (vector<16xi32>)  : i32 {
        %mul3A_806 = arith.constant 1 : i32
        %mul3A_807 = arith.muli %scan3A_804, %mul3A_806 : i32
        %add3A_808 = arith.constant 0 : i32
        %add3A_809 = arith.addi %add3A_808, %mul3A_807 : i32
        %add3A_810 = arith.addi %broadcast_in_dim3A_368, %scan3A_805 : vector<16xi32>
        %gather3A = tpu.vector_load_idx %arg12[%add3A_302, %add3A_810] : memref<32x128xf32, #tpu.memory_space<vmem>>[vector<16xi32>, vector<16xi32>], vector<16xf32>,
        %mul3A_811 = arith.mulf %gather3A, %exp3A_314 : vector<16xf32>
        tpu.vector_store_idx %arg12[%add3A_302, %add3A_810], %mul3A_811 : memref<32x128xf32, #tpu.memory_space<vmem>>[vector<16xi32>, vector<16xi32>], vector<16xf32>,
        %add3A_812 = arith.addi %scan3A_805, %broadcast_in_dim3A_20 : vector<16xi32>
        %and3A_813 = arith.andi %add3A_812, %broadcast_in_dim3A_299 : vector<16xi32>
        %scan3A_814 = arith.constant 1 : i32
        %scan3A_815 = arith.addi %scan3A_804, %scan3A_814 : i32
        %mul3A_816 = arith.constant 1 : i32
        %mul3A_817 = arith.muli %scan3A_815, %mul3A_816 : i32
        %add3A_818 = arith.constant 0 : i32
        %add3A_819 = arith.addi %add3A_818, %mul3A_817 : i32
        %add3A_820 = arith.addi %broadcast_in_dim3A_368, %and3A_813 : vector<16xi32>
        %gather3A_821 = tpu.vector_load_idx %arg12[%add3A_302, %add3A_820] : memref<32x128xf32, #tpu.memory_space<vmem>>[vector<16xi32>, vector<16xi32>], vector<16xf32>,
        %mul3A_822 = arith.mulf %gather3A_821, %exp3A_314 : vector<16xf32>
        tpu.vector_store_idx %arg12[%add3A_302, %add3A_820], %mul3A_822 : memref<32x128xf32, #tpu.memory_space<vmem>>[vector<16xi32>, vector<16xi32>], vector<16xf32>,
        %add3A_823 = arith.addi %and3A_813, %broadcast_in_dim3A_20 : vector<16xi32>
        %and3A_824 = arith.andi %add3A_823, %broadcast_in_dim3A_299 : vector<16xi32>
        scf.yield %and3A_824 : vector<16xi32>
      }
      %scan3A_375 = arith.constant 32 : i32
      %broadcast_in_dim3A_376 = arith.constant 32 : i32
      %broadcast_in_dim3A_377 = vector.broadcast %broadcast_in_dim3A_376 : i32 to vector<16xi32>
      %and3A_378 = arith.andi %iota3A, %broadcast_in_dim3A_299 : vector<16xi32>
      %scan3A_379 = arith.constant 0 : i32
      %scan3A_380 = arith.constant 32 : i32
      %scan3A_381 = arith.addi %scan3A_379, %scan3A_380 : i32
      %scan3A_382 = arith.constant 2 : i32
      %scan3A_383 = scf.for %scan3A_804 = %scan3A_379 to %scan3A_381 step %scan3A_382 iter_args(%scan3A_805 = %and3A_378) -> (vector<16xi32>)  : i32 {
        %mul3A_806 = arith.constant 1 : i32
        %mul3A_807 = arith.muli %scan3A_804, %mul3A_806 : i32
        %add3A_808 = arith.constant 0 : i32
        %add3A_809 = arith.addi %add3A_808, %mul3A_807 : i32
        %add3A_810 = arith.addi %broadcast_in_dim3A_377, %scan3A_805 : vector<16xi32>
        %gather3A = tpu.vector_load_idx %arg12[%add3A_302, %add3A_810] : memref<32x128xf32, #tpu.memory_space<vmem>>[vector<16xi32>, vector<16xi32>], vector<16xf32>,
        %mul3A_811 = arith.mulf %gather3A, %exp3A_326 : vector<16xf32>
        tpu.vector_store_idx %arg12[%add3A_302, %add3A_810], %mul3A_811 : memref<32x128xf32, #tpu.memory_space<vmem>>[vector<16xi32>, vector<16xi32>], vector<16xf32>,
        %add3A_812 = arith.addi %scan3A_805, %broadcast_in_dim3A_20 : vector<16xi32>
        %and3A_813 = arith.andi %add3A_812, %broadcast_in_dim3A_299 : vector<16xi32>
        %scan3A_814 = arith.constant 1 : i32
        %scan3A_815 = arith.addi %scan3A_804, %scan3A_814 : i32
        %mul3A_816 = arith.constant 1 : i32
        %mul3A_817 = arith.muli %scan3A_815, %mul3A_816 : i32
        %add3A_818 = arith.constant 0 : i32
        %add3A_819 = arith.addi %add3A_818, %mul3A_817 : i32
        %add3A_820 = arith.addi %broadcast_in_dim3A_377, %and3A_813 : vector<16xi32>
        %gather3A_821 = tpu.vector_load_idx %arg12[%add3A_302, %add3A_820] : memref<32x128xf32, #tpu.memory_space<vmem>>[vector<16xi32>, vector<16xi32>], vector<16xf32>,
        %mul3A_822 = arith.mulf %gather3A_821, %exp3A_326 : vector<16xf32>
        tpu.vector_store_idx %arg12[%add3A_302, %add3A_820], %mul3A_822 : memref<32x128xf32, #tpu.memory_space<vmem>>[vector<16xi32>, vector<16xi32>], vector<16xf32>,
        %add3A_823 = arith.addi %and3A_813, %broadcast_in_dim3A_20 : vector<16xi32>
        %and3A_824 = arith.andi %add3A_823, %broadcast_in_dim3A_299 : vector<16xi32>
        scf.yield %and3A_824 : vector<16xi32>
      }
      %scan3A_384 = arith.constant 32 : i32
      %broadcast_in_dim3A_385 = arith.constant 64 : i32
      %broadcast_in_dim3A_386 = vector.broadcast %broadcast_in_dim3A_385 : i32 to vector<16xi32>
      %and3A_387 = arith.andi %iota3A, %broadcast_in_dim3A_299 : vector<16xi32>
      %scan3A_388 = arith.constant 0 : i32
      %scan3A_389 = arith.constant 32 : i32
      %scan3A_390 = arith.addi %scan3A_388, %scan3A_389 : i32
      %scan3A_391 = arith.constant 2 : i32
      %scan3A_392 = scf.for %scan3A_804 = %scan3A_388 to %scan3A_390 step %scan3A_391 iter_args(%scan3A_805 = %and3A_387) -> (vector<16xi32>)  : i32 {
        %mul3A_806 = arith.constant 1 : i32
        %mul3A_807 = arith.muli %scan3A_804, %mul3A_806 : i32
        %add3A_808 = arith.constant 0 : i32
        %add3A_809 = arith.addi %add3A_808, %mul3A_807 : i32
        %add3A_810 = arith.addi %broadcast_in_dim3A_386, %scan3A_805 : vector<16xi32>
        %gather3A = tpu.vector_load_idx %arg12[%add3A_302, %add3A_810] : memref<32x128xf32, #tpu.memory_space<vmem>>[vector<16xi32>, vector<16xi32>], vector<16xf32>,
        %mul3A_811 = arith.mulf %gather3A, %exp3A_338 : vector<16xf32>
        tpu.vector_store_idx %arg12[%add3A_302, %add3A_810], %mul3A_811 : memref<32x128xf32, #tpu.memory_space<vmem>>[vector<16xi32>, vector<16xi32>], vector<16xf32>,
        %add3A_812 = arith.addi %scan3A_805, %broadcast_in_dim3A_20 : vector<16xi32>
        %and3A_813 = arith.andi %add3A_812, %broadcast_in_dim3A_299 : vector<16xi32>
        %scan3A_814 = arith.constant 1 : i32
        %scan3A_815 = arith.addi %scan3A_804, %scan3A_814 : i32
        %mul3A_816 = arith.constant 1 : i32
        %mul3A_817 = arith.muli %scan3A_815, %mul3A_816 : i32
        %add3A_818 = arith.constant 0 : i32
        %add3A_819 = arith.addi %add3A_818, %mul3A_817 : i32
        %add3A_820 = arith.addi %broadcast_in_dim3A_386, %and3A_813 : vector<16xi32>
        %gather3A_821 = tpu.vector_load_idx %arg12[%add3A_302, %add3A_820] : memref<32x128xf32, #tpu.memory_space<vmem>>[vector<16xi32>, vector<16xi32>], vector<16xf32>,
        %mul3A_822 = arith.mulf %gather3A_821, %exp3A_338 : vector<16xf32>
        tpu.vector_store_idx %arg12[%add3A_302, %add3A_820], %mul3A_822 : memref<32x128xf32, #tpu.memory_space<vmem>>[vector<16xi32>, vector<16xi32>], vector<16xf32>,
        %add3A_823 = arith.addi %and3A_813, %broadcast_in_dim3A_20 : vector<16xi32>
        %and3A_824 = arith.andi %add3A_823, %broadcast_in_dim3A_299 : vector<16xi32>
        scf.yield %and3A_824 : vector<16xi32>
      }
      %scan3A_393 = arith.constant 32 : i32
      %broadcast_in_dim3A_394 = arith.constant 96 : i32
      %broadcast_in_dim3A_395 = vector.broadcast %broadcast_in_dim3A_394 : i32 to vector<16xi32>
      %and3A_396 = arith.andi %iota3A, %broadcast_in_dim3A_299 : vector<16xi32>
      %scan3A_397 = arith.constant 0 : i32
      %scan3A_398 = arith.constant 32 : i32
      %scan3A_399 = arith.addi %scan3A_397, %scan3A_398 : i32
      %scan3A_400 = arith.constant 2 : i32
      %scan3A_401 = scf.for %scan3A_804 = %scan3A_397 to %scan3A_399 step %scan3A_400 iter_args(%scan3A_805 = %and3A_396) -> (vector<16xi32>)  : i32 {
        %mul3A_806 = arith.constant 1 : i32
        %mul3A_807 = arith.muli %scan3A_804, %mul3A_806 : i32
        %add3A_808 = arith.constant 0 : i32
        %add3A_809 = arith.addi %add3A_808, %mul3A_807 : i32
        %add3A_810 = arith.addi %broadcast_in_dim3A_395, %scan3A_805 : vector<16xi32>
        %gather3A = tpu.vector_load_idx %arg12[%add3A_302, %add3A_810] : memref<32x128xf32, #tpu.memory_space<vmem>>[vector<16xi32>, vector<16xi32>], vector<16xf32>,
        %mul3A_811 = arith.mulf %gather3A, %exp3A_350 : vector<16xf32>
        tpu.vector_store_idx %arg12[%add3A_302, %add3A_810], %mul3A_811 : memref<32x128xf32, #tpu.memory_space<vmem>>[vector<16xi32>, vector<16xi32>], vector<16xf32>,
        %add3A_812 = arith.addi %scan3A_805, %broadcast_in_dim3A_20 : vector<16xi32>
        %and3A_813 = arith.andi %add3A_812, %broadcast_in_dim3A_299 : vector<16xi32>
        %scan3A_814 = arith.constant 1 : i32
        %scan3A_815 = arith.addi %scan3A_804, %scan3A_814 : i32
        %mul3A_816 = arith.constant 1 : i32
        %mul3A_817 = arith.muli %scan3A_815, %mul3A_816 : i32
        %add3A_818 = arith.constant 0 : i32
        %add3A_819 = arith.addi %add3A_818, %mul3A_817 : i32
        %add3A_820 = arith.addi %broadcast_in_dim3A_395, %and3A_813 : vector<16xi32>
        %gather3A_821 = tpu.vector_load_idx %arg12[%add3A_302, %add3A_820] : memref<32x128xf32, #tpu.memory_space<vmem>>[vector<16xi32>, vector<16xi32>], vector<16xf32>,
        %mul3A_822 = arith.mulf %gather3A_821, %exp3A_350 : vector<16xf32>
        tpu.vector_store_idx %arg12[%add3A_302, %add3A_820], %mul3A_822 : memref<32x128xf32, #tpu.memory_space<vmem>>[vector<16xi32>, vector<16xi32>], vector<16xf32>,
        %add3A_823 = arith.addi %and3A_813, %broadcast_in_dim3A_20 : vector<16xi32>
        %and3A_824 = arith.andi %add3A_823, %broadcast_in_dim3A_299 : vector<16xi32>
        scf.yield %and3A_824 : vector<16xi32>
      }
      %scan3A_402 = arith.constant 32 : i32
      %broadcast_in_dim3A_403 = arith.constant 16 : i32
      %broadcast_in_dim3A_404 = vector.broadcast %broadcast_in_dim3A_403 : i32 to vector<16xi32>
      %add3A_405 = arith.addi %broadcast_in_dim3A_404, %iota3A : vector<16xi32>
      %broadcast_in_dim3A_406 = arith.constant 0 : i32
      %broadcast_in_dim3A_407 = vector.broadcast %broadcast_in_dim3A_406 : i32 to vector<16xi32>
      %and3A_408 = arith.andi %iota3A, %broadcast_in_dim3A_299 : vector<16xi32>
      %broadcast_in_dim3A_409 = arith.constant 0.000000e+00 : f32
      %broadcast_in_dim3A_410 = vector.broadcast %broadcast_in_dim3A_409 : f32 to vector<16xf32>
      %scan3A_411 = arith.constant 0 : i32
      %scan3A_412 = arith.constant 32 : i32
      %scan3A_413 = arith.addi %scan3A_411, %scan3A_412 : i32
      %scan3A_414 = arith.constant 2 : i32
      %scan3A_415:2 = scf.for %scan3A_804 = %scan3A_411 to %scan3A_413 step %scan3A_414 iter_args(%scan3A_805 = %and3A_408, %scan3A_806 = %broadcast_in_dim3A_410) -> (vector<16xi32>, vector<16xf32>)  : i32 {
        %mul3A_807 = arith.constant 1 : i32
        %mul3A_808 = arith.muli %scan3A_804, %mul3A_807 : i32
        %add3A_809 = arith.constant 0 : i32
        %add3A_810 = arith.addi %add3A_809, %mul3A_808 : i32
        %add3A_811 = arith.addi %broadcast_in_dim3A_407, %scan3A_805 : vector<16xi32>
        %gather3A = tpu.vector_load_idx %arg33[%add3A_811] : memref<128xf32, #tpu.memory_space<vmem>>[vector<16xi32>], vector<16xf32>,
        %gather3A_812 = tpu.vector_load_idx %arg12[%add3A_405, %add3A_811] : memref<32x128xf32, #tpu.memory_space<vmem>>[vector<16xi32>, vector<16xi32>], vector<16xf32>,
        %gather3A_813 = tpu.vector_load_idx %arg14[%add3A_405, %add3A_811] : memref<32x128xf32, #tpu.memory_space<vmem>>[vector<16xi32>, vector<16xi32>], vector<16xf32>,
        %gather3A_814 = tpu.vector_load_idx %arg16[%add3A_405, %add3A_811] : memref<32x128xf32, #tpu.memory_space<vmem>>[vector<16xi32>, vector<16xi32>], vector<16xf32>,
        %add3A_815 = arith.addf %gather3A_812, %gather3A_813 : vector<16xf32>
        %add3A_816 = arith.addf %add3A_815, %gather3A_814 : vector<16xf32>
        %mul3A_817 = arith.constant 2.000000e-01 : f32
        %mul3A_818 = vector.broadcast %mul3A_817 : f32 to vector<16xf32>
        %mul3A_819 = arith.mulf %mul3A_818, %add3A_816 : vector<16xf32>
        %max3A = arith.maximumf %add3A_816, %mul3A_819 : vector<16xf32>
        %add3A_820 = arith.addi %scan3A_805, %broadcast_in_dim3A_20 : vector<16xi32>
        %and3A_821 = arith.andi %add3A_820, %broadcast_in_dim3A_299 : vector<16xi32>
        %mul3A_822 = arith.mulf %max3A, %gather3A : vector<16xf32>
        %add3A_823 = arith.addf %scan3A_806, %mul3A_822 : vector<16xf32>
        %scan3A_824 = arith.constant 1 : i32
        %scan3A_825 = arith.addi %scan3A_804, %scan3A_824 : i32
        %mul3A_826 = arith.constant 1 : i32
        %mul3A_827 = arith.muli %scan3A_825, %mul3A_826 : i32
        %add3A_828 = arith.constant 0 : i32
        %add3A_829 = arith.addi %add3A_828, %mul3A_827 : i32
        %add3A_830 = arith.addi %broadcast_in_dim3A_407, %and3A_821 : vector<16xi32>
        %gather3A_831 = tpu.vector_load_idx %arg33[%add3A_830] : memref<128xf32, #tpu.memory_space<vmem>>[vector<16xi32>], vector<16xf32>,
        %gather3A_832 = tpu.vector_load_idx %arg12[%add3A_405, %add3A_830] : memref<32x128xf32, #tpu.memory_space<vmem>>[vector<16xi32>, vector<16xi32>], vector<16xf32>,
        %gather3A_833 = tpu.vector_load_idx %arg14[%add3A_405, %add3A_830] : memref<32x128xf32, #tpu.memory_space<vmem>>[vector<16xi32>, vector<16xi32>], vector<16xf32>,
        %gather3A_834 = tpu.vector_load_idx %arg16[%add3A_405, %add3A_830] : memref<32x128xf32, #tpu.memory_space<vmem>>[vector<16xi32>, vector<16xi32>], vector<16xf32>,
        %add3A_835 = arith.addf %gather3A_832, %gather3A_833 : vector<16xf32>
        %add3A_836 = arith.addf %add3A_835, %gather3A_834 : vector<16xf32>
        %mul3A_837 = arith.constant 2.000000e-01 : f32
        %mul3A_838 = vector.broadcast %mul3A_837 : f32 to vector<16xf32>
        %mul3A_839 = arith.mulf %mul3A_838, %add3A_836 : vector<16xf32>
        %max3A_840 = arith.maximumf %add3A_836, %mul3A_839 : vector<16xf32>
        %add3A_841 = arith.addi %and3A_821, %broadcast_in_dim3A_20 : vector<16xi32>
        %and3A_842 = arith.andi %add3A_841, %broadcast_in_dim3A_299 : vector<16xi32>
        %mul3A_843 = arith.mulf %max3A_840, %gather3A_831 : vector<16xf32>
        %add3A_844 = arith.addf %add3A_823, %mul3A_843 : vector<16xf32>
        scf.yield %and3A_842, %add3A_844 : vector<16xi32>, vector<16xf32>
      }
      %scan3A_416 = arith.constant 32 : i32
      %exp3A_417 = math.exp %scan3A_415#1 : vector<16xf32>
      %broadcast_in_dim3A_418 = arith.constant 32 : i32
      %broadcast_in_dim3A_419 = vector.broadcast %broadcast_in_dim3A_418 : i32 to vector<16xi32>
      %and3A_420 = arith.andi %iota3A, %broadcast_in_dim3A_299 : vector<16xi32>
      %broadcast_in_dim3A_421 = arith.constant 0.000000e+00 : f32
      %broadcast_in_dim3A_422 = vector.broadcast %broadcast_in_dim3A_421 : f32 to vector<16xf32>
      %scan3A_423 = arith.constant 0 : i32
      %scan3A_424 = arith.constant 32 : i32
      %scan3A_425 = arith.addi %scan3A_423, %scan3A_424 : i32
      %scan3A_426 = arith.constant 2 : i32
      %scan3A_427:2 = scf.for %scan3A_804 = %scan3A_423 to %scan3A_425 step %scan3A_426 iter_args(%scan3A_805 = %and3A_420, %scan3A_806 = %broadcast_in_dim3A_422) -> (vector<16xi32>, vector<16xf32>)  : i32 {
        %mul3A_807 = arith.constant 1 : i32
        %mul3A_808 = arith.muli %scan3A_804, %mul3A_807 : i32
        %add3A_809 = arith.constant 0 : i32
        %add3A_810 = arith.addi %add3A_809, %mul3A_808 : i32
        %add3A_811 = arith.addi %broadcast_in_dim3A_419, %scan3A_805 : vector<16xi32>
        %gather3A = tpu.vector_load_idx %arg33[%add3A_811] : memref<128xf32, #tpu.memory_space<vmem>>[vector<16xi32>], vector<16xf32>,
        %gather3A_812 = tpu.vector_load_idx %arg12[%add3A_405, %add3A_811] : memref<32x128xf32, #tpu.memory_space<vmem>>[vector<16xi32>, vector<16xi32>], vector<16xf32>,
        %gather3A_813 = tpu.vector_load_idx %arg14[%add3A_405, %add3A_811] : memref<32x128xf32, #tpu.memory_space<vmem>>[vector<16xi32>, vector<16xi32>], vector<16xf32>,
        %gather3A_814 = tpu.vector_load_idx %arg16[%add3A_405, %add3A_811] : memref<32x128xf32, #tpu.memory_space<vmem>>[vector<16xi32>, vector<16xi32>], vector<16xf32>,
        %add3A_815 = arith.addf %gather3A_812, %gather3A_813 : vector<16xf32>
        %add3A_816 = arith.addf %add3A_815, %gather3A_814 : vector<16xf32>
        %mul3A_817 = arith.constant 2.000000e-01 : f32
        %mul3A_818 = vector.broadcast %mul3A_817 : f32 to vector<16xf32>
        %mul3A_819 = arith.mulf %mul3A_818, %add3A_816 : vector<16xf32>
        %max3A = arith.maximumf %add3A_816, %mul3A_819 : vector<16xf32>
        %add3A_820 = arith.addi %scan3A_805, %broadcast_in_dim3A_20 : vector<16xi32>
        %and3A_821 = arith.andi %add3A_820, %broadcast_in_dim3A_299 : vector<16xi32>
        %mul3A_822 = arith.mulf %max3A, %gather3A : vector<16xf32>
        %add3A_823 = arith.addf %scan3A_806, %mul3A_822 : vector<16xf32>
        %scan3A_824 = arith.constant 1 : i32
        %scan3A_825 = arith.addi %scan3A_804, %scan3A_824 : i32
        %mul3A_826 = arith.constant 1 : i32
        %mul3A_827 = arith.muli %scan3A_825, %mul3A_826 : i32
        %add3A_828 = arith.constant 0 : i32
        %add3A_829 = arith.addi %add3A_828, %mul3A_827 : i32
        %add3A_830 = arith.addi %broadcast_in_dim3A_419, %and3A_821 : vector<16xi32>
        %gather3A_831 = tpu.vector_load_idx %arg33[%add3A_830] : memref<128xf32, #tpu.memory_space<vmem>>[vector<16xi32>], vector<16xf32>,
        %gather3A_832 = tpu.vector_load_idx %arg12[%add3A_405, %add3A_830] : memref<32x128xf32, #tpu.memory_space<vmem>>[vector<16xi32>, vector<16xi32>], vector<16xf32>,
        %gather3A_833 = tpu.vector_load_idx %arg14[%add3A_405, %add3A_830] : memref<32x128xf32, #tpu.memory_space<vmem>>[vector<16xi32>, vector<16xi32>], vector<16xf32>,
        %gather3A_834 = tpu.vector_load_idx %arg16[%add3A_405, %add3A_830] : memref<32x128xf32, #tpu.memory_space<vmem>>[vector<16xi32>, vector<16xi32>], vector<16xf32>,
        %add3A_835 = arith.addf %gather3A_832, %gather3A_833 : vector<16xf32>
        %add3A_836 = arith.addf %add3A_835, %gather3A_834 : vector<16xf32>
        %mul3A_837 = arith.constant 2.000000e-01 : f32
        %mul3A_838 = vector.broadcast %mul3A_837 : f32 to vector<16xf32>
        %mul3A_839 = arith.mulf %mul3A_838, %add3A_836 : vector<16xf32>
        %max3A_840 = arith.maximumf %add3A_836, %mul3A_839 : vector<16xf32>
        %add3A_841 = arith.addi %and3A_821, %broadcast_in_dim3A_20 : vector<16xi32>
        %and3A_842 = arith.andi %add3A_841, %broadcast_in_dim3A_299 : vector<16xi32>
        %mul3A_843 = arith.mulf %max3A_840, %gather3A_831 : vector<16xf32>
        %add3A_844 = arith.addf %add3A_823, %mul3A_843 : vector<16xf32>
        scf.yield %and3A_842, %add3A_844 : vector<16xi32>, vector<16xf32>
      }
      %scan3A_428 = arith.constant 32 : i32
      %exp3A_429 = math.exp %scan3A_427#1 : vector<16xf32>
      %broadcast_in_dim3A_430 = arith.constant 64 : i32
      %broadcast_in_dim3A_431 = vector.broadcast %broadcast_in_dim3A_430 : i32 to vector<16xi32>
      %and3A_432 = arith.andi %iota3A, %broadcast_in_dim3A_299 : vector<16xi32>
      %broadcast_in_dim3A_433 = arith.constant 0.000000e+00 : f32
      %broadcast_in_dim3A_434 = vector.broadcast %broadcast_in_dim3A_433 : f32 to vector<16xf32>
      %scan3A_435 = arith.constant 0 : i32
      %scan3A_436 = arith.constant 32 : i32
      %scan3A_437 = arith.addi %scan3A_435, %scan3A_436 : i32
      %scan3A_438 = arith.constant 2 : i32
      %scan3A_439:2 = scf.for %scan3A_804 = %scan3A_435 to %scan3A_437 step %scan3A_438 iter_args(%scan3A_805 = %and3A_432, %scan3A_806 = %broadcast_in_dim3A_434) -> (vector<16xi32>, vector<16xf32>)  : i32 {
        %mul3A_807 = arith.constant 1 : i32
        %mul3A_808 = arith.muli %scan3A_804, %mul3A_807 : i32
        %add3A_809 = arith.constant 0 : i32
        %add3A_810 = arith.addi %add3A_809, %mul3A_808 : i32
        %add3A_811 = arith.addi %broadcast_in_dim3A_431, %scan3A_805 : vector<16xi32>
        %gather3A = tpu.vector_load_idx %arg33[%add3A_811] : memref<128xf32, #tpu.memory_space<vmem>>[vector<16xi32>], vector<16xf32>,
        %gather3A_812 = tpu.vector_load_idx %arg12[%add3A_405, %add3A_811] : memref<32x128xf32, #tpu.memory_space<vmem>>[vector<16xi32>, vector<16xi32>], vector<16xf32>,
        %gather3A_813 = tpu.vector_load_idx %arg14[%add3A_405, %add3A_811] : memref<32x128xf32, #tpu.memory_space<vmem>>[vector<16xi32>, vector<16xi32>], vector<16xf32>,
        %gather3A_814 = tpu.vector_load_idx %arg16[%add3A_405, %add3A_811] : memref<32x128xf32, #tpu.memory_space<vmem>>[vector<16xi32>, vector<16xi32>], vector<16xf32>,
        %add3A_815 = arith.addf %gather3A_812, %gather3A_813 : vector<16xf32>
        %add3A_816 = arith.addf %add3A_815, %gather3A_814 : vector<16xf32>
        %mul3A_817 = arith.constant 2.000000e-01 : f32
        %mul3A_818 = vector.broadcast %mul3A_817 : f32 to vector<16xf32>
        %mul3A_819 = arith.mulf %mul3A_818, %add3A_816 : vector<16xf32>
        %max3A = arith.maximumf %add3A_816, %mul3A_819 : vector<16xf32>
        %add3A_820 = arith.addi %scan3A_805, %broadcast_in_dim3A_20 : vector<16xi32>
        %and3A_821 = arith.andi %add3A_820, %broadcast_in_dim3A_299 : vector<16xi32>
        %mul3A_822 = arith.mulf %max3A, %gather3A : vector<16xf32>
        %add3A_823 = arith.addf %scan3A_806, %mul3A_822 : vector<16xf32>
        %scan3A_824 = arith.constant 1 : i32
        %scan3A_825 = arith.addi %scan3A_804, %scan3A_824 : i32
        %mul3A_826 = arith.constant 1 : i32
        %mul3A_827 = arith.muli %scan3A_825, %mul3A_826 : i32
        %add3A_828 = arith.constant 0 : i32
        %add3A_829 = arith.addi %add3A_828, %mul3A_827 : i32
        %add3A_830 = arith.addi %broadcast_in_dim3A_431, %and3A_821 : vector<16xi32>
        %gather3A_831 = tpu.vector_load_idx %arg33[%add3A_830] : memref<128xf32, #tpu.memory_space<vmem>>[vector<16xi32>], vector<16xf32>,
        %gather3A_832 = tpu.vector_load_idx %arg12[%add3A_405, %add3A_830] : memref<32x128xf32, #tpu.memory_space<vmem>>[vector<16xi32>, vector<16xi32>], vector<16xf32>,
        %gather3A_833 = tpu.vector_load_idx %arg14[%add3A_405, %add3A_830] : memref<32x128xf32, #tpu.memory_space<vmem>>[vector<16xi32>, vector<16xi32>], vector<16xf32>,
        %gather3A_834 = tpu.vector_load_idx %arg16[%add3A_405, %add3A_830] : memref<32x128xf32, #tpu.memory_space<vmem>>[vector<16xi32>, vector<16xi32>], vector<16xf32>,
        %add3A_835 = arith.addf %gather3A_832, %gather3A_833 : vector<16xf32>
        %add3A_836 = arith.addf %add3A_835, %gather3A_834 : vector<16xf32>
        %mul3A_837 = arith.constant 2.000000e-01 : f32
        %mul3A_838 = vector.broadcast %mul3A_837 : f32 to vector<16xf32>
        %mul3A_839 = arith.mulf %mul3A_838, %add3A_836 : vector<16xf32>
        %max3A_840 = arith.maximumf %add3A_836, %mul3A_839 : vector<16xf32>
        %add3A_841 = arith.addi %and3A_821, %broadcast_in_dim3A_20 : vector<16xi32>
        %and3A_842 = arith.andi %add3A_841, %broadcast_in_dim3A_299 : vector<16xi32>
        %mul3A_843 = arith.mulf %max3A_840, %gather3A_831 : vector<16xf32>
        %add3A_844 = arith.addf %add3A_823, %mul3A_843 : vector<16xf32>
        scf.yield %and3A_842, %add3A_844 : vector<16xi32>, vector<16xf32>
      }
      %scan3A_440 = arith.constant 32 : i32
      %exp3A_441 = math.exp %scan3A_439#1 : vector<16xf32>
      %broadcast_in_dim3A_442 = arith.constant 96 : i32
      %broadcast_in_dim3A_443 = vector.broadcast %broadcast_in_dim3A_442 : i32 to vector<16xi32>
      %and3A_444 = arith.andi %iota3A, %broadcast_in_dim3A_299 : vector<16xi32>
      %broadcast_in_dim3A_445 = arith.constant 0.000000e+00 : f32
      %broadcast_in_dim3A_446 = vector.broadcast %broadcast_in_dim3A_445 : f32 to vector<16xf32>
      %scan3A_447 = arith.constant 0 : i32
      %scan3A_448 = arith.constant 32 : i32
      %scan3A_449 = arith.addi %scan3A_447, %scan3A_448 : i32
      %scan3A_450 = arith.constant 2 : i32
      %scan3A_451:2 = scf.for %scan3A_804 = %scan3A_447 to %scan3A_449 step %scan3A_450 iter_args(%scan3A_805 = %and3A_444, %scan3A_806 = %broadcast_in_dim3A_446) -> (vector<16xi32>, vector<16xf32>)  : i32 {
        %mul3A_807 = arith.constant 1 : i32
        %mul3A_808 = arith.muli %scan3A_804, %mul3A_807 : i32
        %add3A_809 = arith.constant 0 : i32
        %add3A_810 = arith.addi %add3A_809, %mul3A_808 : i32
        %add3A_811 = arith.addi %broadcast_in_dim3A_443, %scan3A_805 : vector<16xi32>
        %gather3A = tpu.vector_load_idx %arg33[%add3A_811] : memref<128xf32, #tpu.memory_space<vmem>>[vector<16xi32>], vector<16xf32>,
        %gather3A_812 = tpu.vector_load_idx %arg12[%add3A_405, %add3A_811] : memref<32x128xf32, #tpu.memory_space<vmem>>[vector<16xi32>, vector<16xi32>], vector<16xf32>,
        %gather3A_813 = tpu.vector_load_idx %arg14[%add3A_405, %add3A_811] : memref<32x128xf32, #tpu.memory_space<vmem>>[vector<16xi32>, vector<16xi32>], vector<16xf32>,
        %gather3A_814 = tpu.vector_load_idx %arg16[%add3A_405, %add3A_811] : memref<32x128xf32, #tpu.memory_space<vmem>>[vector<16xi32>, vector<16xi32>], vector<16xf32>,
        %add3A_815 = arith.addf %gather3A_812, %gather3A_813 : vector<16xf32>
        %add3A_816 = arith.addf %add3A_815, %gather3A_814 : vector<16xf32>
        %mul3A_817 = arith.constant 2.000000e-01 : f32
        %mul3A_818 = vector.broadcast %mul3A_817 : f32 to vector<16xf32>
        %mul3A_819 = arith.mulf %mul3A_818, %add3A_816 : vector<16xf32>
        %max3A = arith.maximumf %add3A_816, %mul3A_819 : vector<16xf32>
        %add3A_820 = arith.addi %scan3A_805, %broadcast_in_dim3A_20 : vector<16xi32>
        %and3A_821 = arith.andi %add3A_820, %broadcast_in_dim3A_299 : vector<16xi32>
        %mul3A_822 = arith.mulf %max3A, %gather3A : vector<16xf32>
        %add3A_823 = arith.addf %scan3A_806, %mul3A_822 : vector<16xf32>
        %scan3A_824 = arith.constant 1 : i32
        %scan3A_825 = arith.addi %scan3A_804, %scan3A_824 : i32
        %mul3A_826 = arith.constant 1 : i32
        %mul3A_827 = arith.muli %scan3A_825, %mul3A_826 : i32
        %add3A_828 = arith.constant 0 : i32
        %add3A_829 = arith.addi %add3A_828, %mul3A_827 : i32
        %add3A_830 = arith.addi %broadcast_in_dim3A_443, %and3A_821 : vector<16xi32>
        %gather3A_831 = tpu.vector_load_idx %arg33[%add3A_830] : memref<128xf32, #tpu.memory_space<vmem>>[vector<16xi32>], vector<16xf32>,
        %gather3A_832 = tpu.vector_load_idx %arg12[%add3A_405, %add3A_830] : memref<32x128xf32, #tpu.memory_space<vmem>>[vector<16xi32>, vector<16xi32>], vector<16xf32>,
        %gather3A_833 = tpu.vector_load_idx %arg14[%add3A_405, %add3A_830] : memref<32x128xf32, #tpu.memory_space<vmem>>[vector<16xi32>, vector<16xi32>], vector<16xf32>,
        %gather3A_834 = tpu.vector_load_idx %arg16[%add3A_405, %add3A_830] : memref<32x128xf32, #tpu.memory_space<vmem>>[vector<16xi32>, vector<16xi32>], vector<16xf32>,
        %add3A_835 = arith.addf %gather3A_832, %gather3A_833 : vector<16xf32>
        %add3A_836 = arith.addf %add3A_835, %gather3A_834 : vector<16xf32>
        %mul3A_837 = arith.constant 2.000000e-01 : f32
        %mul3A_838 = vector.broadcast %mul3A_837 : f32 to vector<16xf32>
        %mul3A_839 = arith.mulf %mul3A_838, %add3A_836 : vector<16xf32>
        %max3A_840 = arith.maximumf %add3A_836, %mul3A_839 : vector<16xf32>
        %add3A_841 = arith.addi %and3A_821, %broadcast_in_dim3A_20 : vector<16xi32>
        %and3A_842 = arith.andi %add3A_841, %broadcast_in_dim3A_299 : vector<16xi32>
        %mul3A_843 = arith.mulf %max3A_840, %gather3A_831 : vector<16xf32>
        %add3A_844 = arith.addf %add3A_823, %mul3A_843 : vector<16xf32>
        scf.yield %and3A_842, %add3A_844 : vector<16xi32>, vector<16xf32>
      }
      %scan3A_452 = arith.constant 32 : i32
      %exp3A_453 = math.exp %scan3A_451#1 : vector<16xf32>
      %get3A_454 = arith.constant 16 : index
      %get3A_455 = tpu.vector_load %arg22[%get3A_454] {strides = array<i32>} : memref<32xi32, #tpu.memory_space<vmem>>, vector<16xi32>,
      %and3A_456 = arith.constant 31 : i32
      %and3A_457 = vector.broadcast %and3A_456 : i32 to vector<16xi32>
      %and3A_458 = arith.andi %get3A_455, %and3A_457 : vector<16xi32>
      %mul3A_459 = arith.constant 4 : i32
      %mul3A_460 = vector.broadcast %mul3A_459 : i32 to vector<16xi32>
      %mul3A_461 = arith.muli %and3A_458, %mul3A_460 : vector<16xi32>
      %swap3A_462 = arith.constant 1 : i32
      %swap3A_463 = arith.index_cast %swap3A_462 : i32 to index
      %swap3A_464 = arith.constant 0 : index
      %swap3A_465 = tpu.vector_load %arg28[%swap3A_463, %swap3A_464] {strides = array<i32>} : memref<2x16xi32, #tpu.memory_space<vmem>>, vector<16xi32>,
      tpu.vector_store %arg28[%swap3A_463, %swap3A_464], %mul3A_461 {strides = array<i32>} : memref<2x16xi32, #tpu.memory_space<vmem>>, vector<16xi32>,
      %add3A_466 = arith.addi %mul3A_461, %broadcast_in_dim3A_22 : vector<16xi32>
      tpu.vector_store_idx %arg18[%add3A_405, %add3A_466], %exp3A_417 : memref<32x128xf32, #tpu.memory_space<vmem>>[vector<16xi32>, vector<16xi32>], vector<16xf32>,
      %add3A_467 = arith.addi %mul3A_461, %broadcast_in_dim3A_24 : vector<16xi32>
      tpu.vector_store_idx %arg18[%add3A_405, %add3A_467], %exp3A_429 : memref<32x128xf32, #tpu.memory_space<vmem>>[vector<16xi32>, vector<16xi32>], vector<16xf32>,
      %add3A_468 = arith.addi %mul3A_461, %broadcast_in_dim3A_26 : vector<16xi32>
      tpu.vector_store_idx %arg18[%add3A_405, %add3A_468], %exp3A_441 : memref<32x128xf32, #tpu.memory_space<vmem>>[vector<16xi32>, vector<16xi32>], vector<16xf32>,
      %add3A_469 = arith.addi %mul3A_461, %broadcast_in_dim3A_28 : vector<16xi32>
      tpu.vector_store_idx %arg18[%add3A_405, %add3A_469], %exp3A_453 : memref<32x128xf32, #tpu.memory_space<vmem>>[vector<16xi32>, vector<16xi32>], vector<16xf32>,
      %broadcast_in_dim3A_470 = arith.constant 0 : i32
      %broadcast_in_dim3A_471 = vector.broadcast %broadcast_in_dim3A_470 : i32 to vector<16xi32>
      %and3A_472 = arith.andi %iota3A, %broadcast_in_dim3A_299 : vector<16xi32>
      %scan3A_473 = arith.constant 0 : i32
      %scan3A_474 = arith.constant 32 : i32
      %scan3A_475 = arith.addi %scan3A_473, %scan3A_474 : i32
      %scan3A_476 = arith.constant 2 : i32
      %scan3A_477 = scf.for %scan3A_804 = %scan3A_473 to %scan3A_475 step %scan3A_476 iter_args(%scan3A_805 = %and3A_472) -> (vector<16xi32>)  : i32 {
        %mul3A_806 = arith.constant 1 : i32
        %mul3A_807 = arith.muli %scan3A_804, %mul3A_806 : i32
        %add3A_808 = arith.constant 0 : i32
        %add3A_809 = arith.addi %add3A_808, %mul3A_807 : i32
        %add3A_810 = arith.addi %broadcast_in_dim3A_471, %scan3A_805 : vector<16xi32>
        %gather3A = tpu.vector_load_idx %arg12[%add3A_405, %add3A_810] : memref<32x128xf32, #tpu.memory_space<vmem>>[vector<16xi32>, vector<16xi32>], vector<16xf32>,
        %mul3A_811 = arith.mulf %gather3A, %exp3A_417 : vector<16xf32>
        tpu.vector_store_idx %arg12[%add3A_405, %add3A_810], %mul3A_811 : memref<32x128xf32, #tpu.memory_space<vmem>>[vector<16xi32>, vector<16xi32>], vector<16xf32>,
        %add3A_812 = arith.addi %scan3A_805, %broadcast_in_dim3A_20 : vector<16xi32>
        %and3A_813 = arith.andi %add3A_812, %broadcast_in_dim3A_299 : vector<16xi32>
        %scan3A_814 = arith.constant 1 : i32
        %scan3A_815 = arith.addi %scan3A_804, %scan3A_814 : i32
        %mul3A_816 = arith.constant 1 : i32
        %mul3A_817 = arith.muli %scan3A_815, %mul3A_816 : i32
        %add3A_818 = arith.constant 0 : i32
        %add3A_819 = arith.addi %add3A_818, %mul3A_817 : i32
        %add3A_820 = arith.addi %broadcast_in_dim3A_471, %and3A_813 : vector<16xi32>
        %gather3A_821 = tpu.vector_load_idx %arg12[%add3A_405, %add3A_820] : memref<32x128xf32, #tpu.memory_space<vmem>>[vector<16xi32>, vector<16xi32>], vector<16xf32>,
        %mul3A_822 = arith.mulf %gather3A_821, %exp3A_417 : vector<16xf32>
        tpu.vector_store_idx %arg12[%add3A_405, %add3A_820], %mul3A_822 : memref<32x128xf32, #tpu.memory_space<vmem>>[vector<16xi32>, vector<16xi32>], vector<16xf32>,
        %add3A_823 = arith.addi %and3A_813, %broadcast_in_dim3A_20 : vector<16xi32>
        %and3A_824 = arith.andi %add3A_823, %broadcast_in_dim3A_299 : vector<16xi32>
        scf.yield %and3A_824 : vector<16xi32>
      }
      %scan3A_478 = arith.constant 32 : i32
      %broadcast_in_dim3A_479 = arith.constant 32 : i32
      %broadcast_in_dim3A_480 = vector.broadcast %broadcast_in_dim3A_479 : i32 to vector<16xi32>
      %and3A_481 = arith.andi %iota3A, %broadcast_in_dim3A_299 : vector<16xi32>
      %scan3A_482 = arith.constant 0 : i32
      %scan3A_483 = arith.constant 32 : i32
      %scan3A_484 = arith.addi %scan3A_482, %scan3A_483 : i32
      %scan3A_485 = arith.constant 2 : i32
      %scan3A_486 = scf.for %scan3A_804 = %scan3A_482 to %scan3A_484 step %scan3A_485 iter_args(%scan3A_805 = %and3A_481) -> (vector<16xi32>)  : i32 {
        %mul3A_806 = arith.constant 1 : i32
        %mul3A_807 = arith.muli %scan3A_804, %mul3A_806 : i32
        %add3A_808 = arith.constant 0 : i32
        %add3A_809 = arith.addi %add3A_808, %mul3A_807 : i32
        %add3A_810 = arith.addi %broadcast_in_dim3A_480, %scan3A_805 : vector<16xi32>
        %gather3A = tpu.vector_load_idx %arg12[%add3A_405, %add3A_810] : memref<32x128xf32, #tpu.memory_space<vmem>>[vector<16xi32>, vector<16xi32>], vector<16xf32>,
        %mul3A_811 = arith.mulf %gather3A, %exp3A_429 : vector<16xf32>
        tpu.vector_store_idx %arg12[%add3A_405, %add3A_810], %mul3A_811 : memref<32x128xf32, #tpu.memory_space<vmem>>[vector<16xi32>, vector<16xi32>], vector<16xf32>,
        %add3A_812 = arith.addi %scan3A_805, %broadcast_in_dim3A_20 : vector<16xi32>
        %and3A_813 = arith.andi %add3A_812, %broadcast_in_dim3A_299 : vector<16xi32>
        %scan3A_814 = arith.constant 1 : i32
        %scan3A_815 = arith.addi %scan3A_804, %scan3A_814 : i32
        %mul3A_816 = arith.constant 1 : i32
        %mul3A_817 = arith.muli %scan3A_815, %mul3A_816 : i32
        %add3A_818 = arith.constant 0 : i32
        %add3A_819 = arith.addi %add3A_818, %mul3A_817 : i32
        %add3A_820 = arith.addi %broadcast_in_dim3A_480, %and3A_813 : vector<16xi32>
        %gather3A_821 = tpu.vector_load_idx %arg12[%add3A_405, %add3A_820] : memref<32x128xf32, #tpu.memory_space<vmem>>[vector<16xi32>, vector<16xi32>], vector<16xf32>,
        %mul3A_822 = arith.mulf %gather3A_821, %exp3A_429 : vector<16xf32>
        tpu.vector_store_idx %arg12[%add3A_405, %add3A_820], %mul3A_822 : memref<32x128xf32, #tpu.memory_space<vmem>>[vector<16xi32>, vector<16xi32>], vector<16xf32>,
        %add3A_823 = arith.addi %and3A_813, %broadcast_in_dim3A_20 : vector<16xi32>
        %and3A_824 = arith.andi %add3A_823, %broadcast_in_dim3A_299 : vector<16xi32>
        scf.yield %and3A_824 : vector<16xi32>
      }
      %scan3A_487 = arith.constant 32 : i32
      %broadcast_in_dim3A_488 = arith.constant 64 : i32
      %broadcast_in_dim3A_489 = vector.broadcast %broadcast_in_dim3A_488 : i32 to vector<16xi32>
      %and3A_490 = arith.andi %iota3A, %broadcast_in_dim3A_299 : vector<16xi32>
      %scan3A_491 = arith.constant 0 : i32
      %scan3A_492 = arith.constant 32 : i32
      %scan3A_493 = arith.addi %scan3A_491, %scan3A_492 : i32
      %scan3A_494 = arith.constant 2 : i32
      %scan3A_495 = scf.for %scan3A_804 = %scan3A_491 to %scan3A_493 step %scan3A_494 iter_args(%scan3A_805 = %and3A_490) -> (vector<16xi32>)  : i32 {
        %mul3A_806 = arith.constant 1 : i32
        %mul3A_807 = arith.muli %scan3A_804, %mul3A_806 : i32
        %add3A_808 = arith.constant 0 : i32
        %add3A_809 = arith.addi %add3A_808, %mul3A_807 : i32
        %add3A_810 = arith.addi %broadcast_in_dim3A_489, %scan3A_805 : vector<16xi32>
        %gather3A = tpu.vector_load_idx %arg12[%add3A_405, %add3A_810] : memref<32x128xf32, #tpu.memory_space<vmem>>[vector<16xi32>, vector<16xi32>], vector<16xf32>,
        %mul3A_811 = arith.mulf %gather3A, %exp3A_441 : vector<16xf32>
        tpu.vector_store_idx %arg12[%add3A_405, %add3A_810], %mul3A_811 : memref<32x128xf32, #tpu.memory_space<vmem>>[vector<16xi32>, vector<16xi32>], vector<16xf32>,
        %add3A_812 = arith.addi %scan3A_805, %broadcast_in_dim3A_20 : vector<16xi32>
        %and3A_813 = arith.andi %add3A_812, %broadcast_in_dim3A_299 : vector<16xi32>
        %scan3A_814 = arith.constant 1 : i32
        %scan3A_815 = arith.addi %scan3A_804, %scan3A_814 : i32
        %mul3A_816 = arith.constant 1 : i32
        %mul3A_817 = arith.muli %scan3A_815, %mul3A_816 : i32
        %add3A_818 = arith.constant 0 : i32
        %add3A_819 = arith.addi %add3A_818, %mul3A_817 : i32
        %add3A_820 = arith.addi %broadcast_in_dim3A_489, %and3A_813 : vector<16xi32>
        %gather3A_821 = tpu.vector_load_idx %arg12[%add3A_405, %add3A_820] : memref<32x128xf32, #tpu.memory_space<vmem>>[vector<16xi32>, vector<16xi32>], vector<16xf32>,
        %mul3A_822 = arith.mulf %gather3A_821, %exp3A_441 : vector<16xf32>
        tpu.vector_store_idx %arg12[%add3A_405, %add3A_820], %mul3A_822 : memref<32x128xf32, #tpu.memory_space<vmem>>[vector<16xi32>, vector<16xi32>], vector<16xf32>,
        %add3A_823 = arith.addi %and3A_813, %broadcast_in_dim3A_20 : vector<16xi32>
        %and3A_824 = arith.andi %add3A_823, %broadcast_in_dim3A_299 : vector<16xi32>
        scf.yield %and3A_824 : vector<16xi32>
      }
      %scan3A_496 = arith.constant 32 : i32
      %broadcast_in_dim3A_497 = arith.constant 96 : i32
      %broadcast_in_dim3A_498 = vector.broadcast %broadcast_in_dim3A_497 : i32 to vector<16xi32>
      %and3A_499 = arith.andi %iota3A, %broadcast_in_dim3A_299 : vector<16xi32>
      %scan3A_500 = arith.constant 0 : i32
      %scan3A_501 = arith.constant 32 : i32
      %scan3A_502 = arith.addi %scan3A_500, %scan3A_501 : i32
      %scan3A_503 = arith.constant 2 : i32
      %scan3A_504 = scf.for %scan3A_804 = %scan3A_500 to %scan3A_502 step %scan3A_503 iter_args(%scan3A_805 = %and3A_499) -> (vector<16xi32>)  : i32 {
        %mul3A_806 = arith.constant 1 : i32
        %mul3A_807 = arith.muli %scan3A_804, %mul3A_806 : i32
        %add3A_808 = arith.constant 0 : i32
        %add3A_809 = arith.addi %add3A_808, %mul3A_807 : i32
        %add3A_810 = arith.addi %broadcast_in_dim3A_498, %scan3A_805 : vector<16xi32>
        %gather3A = tpu.vector_load_idx %arg12[%add3A_405, %add3A_810] : memref<32x128xf32, #tpu.memory_space<vmem>>[vector<16xi32>, vector<16xi32>], vector<16xf32>,
        %mul3A_811 = arith.mulf %gather3A, %exp3A_453 : vector<16xf32>
        tpu.vector_store_idx %arg12[%add3A_405, %add3A_810], %mul3A_811 : memref<32x128xf32, #tpu.memory_space<vmem>>[vector<16xi32>, vector<16xi32>], vector<16xf32>,
        %add3A_812 = arith.addi %scan3A_805, %broadcast_in_dim3A_20 : vector<16xi32>
        %and3A_813 = arith.andi %add3A_812, %broadcast_in_dim3A_299 : vector<16xi32>
        %scan3A_814 = arith.constant 1 : i32
        %scan3A_815 = arith.addi %scan3A_804, %scan3A_814 : i32
        %mul3A_816 = arith.constant 1 : i32
        %mul3A_817 = arith.muli %scan3A_815, %mul3A_816 : i32
        %add3A_818 = arith.constant 0 : i32
        %add3A_819 = arith.addi %add3A_818, %mul3A_817 : i32
        %add3A_820 = arith.addi %broadcast_in_dim3A_498, %and3A_813 : vector<16xi32>
        %gather3A_821 = tpu.vector_load_idx %arg12[%add3A_405, %add3A_820] : memref<32x128xf32, #tpu.memory_space<vmem>>[vector<16xi32>, vector<16xi32>], vector<16xf32>,
        %mul3A_822 = arith.mulf %gather3A_821, %exp3A_453 : vector<16xf32>
        tpu.vector_store_idx %arg12[%add3A_405, %add3A_820], %mul3A_822 : memref<32x128xf32, #tpu.memory_space<vmem>>[vector<16xi32>, vector<16xi32>], vector<16xf32>,
        %add3A_823 = arith.addi %and3A_813, %broadcast_in_dim3A_20 : vector<16xi32>
        %and3A_824 = arith.andi %add3A_823, %broadcast_in_dim3A_299 : vector<16xi32>
        scf.yield %and3A_824 : vector<16xi32>
      }
      %scan3A_505 = arith.constant 32 : i32
      %lt3A_506 = arith.constant 155 : i32
      %lt3A_507 = arith.cmpi slt, %add3A_234, %lt3A_506 : i32
      %convert_element_type3A_508 = arith.extui %lt3A_507 : i1 to i32
      %cond3A_509 = arith.constant 0 : i32
      %cond3A_510 = arith.cmpi ne, %convert_element_type3A_508, %cond3A_509 : i32
      scf.if %cond3A_510 {
        %add3A_804 = arith.constant 2 : i32
        %add3A_805 = arith.addi %add3A_238, %add3A_804 : i32
        %mul3A_806 = arith.constant 32 : i32
        %mul3A_807 = arith.muli %add3A_805, %mul3A_806 : i32
        %add3A_808 = arith.addi %mul3A_30, %mul3A_807 : i32
        %dma_start3A_809 = tpu.memref_slice %arg5[%add3A_808] : memref<320000xi32, #tpu.memory_space<hbm>> -> memref<32xi32, #tpu.memory_space<hbm>>
        %dma_start3A_810 = tpu.memref_slice %arg5[%add3A_808] : memref<320000xi32, #tpu.memory_space<hbm>> -> memref<32xi32, #tpu.memory_space<hbm>>
        tpu.enqueue_dma source(%dma_start3A_810 : memref<32xi32, #tpu.memory_space<hbm>>) target(%arg20 : memref<32xi32, #tpu.memory_space<vmem>>) target_semaphore(%arg36 : memref<!tpu.dma_semaphore, #tpu.memory_space<semaphore_mem>>)
        %dma_start3A_811 = tpu.memref_slice %arg6[%add3A_808] : memref<320000xi32, #tpu.memory_space<hbm>> -> memref<32xi32, #tpu.memory_space<hbm>>
        %dma_start3A_812 = tpu.memref_slice %arg6[%add3A_808] : memref<320000xi32, #tpu.memory_space<hbm>> -> memref<32xi32, #tpu.memory_space<hbm>>
        tpu.enqueue_dma source(%dma_start3A_812 : memref<32xi32, #tpu.memory_space<hbm>>) target(%arg22 : memref<32xi32, #tpu.memory_space<vmem>>) target_semaphore(%arg36 : memref<!tpu.dma_semaphore, #tpu.memory_space<semaphore_mem>>)
      } else {
      }
      %dma_start3A_511 = arith.constant 0 : i32
      %dma_start3A_512 = arith.constant 0 : i32
      %dma_start3A_513 = tpu.memref_slice %arg34[%dma_start3A_511, %dma_start3A_512] : memref<10000x128xf32, #tpu.memory_space<vmem_shared>> -> memref<10000x128xf32, #tpu.memory_space<vmem_shared>>
      tpu.enqueue_indirect_dma source(%arg12 : memref<32x128xf32, #tpu.memory_space<vmem>>) target(%dma_start3A_513 : memref<10000x128xf32, #tpu.memory_space<vmem_shared>>) offsets(%arg24 : memref<32xi32, #tpu.memory_space<vmem>>) semaphore(%arg40 : memref<!tpu.dma_semaphore, #tpu.memory_space<semaphore_mem>>) {add = true}
      %dma_start3A_514 = arith.constant 0 : i32
      %dma_start3A_515 = arith.constant 0 : i32
      %dma_start3A_516 = tpu.memref_slice %arg35[%dma_start3A_514, %dma_start3A_515] : memref<320x128xf32, #tpu.memory_space<vmem_shared>> -> memref<320x128xf32, #tpu.memory_space<vmem_shared>>
      tpu.enqueue_indirect_dma source(%arg18 : memref<32x128xf32, #tpu.memory_space<vmem>>) target(%dma_start3A_516 : memref<320x128xf32, #tpu.memory_space<vmem_shared>>) offsets(%arg26 : memref<32xi32, #tpu.memory_space<vmem>>) semaphore(%arg40 : memref<!tpu.dma_semaphore, #tpu.memory_space<semaphore_mem>>) {add = true}
      %mul3A_517 = arith.constant 2 : i32
      %mul3A_518 = arith.muli %mul3A_517, %add3A_234 : i32
      %add3A_519 = arith.constant 1 : i32
      %add3A_520 = arith.addi %mul3A_518, %add3A_519 : i32
      %mul3A_521 = arith.constant 32 : i32
      %mul3A_522 = arith.muli %add3A_520, %mul3A_521 : i32
      %add3A_523 = arith.addi %mul3A_30, %mul3A_522 : i32
      %dma_wait3A_524 = arith.constant 0 : i32
      %dma_wait3A_525 = arith.constant 0 : i32
      %dma_wait3A_526 = tpu.memref_slice %arg2[%dma_wait3A_524, %dma_wait3A_525] : memref<10000x128xf32, #tpu.memory_space<hbm>> -> memref<10000x128xf32, #tpu.memory_space<hbm>>
      tpu.wait_indirect_dma semaphore(%arg39 : memref<!tpu.dma_semaphore, #tpu.memory_space<semaphore_mem>>) src(%dma_wait3A_526 : memref<10000x128xf32, #tpu.memory_space<hbm>>) dst(%arg13 : memref<32x128xf32, #tpu.memory_space<vmem>>)
      %dma_wait3A_527 = arith.constant 0 : i32
      %dma_wait3A_528 = arith.constant 0 : i32
      %dma_wait3A_529 = tpu.memref_slice %arg3[%dma_wait3A_527, %dma_wait3A_528] : memref<10000x128xf32, #tpu.memory_space<hbm>> -> memref<10000x128xf32, #tpu.memory_space<hbm>>
      tpu.wait_indirect_dma semaphore(%arg39 : memref<!tpu.dma_semaphore, #tpu.memory_space<semaphore_mem>>) src(%dma_wait3A_529 : memref<10000x128xf32, #tpu.memory_space<hbm>>) dst(%arg15 : memref<32x128xf32, #tpu.memory_space<vmem>>)
      %dma_wait3A_530 = arith.constant 0 : i32
      %dma_wait3A_531 = tpu.memref_slice %arg4[%add3A_523, %dma_wait3A_530] : memref<320000x128xf32, #tpu.memory_space<hbm>> -> memref<32x128xf32, #tpu.memory_space<hbm>>
      %dma_wait3A_532 = arith.constant 0 : i32
      %dma_wait3A_533 = tpu.memref_slice %arg4[%add3A_523, %dma_wait3A_532] : memref<320000x128xf32, #tpu.memory_space<hbm>> -> memref<32x128xf32, #tpu.memory_space<hbm>>
      tpu.wait_dma2 semaphore(%arg39 : memref<!tpu.dma_semaphore, #tpu.memory_space<semaphore_mem>>) src(%dma_wait3A_533 : memref<32x128xf32, #tpu.memory_space<hbm>>) dst(%arg17 : memref<32x128xf32, #tpu.memory_space<vmem>>)
      %dma_wait3A_534 = arith.constant 0 : i32
      %dma_wait3A_535 = arith.constant 0 : i32
      %dma_wait3A_536 = tpu.memref_slice %arg34[%dma_wait3A_534, %dma_wait3A_535] : memref<10000x128xf32, #tpu.memory_space<vmem_shared>> -> memref<10000x128xf32, #tpu.memory_space<vmem_shared>>
      tpu.wait_indirect_dma semaphore(%arg40 : memref<!tpu.dma_semaphore, #tpu.memory_space<semaphore_mem>>) src(%arg12 : memref<32x128xf32, #tpu.memory_space<vmem>>) dst(%dma_wait3A_536 : memref<10000x128xf32, #tpu.memory_space<vmem_shared>>)
      %dma_wait3A_537 = arith.constant 0 : i32
      %dma_wait3A_538 = arith.constant 0 : i32
      %dma_wait3A_539 = tpu.memref_slice %arg35[%dma_wait3A_537, %dma_wait3A_538] : memref<320x128xf32, #tpu.memory_space<vmem_shared>> -> memref<320x128xf32, #tpu.memory_space<vmem_shared>>
      tpu.wait_indirect_dma semaphore(%arg40 : memref<!tpu.dma_semaphore, #tpu.memory_space<semaphore_mem>>) src(%arg18 : memref<32x128xf32, #tpu.memory_space<vmem>>) dst(%dma_wait3A_539 : memref<320x128xf32, #tpu.memory_space<vmem_shared>>)
      %broadcast_in_dim3A_540 = arith.constant 0 : i32
      %broadcast_in_dim3A_541 = vector.broadcast %broadcast_in_dim3A_540 : i32 to vector<16xi32>
      %add3A_542 = arith.addi %broadcast_in_dim3A_541, %iota3A : vector<16xi32>
      %get3A_543 = arith.constant 0 : i32
      %get3A_544 = arith.index_cast %get3A_543 : i32 to index
      %get3A_545 = arith.constant 0 : index
      %get3A_546 = tpu.vector_load %arg28[%get3A_544, %get3A_545] {strides = array<i32>} : memref<2x16xi32, #tpu.memory_space<vmem>>, vector<16xi32>,
      %add3A_547 = arith.addi %get3A_546, %broadcast_in_dim3A_22 : vector<16xi32>
      tpu.vector_store_idx %arg18[%add3A_542, %add3A_547], %broadcast_in_dim3A_14 : memref<32x128xf32, #tpu.memory_space<vmem>>[vector<16xi32>, vector<16xi32>], vector<16xf32>,
      %add3A_548 = arith.addi %get3A_546, %broadcast_in_dim3A_24 : vector<16xi32>
      tpu.vector_store_idx %arg18[%add3A_542, %add3A_548], %broadcast_in_dim3A_14 : memref<32x128xf32, #tpu.memory_space<vmem>>[vector<16xi32>, vector<16xi32>], vector<16xf32>,
      %add3A_549 = arith.addi %get3A_546, %broadcast_in_dim3A_26 : vector<16xi32>
      tpu.vector_store_idx %arg18[%add3A_542, %add3A_549], %broadcast_in_dim3A_14 : memref<32x128xf32, #tpu.memory_space<vmem>>[vector<16xi32>, vector<16xi32>], vector<16xf32>,
      %add3A_550 = arith.addi %get3A_546, %broadcast_in_dim3A_28 : vector<16xi32>
      tpu.vector_store_idx %arg18[%add3A_542, %add3A_550], %broadcast_in_dim3A_14 : memref<32x128xf32, #tpu.memory_space<vmem>>[vector<16xi32>, vector<16xi32>], vector<16xf32>,
      %broadcast_in_dim3A_551 = arith.constant 16 : i32
      %broadcast_in_dim3A_552 = vector.broadcast %broadcast_in_dim3A_551 : i32 to vector<16xi32>
      %add3A_553 = arith.addi %broadcast_in_dim3A_552, %iota3A : vector<16xi32>
      %get3A_554 = arith.constant 1 : i32
      %get3A_555 = arith.index_cast %get3A_554 : i32 to index
      %get3A_556 = arith.constant 0 : index
      %get3A_557 = tpu.vector_load %arg28[%get3A_555, %get3A_556] {strides = array<i32>} : memref<2x16xi32, #tpu.memory_space<vmem>>, vector<16xi32>,
      %add3A_558 = arith.addi %get3A_557, %broadcast_in_dim3A_22 : vector<16xi32>
      tpu.vector_store_idx %arg18[%add3A_553, %add3A_558], %broadcast_in_dim3A_14 : memref<32x128xf32, #tpu.memory_space<vmem>>[vector<16xi32>, vector<16xi32>], vector<16xf32>,
      %add3A_559 = arith.addi %get3A_557, %broadcast_in_dim3A_24 : vector<16xi32>
      tpu.vector_store_idx %arg18[%add3A_553, %add3A_559], %broadcast_in_dim3A_14 : memref<32x128xf32, #tpu.memory_space<vmem>>[vector<16xi32>, vector<16xi32>], vector<16xf32>,
      %add3A_560 = arith.addi %get3A_557, %broadcast_in_dim3A_26 : vector<16xi32>
      tpu.vector_store_idx %arg18[%add3A_553, %add3A_560], %broadcast_in_dim3A_14 : memref<32x128xf32, #tpu.memory_space<vmem>>[vector<16xi32>, vector<16xi32>], vector<16xf32>,
      %add3A_561 = arith.addi %get3A_557, %broadcast_in_dim3A_28 : vector<16xi32>
      tpu.vector_store_idx %arg18[%add3A_553, %add3A_561], %broadcast_in_dim3A_14 : memref<32x128xf32, #tpu.memory_space<vmem>>[vector<16xi32>, vector<16xi32>], vector<16xf32>,
      %lt3A_562 = arith.constant 155 : i32
      %lt3A_563 = arith.cmpi slt, %add3A_234, %lt3A_562 : i32
      %convert_element_type3A_564 = arith.extui %lt3A_563 : i1 to i32
      %cond3A_565 = arith.constant 0 : i32
      %cond3A_566 = arith.cmpi ne, %convert_element_type3A_564, %cond3A_565 : i32
      scf.if %cond3A_566 {
        %add3A_804 = arith.constant 1 : i32
        %add3A_805 = arith.addi %add3A_520, %add3A_804 : i32
        %mul3A_806 = arith.constant 32 : i32
        %mul3A_807 = arith.muli %add3A_805, %mul3A_806 : i32
        %add3A_808 = arith.addi %mul3A_30, %mul3A_807 : i32
        %dma_wait3A_809 = tpu.memref_slice %arg5[%add3A_808] : memref<320000xi32, #tpu.memory_space<hbm>> -> memref<32xi32, #tpu.memory_space<hbm>>
        %dma_wait3A_810 = tpu.memref_slice %arg5[%add3A_808] : memref<320000xi32, #tpu.memory_space<hbm>> -> memref<32xi32, #tpu.memory_space<hbm>>
        tpu.wait_dma2 semaphore(%arg36 : memref<!tpu.dma_semaphore, #tpu.memory_space<semaphore_mem>>) src(%dma_wait3A_810 : memref<32xi32, #tpu.memory_space<hbm>>) dst(%arg20 : memref<32xi32, #tpu.memory_space<vmem>>)
        %dma_wait3A_811 = tpu.memref_slice %arg6[%add3A_808] : memref<320000xi32, #tpu.memory_space<hbm>> -> memref<32xi32, #tpu.memory_space<hbm>>
        %dma_wait3A_812 = tpu.memref_slice %arg6[%add3A_808] : memref<320000xi32, #tpu.memory_space<hbm>> -> memref<32xi32, #tpu.memory_space<hbm>>
        tpu.wait_dma2 semaphore(%arg36 : memref<!tpu.dma_semaphore, #tpu.memory_space<semaphore_mem>>) src(%dma_wait3A_812 : memref<32xi32, #tpu.memory_space<hbm>>) dst(%arg22 : memref<32xi32, #tpu.memory_space<vmem>>)
        %add3A_813 = arith.constant 1 : i32
        %add3A_814 = arith.addi %add3A_520, %add3A_813 : i32
        %mul3A_815 = arith.constant 32 : i32
        %mul3A_816 = arith.muli %add3A_814, %mul3A_815 : i32
        %add3A_817 = arith.addi %mul3A_30, %mul3A_816 : i32
        %dma_start3A_818 = arith.constant 0 : i32
        %dma_start3A_819 = arith.constant 0 : i32
        %dma_start3A_820 = tpu.memref_slice %arg2[%dma_start3A_818, %dma_start3A_819] : memref<10000x128xf32, #tpu.memory_space<hbm>> -> memref<10000x128xf32, #tpu.memory_space<hbm>>
        tpu.enqueue_indirect_dma source(%dma_start3A_820 : memref<10000x128xf32, #tpu.memory_space<hbm>>) target(%arg12 : memref<32x128xf32, #tpu.memory_space<vmem>>) offsets(%arg20 : memref<32xi32, #tpu.memory_space<vmem>>) semaphore(%arg38 : memref<!tpu.dma_semaphore, #tpu.memory_space<semaphore_mem>>)
        %dma_start3A_821 = arith.constant 0 : i32
        %dma_start3A_822 = arith.constant 0 : i32
        %dma_start3A_823 = tpu.memref_slice %arg3[%dma_start3A_821, %dma_start3A_822] : memref<10000x128xf32, #tpu.memory_space<hbm>> -> memref<10000x128xf32, #tpu.memory_space<hbm>>
        tpu.enqueue_indirect_dma source(%dma_start3A_823 : memref<10000x128xf32, #tpu.memory_space<hbm>>) target(%arg14 : memref<32x128xf32, #tpu.memory_space<vmem>>) offsets(%arg22 : memref<32xi32, #tpu.memory_space<vmem>>) semaphore(%arg38 : memref<!tpu.dma_semaphore, #tpu.memory_space<semaphore_mem>>)
        %dma_start3A_824 = arith.constant 0 : i32
        %dma_start3A_825 = tpu.memref_slice %arg4[%add3A_817, %dma_start3A_824] : memref<320000x128xf32, #tpu.memory_space<hbm>> -> memref<32x128xf32, #tpu.memory_space<hbm>>
        %dma_start3A_826 = arith.constant 0 : i32
        %dma_start3A_827 = tpu.memref_slice %arg4[%add3A_817, %dma_start3A_826] : memref<320000x128xf32, #tpu.memory_space<hbm>> -> memref<32x128xf32, #tpu.memory_space<hbm>>
        tpu.enqueue_dma source(%dma_start3A_827 : memref<32x128xf32, #tpu.memory_space<hbm>>) target(%arg16 : memref<32x128xf32, #tpu.memory_space<vmem>>) target_semaphore(%arg38 : memref<!tpu.dma_semaphore, #tpu.memory_space<semaphore_mem>>)
      } else {
      }
      %get3A_567 = arith.constant 0 : index
      %get3A_568 = tpu.vector_load %arg23[%get3A_567] {strides = array<i32>} : memref<32xi32, #tpu.memory_space<vmem>>, vector<16xi32>,
      %shift_right_logical3A_569 = arith.constant 5 : i32
      %shift_right_logical3A_570 = vector.broadcast %shift_right_logical3A_569 : i32 to vector<16xi32>
      %shift_right_logical3A_571 = arith.shrui %get3A_568, %shift_right_logical3A_570 : vector<16xi32>
      %swap3A_572 = arith.constant 0 : index
      %swap3A_573 = tpu.vector_load %arg27[%swap3A_572] {strides = array<i32>} : memref<32xi32, #tpu.memory_space<vmem>>, vector<16xi32>,
      tpu.vector_store %arg27[%swap3A_572], %shift_right_logical3A_571 {strides = array<i32>} : memref<32xi32, #tpu.memory_space<vmem>>, vector<16xi32>,
      %swap3A_574 = arith.constant 0 : index
      %swap3A_575 = tpu.vector_load %arg25[%swap3A_574] {strides = array<i32>} : memref<32xi32, #tpu.memory_space<vmem>>, vector<16xi32>,
      tpu.vector_store %arg25[%swap3A_574], %get3A_568 {strides = array<i32>} : memref<32xi32, #tpu.memory_space<vmem>>, vector<16xi32>,
      %get3A_576 = arith.constant 16 : index
      %get3A_577 = tpu.vector_load %arg23[%get3A_576] {strides = array<i32>} : memref<32xi32, #tpu.memory_space<vmem>>, vector<16xi32>,
      %shift_right_logical3A_578 = arith.constant 5 : i32
      %shift_right_logical3A_579 = vector.broadcast %shift_right_logical3A_578 : i32 to vector<16xi32>
      %shift_right_logical3A_580 = arith.shrui %get3A_577, %shift_right_logical3A_579 : vector<16xi32>
      %swap3A_581 = arith.constant 16 : index
      %swap3A_582 = tpu.vector_load %arg27[%swap3A_581] {strides = array<i32>} : memref<32xi32, #tpu.memory_space<vmem>>, vector<16xi32>,
      tpu.vector_store %arg27[%swap3A_581], %shift_right_logical3A_580 {strides = array<i32>} : memref<32xi32, #tpu.memory_space<vmem>>, vector<16xi32>,
      %swap3A_583 = arith.constant 16 : index
      %swap3A_584 = tpu.vector_load %arg25[%swap3A_583] {strides = array<i32>} : memref<32xi32, #tpu.memory_space<vmem>>, vector<16xi32>,
      tpu.vector_store %arg25[%swap3A_583], %get3A_577 {strides = array<i32>} : memref<32xi32, #tpu.memory_space<vmem>>, vector<16xi32>,
      %broadcast_in_dim3A_585 = arith.constant 31 : i32
      %broadcast_in_dim3A_586 = vector.broadcast %broadcast_in_dim3A_585 : i32 to vector<16xi32>
      %broadcast_in_dim3A_587 = arith.constant 0 : i32
      %broadcast_in_dim3A_588 = vector.broadcast %broadcast_in_dim3A_587 : i32 to vector<16xi32>
      %add3A_589 = arith.addi %broadcast_in_dim3A_588, %iota3A : vector<16xi32>
      %broadcast_in_dim3A_590 = arith.constant 0 : i32
      %broadcast_in_dim3A_591 = vector.broadcast %broadcast_in_dim3A_590 : i32 to vector<16xi32>
      %and3A_592 = arith.andi %iota3A, %broadcast_in_dim3A_586 : vector<16xi32>
      %broadcast_in_dim3A_593 = arith.constant 0.000000e+00 : f32
      %broadcast_in_dim3A_594 = vector.broadcast %broadcast_in_dim3A_593 : f32 to vector<16xf32>
      %scan3A_595 = arith.constant 0 : i32
      %scan3A_596 = arith.constant 32 : i32
      %scan3A_597 = arith.addi %scan3A_595, %scan3A_596 : i32
      %scan3A_598 = arith.constant 2 : i32
      %scan3A_599:2 = scf.for %scan3A_804 = %scan3A_595 to %scan3A_597 step %scan3A_598 iter_args(%scan3A_805 = %and3A_592, %scan3A_806 = %broadcast_in_dim3A_594) -> (vector<16xi32>, vector<16xf32>)  : i32 {
        %mul3A_807 = arith.constant 1 : i32
        %mul3A_808 = arith.muli %scan3A_804, %mul3A_807 : i32
        %add3A_809 = arith.constant 0 : i32
        %add3A_810 = arith.addi %add3A_809, %mul3A_808 : i32
        %add3A_811 = arith.addi %broadcast_in_dim3A_591, %scan3A_805 : vector<16xi32>
        %gather3A = tpu.vector_load_idx %arg33[%add3A_811] : memref<128xf32, #tpu.memory_space<vmem>>[vector<16xi32>], vector<16xf32>,
        %gather3A_812 = tpu.vector_load_idx %arg13[%add3A_589, %add3A_811] : memref<32x128xf32, #tpu.memory_space<vmem>>[vector<16xi32>, vector<16xi32>], vector<16xf32>,
        %gather3A_813 = tpu.vector_load_idx %arg15[%add3A_589, %add3A_811] : memref<32x128xf32, #tpu.memory_space<vmem>>[vector<16xi32>, vector<16xi32>], vector<16xf32>,
        %gather3A_814 = tpu.vector_load_idx %arg17[%add3A_589, %add3A_811] : memref<32x128xf32, #tpu.memory_space<vmem>>[vector<16xi32>, vector<16xi32>], vector<16xf32>,
        %add3A_815 = arith.addf %gather3A_812, %gather3A_813 : vector<16xf32>
        %add3A_816 = arith.addf %add3A_815, %gather3A_814 : vector<16xf32>
        %mul3A_817 = arith.constant 2.000000e-01 : f32
        %mul3A_818 = vector.broadcast %mul3A_817 : f32 to vector<16xf32>
        %mul3A_819 = arith.mulf %mul3A_818, %add3A_816 : vector<16xf32>
        %max3A = arith.maximumf %add3A_816, %mul3A_819 : vector<16xf32>
        %add3A_820 = arith.addi %scan3A_805, %broadcast_in_dim3A_20 : vector<16xi32>
        %and3A_821 = arith.andi %add3A_820, %broadcast_in_dim3A_586 : vector<16xi32>
        %mul3A_822 = arith.mulf %max3A, %gather3A : vector<16xf32>
        %add3A_823 = arith.addf %scan3A_806, %mul3A_822 : vector<16xf32>
        %scan3A_824 = arith.constant 1 : i32
        %scan3A_825 = arith.addi %scan3A_804, %scan3A_824 : i32
        %mul3A_826 = arith.constant 1 : i32
        %mul3A_827 = arith.muli %scan3A_825, %mul3A_826 : i32
        %add3A_828 = arith.constant 0 : i32
        %add3A_829 = arith.addi %add3A_828, %mul3A_827 : i32
        %add3A_830 = arith.addi %broadcast_in_dim3A_591, %and3A_821 : vector<16xi32>
        %gather3A_831 = tpu.vector_load_idx %arg33[%add3A_830] : memref<128xf32, #tpu.memory_space<vmem>>[vector<16xi32>], vector<16xf32>,
        %gather3A_832 = tpu.vector_load_idx %arg13[%add3A_589, %add3A_830] : memref<32x128xf32, #tpu.memory_space<vmem>>[vector<16xi32>, vector<16xi32>], vector<16xf32>,
        %gather3A_833 = tpu.vector_load_idx %arg15[%add3A_589, %add3A_830] : memref<32x128xf32, #tpu.memory_space<vmem>>[vector<16xi32>, vector<16xi32>], vector<16xf32>,
        %gather3A_834 = tpu.vector_load_idx %arg17[%add3A_589, %add3A_830] : memref<32x128xf32, #tpu.memory_space<vmem>>[vector<16xi32>, vector<16xi32>], vector<16xf32>,
        %add3A_835 = arith.addf %gather3A_832, %gather3A_833 : vector<16xf32>
        %add3A_836 = arith.addf %add3A_835, %gather3A_834 : vector<16xf32>
        %mul3A_837 = arith.constant 2.000000e-01 : f32
        %mul3A_838 = vector.broadcast %mul3A_837 : f32 to vector<16xf32>
        %mul3A_839 = arith.mulf %mul3A_838, %add3A_836 : vector<16xf32>
        %max3A_840 = arith.maximumf %add3A_836, %mul3A_839 : vector<16xf32>
        %add3A_841 = arith.addi %and3A_821, %broadcast_in_dim3A_20 : vector<16xi32>
        %and3A_842 = arith.andi %add3A_841, %broadcast_in_dim3A_586 : vector<16xi32>
        %mul3A_843 = arith.mulf %max3A_840, %gather3A_831 : vector<16xf32>
        %add3A_844 = arith.addf %add3A_823, %mul3A_843 : vector<16xf32>
        scf.yield %and3A_842, %add3A_844 : vector<16xi32>, vector<16xf32>
      }
      %scan3A_600 = arith.constant 32 : i32
      %exp3A_601 = math.exp %scan3A_599#1 : vector<16xf32>
      %broadcast_in_dim3A_602 = arith.constant 32 : i32
      %broadcast_in_dim3A_603 = vector.broadcast %broadcast_in_dim3A_602 : i32 to vector<16xi32>
      %and3A_604 = arith.andi %iota3A, %broadcast_in_dim3A_586 : vector<16xi32>
      %broadcast_in_dim3A_605 = arith.constant 0.000000e+00 : f32
      %broadcast_in_dim3A_606 = vector.broadcast %broadcast_in_dim3A_605 : f32 to vector<16xf32>
      %scan3A_607 = arith.constant 0 : i32
      %scan3A_608 = arith.constant 32 : i32
      %scan3A_609 = arith.addi %scan3A_607, %scan3A_608 : i32
      %scan3A_610 = arith.constant 2 : i32
      %scan3A_611:2 = scf.for %scan3A_804 = %scan3A_607 to %scan3A_609 step %scan3A_610 iter_args(%scan3A_805 = %and3A_604, %scan3A_806 = %broadcast_in_dim3A_606) -> (vector<16xi32>, vector<16xf32>)  : i32 {
        %mul3A_807 = arith.constant 1 : i32
        %mul3A_808 = arith.muli %scan3A_804, %mul3A_807 : i32
        %add3A_809 = arith.constant 0 : i32
        %add3A_810 = arith.addi %add3A_809, %mul3A_808 : i32
        %add3A_811 = arith.addi %broadcast_in_dim3A_603, %scan3A_805 : vector<16xi32>
        %gather3A = tpu.vector_load_idx %arg33[%add3A_811] : memref<128xf32, #tpu.memory_space<vmem>>[vector<16xi32>], vector<16xf32>,
        %gather3A_812 = tpu.vector_load_idx %arg13[%add3A_589, %add3A_811] : memref<32x128xf32, #tpu.memory_space<vmem>>[vector<16xi32>, vector<16xi32>], vector<16xf32>,
        %gather3A_813 = tpu.vector_load_idx %arg15[%add3A_589, %add3A_811] : memref<32x128xf32, #tpu.memory_space<vmem>>[vector<16xi32>, vector<16xi32>], vector<16xf32>,
        %gather3A_814 = tpu.vector_load_idx %arg17[%add3A_589, %add3A_811] : memref<32x128xf32, #tpu.memory_space<vmem>>[vector<16xi32>, vector<16xi32>], vector<16xf32>,
        %add3A_815 = arith.addf %gather3A_812, %gather3A_813 : vector<16xf32>
        %add3A_816 = arith.addf %add3A_815, %gather3A_814 : vector<16xf32>
        %mul3A_817 = arith.constant 2.000000e-01 : f32
        %mul3A_818 = vector.broadcast %mul3A_817 : f32 to vector<16xf32>
        %mul3A_819 = arith.mulf %mul3A_818, %add3A_816 : vector<16xf32>
        %max3A = arith.maximumf %add3A_816, %mul3A_819 : vector<16xf32>
        %add3A_820 = arith.addi %scan3A_805, %broadcast_in_dim3A_20 : vector<16xi32>
        %and3A_821 = arith.andi %add3A_820, %broadcast_in_dim3A_586 : vector<16xi32>
        %mul3A_822 = arith.mulf %max3A, %gather3A : vector<16xf32>
        %add3A_823 = arith.addf %scan3A_806, %mul3A_822 : vector<16xf32>
        %scan3A_824 = arith.constant 1 : i32
        %scan3A_825 = arith.addi %scan3A_804, %scan3A_824 : i32
        %mul3A_826 = arith.constant 1 : i32
        %mul3A_827 = arith.muli %scan3A_825, %mul3A_826 : i32
        %add3A_828 = arith.constant 0 : i32
        %add3A_829 = arith.addi %add3A_828, %mul3A_827 : i32
        %add3A_830 = arith.addi %broadcast_in_dim3A_603, %and3A_821 : vector<16xi32>
        %gather3A_831 = tpu.vector_load_idx %arg33[%add3A_830] : memref<128xf32, #tpu.memory_space<vmem>>[vector<16xi32>], vector<16xf32>,
        %gather3A_832 = tpu.vector_load_idx %arg13[%add3A_589, %add3A_830] : memref<32x128xf32, #tpu.memory_space<vmem>>[vector<16xi32>, vector<16xi32>], vector<16xf32>,
        %gather3A_833 = tpu.vector_load_idx %arg15[%add3A_589, %add3A_830] : memref<32x128xf32, #tpu.memory_space<vmem>>[vector<16xi32>, vector<16xi32>], vector<16xf32>,
        %gather3A_834 = tpu.vector_load_idx %arg17[%add3A_589, %add3A_830] : memref<32x128xf32, #tpu.memory_space<vmem>>[vector<16xi32>, vector<16xi32>], vector<16xf32>,
        %add3A_835 = arith.addf %gather3A_832, %gather3A_833 : vector<16xf32>
        %add3A_836 = arith.addf %add3A_835, %gather3A_834 : vector<16xf32>
        %mul3A_837 = arith.constant 2.000000e-01 : f32
        %mul3A_838 = vector.broadcast %mul3A_837 : f32 to vector<16xf32>
        %mul3A_839 = arith.mulf %mul3A_838, %add3A_836 : vector<16xf32>
        %max3A_840 = arith.maximumf %add3A_836, %mul3A_839 : vector<16xf32>
        %add3A_841 = arith.addi %and3A_821, %broadcast_in_dim3A_20 : vector<16xi32>
        %and3A_842 = arith.andi %add3A_841, %broadcast_in_dim3A_586 : vector<16xi32>
        %mul3A_843 = arith.mulf %max3A_840, %gather3A_831 : vector<16xf32>
        %add3A_844 = arith.addf %add3A_823, %mul3A_843 : vector<16xf32>
        scf.yield %and3A_842, %add3A_844 : vector<16xi32>, vector<16xf32>
      }
      %scan3A_612 = arith.constant 32 : i32
      %exp3A_613 = math.exp %scan3A_611#1 : vector<16xf32>
      %broadcast_in_dim3A_614 = arith.constant 64 : i32
      %broadcast_in_dim3A_615 = vector.broadcast %broadcast_in_dim3A_614 : i32 to vector<16xi32>
      %and3A_616 = arith.andi %iota3A, %broadcast_in_dim3A_586 : vector<16xi32>
      %broadcast_in_dim3A_617 = arith.constant 0.000000e+00 : f32
      %broadcast_in_dim3A_618 = vector.broadcast %broadcast_in_dim3A_617 : f32 to vector<16xf32>
      %scan3A_619 = arith.constant 0 : i32
      %scan3A_620 = arith.constant 32 : i32
      %scan3A_621 = arith.addi %scan3A_619, %scan3A_620 : i32
      %scan3A_622 = arith.constant 2 : i32
      %scan3A_623:2 = scf.for %scan3A_804 = %scan3A_619 to %scan3A_621 step %scan3A_622 iter_args(%scan3A_805 = %and3A_616, %scan3A_806 = %broadcast_in_dim3A_618) -> (vector<16xi32>, vector<16xf32>)  : i32 {
        %mul3A_807 = arith.constant 1 : i32
        %mul3A_808 = arith.muli %scan3A_804, %mul3A_807 : i32
        %add3A_809 = arith.constant 0 : i32
        %add3A_810 = arith.addi %add3A_809, %mul3A_808 : i32
        %add3A_811 = arith.addi %broadcast_in_dim3A_615, %scan3A_805 : vector<16xi32>
        %gather3A = tpu.vector_load_idx %arg33[%add3A_811] : memref<128xf32, #tpu.memory_space<vmem>>[vector<16xi32>], vector<16xf32>,
        %gather3A_812 = tpu.vector_load_idx %arg13[%add3A_589, %add3A_811] : memref<32x128xf32, #tpu.memory_space<vmem>>[vector<16xi32>, vector<16xi32>], vector<16xf32>,
        %gather3A_813 = tpu.vector_load_idx %arg15[%add3A_589, %add3A_811] : memref<32x128xf32, #tpu.memory_space<vmem>>[vector<16xi32>, vector<16xi32>], vector<16xf32>,
        %gather3A_814 = tpu.vector_load_idx %arg17[%add3A_589, %add3A_811] : memref<32x128xf32, #tpu.memory_space<vmem>>[vector<16xi32>, vector<16xi32>], vector<16xf32>,
        %add3A_815 = arith.addf %gather3A_812, %gather3A_813 : vector<16xf32>
        %add3A_816 = arith.addf %add3A_815, %gather3A_814 : vector<16xf32>
        %mul3A_817 = arith.constant 2.000000e-01 : f32
        %mul3A_818 = vector.broadcast %mul3A_817 : f32 to vector<16xf32>
        %mul3A_819 = arith.mulf %mul3A_818, %add3A_816 : vector<16xf32>
        %max3A = arith.maximumf %add3A_816, %mul3A_819 : vector<16xf32>
        %add3A_820 = arith.addi %scan3A_805, %broadcast_in_dim3A_20 : vector<16xi32>
        %and3A_821 = arith.andi %add3A_820, %broadcast_in_dim3A_586 : vector<16xi32>
        %mul3A_822 = arith.mulf %max3A, %gather3A : vector<16xf32>
        %add3A_823 = arith.addf %scan3A_806, %mul3A_822 : vector<16xf32>
        %scan3A_824 = arith.constant 1 : i32
        %scan3A_825 = arith.addi %scan3A_804, %scan3A_824 : i32
        %mul3A_826 = arith.constant 1 : i32
        %mul3A_827 = arith.muli %scan3A_825, %mul3A_826 : i32
        %add3A_828 = arith.constant 0 : i32
        %add3A_829 = arith.addi %add3A_828, %mul3A_827 : i32
        %add3A_830 = arith.addi %broadcast_in_dim3A_615, %and3A_821 : vector<16xi32>
        %gather3A_831 = tpu.vector_load_idx %arg33[%add3A_830] : memref<128xf32, #tpu.memory_space<vmem>>[vector<16xi32>], vector<16xf32>,
        %gather3A_832 = tpu.vector_load_idx %arg13[%add3A_589, %add3A_830] : memref<32x128xf32, #tpu.memory_space<vmem>>[vector<16xi32>, vector<16xi32>], vector<16xf32>,
        %gather3A_833 = tpu.vector_load_idx %arg15[%add3A_589, %add3A_830] : memref<32x128xf32, #tpu.memory_space<vmem>>[vector<16xi32>, vector<16xi32>], vector<16xf32>,
        %gather3A_834 = tpu.vector_load_idx %arg17[%add3A_589, %add3A_830] : memref<32x128xf32, #tpu.memory_space<vmem>>[vector<16xi32>, vector<16xi32>], vector<16xf32>,
        %add3A_835 = arith.addf %gather3A_832, %gather3A_833 : vector<16xf32>
        %add3A_836 = arith.addf %add3A_835, %gather3A_834 : vector<16xf32>
        %mul3A_837 = arith.constant 2.000000e-01 : f32
        %mul3A_838 = vector.broadcast %mul3A_837 : f32 to vector<16xf32>
        %mul3A_839 = arith.mulf %mul3A_838, %add3A_836 : vector<16xf32>
        %max3A_840 = arith.maximumf %add3A_836, %mul3A_839 : vector<16xf32>
        %add3A_841 = arith.addi %and3A_821, %broadcast_in_dim3A_20 : vector<16xi32>
        %and3A_842 = arith.andi %add3A_841, %broadcast_in_dim3A_586 : vector<16xi32>
        %mul3A_843 = arith.mulf %max3A_840, %gather3A_831 : vector<16xf32>
        %add3A_844 = arith.addf %add3A_823, %mul3A_843 : vector<16xf32>
        scf.yield %and3A_842, %add3A_844 : vector<16xi32>, vector<16xf32>
      }
      %scan3A_624 = arith.constant 32 : i32
      %exp3A_625 = math.exp %scan3A_623#1 : vector<16xf32>
      %broadcast_in_dim3A_626 = arith.constant 96 : i32
      %broadcast_in_dim3A_627 = vector.broadcast %broadcast_in_dim3A_626 : i32 to vector<16xi32>
      %and3A_628 = arith.andi %iota3A, %broadcast_in_dim3A_586 : vector<16xi32>
      %broadcast_in_dim3A_629 = arith.constant 0.000000e+00 : f32
      %broadcast_in_dim3A_630 = vector.broadcast %broadcast_in_dim3A_629 : f32 to vector<16xf32>
      %scan3A_631 = arith.constant 0 : i32
      %scan3A_632 = arith.constant 32 : i32
      %scan3A_633 = arith.addi %scan3A_631, %scan3A_632 : i32
      %scan3A_634 = arith.constant 2 : i32
      %scan3A_635:2 = scf.for %scan3A_804 = %scan3A_631 to %scan3A_633 step %scan3A_634 iter_args(%scan3A_805 = %and3A_628, %scan3A_806 = %broadcast_in_dim3A_630) -> (vector<16xi32>, vector<16xf32>)  : i32 {
        %mul3A_807 = arith.constant 1 : i32
        %mul3A_808 = arith.muli %scan3A_804, %mul3A_807 : i32
        %add3A_809 = arith.constant 0 : i32
        %add3A_810 = arith.addi %add3A_809, %mul3A_808 : i32
        %add3A_811 = arith.addi %broadcast_in_dim3A_627, %scan3A_805 : vector<16xi32>
        %gather3A = tpu.vector_load_idx %arg33[%add3A_811] : memref<128xf32, #tpu.memory_space<vmem>>[vector<16xi32>], vector<16xf32>,
        %gather3A_812 = tpu.vector_load_idx %arg13[%add3A_589, %add3A_811] : memref<32x128xf32, #tpu.memory_space<vmem>>[vector<16xi32>, vector<16xi32>], vector<16xf32>,
        %gather3A_813 = tpu.vector_load_idx %arg15[%add3A_589, %add3A_811] : memref<32x128xf32, #tpu.memory_space<vmem>>[vector<16xi32>, vector<16xi32>], vector<16xf32>,
        %gather3A_814 = tpu.vector_load_idx %arg17[%add3A_589, %add3A_811] : memref<32x128xf32, #tpu.memory_space<vmem>>[vector<16xi32>, vector<16xi32>], vector<16xf32>,
        %add3A_815 = arith.addf %gather3A_812, %gather3A_813 : vector<16xf32>
        %add3A_816 = arith.addf %add3A_815, %gather3A_814 : vector<16xf32>
        %mul3A_817 = arith.constant 2.000000e-01 : f32
        %mul3A_818 = vector.broadcast %mul3A_817 : f32 to vector<16xf32>
        %mul3A_819 = arith.mulf %mul3A_818, %add3A_816 : vector<16xf32>
        %max3A = arith.maximumf %add3A_816, %mul3A_819 : vector<16xf32>
        %add3A_820 = arith.addi %scan3A_805, %broadcast_in_dim3A_20 : vector<16xi32>
        %and3A_821 = arith.andi %add3A_820, %broadcast_in_dim3A_586 : vector<16xi32>
        %mul3A_822 = arith.mulf %max3A, %gather3A : vector<16xf32>
        %add3A_823 = arith.addf %scan3A_806, %mul3A_822 : vector<16xf32>
        %scan3A_824 = arith.constant 1 : i32
        %scan3A_825 = arith.addi %scan3A_804, %scan3A_824 : i32
        %mul3A_826 = arith.constant 1 : i32
        %mul3A_827 = arith.muli %scan3A_825, %mul3A_826 : i32
        %add3A_828 = arith.constant 0 : i32
        %add3A_829 = arith.addi %add3A_828, %mul3A_827 : i32
        %add3A_830 = arith.addi %broadcast_in_dim3A_627, %and3A_821 : vector<16xi32>
        %gather3A_831 = tpu.vector_load_idx %arg33[%add3A_830] : memref<128xf32, #tpu.memory_space<vmem>>[vector<16xi32>], vector<16xf32>,
        %gather3A_832 = tpu.vector_load_idx %arg13[%add3A_589, %add3A_830] : memref<32x128xf32, #tpu.memory_space<vmem>>[vector<16xi32>, vector<16xi32>], vector<16xf32>,
        %gather3A_833 = tpu.vector_load_idx %arg15[%add3A_589, %add3A_830] : memref<32x128xf32, #tpu.memory_space<vmem>>[vector<16xi32>, vector<16xi32>], vector<16xf32>,
        %gather3A_834 = tpu.vector_load_idx %arg17[%add3A_589, %add3A_830] : memref<32x128xf32, #tpu.memory_space<vmem>>[vector<16xi32>, vector<16xi32>], vector<16xf32>,
        %add3A_835 = arith.addf %gather3A_832, %gather3A_833 : vector<16xf32>
        %add3A_836 = arith.addf %add3A_835, %gather3A_834 : vector<16xf32>
        %mul3A_837 = arith.constant 2.000000e-01 : f32
        %mul3A_838 = vector.broadcast %mul3A_837 : f32 to vector<16xf32>
        %mul3A_839 = arith.mulf %mul3A_838, %add3A_836 : vector<16xf32>
        %max3A_840 = arith.maximumf %add3A_836, %mul3A_839 : vector<16xf32>
        %add3A_841 = arith.addi %and3A_821, %broadcast_in_dim3A_20 : vector<16xi32>
        %and3A_842 = arith.andi %add3A_841, %broadcast_in_dim3A_586 : vector<16xi32>
        %mul3A_843 = arith.mulf %max3A_840, %gather3A_831 : vector<16xf32>
        %add3A_844 = arith.addf %add3A_823, %mul3A_843 : vector<16xf32>
        scf.yield %and3A_842, %add3A_844 : vector<16xi32>, vector<16xf32>
      }
      %scan3A_636 = arith.constant 32 : i32
      %exp3A_637 = math.exp %scan3A_635#1 : vector<16xf32>
      %get3A_638 = arith.constant 0 : index
      %get3A_639 = tpu.vector_load %arg23[%get3A_638] {strides = array<i32>} : memref<32xi32, #tpu.memory_space<vmem>>, vector<16xi32>,
      %and3A_640 = arith.constant 31 : i32
      %and3A_641 = vector.broadcast %and3A_640 : i32 to vector<16xi32>
      %and3A_642 = arith.andi %get3A_639, %and3A_641 : vector<16xi32>
      %mul3A_643 = arith.constant 4 : i32
      %mul3A_644 = vector.broadcast %mul3A_643 : i32 to vector<16xi32>
      %mul3A_645 = arith.muli %and3A_642, %mul3A_644 : vector<16xi32>
      %swap3A_646 = arith.constant 0 : i32
      %swap3A_647 = arith.index_cast %swap3A_646 : i32 to index
      %swap3A_648 = arith.constant 0 : index
      %swap3A_649 = tpu.vector_load %arg29[%swap3A_647, %swap3A_648] {strides = array<i32>} : memref<2x16xi32, #tpu.memory_space<vmem>>, vector<16xi32>,
      tpu.vector_store %arg29[%swap3A_647, %swap3A_648], %mul3A_645 {strides = array<i32>} : memref<2x16xi32, #tpu.memory_space<vmem>>, vector<16xi32>,
      %add3A_650 = arith.addi %mul3A_645, %broadcast_in_dim3A_22 : vector<16xi32>
      tpu.vector_store_idx %arg19[%add3A_589, %add3A_650], %exp3A_601 : memref<32x128xf32, #tpu.memory_space<vmem>>[vector<16xi32>, vector<16xi32>], vector<16xf32>,
      %add3A_651 = arith.addi %mul3A_645, %broadcast_in_dim3A_24 : vector<16xi32>
      tpu.vector_store_idx %arg19[%add3A_589, %add3A_651], %exp3A_613 : memref<32x128xf32, #tpu.memory_space<vmem>>[vector<16xi32>, vector<16xi32>], vector<16xf32>,
      %add3A_652 = arith.addi %mul3A_645, %broadcast_in_dim3A_26 : vector<16xi32>
      tpu.vector_store_idx %arg19[%add3A_589, %add3A_652], %exp3A_625 : memref<32x128xf32, #tpu.memory_space<vmem>>[vector<16xi32>, vector<16xi32>], vector<16xf32>,
      %add3A_653 = arith.addi %mul3A_645, %broadcast_in_dim3A_28 : vector<16xi32>
      tpu.vector_store_idx %arg19[%add3A_589, %add3A_653], %exp3A_637 : memref<32x128xf32, #tpu.memory_space<vmem>>[vector<16xi32>, vector<16xi32>], vector<16xf32>,
      %broadcast_in_dim3A_654 = arith.constant 0 : i32
      %broadcast_in_dim3A_655 = vector.broadcast %broadcast_in_dim3A_654 : i32 to vector<16xi32>
      %and3A_656 = arith.andi %iota3A, %broadcast_in_dim3A_586 : vector<16xi32>
      %scan3A_657 = arith.constant 0 : i32
      %scan3A_658 = arith.constant 32 : i32
      %scan3A_659 = arith.addi %scan3A_657, %scan3A_658 : i32
      %scan3A_660 = arith.constant 2 : i32
      %scan3A_661 = scf.for %scan3A_804 = %scan3A_657 to %scan3A_659 step %scan3A_660 iter_args(%scan3A_805 = %and3A_656) -> (vector<16xi32>)  : i32 {
        %mul3A_806 = arith.constant 1 : i32
        %mul3A_807 = arith.muli %scan3A_804, %mul3A_806 : i32
        %add3A_808 = arith.constant 0 : i32
        %add3A_809 = arith.addi %add3A_808, %mul3A_807 : i32
        %add3A_810 = arith.addi %broadcast_in_dim3A_655, %scan3A_805 : vector<16xi32>
        %gather3A = tpu.vector_load_idx %arg13[%add3A_589, %add3A_810] : memref<32x128xf32, #tpu.memory_space<vmem>>[vector<16xi32>, vector<16xi32>], vector<16xf32>,
        %mul3A_811 = arith.mulf %gather3A, %exp3A_601 : vector<16xf32>
        tpu.vector_store_idx %arg13[%add3A_589, %add3A_810], %mul3A_811 : memref<32x128xf32, #tpu.memory_space<vmem>>[vector<16xi32>, vector<16xi32>], vector<16xf32>,
        %add3A_812 = arith.addi %scan3A_805, %broadcast_in_dim3A_20 : vector<16xi32>
        %and3A_813 = arith.andi %add3A_812, %broadcast_in_dim3A_586 : vector<16xi32>
        %scan3A_814 = arith.constant 1 : i32
        %scan3A_815 = arith.addi %scan3A_804, %scan3A_814 : i32
        %mul3A_816 = arith.constant 1 : i32
        %mul3A_817 = arith.muli %scan3A_815, %mul3A_816 : i32
        %add3A_818 = arith.constant 0 : i32
        %add3A_819 = arith.addi %add3A_818, %mul3A_817 : i32
        %add3A_820 = arith.addi %broadcast_in_dim3A_655, %and3A_813 : vector<16xi32>
        %gather3A_821 = tpu.vector_load_idx %arg13[%add3A_589, %add3A_820] : memref<32x128xf32, #tpu.memory_space<vmem>>[vector<16xi32>, vector<16xi32>], vector<16xf32>,
        %mul3A_822 = arith.mulf %gather3A_821, %exp3A_601 : vector<16xf32>
        tpu.vector_store_idx %arg13[%add3A_589, %add3A_820], %mul3A_822 : memref<32x128xf32, #tpu.memory_space<vmem>>[vector<16xi32>, vector<16xi32>], vector<16xf32>,
        %add3A_823 = arith.addi %and3A_813, %broadcast_in_dim3A_20 : vector<16xi32>
        %and3A_824 = arith.andi %add3A_823, %broadcast_in_dim3A_586 : vector<16xi32>
        scf.yield %and3A_824 : vector<16xi32>
      }
      %scan3A_662 = arith.constant 32 : i32
      %broadcast_in_dim3A_663 = arith.constant 32 : i32
      %broadcast_in_dim3A_664 = vector.broadcast %broadcast_in_dim3A_663 : i32 to vector<16xi32>
      %and3A_665 = arith.andi %iota3A, %broadcast_in_dim3A_586 : vector<16xi32>
      %scan3A_666 = arith.constant 0 : i32
      %scan3A_667 = arith.constant 32 : i32
      %scan3A_668 = arith.addi %scan3A_666, %scan3A_667 : i32
      %scan3A_669 = arith.constant 2 : i32
      %scan3A_670 = scf.for %scan3A_804 = %scan3A_666 to %scan3A_668 step %scan3A_669 iter_args(%scan3A_805 = %and3A_665) -> (vector<16xi32>)  : i32 {
        %mul3A_806 = arith.constant 1 : i32
        %mul3A_807 = arith.muli %scan3A_804, %mul3A_806 : i32
        %add3A_808 = arith.constant 0 : i32
        %add3A_809 = arith.addi %add3A_808, %mul3A_807 : i32
        %add3A_810 = arith.addi %broadcast_in_dim3A_664, %scan3A_805 : vector<16xi32>
        %gather3A = tpu.vector_load_idx %arg13[%add3A_589, %add3A_810] : memref<32x128xf32, #tpu.memory_space<vmem>>[vector<16xi32>, vector<16xi32>], vector<16xf32>,
        %mul3A_811 = arith.mulf %gather3A, %exp3A_613 : vector<16xf32>
        tpu.vector_store_idx %arg13[%add3A_589, %add3A_810], %mul3A_811 : memref<32x128xf32, #tpu.memory_space<vmem>>[vector<16xi32>, vector<16xi32>], vector<16xf32>,
        %add3A_812 = arith.addi %scan3A_805, %broadcast_in_dim3A_20 : vector<16xi32>
        %and3A_813 = arith.andi %add3A_812, %broadcast_in_dim3A_586 : vector<16xi32>
        %scan3A_814 = arith.constant 1 : i32
        %scan3A_815 = arith.addi %scan3A_804, %scan3A_814 : i32
        %mul3A_816 = arith.constant 1 : i32
        %mul3A_817 = arith.muli %scan3A_815, %mul3A_816 : i32
        %add3A_818 = arith.constant 0 : i32
        %add3A_819 = arith.addi %add3A_818, %mul3A_817 : i32
        %add3A_820 = arith.addi %broadcast_in_dim3A_664, %and3A_813 : vector<16xi32>
        %gather3A_821 = tpu.vector_load_idx %arg13[%add3A_589, %add3A_820] : memref<32x128xf32, #tpu.memory_space<vmem>>[vector<16xi32>, vector<16xi32>], vector<16xf32>,
        %mul3A_822 = arith.mulf %gather3A_821, %exp3A_613 : vector<16xf32>
        tpu.vector_store_idx %arg13[%add3A_589, %add3A_820], %mul3A_822 : memref<32x128xf32, #tpu.memory_space<vmem>>[vector<16xi32>, vector<16xi32>], vector<16xf32>,
        %add3A_823 = arith.addi %and3A_813, %broadcast_in_dim3A_20 : vector<16xi32>
        %and3A_824 = arith.andi %add3A_823, %broadcast_in_dim3A_586 : vector<16xi32>
        scf.yield %and3A_824 : vector<16xi32>
      }
      %scan3A_671 = arith.constant 32 : i32
      %broadcast_in_dim3A_672 = arith.constant 64 : i32
      %broadcast_in_dim3A_673 = vector.broadcast %broadcast_in_dim3A_672 : i32 to vector<16xi32>
      %and3A_674 = arith.andi %iota3A, %broadcast_in_dim3A_586 : vector<16xi32>
      %scan3A_675 = arith.constant 0 : i32
      %scan3A_676 = arith.constant 32 : i32
      %scan3A_677 = arith.addi %scan3A_675, %scan3A_676 : i32
      %scan3A_678 = arith.constant 2 : i32
      %scan3A_679 = scf.for %scan3A_804 = %scan3A_675 to %scan3A_677 step %scan3A_678 iter_args(%scan3A_805 = %and3A_674) -> (vector<16xi32>)  : i32 {
        %mul3A_806 = arith.constant 1 : i32
        %mul3A_807 = arith.muli %scan3A_804, %mul3A_806 : i32
        %add3A_808 = arith.constant 0 : i32
        %add3A_809 = arith.addi %add3A_808, %mul3A_807 : i32
        %add3A_810 = arith.addi %broadcast_in_dim3A_673, %scan3A_805 : vector<16xi32>
        %gather3A = tpu.vector_load_idx %arg13[%add3A_589, %add3A_810] : memref<32x128xf32, #tpu.memory_space<vmem>>[vector<16xi32>, vector<16xi32>], vector<16xf32>,
        %mul3A_811 = arith.mulf %gather3A, %exp3A_625 : vector<16xf32>
        tpu.vector_store_idx %arg13[%add3A_589, %add3A_810], %mul3A_811 : memref<32x128xf32, #tpu.memory_space<vmem>>[vector<16xi32>, vector<16xi32>], vector<16xf32>,
        %add3A_812 = arith.addi %scan3A_805, %broadcast_in_dim3A_20 : vector<16xi32>
        %and3A_813 = arith.andi %add3A_812, %broadcast_in_dim3A_586 : vector<16xi32>
        %scan3A_814 = arith.constant 1 : i32
        %scan3A_815 = arith.addi %scan3A_804, %scan3A_814 : i32
        %mul3A_816 = arith.constant 1 : i32
        %mul3A_817 = arith.muli %scan3A_815, %mul3A_816 : i32
        %add3A_818 = arith.constant 0 : i32
        %add3A_819 = arith.addi %add3A_818, %mul3A_817 : i32
        %add3A_820 = arith.addi %broadcast_in_dim3A_673, %and3A_813 : vector<16xi32>
        %gather3A_821 = tpu.vector_load_idx %arg13[%add3A_589, %add3A_820] : memref<32x128xf32, #tpu.memory_space<vmem>>[vector<16xi32>, vector<16xi32>], vector<16xf32>,
        %mul3A_822 = arith.mulf %gather3A_821, %exp3A_625 : vector<16xf32>
        tpu.vector_store_idx %arg13[%add3A_589, %add3A_820], %mul3A_822 : memref<32x128xf32, #tpu.memory_space<vmem>>[vector<16xi32>, vector<16xi32>], vector<16xf32>,
        %add3A_823 = arith.addi %and3A_813, %broadcast_in_dim3A_20 : vector<16xi32>
        %and3A_824 = arith.andi %add3A_823, %broadcast_in_dim3A_586 : vector<16xi32>
        scf.yield %and3A_824 : vector<16xi32>
      }
      %scan3A_680 = arith.constant 32 : i32
      %broadcast_in_dim3A_681 = arith.constant 96 : i32
      %broadcast_in_dim3A_682 = vector.broadcast %broadcast_in_dim3A_681 : i32 to vector<16xi32>
      %and3A_683 = arith.andi %iota3A, %broadcast_in_dim3A_586 : vector<16xi32>
      %scan3A_684 = arith.constant 0 : i32
      %scan3A_685 = arith.constant 32 : i32
      %scan3A_686 = arith.addi %scan3A_684, %scan3A_685 : i32
      %scan3A_687 = arith.constant 2 : i32
      %scan3A_688 = scf.for %scan3A_804 = %scan3A_684 to %scan3A_686 step %scan3A_687 iter_args(%scan3A_805 = %and3A_683) -> (vector<16xi32>)  : i32 {
        %mul3A_806 = arith.constant 1 : i32
        %mul3A_807 = arith.muli %scan3A_804, %mul3A_806 : i32
        %add3A_808 = arith.constant 0 : i32
        %add3A_809 = arith.addi %add3A_808, %mul3A_807 : i32
        %add3A_810 = arith.addi %broadcast_in_dim3A_682, %scan3A_805 : vector<16xi32>
        %gather3A = tpu.vector_load_idx %arg13[%add3A_589, %add3A_810] : memref<32x128xf32, #tpu.memory_space<vmem>>[vector<16xi32>, vector<16xi32>], vector<16xf32>,
        %mul3A_811 = arith.mulf %gather3A, %exp3A_637 : vector<16xf32>
        tpu.vector_store_idx %arg13[%add3A_589, %add3A_810], %mul3A_811 : memref<32x128xf32, #tpu.memory_space<vmem>>[vector<16xi32>, vector<16xi32>], vector<16xf32>,
        %add3A_812 = arith.addi %scan3A_805, %broadcast_in_dim3A_20 : vector<16xi32>
        %and3A_813 = arith.andi %add3A_812, %broadcast_in_dim3A_586 : vector<16xi32>
        %scan3A_814 = arith.constant 1 : i32
        %scan3A_815 = arith.addi %scan3A_804, %scan3A_814 : i32
        %mul3A_816 = arith.constant 1 : i32
        %mul3A_817 = arith.muli %scan3A_815, %mul3A_816 : i32
        %add3A_818 = arith.constant 0 : i32
        %add3A_819 = arith.addi %add3A_818, %mul3A_817 : i32
        %add3A_820 = arith.addi %broadcast_in_dim3A_682, %and3A_813 : vector<16xi32>
        %gather3A_821 = tpu.vector_load_idx %arg13[%add3A_589, %add3A_820] : memref<32x128xf32, #tpu.memory_space<vmem>>[vector<16xi32>, vector<16xi32>], vector<16xf32>,
        %mul3A_822 = arith.mulf %gather3A_821, %exp3A_637 : vector<16xf32>
        tpu.vector_store_idx %arg13[%add3A_589, %add3A_820], %mul3A_822 : memref<32x128xf32, #tpu.memory_space<vmem>>[vector<16xi32>, vector<16xi32>], vector<16xf32>,
        %add3A_823 = arith.addi %and3A_813, %broadcast_in_dim3A_20 : vector<16xi32>
        %and3A_824 = arith.andi %add3A_823, %broadcast_in_dim3A_586 : vector<16xi32>
        scf.yield %and3A_824 : vector<16xi32>
      }
      %scan3A_689 = arith.constant 32 : i32
      %broadcast_in_dim3A_690 = arith.constant 16 : i32
      %broadcast_in_dim3A_691 = vector.broadcast %broadcast_in_dim3A_690 : i32 to vector<16xi32>
      %add3A_692 = arith.addi %broadcast_in_dim3A_691, %iota3A : vector<16xi32>
      %broadcast_in_dim3A_693 = arith.constant 0 : i32
      %broadcast_in_dim3A_694 = vector.broadcast %broadcast_in_dim3A_693 : i32 to vector<16xi32>
      %and3A_695 = arith.andi %iota3A, %broadcast_in_dim3A_586 : vector<16xi32>
      %broadcast_in_dim3A_696 = arith.constant 0.000000e+00 : f32
      %broadcast_in_dim3A_697 = vector.broadcast %broadcast_in_dim3A_696 : f32 to vector<16xf32>
      %scan3A_698 = arith.constant 0 : i32
      %scan3A_699 = arith.constant 32 : i32
      %scan3A_700 = arith.addi %scan3A_698, %scan3A_699 : i32
      %scan3A_701 = arith.constant 2 : i32
      %scan3A_702:2 = scf.for %scan3A_804 = %scan3A_698 to %scan3A_700 step %scan3A_701 iter_args(%scan3A_805 = %and3A_695, %scan3A_806 = %broadcast_in_dim3A_697) -> (vector<16xi32>, vector<16xf32>)  : i32 {
        %mul3A_807 = arith.constant 1 : i32
        %mul3A_808 = arith.muli %scan3A_804, %mul3A_807 : i32
        %add3A_809 = arith.constant 0 : i32
        %add3A_810 = arith.addi %add3A_809, %mul3A_808 : i32
        %add3A_811 = arith.addi %broadcast_in_dim3A_694, %scan3A_805 : vector<16xi32>
        %gather3A = tpu.vector_load_idx %arg33[%add3A_811] : memref<128xf32, #tpu.memory_space<vmem>>[vector<16xi32>], vector<16xf32>,
        %gather3A_812 = tpu.vector_load_idx %arg13[%add3A_692, %add3A_811] : memref<32x128xf32, #tpu.memory_space<vmem>>[vector<16xi32>, vector<16xi32>], vector<16xf32>,
        %gather3A_813 = tpu.vector_load_idx %arg15[%add3A_692, %add3A_811] : memref<32x128xf32, #tpu.memory_space<vmem>>[vector<16xi32>, vector<16xi32>], vector<16xf32>,
        %gather3A_814 = tpu.vector_load_idx %arg17[%add3A_692, %add3A_811] : memref<32x128xf32, #tpu.memory_space<vmem>>[vector<16xi32>, vector<16xi32>], vector<16xf32>,
        %add3A_815 = arith.addf %gather3A_812, %gather3A_813 : vector<16xf32>
        %add3A_816 = arith.addf %add3A_815, %gather3A_814 : vector<16xf32>
        %mul3A_817 = arith.constant 2.000000e-01 : f32
        %mul3A_818 = vector.broadcast %mul3A_817 : f32 to vector<16xf32>
        %mul3A_819 = arith.mulf %mul3A_818, %add3A_816 : vector<16xf32>
        %max3A = arith.maximumf %add3A_816, %mul3A_819 : vector<16xf32>
        %add3A_820 = arith.addi %scan3A_805, %broadcast_in_dim3A_20 : vector<16xi32>
        %and3A_821 = arith.andi %add3A_820, %broadcast_in_dim3A_586 : vector<16xi32>
        %mul3A_822 = arith.mulf %max3A, %gather3A : vector<16xf32>
        %add3A_823 = arith.addf %scan3A_806, %mul3A_822 : vector<16xf32>
        %scan3A_824 = arith.constant 1 : i32
        %scan3A_825 = arith.addi %scan3A_804, %scan3A_824 : i32
        %mul3A_826 = arith.constant 1 : i32
        %mul3A_827 = arith.muli %scan3A_825, %mul3A_826 : i32
        %add3A_828 = arith.constant 0 : i32
        %add3A_829 = arith.addi %add3A_828, %mul3A_827 : i32
        %add3A_830 = arith.addi %broadcast_in_dim3A_694, %and3A_821 : vector<16xi32>
        %gather3A_831 = tpu.vector_load_idx %arg33[%add3A_830] : memref<128xf32, #tpu.memory_space<vmem>>[vector<16xi32>], vector<16xf32>,
        %gather3A_832 = tpu.vector_load_idx %arg13[%add3A_692, %add3A_830] : memref<32x128xf32, #tpu.memory_space<vmem>>[vector<16xi32>, vector<16xi32>], vector<16xf32>,
        %gather3A_833 = tpu.vector_load_idx %arg15[%add3A_692, %add3A_830] : memref<32x128xf32, #tpu.memory_space<vmem>>[vector<16xi32>, vector<16xi32>], vector<16xf32>,
        %gather3A_834 = tpu.vector_load_idx %arg17[%add3A_692, %add3A_830] : memref<32x128xf32, #tpu.memory_space<vmem>>[vector<16xi32>, vector<16xi32>], vector<16xf32>,
        %add3A_835 = arith.addf %gather3A_832, %gather3A_833 : vector<16xf32>
        %add3A_836 = arith.addf %add3A_835, %gather3A_834 : vector<16xf32>
        %mul3A_837 = arith.constant 2.000000e-01 : f32
        %mul3A_838 = vector.broadcast %mul3A_837 : f32 to vector<16xf32>
        %mul3A_839 = arith.mulf %mul3A_838, %add3A_836 : vector<16xf32>
        %max3A_840 = arith.maximumf %add3A_836, %mul3A_839 : vector<16xf32>
        %add3A_841 = arith.addi %and3A_821, %broadcast_in_dim3A_20 : vector<16xi32>
        %and3A_842 = arith.andi %add3A_841, %broadcast_in_dim3A_586 : vector<16xi32>
        %mul3A_843 = arith.mulf %max3A_840, %gather3A_831 : vector<16xf32>
        %add3A_844 = arith.addf %add3A_823, %mul3A_843 : vector<16xf32>
        scf.yield %and3A_842, %add3A_844 : vector<16xi32>, vector<16xf32>
      }
      %scan3A_703 = arith.constant 32 : i32
      %exp3A_704 = math.exp %scan3A_702#1 : vector<16xf32>
      %broadcast_in_dim3A_705 = arith.constant 32 : i32
      %broadcast_in_dim3A_706 = vector.broadcast %broadcast_in_dim3A_705 : i32 to vector<16xi32>
      %and3A_707 = arith.andi %iota3A, %broadcast_in_dim3A_586 : vector<16xi32>
      %broadcast_in_dim3A_708 = arith.constant 0.000000e+00 : f32
      %broadcast_in_dim3A_709 = vector.broadcast %broadcast_in_dim3A_708 : f32 to vector<16xf32>
      %scan3A_710 = arith.constant 0 : i32
      %scan3A_711 = arith.constant 32 : i32
      %scan3A_712 = arith.addi %scan3A_710, %scan3A_711 : i32
      %scan3A_713 = arith.constant 2 : i32
      %scan3A_714:2 = scf.for %scan3A_804 = %scan3A_710 to %scan3A_712 step %scan3A_713 iter_args(%scan3A_805 = %and3A_707, %scan3A_806 = %broadcast_in_dim3A_709) -> (vector<16xi32>, vector<16xf32>)  : i32 {
        %mul3A_807 = arith.constant 1 : i32
        %mul3A_808 = arith.muli %scan3A_804, %mul3A_807 : i32
        %add3A_809 = arith.constant 0 : i32
        %add3A_810 = arith.addi %add3A_809, %mul3A_808 : i32
        %add3A_811 = arith.addi %broadcast_in_dim3A_706, %scan3A_805 : vector<16xi32>
        %gather3A = tpu.vector_load_idx %arg33[%add3A_811] : memref<128xf32, #tpu.memory_space<vmem>>[vector<16xi32>], vector<16xf32>,
        %gather3A_812 = tpu.vector_load_idx %arg13[%add3A_692, %add3A_811] : memref<32x128xf32, #tpu.memory_space<vmem>>[vector<16xi32>, vector<16xi32>], vector<16xf32>,
        %gather3A_813 = tpu.vector_load_idx %arg15[%add3A_692, %add3A_811] : memref<32x128xf32, #tpu.memory_space<vmem>>[vector<16xi32>, vector<16xi32>], vector<16xf32>,
        %gather3A_814 = tpu.vector_load_idx %arg17[%add3A_692, %add3A_811] : memref<32x128xf32, #tpu.memory_space<vmem>>[vector<16xi32>, vector<16xi32>], vector<16xf32>,
        %add3A_815 = arith.addf %gather3A_812, %gather3A_813 : vector<16xf32>
        %add3A_816 = arith.addf %add3A_815, %gather3A_814 : vector<16xf32>
        %mul3A_817 = arith.constant 2.000000e-01 : f32
        %mul3A_818 = vector.broadcast %mul3A_817 : f32 to vector<16xf32>
        %mul3A_819 = arith.mulf %mul3A_818, %add3A_816 : vector<16xf32>
        %max3A = arith.maximumf %add3A_816, %mul3A_819 : vector<16xf32>
        %add3A_820 = arith.addi %scan3A_805, %broadcast_in_dim3A_20 : vector<16xi32>
        %and3A_821 = arith.andi %add3A_820, %broadcast_in_dim3A_586 : vector<16xi32>
        %mul3A_822 = arith.mulf %max3A, %gather3A : vector<16xf32>
        %add3A_823 = arith.addf %scan3A_806, %mul3A_822 : vector<16xf32>
        %scan3A_824 = arith.constant 1 : i32
        %scan3A_825 = arith.addi %scan3A_804, %scan3A_824 : i32
        %mul3A_826 = arith.constant 1 : i32
        %mul3A_827 = arith.muli %scan3A_825, %mul3A_826 : i32
        %add3A_828 = arith.constant 0 : i32
        %add3A_829 = arith.addi %add3A_828, %mul3A_827 : i32
        %add3A_830 = arith.addi %broadcast_in_dim3A_706, %and3A_821 : vector<16xi32>
        %gather3A_831 = tpu.vector_load_idx %arg33[%add3A_830] : memref<128xf32, #tpu.memory_space<vmem>>[vector<16xi32>], vector<16xf32>,
        %gather3A_832 = tpu.vector_load_idx %arg13[%add3A_692, %add3A_830] : memref<32x128xf32, #tpu.memory_space<vmem>>[vector<16xi32>, vector<16xi32>], vector<16xf32>,
        %gather3A_833 = tpu.vector_load_idx %arg15[%add3A_692, %add3A_830] : memref<32x128xf32, #tpu.memory_space<vmem>>[vector<16xi32>, vector<16xi32>], vector<16xf32>,
        %gather3A_834 = tpu.vector_load_idx %arg17[%add3A_692, %add3A_830] : memref<32x128xf32, #tpu.memory_space<vmem>>[vector<16xi32>, vector<16xi32>], vector<16xf32>,
        %add3A_835 = arith.addf %gather3A_832, %gather3A_833 : vector<16xf32>
        %add3A_836 = arith.addf %add3A_835, %gather3A_834 : vector<16xf32>
        %mul3A_837 = arith.constant 2.000000e-01 : f32
        %mul3A_838 = vector.broadcast %mul3A_837 : f32 to vector<16xf32>
        %mul3A_839 = arith.mulf %mul3A_838, %add3A_836 : vector<16xf32>
        %max3A_840 = arith.maximumf %add3A_836, %mul3A_839 : vector<16xf32>
        %add3A_841 = arith.addi %and3A_821, %broadcast_in_dim3A_20 : vector<16xi32>
        %and3A_842 = arith.andi %add3A_841, %broadcast_in_dim3A_586 : vector<16xi32>
        %mul3A_843 = arith.mulf %max3A_840, %gather3A_831 : vector<16xf32>
        %add3A_844 = arith.addf %add3A_823, %mul3A_843 : vector<16xf32>
        scf.yield %and3A_842, %add3A_844 : vector<16xi32>, vector<16xf32>
      }
      %scan3A_715 = arith.constant 32 : i32
      %exp3A_716 = math.exp %scan3A_714#1 : vector<16xf32>
      %broadcast_in_dim3A_717 = arith.constant 64 : i32
      %broadcast_in_dim3A_718 = vector.broadcast %broadcast_in_dim3A_717 : i32 to vector<16xi32>
      %and3A_719 = arith.andi %iota3A, %broadcast_in_dim3A_586 : vector<16xi32>
      %broadcast_in_dim3A_720 = arith.constant 0.000000e+00 : f32
      %broadcast_in_dim3A_721 = vector.broadcast %broadcast_in_dim3A_720 : f32 to vector<16xf32>
      %scan3A_722 = arith.constant 0 : i32
      %scan3A_723 = arith.constant 32 : i32
      %scan3A_724 = arith.addi %scan3A_722, %scan3A_723 : i32
      %scan3A_725 = arith.constant 2 : i32
      %scan3A_726:2 = scf.for %scan3A_804 = %scan3A_722 to %scan3A_724 step %scan3A_725 iter_args(%scan3A_805 = %and3A_719, %scan3A_806 = %broadcast_in_dim3A_721) -> (vector<16xi32>, vector<16xf32>)  : i32 {
        %mul3A_807 = arith.constant 1 : i32
        %mul3A_808 = arith.muli %scan3A_804, %mul3A_807 : i32
        %add3A_809 = arith.constant 0 : i32
        %add3A_810 = arith.addi %add3A_809, %mul3A_808 : i32
        %add3A_811 = arith.addi %broadcast_in_dim3A_718, %scan3A_805 : vector<16xi32>
        %gather3A = tpu.vector_load_idx %arg33[%add3A_811] : memref<128xf32, #tpu.memory_space<vmem>>[vector<16xi32>], vector<16xf32>,
        %gather3A_812 = tpu.vector_load_idx %arg13[%add3A_692, %add3A_811] : memref<32x128xf32, #tpu.memory_space<vmem>>[vector<16xi32>, vector<16xi32>], vector<16xf32>,
        %gather3A_813 = tpu.vector_load_idx %arg15[%add3A_692, %add3A_811] : memref<32x128xf32, #tpu.memory_space<vmem>>[vector<16xi32>, vector<16xi32>], vector<16xf32>,
        %gather3A_814 = tpu.vector_load_idx %arg17[%add3A_692, %add3A_811] : memref<32x128xf32, #tpu.memory_space<vmem>>[vector<16xi32>, vector<16xi32>], vector<16xf32>,
        %add3A_815 = arith.addf %gather3A_812, %gather3A_813 : vector<16xf32>
        %add3A_816 = arith.addf %add3A_815, %gather3A_814 : vector<16xf32>
        %mul3A_817 = arith.constant 2.000000e-01 : f32
        %mul3A_818 = vector.broadcast %mul3A_817 : f32 to vector<16xf32>
        %mul3A_819 = arith.mulf %mul3A_818, %add3A_816 : vector<16xf32>
        %max3A = arith.maximumf %add3A_816, %mul3A_819 : vector<16xf32>
        %add3A_820 = arith.addi %scan3A_805, %broadcast_in_dim3A_20 : vector<16xi32>
        %and3A_821 = arith.andi %add3A_820, %broadcast_in_dim3A_586 : vector<16xi32>
        %mul3A_822 = arith.mulf %max3A, %gather3A : vector<16xf32>
        %add3A_823 = arith.addf %scan3A_806, %mul3A_822 : vector<16xf32>
        %scan3A_824 = arith.constant 1 : i32
        %scan3A_825 = arith.addi %scan3A_804, %scan3A_824 : i32
        %mul3A_826 = arith.constant 1 : i32
        %mul3A_827 = arith.muli %scan3A_825, %mul3A_826 : i32
        %add3A_828 = arith.constant 0 : i32
        %add3A_829 = arith.addi %add3A_828, %mul3A_827 : i32
        %add3A_830 = arith.addi %broadcast_in_dim3A_718, %and3A_821 : vector<16xi32>
        %gather3A_831 = tpu.vector_load_idx %arg33[%add3A_830] : memref<128xf32, #tpu.memory_space<vmem>>[vector<16xi32>], vector<16xf32>,
        %gather3A_832 = tpu.vector_load_idx %arg13[%add3A_692, %add3A_830] : memref<32x128xf32, #tpu.memory_space<vmem>>[vector<16xi32>, vector<16xi32>], vector<16xf32>,
        %gather3A_833 = tpu.vector_load_idx %arg15[%add3A_692, %add3A_830] : memref<32x128xf32, #tpu.memory_space<vmem>>[vector<16xi32>, vector<16xi32>], vector<16xf32>,
        %gather3A_834 = tpu.vector_load_idx %arg17[%add3A_692, %add3A_830] : memref<32x128xf32, #tpu.memory_space<vmem>>[vector<16xi32>, vector<16xi32>], vector<16xf32>,
        %add3A_835 = arith.addf %gather3A_832, %gather3A_833 : vector<16xf32>
        %add3A_836 = arith.addf %add3A_835, %gather3A_834 : vector<16xf32>
        %mul3A_837 = arith.constant 2.000000e-01 : f32
        %mul3A_838 = vector.broadcast %mul3A_837 : f32 to vector<16xf32>
        %mul3A_839 = arith.mulf %mul3A_838, %add3A_836 : vector<16xf32>
        %max3A_840 = arith.maximumf %add3A_836, %mul3A_839 : vector<16xf32>
        %add3A_841 = arith.addi %and3A_821, %broadcast_in_dim3A_20 : vector<16xi32>
        %and3A_842 = arith.andi %add3A_841, %broadcast_in_dim3A_586 : vector<16xi32>
        %mul3A_843 = arith.mulf %max3A_840, %gather3A_831 : vector<16xf32>
        %add3A_844 = arith.addf %add3A_823, %mul3A_843 : vector<16xf32>
        scf.yield %and3A_842, %add3A_844 : vector<16xi32>, vector<16xf32>
      }
      %scan3A_727 = arith.constant 32 : i32
      %exp3A_728 = math.exp %scan3A_726#1 : vector<16xf32>
      %broadcast_in_dim3A_729 = arith.constant 96 : i32
      %broadcast_in_dim3A_730 = vector.broadcast %broadcast_in_dim3A_729 : i32 to vector<16xi32>
      %and3A_731 = arith.andi %iota3A, %broadcast_in_dim3A_586 : vector<16xi32>
      %broadcast_in_dim3A_732 = arith.constant 0.000000e+00 : f32
      %broadcast_in_dim3A_733 = vector.broadcast %broadcast_in_dim3A_732 : f32 to vector<16xf32>
      %scan3A_734 = arith.constant 0 : i32
      %scan3A_735 = arith.constant 32 : i32
      %scan3A_736 = arith.addi %scan3A_734, %scan3A_735 : i32
      %scan3A_737 = arith.constant 2 : i32
      %scan3A_738:2 = scf.for %scan3A_804 = %scan3A_734 to %scan3A_736 step %scan3A_737 iter_args(%scan3A_805 = %and3A_731, %scan3A_806 = %broadcast_in_dim3A_733) -> (vector<16xi32>, vector<16xf32>)  : i32 {
        %mul3A_807 = arith.constant 1 : i32
        %mul3A_808 = arith.muli %scan3A_804, %mul3A_807 : i32
        %add3A_809 = arith.constant 0 : i32
        %add3A_810 = arith.addi %add3A_809, %mul3A_808 : i32
        %add3A_811 = arith.addi %broadcast_in_dim3A_730, %scan3A_805 : vector<16xi32>
        %gather3A = tpu.vector_load_idx %arg33[%add3A_811] : memref<128xf32, #tpu.memory_space<vmem>>[vector<16xi32>], vector<16xf32>,
        %gather3A_812 = tpu.vector_load_idx %arg13[%add3A_692, %add3A_811] : memref<32x128xf32, #tpu.memory_space<vmem>>[vector<16xi32>, vector<16xi32>], vector<16xf32>,
        %gather3A_813 = tpu.vector_load_idx %arg15[%add3A_692, %add3A_811] : memref<32x128xf32, #tpu.memory_space<vmem>>[vector<16xi32>, vector<16xi32>], vector<16xf32>,
        %gather3A_814 = tpu.vector_load_idx %arg17[%add3A_692, %add3A_811] : memref<32x128xf32, #tpu.memory_space<vmem>>[vector<16xi32>, vector<16xi32>], vector<16xf32>,
        %add3A_815 = arith.addf %gather3A_812, %gather3A_813 : vector<16xf32>
        %add3A_816 = arith.addf %add3A_815, %gather3A_814 : vector<16xf32>
        %mul3A_817 = arith.constant 2.000000e-01 : f32
        %mul3A_818 = vector.broadcast %mul3A_817 : f32 to vector<16xf32>
        %mul3A_819 = arith.mulf %mul3A_818, %add3A_816 : vector<16xf32>
        %max3A = arith.maximumf %add3A_816, %mul3A_819 : vector<16xf32>
        %add3A_820 = arith.addi %scan3A_805, %broadcast_in_dim3A_20 : vector<16xi32>
        %and3A_821 = arith.andi %add3A_820, %broadcast_in_dim3A_586 : vector<16xi32>
        %mul3A_822 = arith.mulf %max3A, %gather3A : vector<16xf32>
        %add3A_823 = arith.addf %scan3A_806, %mul3A_822 : vector<16xf32>
        %scan3A_824 = arith.constant 1 : i32
        %scan3A_825 = arith.addi %scan3A_804, %scan3A_824 : i32
        %mul3A_826 = arith.constant 1 : i32
        %mul3A_827 = arith.muli %scan3A_825, %mul3A_826 : i32
        %add3A_828 = arith.constant 0 : i32
        %add3A_829 = arith.addi %add3A_828, %mul3A_827 : i32
        %add3A_830 = arith.addi %broadcast_in_dim3A_730, %and3A_821 : vector<16xi32>
        %gather3A_831 = tpu.vector_load_idx %arg33[%add3A_830] : memref<128xf32, #tpu.memory_space<vmem>>[vector<16xi32>], vector<16xf32>,
        %gather3A_832 = tpu.vector_load_idx %arg13[%add3A_692, %add3A_830] : memref<32x128xf32, #tpu.memory_space<vmem>>[vector<16xi32>, vector<16xi32>], vector<16xf32>,
        %gather3A_833 = tpu.vector_load_idx %arg15[%add3A_692, %add3A_830] : memref<32x128xf32, #tpu.memory_space<vmem>>[vector<16xi32>, vector<16xi32>], vector<16xf32>,
        %gather3A_834 = tpu.vector_load_idx %arg17[%add3A_692, %add3A_830] : memref<32x128xf32, #tpu.memory_space<vmem>>[vector<16xi32>, vector<16xi32>], vector<16xf32>,
        %add3A_835 = arith.addf %gather3A_832, %gather3A_833 : vector<16xf32>
        %add3A_836 = arith.addf %add3A_835, %gather3A_834 : vector<16xf32>
        %mul3A_837 = arith.constant 2.000000e-01 : f32
        %mul3A_838 = vector.broadcast %mul3A_837 : f32 to vector<16xf32>
        %mul3A_839 = arith.mulf %mul3A_838, %add3A_836 : vector<16xf32>
        %max3A_840 = arith.maximumf %add3A_836, %mul3A_839 : vector<16xf32>
        %add3A_841 = arith.addi %and3A_821, %broadcast_in_dim3A_20 : vector<16xi32>
        %and3A_842 = arith.andi %add3A_841, %broadcast_in_dim3A_586 : vector<16xi32>
        %mul3A_843 = arith.mulf %max3A_840, %gather3A_831 : vector<16xf32>
        %add3A_844 = arith.addf %add3A_823, %mul3A_843 : vector<16xf32>
        scf.yield %and3A_842, %add3A_844 : vector<16xi32>, vector<16xf32>
      }
      %scan3A_739 = arith.constant 32 : i32
      %exp3A_740 = math.exp %scan3A_738#1 : vector<16xf32>
      %get3A_741 = arith.constant 16 : index
      %get3A_742 = tpu.vector_load %arg23[%get3A_741] {strides = array<i32>} : memref<32xi32, #tpu.memory_space<vmem>>, vector<16xi32>,
      %and3A_743 = arith.constant 31 : i32
      %and3A_744 = vector.broadcast %and3A_743 : i32 to vector<16xi32>
      %and3A_745 = arith.andi %get3A_742, %and3A_744 : vector<16xi32>
      %mul3A_746 = arith.constant 4 : i32
      %mul3A_747 = vector.broadcast %mul3A_746 : i32 to vector<16xi32>
      %mul3A_748 = arith.muli %and3A_745, %mul3A_747 : vector<16xi32>
      %swap3A_749 = arith.constant 1 : i32
      %swap3A_750 = arith.index_cast %swap3A_749 : i32 to index
      %swap3A_751 = arith.constant 0 : index
      %swap3A_752 = tpu.vector_load %arg29[%swap3A_750, %swap3A_751] {strides = array<i32>} : memref<2x16xi32, #tpu.memory_space<vmem>>, vector<16xi32>,
      tpu.vector_store %arg29[%swap3A_750, %swap3A_751], %mul3A_748 {strides = array<i32>} : memref<2x16xi32, #tpu.memory_space<vmem>>, vector<16xi32>,
      %add3A_753 = arith.addi %mul3A_748, %broadcast_in_dim3A_22 : vector<16xi32>
      tpu.vector_store_idx %arg19[%add3A_692, %add3A_753], %exp3A_704 : memref<32x128xf32, #tpu.memory_space<vmem>>[vector<16xi32>, vector<16xi32>], vector<16xf32>,
      %add3A_754 = arith.addi %mul3A_748, %broadcast_in_dim3A_24 : vector<16xi32>
      tpu.vector_store_idx %arg19[%add3A_692, %add3A_754], %exp3A_716 : memref<32x128xf32, #tpu.memory_space<vmem>>[vector<16xi32>, vector<16xi32>], vector<16xf32>,
      %add3A_755 = arith.addi %mul3A_748, %broadcast_in_dim3A_26 : vector<16xi32>
      tpu.vector_store_idx %arg19[%add3A_692, %add3A_755], %exp3A_728 : memref<32x128xf32, #tpu.memory_space<vmem>>[vector<16xi32>, vector<16xi32>], vector<16xf32>,
      %add3A_756 = arith.addi %mul3A_748, %broadcast_in_dim3A_28 : vector<16xi32>
      tpu.vector_store_idx %arg19[%add3A_692, %add3A_756], %exp3A_740 : memref<32x128xf32, #tpu.memory_space<vmem>>[vector<16xi32>, vector<16xi32>], vector<16xf32>,
      %broadcast_in_dim3A_757 = arith.constant 0 : i32
      %broadcast_in_dim3A_758 = vector.broadcast %broadcast_in_dim3A_757 : i32 to vector<16xi32>
      %and3A_759 = arith.andi %iota3A, %broadcast_in_dim3A_586 : vector<16xi32>
      %scan3A_760 = arith.constant 0 : i32
      %scan3A_761 = arith.constant 32 : i32
      %scan3A_762 = arith.addi %scan3A_760, %scan3A_761 : i32
      %scan3A_763 = arith.constant 2 : i32
      %scan3A_764 = scf.for %scan3A_804 = %scan3A_760 to %scan3A_762 step %scan3A_763 iter_args(%scan3A_805 = %and3A_759) -> (vector<16xi32>)  : i32 {
        %mul3A_806 = arith.constant 1 : i32
        %mul3A_807 = arith.muli %scan3A_804, %mul3A_806 : i32
        %add3A_808 = arith.constant 0 : i32
        %add3A_809 = arith.addi %add3A_808, %mul3A_807 : i32
        %add3A_810 = arith.addi %broadcast_in_dim3A_758, %scan3A_805 : vector<16xi32>
        %gather3A = tpu.vector_load_idx %arg13[%add3A_692, %add3A_810] : memref<32x128xf32, #tpu.memory_space<vmem>>[vector<16xi32>, vector<16xi32>], vector<16xf32>,
        %mul3A_811 = arith.mulf %gather3A, %exp3A_704 : vector<16xf32>
        tpu.vector_store_idx %arg13[%add3A_692, %add3A_810], %mul3A_811 : memref<32x128xf32, #tpu.memory_space<vmem>>[vector<16xi32>, vector<16xi32>], vector<16xf32>,
        %add3A_812 = arith.addi %scan3A_805, %broadcast_in_dim3A_20 : vector<16xi32>
        %and3A_813 = arith.andi %add3A_812, %broadcast_in_dim3A_586 : vector<16xi32>
        %scan3A_814 = arith.constant 1 : i32
        %scan3A_815 = arith.addi %scan3A_804, %scan3A_814 : i32
        %mul3A_816 = arith.constant 1 : i32
        %mul3A_817 = arith.muli %scan3A_815, %mul3A_816 : i32
        %add3A_818 = arith.constant 0 : i32
        %add3A_819 = arith.addi %add3A_818, %mul3A_817 : i32
        %add3A_820 = arith.addi %broadcast_in_dim3A_758, %and3A_813 : vector<16xi32>
        %gather3A_821 = tpu.vector_load_idx %arg13[%add3A_692, %add3A_820] : memref<32x128xf32, #tpu.memory_space<vmem>>[vector<16xi32>, vector<16xi32>], vector<16xf32>,
        %mul3A_822 = arith.mulf %gather3A_821, %exp3A_704 : vector<16xf32>
        tpu.vector_store_idx %arg13[%add3A_692, %add3A_820], %mul3A_822 : memref<32x128xf32, #tpu.memory_space<vmem>>[vector<16xi32>, vector<16xi32>], vector<16xf32>,
        %add3A_823 = arith.addi %and3A_813, %broadcast_in_dim3A_20 : vector<16xi32>
        %and3A_824 = arith.andi %add3A_823, %broadcast_in_dim3A_586 : vector<16xi32>
        scf.yield %and3A_824 : vector<16xi32>
      }
      %scan3A_765 = arith.constant 32 : i32
      %broadcast_in_dim3A_766 = arith.constant 32 : i32
      %broadcast_in_dim3A_767 = vector.broadcast %broadcast_in_dim3A_766 : i32 to vector<16xi32>
      %and3A_768 = arith.andi %iota3A, %broadcast_in_dim3A_586 : vector<16xi32>
      %scan3A_769 = arith.constant 0 : i32
      %scan3A_770 = arith.constant 32 : i32
      %scan3A_771 = arith.addi %scan3A_769, %scan3A_770 : i32
      %scan3A_772 = arith.constant 2 : i32
      %scan3A_773 = scf.for %scan3A_804 = %scan3A_769 to %scan3A_771 step %scan3A_772 iter_args(%scan3A_805 = %and3A_768) -> (vector<16xi32>)  : i32 {
        %mul3A_806 = arith.constant 1 : i32
        %mul3A_807 = arith.muli %scan3A_804, %mul3A_806 : i32
        %add3A_808 = arith.constant 0 : i32
        %add3A_809 = arith.addi %add3A_808, %mul3A_807 : i32
        %add3A_810 = arith.addi %broadcast_in_dim3A_767, %scan3A_805 : vector<16xi32>
        %gather3A = tpu.vector_load_idx %arg13[%add3A_692, %add3A_810] : memref<32x128xf32, #tpu.memory_space<vmem>>[vector<16xi32>, vector<16xi32>], vector<16xf32>,
        %mul3A_811 = arith.mulf %gather3A, %exp3A_716 : vector<16xf32>
        tpu.vector_store_idx %arg13[%add3A_692, %add3A_810], %mul3A_811 : memref<32x128xf32, #tpu.memory_space<vmem>>[vector<16xi32>, vector<16xi32>], vector<16xf32>,
        %add3A_812 = arith.addi %scan3A_805, %broadcast_in_dim3A_20 : vector<16xi32>
        %and3A_813 = arith.andi %add3A_812, %broadcast_in_dim3A_586 : vector<16xi32>
        %scan3A_814 = arith.constant 1 : i32
        %scan3A_815 = arith.addi %scan3A_804, %scan3A_814 : i32
        %mul3A_816 = arith.constant 1 : i32
        %mul3A_817 = arith.muli %scan3A_815, %mul3A_816 : i32
        %add3A_818 = arith.constant 0 : i32
        %add3A_819 = arith.addi %add3A_818, %mul3A_817 : i32
        %add3A_820 = arith.addi %broadcast_in_dim3A_767, %and3A_813 : vector<16xi32>
        %gather3A_821 = tpu.vector_load_idx %arg13[%add3A_692, %add3A_820] : memref<32x128xf32, #tpu.memory_space<vmem>>[vector<16xi32>, vector<16xi32>], vector<16xf32>,
        %mul3A_822 = arith.mulf %gather3A_821, %exp3A_716 : vector<16xf32>
        tpu.vector_store_idx %arg13[%add3A_692, %add3A_820], %mul3A_822 : memref<32x128xf32, #tpu.memory_space<vmem>>[vector<16xi32>, vector<16xi32>], vector<16xf32>,
        %add3A_823 = arith.addi %and3A_813, %broadcast_in_dim3A_20 : vector<16xi32>
        %and3A_824 = arith.andi %add3A_823, %broadcast_in_dim3A_586 : vector<16xi32>
        scf.yield %and3A_824 : vector<16xi32>
      }
      %scan3A_774 = arith.constant 32 : i32
      %broadcast_in_dim3A_775 = arith.constant 64 : i32
      %broadcast_in_dim3A_776 = vector.broadcast %broadcast_in_dim3A_775 : i32 to vector<16xi32>
      %and3A_777 = arith.andi %iota3A, %broadcast_in_dim3A_586 : vector<16xi32>
      %scan3A_778 = arith.constant 0 : i32
      %scan3A_779 = arith.constant 32 : i32
      %scan3A_780 = arith.addi %scan3A_778, %scan3A_779 : i32
      %scan3A_781 = arith.constant 2 : i32
      %scan3A_782 = scf.for %scan3A_804 = %scan3A_778 to %scan3A_780 step %scan3A_781 iter_args(%scan3A_805 = %and3A_777) -> (vector<16xi32>)  : i32 {
        %mul3A_806 = arith.constant 1 : i32
        %mul3A_807 = arith.muli %scan3A_804, %mul3A_806 : i32
        %add3A_808 = arith.constant 0 : i32
        %add3A_809 = arith.addi %add3A_808, %mul3A_807 : i32
        %add3A_810 = arith.addi %broadcast_in_dim3A_776, %scan3A_805 : vector<16xi32>
        %gather3A = tpu.vector_load_idx %arg13[%add3A_692, %add3A_810] : memref<32x128xf32, #tpu.memory_space<vmem>>[vector<16xi32>, vector<16xi32>], vector<16xf32>,
        %mul3A_811 = arith.mulf %gather3A, %exp3A_728 : vector<16xf32>
        tpu.vector_store_idx %arg13[%add3A_692, %add3A_810], %mul3A_811 : memref<32x128xf32, #tpu.memory_space<vmem>>[vector<16xi32>, vector<16xi32>], vector<16xf32>,
        %add3A_812 = arith.addi %scan3A_805, %broadcast_in_dim3A_20 : vector<16xi32>
        %and3A_813 = arith.andi %add3A_812, %broadcast_in_dim3A_586 : vector<16xi32>
        %scan3A_814 = arith.constant 1 : i32
        %scan3A_815 = arith.addi %scan3A_804, %scan3A_814 : i32
        %mul3A_816 = arith.constant 1 : i32
        %mul3A_817 = arith.muli %scan3A_815, %mul3A_816 : i32
        %add3A_818 = arith.constant 0 : i32
        %add3A_819 = arith.addi %add3A_818, %mul3A_817 : i32
        %add3A_820 = arith.addi %broadcast_in_dim3A_776, %and3A_813 : vector<16xi32>
        %gather3A_821 = tpu.vector_load_idx %arg13[%add3A_692, %add3A_820] : memref<32x128xf32, #tpu.memory_space<vmem>>[vector<16xi32>, vector<16xi32>], vector<16xf32>,
        %mul3A_822 = arith.mulf %gather3A_821, %exp3A_728 : vector<16xf32>
        tpu.vector_store_idx %arg13[%add3A_692, %add3A_820], %mul3A_822 : memref<32x128xf32, #tpu.memory_space<vmem>>[vector<16xi32>, vector<16xi32>], vector<16xf32>,
        %add3A_823 = arith.addi %and3A_813, %broadcast_in_dim3A_20 : vector<16xi32>
        %and3A_824 = arith.andi %add3A_823, %broadcast_in_dim3A_586 : vector<16xi32>
        scf.yield %and3A_824 : vector<16xi32>
      }
      %scan3A_783 = arith.constant 32 : i32
      %broadcast_in_dim3A_784 = arith.constant 96 : i32
      %broadcast_in_dim3A_785 = vector.broadcast %broadcast_in_dim3A_784 : i32 to vector<16xi32>
      %and3A_786 = arith.andi %iota3A, %broadcast_in_dim3A_586 : vector<16xi32>
      %scan3A_787 = arith.constant 0 : i32
      %scan3A_788 = arith.constant 32 : i32
      %scan3A_789 = arith.addi %scan3A_787, %scan3A_788 : i32
      %scan3A_790 = arith.constant 2 : i32
      %scan3A_791 = scf.for %scan3A_804 = %scan3A_787 to %scan3A_789 step %scan3A_790 iter_args(%scan3A_805 = %and3A_786) -> (vector<16xi32>)  : i32 {
        %mul3A_806 = arith.constant 1 : i32
        %mul3A_807 = arith.muli %scan3A_804, %mul3A_806 : i32
        %add3A_808 = arith.constant 0 : i32
        %add3A_809 = arith.addi %add3A_808, %mul3A_807 : i32
        %add3A_810 = arith.addi %broadcast_in_dim3A_785, %scan3A_805 : vector<16xi32>
        %gather3A = tpu.vector_load_idx %arg13[%add3A_692, %add3A_810] : memref<32x128xf32, #tpu.memory_space<vmem>>[vector<16xi32>, vector<16xi32>], vector<16xf32>,
        %mul3A_811 = arith.mulf %gather3A, %exp3A_740 : vector<16xf32>
        tpu.vector_store_idx %arg13[%add3A_692, %add3A_810], %mul3A_811 : memref<32x128xf32, #tpu.memory_space<vmem>>[vector<16xi32>, vector<16xi32>], vector<16xf32>,
        %add3A_812 = arith.addi %scan3A_805, %broadcast_in_dim3A_20 : vector<16xi32>
        %and3A_813 = arith.andi %add3A_812, %broadcast_in_dim3A_586 : vector<16xi32>
        %scan3A_814 = arith.constant 1 : i32
        %scan3A_815 = arith.addi %scan3A_804, %scan3A_814 : i32
        %mul3A_816 = arith.constant 1 : i32
        %mul3A_817 = arith.muli %scan3A_815, %mul3A_816 : i32
        %add3A_818 = arith.constant 0 : i32
        %add3A_819 = arith.addi %add3A_818, %mul3A_817 : i32
        %add3A_820 = arith.addi %broadcast_in_dim3A_785, %and3A_813 : vector<16xi32>
        %gather3A_821 = tpu.vector_load_idx %arg13[%add3A_692, %add3A_820] : memref<32x128xf32, #tpu.memory_space<vmem>>[vector<16xi32>, vector<16xi32>], vector<16xf32>,
        %mul3A_822 = arith.mulf %gather3A_821, %exp3A_740 : vector<16xf32>
        tpu.vector_store_idx %arg13[%add3A_692, %add3A_820], %mul3A_822 : memref<32x128xf32, #tpu.memory_space<vmem>>[vector<16xi32>, vector<16xi32>], vector<16xf32>,
        %add3A_823 = arith.addi %and3A_813, %broadcast_in_dim3A_20 : vector<16xi32>
        %and3A_824 = arith.andi %add3A_823, %broadcast_in_dim3A_586 : vector<16xi32>
        scf.yield %and3A_824 : vector<16xi32>
      }
      %scan3A_792 = arith.constant 32 : i32
      %lt3A_793 = arith.constant 155 : i32
      %lt3A_794 = arith.cmpi slt, %add3A_234, %lt3A_793 : i32
      %convert_element_type3A_795 = arith.extui %lt3A_794 : i1 to i32
      %cond3A_796 = arith.constant 0 : i32
      %cond3A_797 = arith.cmpi ne, %convert_element_type3A_795, %cond3A_796 : i32
      scf.if %cond3A_797 {
        %add3A_804 = arith.constant 2 : i32
        %add3A_805 = arith.addi %add3A_520, %add3A_804 : i32
        %mul3A_806 = arith.constant 32 : i32
        %mul3A_807 = arith.muli %add3A_805, %mul3A_806 : i32
        %add3A_808 = arith.addi %mul3A_30, %mul3A_807 : i32
        %dma_start3A_809 = tpu.memref_slice %arg5[%add3A_808] : memref<320000xi32, #tpu.memory_space<hbm>> -> memref<32xi32, #tpu.memory_space<hbm>>
        %dma_start3A_810 = tpu.memref_slice %arg5[%add3A_808] : memref<320000xi32, #tpu.memory_space<hbm>> -> memref<32xi32, #tpu.memory_space<hbm>>
        tpu.enqueue_dma source(%dma_start3A_810 : memref<32xi32, #tpu.memory_space<hbm>>) target(%arg21 : memref<32xi32, #tpu.memory_space<vmem>>) target_semaphore(%arg37 : memref<!tpu.dma_semaphore, #tpu.memory_space<semaphore_mem>>)
        %dma_start3A_811 = tpu.memref_slice %arg6[%add3A_808] : memref<320000xi32, #tpu.memory_space<hbm>> -> memref<32xi32, #tpu.memory_space<hbm>>
        %dma_start3A_812 = tpu.memref_slice %arg6[%add3A_808] : memref<320000xi32, #tpu.memory_space<hbm>> -> memref<32xi32, #tpu.memory_space<hbm>>
        tpu.enqueue_dma source(%dma_start3A_812 : memref<32xi32, #tpu.memory_space<hbm>>) target(%arg23 : memref<32xi32, #tpu.memory_space<vmem>>) target_semaphore(%arg37 : memref<!tpu.dma_semaphore, #tpu.memory_space<semaphore_mem>>)
      } else {
      }
      %dma_start3A_798 = arith.constant 0 : i32
      %dma_start3A_799 = arith.constant 0 : i32
      %dma_start3A_800 = tpu.memref_slice %arg34[%dma_start3A_798, %dma_start3A_799] : memref<10000x128xf32, #tpu.memory_space<vmem_shared>> -> memref<10000x128xf32, #tpu.memory_space<vmem_shared>>
      tpu.enqueue_indirect_dma source(%arg13 : memref<32x128xf32, #tpu.memory_space<vmem>>) target(%dma_start3A_800 : memref<10000x128xf32, #tpu.memory_space<vmem_shared>>) offsets(%arg25 : memref<32xi32, #tpu.memory_space<vmem>>) semaphore(%arg41 : memref<!tpu.dma_semaphore, #tpu.memory_space<semaphore_mem>>) {add = true}
      %dma_start3A_801 = arith.constant 0 : i32
      %dma_start3A_802 = arith.constant 0 : i32
      %dma_start3A_803 = tpu.memref_slice %arg35[%dma_start3A_801, %dma_start3A_802] : memref<320x128xf32, #tpu.memory_space<vmem_shared>> -> memref<320x128xf32, #tpu.memory_space<vmem_shared>>
      tpu.enqueue_indirect_dma source(%arg19 : memref<32x128xf32, #tpu.memory_space<vmem>>) target(%dma_start3A_803 : memref<320x128xf32, #tpu.memory_space<vmem_shared>>) offsets(%arg27 : memref<32xi32, #tpu.memory_space<vmem>>) semaphore(%arg41 : memref<!tpu.dma_semaphore, #tpu.memory_space<semaphore_mem>>) {add = true}
    }
    %scan3A_63 = arith.constant 156 : i32
    %dma_wait3A_64 = arith.constant 0 : i32
    %dma_wait3A_65 = arith.constant 0 : i32
    %dma_wait3A_66 = tpu.memref_slice %arg34[%dma_wait3A_64, %dma_wait3A_65] : memref<10000x128xf32, #tpu.memory_space<vmem_shared>> -> memref<10000x128xf32, #tpu.memory_space<vmem_shared>>
    tpu.wait_indirect_dma semaphore(%arg41 : memref<!tpu.dma_semaphore, #tpu.memory_space<semaphore_mem>>) src(%arg13 : memref<32x128xf32, #tpu.memory_space<vmem>>) dst(%dma_wait3A_66 : memref<10000x128xf32, #tpu.memory_space<vmem_shared>>)
    %dma_wait3A_67 = arith.constant 0 : i32
    %dma_wait3A_68 = arith.constant 0 : i32
    %dma_wait3A_69 = tpu.memref_slice %arg35[%dma_wait3A_67, %dma_wait3A_68] : memref<320x128xf32, #tpu.memory_space<vmem_shared>> -> memref<320x128xf32, #tpu.memory_space<vmem_shared>>
    tpu.wait_indirect_dma semaphore(%arg41 : memref<!tpu.dma_semaphore, #tpu.memory_space<semaphore_mem>>) src(%arg19 : memref<32x128xf32, #tpu.memory_space<vmem>>) dst(%dma_wait3A_69 : memref<320x128xf32, #tpu.memory_space<vmem_shared>>)
    %add3A_70 = arith.constant 9984 : i32
    %add3A_71 = arith.addi %mul3A_30, %add3A_70 : i32
    "tpu.region"() ({
      %run_scoped3A = tpu.sem_alloc : memref<!tpu.dma_semaphore, #tpu.memory_space<semaphore_mem>>
      %dma_start3A_230 = tpu.memref_slice %arg5[%add3A_71] : memref<320000xi32, #tpu.memory_space<hbm>> -> memref<16xi32, #tpu.memory_space<hbm>>
      %dma_start3A_231 = tpu.memref_slice %arg5[%add3A_71] : memref<320000xi32, #tpu.memory_space<hbm>> -> memref<16xi32, #tpu.memory_space<hbm>>
      tpu.enqueue_dma source(%dma_start3A_231 : memref<16xi32, #tpu.memory_space<hbm>>) target(%arg30 : memref<16xi32, #tpu.memory_space<vmem>>) target_semaphore(%run_scoped3A : memref<!tpu.dma_semaphore, #tpu.memory_space<semaphore_mem>>)
      %dma_wait3A_232 = tpu.memref_slice %arg5[%add3A_71] : memref<320000xi32, #tpu.memory_space<hbm>> -> memref<16xi32, #tpu.memory_space<hbm>>
      %dma_wait3A_233 = tpu.memref_slice %arg5[%add3A_71] : memref<320000xi32, #tpu.memory_space<hbm>> -> memref<16xi32, #tpu.memory_space<hbm>>
      tpu.wait_dma2 semaphore(%run_scoped3A : memref<!tpu.dma_semaphore, #tpu.memory_space<semaphore_mem>>) src(%dma_wait3A_233 : memref<16xi32, #tpu.memory_space<hbm>>) dst(%arg30 : memref<16xi32, #tpu.memory_space<vmem>>)
      tpu.yield
    }) : () -> ()
    "tpu.region"() ({
      %run_scoped3A = tpu.sem_alloc : memref<!tpu.dma_semaphore, #tpu.memory_space<semaphore_mem>>
      %dma_start3A_230 = tpu.memref_slice %arg6[%add3A_71] : memref<320000xi32, #tpu.memory_space<hbm>> -> memref<16xi32, #tpu.memory_space<hbm>>
      %dma_start3A_231 = tpu.memref_slice %arg6[%add3A_71] : memref<320000xi32, #tpu.memory_space<hbm>> -> memref<16xi32, #tpu.memory_space<hbm>>
      tpu.enqueue_dma source(%dma_start3A_231 : memref<16xi32, #tpu.memory_space<hbm>>) target(%arg31 : memref<16xi32, #tpu.memory_space<vmem>>) target_semaphore(%run_scoped3A : memref<!tpu.dma_semaphore, #tpu.memory_space<semaphore_mem>>)
      %dma_wait3A_232 = tpu.memref_slice %arg6[%add3A_71] : memref<320000xi32, #tpu.memory_space<hbm>> -> memref<16xi32, #tpu.memory_space<hbm>>
      %dma_wait3A_233 = tpu.memref_slice %arg6[%add3A_71] : memref<320000xi32, #tpu.memory_space<hbm>> -> memref<16xi32, #tpu.memory_space<hbm>>
      tpu.wait_dma2 semaphore(%run_scoped3A : memref<!tpu.dma_semaphore, #tpu.memory_space<semaphore_mem>>) src(%dma_wait3A_233 : memref<16xi32, #tpu.memory_space<hbm>>) dst(%arg31 : memref<16xi32, #tpu.memory_space<vmem>>)
      tpu.yield
    }) : () -> ()
    %dma_start3A_72 = arith.constant 0 : i32
    %dma_start3A_73 = arith.constant 0 : i32
    %dma_start3A_74 = tpu.memref_slice %arg12[%dma_start3A_72, %dma_start3A_73] : memref<32x128xf32, #tpu.memory_space<vmem>> -> memref<16x128xf32, #tpu.memory_space<vmem>>
    %dma_start3A_75 = arith.constant 0 : i32
    %dma_start3A_76 = arith.constant 0 : i32
    %dma_start3A_77 = tpu.memref_slice %arg2[%dma_start3A_75, %dma_start3A_76] : memref<10000x128xf32, #tpu.memory_space<hbm>> -> memref<10000x128xf32, #tpu.memory_space<hbm>>
    tpu.enqueue_indirect_dma source(%dma_start3A_77 : memref<10000x128xf32, #tpu.memory_space<hbm>>) target(%dma_start3A_74 : memref<16x128xf32, #tpu.memory_space<vmem>>) offsets(%arg30 : memref<16xi32, #tpu.memory_space<vmem>>) semaphore(%arg38 : memref<!tpu.dma_semaphore, #tpu.memory_space<semaphore_mem>>)
    %dma_start3A_78 = arith.constant 0 : i32
    %dma_start3A_79 = arith.constant 0 : i32
    %dma_start3A_80 = tpu.memref_slice %arg14[%dma_start3A_78, %dma_start3A_79] : memref<32x128xf32, #tpu.memory_space<vmem>> -> memref<16x128xf32, #tpu.memory_space<vmem>>
    %dma_start3A_81 = arith.constant 0 : i32
    %dma_start3A_82 = arith.constant 0 : i32
    %dma_start3A_83 = tpu.memref_slice %arg3[%dma_start3A_81, %dma_start3A_82] : memref<10000x128xf32, #tpu.memory_space<hbm>> -> memref<10000x128xf32, #tpu.memory_space<hbm>>
    tpu.enqueue_indirect_dma source(%dma_start3A_83 : memref<10000x128xf32, #tpu.memory_space<hbm>>) target(%dma_start3A_80 : memref<16x128xf32, #tpu.memory_space<vmem>>) offsets(%arg31 : memref<16xi32, #tpu.memory_space<vmem>>) semaphore(%arg38 : memref<!tpu.dma_semaphore, #tpu.memory_space<semaphore_mem>>)
    "tpu.region"() ({
      %run_scoped3A = tpu.sem_alloc : memref<!tpu.dma_semaphore, #tpu.memory_space<semaphore_mem>>
      %dma_start3A_230 = arith.constant 0 : i32
      %dma_start3A_231 = arith.constant 0 : i32
      %dma_start3A_232 = tpu.memref_slice %arg16[%dma_start3A_230, %dma_start3A_231] : memref<32x128xf32, #tpu.memory_space<vmem>> -> memref<16x128xf32, #tpu.memory_space<vmem>>
      %dma_start3A_233 = arith.constant 0 : i32
      %dma_start3A_234 = tpu.memref_slice %arg4[%add3A_71, %dma_start3A_233] : memref<320000x128xf32, #tpu.memory_space<hbm>> -> memref<16x128xf32, #tpu.memory_space<hbm>>
      %dma_start3A_235 = arith.constant 0 : i32
      %dma_start3A_236 = arith.constant 0 : i32
      %dma_start3A_237 = tpu.memref_slice %arg16[%dma_start3A_235, %dma_start3A_236] : memref<32x128xf32, #tpu.memory_space<vmem>> -> memref<16x128xf32, #tpu.memory_space<vmem>>
      %dma_start3A_238 = arith.constant 0 : i32
      %dma_start3A_239 = tpu.memref_slice %arg4[%add3A_71, %dma_start3A_238] : memref<320000x128xf32, #tpu.memory_space<hbm>> -> memref<16x128xf32, #tpu.memory_space<hbm>>
      tpu.enqueue_dma source(%dma_start3A_239 : memref<16x128xf32, #tpu.memory_space<hbm>>) target(%dma_start3A_237 : memref<16x128xf32, #tpu.memory_space<vmem>>) target_semaphore(%run_scoped3A : memref<!tpu.dma_semaphore, #tpu.memory_space<semaphore_mem>>)
      %dma_wait3A_240 = arith.constant 0 : i32
      %dma_wait3A_241 = arith.constant 0 : i32
      %dma_wait3A_242 = tpu.memref_slice %arg16[%dma_wait3A_240, %dma_wait3A_241] : memref<32x128xf32, #tpu.memory_space<vmem>> -> memref<16x128xf32, #tpu.memory_space<vmem>>
      %dma_wait3A_243 = arith.constant 0 : i32
      %dma_wait3A_244 = tpu.memref_slice %arg4[%add3A_71, %dma_wait3A_243] : memref<320000x128xf32, #tpu.memory_space<hbm>> -> memref<16x128xf32, #tpu.memory_space<hbm>>
      %dma_wait3A_245 = arith.constant 0 : i32
      %dma_wait3A_246 = arith.constant 0 : i32
      %dma_wait3A_247 = tpu.memref_slice %arg16[%dma_wait3A_245, %dma_wait3A_246] : memref<32x128xf32, #tpu.memory_space<vmem>> -> memref<16x128xf32, #tpu.memory_space<vmem>>
      %dma_wait3A_248 = arith.constant 0 : i32
      %dma_wait3A_249 = tpu.memref_slice %arg4[%add3A_71, %dma_wait3A_248] : memref<320000x128xf32, #tpu.memory_space<hbm>> -> memref<16x128xf32, #tpu.memory_space<hbm>>
      tpu.wait_dma2 semaphore(%run_scoped3A : memref<!tpu.dma_semaphore, #tpu.memory_space<semaphore_mem>>) src(%dma_wait3A_249 : memref<16x128xf32, #tpu.memory_space<hbm>>) dst(%dma_wait3A_247 : memref<16x128xf32, #tpu.memory_space<vmem>>)
      tpu.yield
    }) : () -> ()
    %get3A = arith.constant 0 : index
    %get3A_84 = tpu.vector_load %arg31[%get3A] {strides = array<i32>} : memref<16xi32, #tpu.memory_space<vmem>>, vector<16xi32>,
    %shift_right_logical3A = arith.constant 5 : i32
    %shift_right_logical3A_85 = vector.broadcast %shift_right_logical3A : i32 to vector<16xi32>
    %shift_right_logical3A_86 = arith.shrui %get3A_84, %shift_right_logical3A_85 : vector<16xi32>
    %swap3A = arith.constant 0 : index
    %swap3A_87 = tpu.vector_load %arg32[%swap3A] {strides = array<i32>} : memref<16xi32, #tpu.memory_space<vmem>>, vector<16xi32>,
    tpu.vector_store %arg32[%swap3A], %shift_right_logical3A_86 {strides = array<i32>} : memref<16xi32, #tpu.memory_space<vmem>>, vector<16xi32>,
    %dma_wait3A_88 = arith.constant 0 : i32
    %dma_wait3A_89 = arith.constant 0 : i32
    %dma_wait3A_90 = tpu.memref_slice %arg12[%dma_wait3A_88, %dma_wait3A_89] : memref<32x128xf32, #tpu.memory_space<vmem>> -> memref<16x128xf32, #tpu.memory_space<vmem>>
    %dma_wait3A_91 = arith.constant 0 : i32
    %dma_wait3A_92 = arith.constant 0 : i32
    %dma_wait3A_93 = tpu.memref_slice %arg2[%dma_wait3A_91, %dma_wait3A_92] : memref<10000x128xf32, #tpu.memory_space<hbm>> -> memref<10000x128xf32, #tpu.memory_space<hbm>>
    tpu.wait_indirect_dma semaphore(%arg38 : memref<!tpu.dma_semaphore, #tpu.memory_space<semaphore_mem>>) src(%dma_wait3A_93 : memref<10000x128xf32, #tpu.memory_space<hbm>>) dst(%dma_wait3A_90 : memref<16x128xf32, #tpu.memory_space<vmem>>)
    %dma_wait3A_94 = arith.constant 0 : i32
    %dma_wait3A_95 = arith.constant 0 : i32
    %dma_wait3A_96 = tpu.memref_slice %arg14[%dma_wait3A_94, %dma_wait3A_95] : memref<32x128xf32, #tpu.memory_space<vmem>> -> memref<16x128xf32, #tpu.memory_space<vmem>>
    %dma_wait3A_97 = arith.constant 0 : i32
    %dma_wait3A_98 = arith.constant 0 : i32
    %dma_wait3A_99 = tpu.memref_slice %arg3[%dma_wait3A_97, %dma_wait3A_98] : memref<10000x128xf32, #tpu.memory_space<hbm>> -> memref<10000x128xf32, #tpu.memory_space<hbm>>
    tpu.wait_indirect_dma semaphore(%arg38 : memref<!tpu.dma_semaphore, #tpu.memory_space<semaphore_mem>>) src(%dma_wait3A_99 : memref<10000x128xf32, #tpu.memory_space<hbm>>) dst(%dma_wait3A_96 : memref<16x128xf32, #tpu.memory_space<vmem>>)
    %broadcast_in_dim3A_100 = arith.constant 31 : i32
    %broadcast_in_dim3A_101 = vector.broadcast %broadcast_in_dim3A_100 : i32 to vector<16xi32>
    %broadcast_in_dim3A_102 = arith.constant 0 : i32
    %broadcast_in_dim3A_103 = vector.broadcast %broadcast_in_dim3A_102 : i32 to vector<16xi32>
    %add3A_104 = arith.addi %broadcast_in_dim3A_103, %iota3A : vector<16xi32>
    %broadcast_in_dim3A_105 = arith.constant 0 : i32
    %broadcast_in_dim3A_106 = vector.broadcast %broadcast_in_dim3A_105 : i32 to vector<16xi32>
    %and3A = arith.andi %iota3A, %broadcast_in_dim3A_101 : vector<16xi32>
    %broadcast_in_dim3A_107 = arith.constant 0.000000e+00 : f32
    %broadcast_in_dim3A_108 = vector.broadcast %broadcast_in_dim3A_107 : f32 to vector<16xf32>
    %scan3A_109 = arith.constant 0 : i32
    %scan3A_110 = arith.constant 32 : i32
    %scan3A_111 = arith.addi %scan3A_109, %scan3A_110 : i32
    %scan3A_112 = arith.constant 2 : i32
    %scan3A_113:2 = scf.for %scan3A_230 = %scan3A_109 to %scan3A_111 step %scan3A_112 iter_args(%scan3A_231 = %and3A, %scan3A_232 = %broadcast_in_dim3A_108) -> (vector<16xi32>, vector<16xf32>)  : i32 {
      %mul3A_233 = arith.constant 1 : i32
      %mul3A_234 = arith.muli %scan3A_230, %mul3A_233 : i32
      %add3A_235 = arith.constant 0 : i32
      %add3A_236 = arith.addi %add3A_235, %mul3A_234 : i32
      %add3A_237 = arith.addi %broadcast_in_dim3A_106, %scan3A_231 : vector<16xi32>
      %gather3A = tpu.vector_load_idx %arg33[%add3A_237] : memref<128xf32, #tpu.memory_space<vmem>>[vector<16xi32>], vector<16xf32>,
      %gather3A_238 = tpu.vector_load_idx %arg12[%add3A_104, %add3A_237] : memref<32x128xf32, #tpu.memory_space<vmem>>[vector<16xi32>, vector<16xi32>], vector<16xf32>,
      %gather3A_239 = tpu.vector_load_idx %arg14[%add3A_104, %add3A_237] : memref<32x128xf32, #tpu.memory_space<vmem>>[vector<16xi32>, vector<16xi32>], vector<16xf32>,
      %gather3A_240 = tpu.vector_load_idx %arg16[%add3A_104, %add3A_237] : memref<32x128xf32, #tpu.memory_space<vmem>>[vector<16xi32>, vector<16xi32>], vector<16xf32>,
      %add3A_241 = arith.addf %gather3A_238, %gather3A_239 : vector<16xf32>
      %add3A_242 = arith.addf %add3A_241, %gather3A_240 : vector<16xf32>
      %mul3A_243 = arith.constant 2.000000e-01 : f32
      %mul3A_244 = vector.broadcast %mul3A_243 : f32 to vector<16xf32>
      %mul3A_245 = arith.mulf %mul3A_244, %add3A_242 : vector<16xf32>
      %max3A = arith.maximumf %add3A_242, %mul3A_245 : vector<16xf32>
      %add3A_246 = arith.addi %scan3A_231, %broadcast_in_dim3A_20 : vector<16xi32>
      %and3A_247 = arith.andi %add3A_246, %broadcast_in_dim3A_101 : vector<16xi32>
      %mul3A_248 = arith.mulf %max3A, %gather3A : vector<16xf32>
      %add3A_249 = arith.addf %scan3A_232, %mul3A_248 : vector<16xf32>
      %scan3A_250 = arith.constant 1 : i32
      %scan3A_251 = arith.addi %scan3A_230, %scan3A_250 : i32
      %mul3A_252 = arith.constant 1 : i32
      %mul3A_253 = arith.muli %scan3A_251, %mul3A_252 : i32
      %add3A_254 = arith.constant 0 : i32
      %add3A_255 = arith.addi %add3A_254, %mul3A_253 : i32
      %add3A_256 = arith.addi %broadcast_in_dim3A_106, %and3A_247 : vector<16xi32>
      %gather3A_257 = tpu.vector_load_idx %arg33[%add3A_256] : memref<128xf32, #tpu.memory_space<vmem>>[vector<16xi32>], vector<16xf32>,
      %gather3A_258 = tpu.vector_load_idx %arg12[%add3A_104, %add3A_256] : memref<32x128xf32, #tpu.memory_space<vmem>>[vector<16xi32>, vector<16xi32>], vector<16xf32>,
      %gather3A_259 = tpu.vector_load_idx %arg14[%add3A_104, %add3A_256] : memref<32x128xf32, #tpu.memory_space<vmem>>[vector<16xi32>, vector<16xi32>], vector<16xf32>,
      %gather3A_260 = tpu.vector_load_idx %arg16[%add3A_104, %add3A_256] : memref<32x128xf32, #tpu.memory_space<vmem>>[vector<16xi32>, vector<16xi32>], vector<16xf32>,
      %add3A_261 = arith.addf %gather3A_258, %gather3A_259 : vector<16xf32>
      %add3A_262 = arith.addf %add3A_261, %gather3A_260 : vector<16xf32>
      %mul3A_263 = arith.constant 2.000000e-01 : f32
      %mul3A_264 = vector.broadcast %mul3A_263 : f32 to vector<16xf32>
      %mul3A_265 = arith.mulf %mul3A_264, %add3A_262 : vector<16xf32>
      %max3A_266 = arith.maximumf %add3A_262, %mul3A_265 : vector<16xf32>
      %add3A_267 = arith.addi %and3A_247, %broadcast_in_dim3A_20 : vector<16xi32>
      %and3A_268 = arith.andi %add3A_267, %broadcast_in_dim3A_101 : vector<16xi32>
      %mul3A_269 = arith.mulf %max3A_266, %gather3A_257 : vector<16xf32>
      %add3A_270 = arith.addf %add3A_249, %mul3A_269 : vector<16xf32>
      scf.yield %and3A_268, %add3A_270 : vector<16xi32>, vector<16xf32>
    }
    %scan3A_114 = arith.constant 32 : i32
    %exp3A = math.exp %scan3A_113#1 : vector<16xf32>
    %broadcast_in_dim3A_115 = arith.constant 32 : i32
    %broadcast_in_dim3A_116 = vector.broadcast %broadcast_in_dim3A_115 : i32 to vector<16xi32>
    %and3A_117 = arith.andi %iota3A, %broadcast_in_dim3A_101 : vector<16xi32>
    %broadcast_in_dim3A_118 = arith.constant 0.000000e+00 : f32
    %broadcast_in_dim3A_119 = vector.broadcast %broadcast_in_dim3A_118 : f32 to vector<16xf32>
    %scan3A_120 = arith.constant 0 : i32
    %scan3A_121 = arith.constant 32 : i32
    %scan3A_122 = arith.addi %scan3A_120, %scan3A_121 : i32
    %scan3A_123 = arith.constant 2 : i32
    %scan3A_124:2 = scf.for %scan3A_230 = %scan3A_120 to %scan3A_122 step %scan3A_123 iter_args(%scan3A_231 = %and3A_117, %scan3A_232 = %broadcast_in_dim3A_119) -> (vector<16xi32>, vector<16xf32>)  : i32 {
      %mul3A_233 = arith.constant 1 : i32
      %mul3A_234 = arith.muli %scan3A_230, %mul3A_233 : i32
      %add3A_235 = arith.constant 0 : i32
      %add3A_236 = arith.addi %add3A_235, %mul3A_234 : i32
      %add3A_237 = arith.addi %broadcast_in_dim3A_116, %scan3A_231 : vector<16xi32>
      %gather3A = tpu.vector_load_idx %arg33[%add3A_237] : memref<128xf32, #tpu.memory_space<vmem>>[vector<16xi32>], vector<16xf32>,
      %gather3A_238 = tpu.vector_load_idx %arg12[%add3A_104, %add3A_237] : memref<32x128xf32, #tpu.memory_space<vmem>>[vector<16xi32>, vector<16xi32>], vector<16xf32>,
      %gather3A_239 = tpu.vector_load_idx %arg14[%add3A_104, %add3A_237] : memref<32x128xf32, #tpu.memory_space<vmem>>[vector<16xi32>, vector<16xi32>], vector<16xf32>,
      %gather3A_240 = tpu.vector_load_idx %arg16[%add3A_104, %add3A_237] : memref<32x128xf32, #tpu.memory_space<vmem>>[vector<16xi32>, vector<16xi32>], vector<16xf32>,
      %add3A_241 = arith.addf %gather3A_238, %gather3A_239 : vector<16xf32>
      %add3A_242 = arith.addf %add3A_241, %gather3A_240 : vector<16xf32>
      %mul3A_243 = arith.constant 2.000000e-01 : f32
      %mul3A_244 = vector.broadcast %mul3A_243 : f32 to vector<16xf32>
      %mul3A_245 = arith.mulf %mul3A_244, %add3A_242 : vector<16xf32>
      %max3A = arith.maximumf %add3A_242, %mul3A_245 : vector<16xf32>
      %add3A_246 = arith.addi %scan3A_231, %broadcast_in_dim3A_20 : vector<16xi32>
      %and3A_247 = arith.andi %add3A_246, %broadcast_in_dim3A_101 : vector<16xi32>
      %mul3A_248 = arith.mulf %max3A, %gather3A : vector<16xf32>
      %add3A_249 = arith.addf %scan3A_232, %mul3A_248 : vector<16xf32>
      %scan3A_250 = arith.constant 1 : i32
      %scan3A_251 = arith.addi %scan3A_230, %scan3A_250 : i32
      %mul3A_252 = arith.constant 1 : i32
      %mul3A_253 = arith.muli %scan3A_251, %mul3A_252 : i32
      %add3A_254 = arith.constant 0 : i32
      %add3A_255 = arith.addi %add3A_254, %mul3A_253 : i32
      %add3A_256 = arith.addi %broadcast_in_dim3A_116, %and3A_247 : vector<16xi32>
      %gather3A_257 = tpu.vector_load_idx %arg33[%add3A_256] : memref<128xf32, #tpu.memory_space<vmem>>[vector<16xi32>], vector<16xf32>,
      %gather3A_258 = tpu.vector_load_idx %arg12[%add3A_104, %add3A_256] : memref<32x128xf32, #tpu.memory_space<vmem>>[vector<16xi32>, vector<16xi32>], vector<16xf32>,
      %gather3A_259 = tpu.vector_load_idx %arg14[%add3A_104, %add3A_256] : memref<32x128xf32, #tpu.memory_space<vmem>>[vector<16xi32>, vector<16xi32>], vector<16xf32>,
      %gather3A_260 = tpu.vector_load_idx %arg16[%add3A_104, %add3A_256] : memref<32x128xf32, #tpu.memory_space<vmem>>[vector<16xi32>, vector<16xi32>], vector<16xf32>,
      %add3A_261 = arith.addf %gather3A_258, %gather3A_259 : vector<16xf32>
      %add3A_262 = arith.addf %add3A_261, %gather3A_260 : vector<16xf32>
      %mul3A_263 = arith.constant 2.000000e-01 : f32
      %mul3A_264 = vector.broadcast %mul3A_263 : f32 to vector<16xf32>
      %mul3A_265 = arith.mulf %mul3A_264, %add3A_262 : vector<16xf32>
      %max3A_266 = arith.maximumf %add3A_262, %mul3A_265 : vector<16xf32>
      %add3A_267 = arith.addi %and3A_247, %broadcast_in_dim3A_20 : vector<16xi32>
      %and3A_268 = arith.andi %add3A_267, %broadcast_in_dim3A_101 : vector<16xi32>
      %mul3A_269 = arith.mulf %max3A_266, %gather3A_257 : vector<16xf32>
      %add3A_270 = arith.addf %add3A_249, %mul3A_269 : vector<16xf32>
      scf.yield %and3A_268, %add3A_270 : vector<16xi32>, vector<16xf32>
    }
    %scan3A_125 = arith.constant 32 : i32
    %exp3A_126 = math.exp %scan3A_124#1 : vector<16xf32>
    %broadcast_in_dim3A_127 = arith.constant 64 : i32
    %broadcast_in_dim3A_128 = vector.broadcast %broadcast_in_dim3A_127 : i32 to vector<16xi32>
    %and3A_129 = arith.andi %iota3A, %broadcast_in_dim3A_101 : vector<16xi32>
    %broadcast_in_dim3A_130 = arith.constant 0.000000e+00 : f32
    %broadcast_in_dim3A_131 = vector.broadcast %broadcast_in_dim3A_130 : f32 to vector<16xf32>
    %scan3A_132 = arith.constant 0 : i32
    %scan3A_133 = arith.constant 32 : i32
    %scan3A_134 = arith.addi %scan3A_132, %scan3A_133 : i32
    %scan3A_135 = arith.constant 2 : i32
    %scan3A_136:2 = scf.for %scan3A_230 = %scan3A_132 to %scan3A_134 step %scan3A_135 iter_args(%scan3A_231 = %and3A_129, %scan3A_232 = %broadcast_in_dim3A_131) -> (vector<16xi32>, vector<16xf32>)  : i32 {
      %mul3A_233 = arith.constant 1 : i32
      %mul3A_234 = arith.muli %scan3A_230, %mul3A_233 : i32
      %add3A_235 = arith.constant 0 : i32
      %add3A_236 = arith.addi %add3A_235, %mul3A_234 : i32
      %add3A_237 = arith.addi %broadcast_in_dim3A_128, %scan3A_231 : vector<16xi32>
      %gather3A = tpu.vector_load_idx %arg33[%add3A_237] : memref<128xf32, #tpu.memory_space<vmem>>[vector<16xi32>], vector<16xf32>,
      %gather3A_238 = tpu.vector_load_idx %arg12[%add3A_104, %add3A_237] : memref<32x128xf32, #tpu.memory_space<vmem>>[vector<16xi32>, vector<16xi32>], vector<16xf32>,
      %gather3A_239 = tpu.vector_load_idx %arg14[%add3A_104, %add3A_237] : memref<32x128xf32, #tpu.memory_space<vmem>>[vector<16xi32>, vector<16xi32>], vector<16xf32>,
      %gather3A_240 = tpu.vector_load_idx %arg16[%add3A_104, %add3A_237] : memref<32x128xf32, #tpu.memory_space<vmem>>[vector<16xi32>, vector<16xi32>], vector<16xf32>,
      %add3A_241 = arith.addf %gather3A_238, %gather3A_239 : vector<16xf32>
      %add3A_242 = arith.addf %add3A_241, %gather3A_240 : vector<16xf32>
      %mul3A_243 = arith.constant 2.000000e-01 : f32
      %mul3A_244 = vector.broadcast %mul3A_243 : f32 to vector<16xf32>
      %mul3A_245 = arith.mulf %mul3A_244, %add3A_242 : vector<16xf32>
      %max3A = arith.maximumf %add3A_242, %mul3A_245 : vector<16xf32>
      %add3A_246 = arith.addi %scan3A_231, %broadcast_in_dim3A_20 : vector<16xi32>
      %and3A_247 = arith.andi %add3A_246, %broadcast_in_dim3A_101 : vector<16xi32>
      %mul3A_248 = arith.mulf %max3A, %gather3A : vector<16xf32>
      %add3A_249 = arith.addf %scan3A_232, %mul3A_248 : vector<16xf32>
      %scan3A_250 = arith.constant 1 : i32
      %scan3A_251 = arith.addi %scan3A_230, %scan3A_250 : i32
      %mul3A_252 = arith.constant 1 : i32
      %mul3A_253 = arith.muli %scan3A_251, %mul3A_252 : i32
      %add3A_254 = arith.constant 0 : i32
      %add3A_255 = arith.addi %add3A_254, %mul3A_253 : i32
      %add3A_256 = arith.addi %broadcast_in_dim3A_128, %and3A_247 : vector<16xi32>
      %gather3A_257 = tpu.vector_load_idx %arg33[%add3A_256] : memref<128xf32, #tpu.memory_space<vmem>>[vector<16xi32>], vector<16xf32>,
      %gather3A_258 = tpu.vector_load_idx %arg12[%add3A_104, %add3A_256] : memref<32x128xf32, #tpu.memory_space<vmem>>[vector<16xi32>, vector<16xi32>], vector<16xf32>,
      %gather3A_259 = tpu.vector_load_idx %arg14[%add3A_104, %add3A_256] : memref<32x128xf32, #tpu.memory_space<vmem>>[vector<16xi32>, vector<16xi32>], vector<16xf32>,
      %gather3A_260 = tpu.vector_load_idx %arg16[%add3A_104, %add3A_256] : memref<32x128xf32, #tpu.memory_space<vmem>>[vector<16xi32>, vector<16xi32>], vector<16xf32>,
      %add3A_261 = arith.addf %gather3A_258, %gather3A_259 : vector<16xf32>
      %add3A_262 = arith.addf %add3A_261, %gather3A_260 : vector<16xf32>
      %mul3A_263 = arith.constant 2.000000e-01 : f32
      %mul3A_264 = vector.broadcast %mul3A_263 : f32 to vector<16xf32>
      %mul3A_265 = arith.mulf %mul3A_264, %add3A_262 : vector<16xf32>
      %max3A_266 = arith.maximumf %add3A_262, %mul3A_265 : vector<16xf32>
      %add3A_267 = arith.addi %and3A_247, %broadcast_in_dim3A_20 : vector<16xi32>
      %and3A_268 = arith.andi %add3A_267, %broadcast_in_dim3A_101 : vector<16xi32>
      %mul3A_269 = arith.mulf %max3A_266, %gather3A_257 : vector<16xf32>
      %add3A_270 = arith.addf %add3A_249, %mul3A_269 : vector<16xf32>
      scf.yield %and3A_268, %add3A_270 : vector<16xi32>, vector<16xf32>
    }
    %scan3A_137 = arith.constant 32 : i32
    %exp3A_138 = math.exp %scan3A_136#1 : vector<16xf32>
    %broadcast_in_dim3A_139 = arith.constant 96 : i32
    %broadcast_in_dim3A_140 = vector.broadcast %broadcast_in_dim3A_139 : i32 to vector<16xi32>
    %and3A_141 = arith.andi %iota3A, %broadcast_in_dim3A_101 : vector<16xi32>
    %broadcast_in_dim3A_142 = arith.constant 0.000000e+00 : f32
    %broadcast_in_dim3A_143 = vector.broadcast %broadcast_in_dim3A_142 : f32 to vector<16xf32>
    %scan3A_144 = arith.constant 0 : i32
    %scan3A_145 = arith.constant 32 : i32
    %scan3A_146 = arith.addi %scan3A_144, %scan3A_145 : i32
    %scan3A_147 = arith.constant 2 : i32
    %scan3A_148:2 = scf.for %scan3A_230 = %scan3A_144 to %scan3A_146 step %scan3A_147 iter_args(%scan3A_231 = %and3A_141, %scan3A_232 = %broadcast_in_dim3A_143) -> (vector<16xi32>, vector<16xf32>)  : i32 {
      %mul3A_233 = arith.constant 1 : i32
      %mul3A_234 = arith.muli %scan3A_230, %mul3A_233 : i32
      %add3A_235 = arith.constant 0 : i32
      %add3A_236 = arith.addi %add3A_235, %mul3A_234 : i32
      %add3A_237 = arith.addi %broadcast_in_dim3A_140, %scan3A_231 : vector<16xi32>
      %gather3A = tpu.vector_load_idx %arg33[%add3A_237] : memref<128xf32, #tpu.memory_space<vmem>>[vector<16xi32>], vector<16xf32>,
      %gather3A_238 = tpu.vector_load_idx %arg12[%add3A_104, %add3A_237] : memref<32x128xf32, #tpu.memory_space<vmem>>[vector<16xi32>, vector<16xi32>], vector<16xf32>,
      %gather3A_239 = tpu.vector_load_idx %arg14[%add3A_104, %add3A_237] : memref<32x128xf32, #tpu.memory_space<vmem>>[vector<16xi32>, vector<16xi32>], vector<16xf32>,
      %gather3A_240 = tpu.vector_load_idx %arg16[%add3A_104, %add3A_237] : memref<32x128xf32, #tpu.memory_space<vmem>>[vector<16xi32>, vector<16xi32>], vector<16xf32>,
      %add3A_241 = arith.addf %gather3A_238, %gather3A_239 : vector<16xf32>
      %add3A_242 = arith.addf %add3A_241, %gather3A_240 : vector<16xf32>
      %mul3A_243 = arith.constant 2.000000e-01 : f32
      %mul3A_244 = vector.broadcast %mul3A_243 : f32 to vector<16xf32>
      %mul3A_245 = arith.mulf %mul3A_244, %add3A_242 : vector<16xf32>
      %max3A = arith.maximumf %add3A_242, %mul3A_245 : vector<16xf32>
      %add3A_246 = arith.addi %scan3A_231, %broadcast_in_dim3A_20 : vector<16xi32>
      %and3A_247 = arith.andi %add3A_246, %broadcast_in_dim3A_101 : vector<16xi32>
      %mul3A_248 = arith.mulf %max3A, %gather3A : vector<16xf32>
      %add3A_249 = arith.addf %scan3A_232, %mul3A_248 : vector<16xf32>
      %scan3A_250 = arith.constant 1 : i32
      %scan3A_251 = arith.addi %scan3A_230, %scan3A_250 : i32
      %mul3A_252 = arith.constant 1 : i32
      %mul3A_253 = arith.muli %scan3A_251, %mul3A_252 : i32
      %add3A_254 = arith.constant 0 : i32
      %add3A_255 = arith.addi %add3A_254, %mul3A_253 : i32
      %add3A_256 = arith.addi %broadcast_in_dim3A_140, %and3A_247 : vector<16xi32>
      %gather3A_257 = tpu.vector_load_idx %arg33[%add3A_256] : memref<128xf32, #tpu.memory_space<vmem>>[vector<16xi32>], vector<16xf32>,
      %gather3A_258 = tpu.vector_load_idx %arg12[%add3A_104, %add3A_256] : memref<32x128xf32, #tpu.memory_space<vmem>>[vector<16xi32>, vector<16xi32>], vector<16xf32>,
      %gather3A_259 = tpu.vector_load_idx %arg14[%add3A_104, %add3A_256] : memref<32x128xf32, #tpu.memory_space<vmem>>[vector<16xi32>, vector<16xi32>], vector<16xf32>,
      %gather3A_260 = tpu.vector_load_idx %arg16[%add3A_104, %add3A_256] : memref<32x128xf32, #tpu.memory_space<vmem>>[vector<16xi32>, vector<16xi32>], vector<16xf32>,
      %add3A_261 = arith.addf %gather3A_258, %gather3A_259 : vector<16xf32>
      %add3A_262 = arith.addf %add3A_261, %gather3A_260 : vector<16xf32>
      %mul3A_263 = arith.constant 2.000000e-01 : f32
      %mul3A_264 = vector.broadcast %mul3A_263 : f32 to vector<16xf32>
      %mul3A_265 = arith.mulf %mul3A_264, %add3A_262 : vector<16xf32>
      %max3A_266 = arith.maximumf %add3A_262, %mul3A_265 : vector<16xf32>
      %add3A_267 = arith.addi %and3A_247, %broadcast_in_dim3A_20 : vector<16xi32>
      %and3A_268 = arith.andi %add3A_267, %broadcast_in_dim3A_101 : vector<16xi32>
      %mul3A_269 = arith.mulf %max3A_266, %gather3A_257 : vector<16xf32>
      %add3A_270 = arith.addf %add3A_249, %mul3A_269 : vector<16xf32>
      scf.yield %and3A_268, %add3A_270 : vector<16xi32>, vector<16xf32>
    }
    %scan3A_149 = arith.constant 32 : i32
    %exp3A_150 = math.exp %scan3A_148#1 : vector<16xf32>
    %get3A_151 = arith.constant 0 : index
    %get3A_152 = tpu.vector_load %arg31[%get3A_151] {strides = array<i32>} : memref<16xi32, #tpu.memory_space<vmem>>, vector<16xi32>,
    %and3A_153 = arith.constant 31 : i32
    %and3A_154 = vector.broadcast %and3A_153 : i32 to vector<16xi32>
    %and3A_155 = arith.andi %get3A_152, %and3A_154 : vector<16xi32>
    %mul3A_156 = arith.constant 4 : i32
    %mul3A_157 = vector.broadcast %mul3A_156 : i32 to vector<16xi32>
    %mul3A_158 = arith.muli %and3A_155, %mul3A_157 : vector<16xi32>
    %add3A_159 = arith.addi %mul3A_158, %broadcast_in_dim3A_22 : vector<16xi32>
    tpu.vector_store_idx %arg18[%add3A_104, %add3A_159], %exp3A : memref<32x128xf32, #tpu.memory_space<vmem>>[vector<16xi32>, vector<16xi32>], vector<16xf32>,
    %add3A_160 = arith.addi %mul3A_158, %broadcast_in_dim3A_24 : vector<16xi32>
    tpu.vector_store_idx %arg18[%add3A_104, %add3A_160], %exp3A_126 : memref<32x128xf32, #tpu.memory_space<vmem>>[vector<16xi32>, vector<16xi32>], vector<16xf32>,
    %add3A_161 = arith.addi %mul3A_158, %broadcast_in_dim3A_26 : vector<16xi32>
    tpu.vector_store_idx %arg18[%add3A_104, %add3A_161], %exp3A_138 : memref<32x128xf32, #tpu.memory_space<vmem>>[vector<16xi32>, vector<16xi32>], vector<16xf32>,
    %add3A_162 = arith.addi %mul3A_158, %broadcast_in_dim3A_28 : vector<16xi32>
    tpu.vector_store_idx %arg18[%add3A_104, %add3A_162], %exp3A_150 : memref<32x128xf32, #tpu.memory_space<vmem>>[vector<16xi32>, vector<16xi32>], vector<16xf32>,
    %broadcast_in_dim3A_163 = arith.constant 0 : i32
    %broadcast_in_dim3A_164 = vector.broadcast %broadcast_in_dim3A_163 : i32 to vector<16xi32>
    %and3A_165 = arith.andi %iota3A, %broadcast_in_dim3A_101 : vector<16xi32>
    %scan3A_166 = arith.constant 0 : i32
    %scan3A_167 = arith.constant 32 : i32
    %scan3A_168 = arith.addi %scan3A_166, %scan3A_167 : i32
    %scan3A_169 = arith.constant 2 : i32
    %scan3A_170 = scf.for %scan3A_230 = %scan3A_166 to %scan3A_168 step %scan3A_169 iter_args(%scan3A_231 = %and3A_165) -> (vector<16xi32>)  : i32 {
      %mul3A_232 = arith.constant 1 : i32
      %mul3A_233 = arith.muli %scan3A_230, %mul3A_232 : i32
      %add3A_234 = arith.constant 0 : i32
      %add3A_235 = arith.addi %add3A_234, %mul3A_233 : i32
      %add3A_236 = arith.addi %broadcast_in_dim3A_164, %scan3A_231 : vector<16xi32>
      %gather3A = tpu.vector_load_idx %arg12[%add3A_104, %add3A_236] : memref<32x128xf32, #tpu.memory_space<vmem>>[vector<16xi32>, vector<16xi32>], vector<16xf32>,
      %mul3A_237 = arith.mulf %gather3A, %exp3A : vector<16xf32>
      tpu.vector_store_idx %arg12[%add3A_104, %add3A_236], %mul3A_237 : memref<32x128xf32, #tpu.memory_space<vmem>>[vector<16xi32>, vector<16xi32>], vector<16xf32>,
      %add3A_238 = arith.addi %scan3A_231, %broadcast_in_dim3A_20 : vector<16xi32>
      %and3A_239 = arith.andi %add3A_238, %broadcast_in_dim3A_101 : vector<16xi32>
      %scan3A_240 = arith.constant 1 : i32
      %scan3A_241 = arith.addi %scan3A_230, %scan3A_240 : i32
      %mul3A_242 = arith.constant 1 : i32
      %mul3A_243 = arith.muli %scan3A_241, %mul3A_242 : i32
      %add3A_244 = arith.constant 0 : i32
      %add3A_245 = arith.addi %add3A_244, %mul3A_243 : i32
      %add3A_246 = arith.addi %broadcast_in_dim3A_164, %and3A_239 : vector<16xi32>
      %gather3A_247 = tpu.vector_load_idx %arg12[%add3A_104, %add3A_246] : memref<32x128xf32, #tpu.memory_space<vmem>>[vector<16xi32>, vector<16xi32>], vector<16xf32>,
      %mul3A_248 = arith.mulf %gather3A_247, %exp3A : vector<16xf32>
      tpu.vector_store_idx %arg12[%add3A_104, %add3A_246], %mul3A_248 : memref<32x128xf32, #tpu.memory_space<vmem>>[vector<16xi32>, vector<16xi32>], vector<16xf32>,
      %add3A_249 = arith.addi %and3A_239, %broadcast_in_dim3A_20 : vector<16xi32>
      %and3A_250 = arith.andi %add3A_249, %broadcast_in_dim3A_101 : vector<16xi32>
      scf.yield %and3A_250 : vector<16xi32>
    }
    %scan3A_171 = arith.constant 32 : i32
    %broadcast_in_dim3A_172 = arith.constant 32 : i32
    %broadcast_in_dim3A_173 = vector.broadcast %broadcast_in_dim3A_172 : i32 to vector<16xi32>
    %and3A_174 = arith.andi %iota3A, %broadcast_in_dim3A_101 : vector<16xi32>
    %scan3A_175 = arith.constant 0 : i32
    %scan3A_176 = arith.constant 32 : i32
    %scan3A_177 = arith.addi %scan3A_175, %scan3A_176 : i32
    %scan3A_178 = arith.constant 2 : i32
    %scan3A_179 = scf.for %scan3A_230 = %scan3A_175 to %scan3A_177 step %scan3A_178 iter_args(%scan3A_231 = %and3A_174) -> (vector<16xi32>)  : i32 {
      %mul3A_232 = arith.constant 1 : i32
      %mul3A_233 = arith.muli %scan3A_230, %mul3A_232 : i32
      %add3A_234 = arith.constant 0 : i32
      %add3A_235 = arith.addi %add3A_234, %mul3A_233 : i32
      %add3A_236 = arith.addi %broadcast_in_dim3A_173, %scan3A_231 : vector<16xi32>
      %gather3A = tpu.vector_load_idx %arg12[%add3A_104, %add3A_236] : memref<32x128xf32, #tpu.memory_space<vmem>>[vector<16xi32>, vector<16xi32>], vector<16xf32>,
      %mul3A_237 = arith.mulf %gather3A, %exp3A_126 : vector<16xf32>
      tpu.vector_store_idx %arg12[%add3A_104, %add3A_236], %mul3A_237 : memref<32x128xf32, #tpu.memory_space<vmem>>[vector<16xi32>, vector<16xi32>], vector<16xf32>,
      %add3A_238 = arith.addi %scan3A_231, %broadcast_in_dim3A_20 : vector<16xi32>
      %and3A_239 = arith.andi %add3A_238, %broadcast_in_dim3A_101 : vector<16xi32>
      %scan3A_240 = arith.constant 1 : i32
      %scan3A_241 = arith.addi %scan3A_230, %scan3A_240 : i32
      %mul3A_242 = arith.constant 1 : i32
      %mul3A_243 = arith.muli %scan3A_241, %mul3A_242 : i32
      %add3A_244 = arith.constant 0 : i32
      %add3A_245 = arith.addi %add3A_244, %mul3A_243 : i32
      %add3A_246 = arith.addi %broadcast_in_dim3A_173, %and3A_239 : vector<16xi32>
      %gather3A_247 = tpu.vector_load_idx %arg12[%add3A_104, %add3A_246] : memref<32x128xf32, #tpu.memory_space<vmem>>[vector<16xi32>, vector<16xi32>], vector<16xf32>,
      %mul3A_248 = arith.mulf %gather3A_247, %exp3A_126 : vector<16xf32>
      tpu.vector_store_idx %arg12[%add3A_104, %add3A_246], %mul3A_248 : memref<32x128xf32, #tpu.memory_space<vmem>>[vector<16xi32>, vector<16xi32>], vector<16xf32>,
      %add3A_249 = arith.addi %and3A_239, %broadcast_in_dim3A_20 : vector<16xi32>
      %and3A_250 = arith.andi %add3A_249, %broadcast_in_dim3A_101 : vector<16xi32>
      scf.yield %and3A_250 : vector<16xi32>
    }
    %scan3A_180 = arith.constant 32 : i32
    %broadcast_in_dim3A_181 = arith.constant 64 : i32
    %broadcast_in_dim3A_182 = vector.broadcast %broadcast_in_dim3A_181 : i32 to vector<16xi32>
    %and3A_183 = arith.andi %iota3A, %broadcast_in_dim3A_101 : vector<16xi32>
    %scan3A_184 = arith.constant 0 : i32
    %scan3A_185 = arith.constant 32 : i32
    %scan3A_186 = arith.addi %scan3A_184, %scan3A_185 : i32
    %scan3A_187 = arith.constant 2 : i32
    %scan3A_188 = scf.for %scan3A_230 = %scan3A_184 to %scan3A_186 step %scan3A_187 iter_args(%scan3A_231 = %and3A_183) -> (vector<16xi32>)  : i32 {
      %mul3A_232 = arith.constant 1 : i32
      %mul3A_233 = arith.muli %scan3A_230, %mul3A_232 : i32
      %add3A_234 = arith.constant 0 : i32
      %add3A_235 = arith.addi %add3A_234, %mul3A_233 : i32
      %add3A_236 = arith.addi %broadcast_in_dim3A_182, %scan3A_231 : vector<16xi32>
      %gather3A = tpu.vector_load_idx %arg12[%add3A_104, %add3A_236] : memref<32x128xf32, #tpu.memory_space<vmem>>[vector<16xi32>, vector<16xi32>], vector<16xf32>,
      %mul3A_237 = arith.mulf %gather3A, %exp3A_138 : vector<16xf32>
      tpu.vector_store_idx %arg12[%add3A_104, %add3A_236], %mul3A_237 : memref<32x128xf32, #tpu.memory_space<vmem>>[vector<16xi32>, vector<16xi32>], vector<16xf32>,
      %add3A_238 = arith.addi %scan3A_231, %broadcast_in_dim3A_20 : vector<16xi32>
      %and3A_239 = arith.andi %add3A_238, %broadcast_in_dim3A_101 : vector<16xi32>
      %scan3A_240 = arith.constant 1 : i32
      %scan3A_241 = arith.addi %scan3A_230, %scan3A_240 : i32
      %mul3A_242 = arith.constant 1 : i32
      %mul3A_243 = arith.muli %scan3A_241, %mul3A_242 : i32
      %add3A_244 = arith.constant 0 : i32
      %add3A_245 = arith.addi %add3A_244, %mul3A_243 : i32
      %add3A_246 = arith.addi %broadcast_in_dim3A_182, %and3A_239 : vector<16xi32>
      %gather3A_247 = tpu.vector_load_idx %arg12[%add3A_104, %add3A_246] : memref<32x128xf32, #tpu.memory_space<vmem>>[vector<16xi32>, vector<16xi32>], vector<16xf32>,
      %mul3A_248 = arith.mulf %gather3A_247, %exp3A_138 : vector<16xf32>
      tpu.vector_store_idx %arg12[%add3A_104, %add3A_246], %mul3A_248 : memref<32x128xf32, #tpu.memory_space<vmem>>[vector<16xi32>, vector<16xi32>], vector<16xf32>,
      %add3A_249 = arith.addi %and3A_239, %broadcast_in_dim3A_20 : vector<16xi32>
      %and3A_250 = arith.andi %add3A_249, %broadcast_in_dim3A_101 : vector<16xi32>
      scf.yield %and3A_250 : vector<16xi32>
    }
    %scan3A_189 = arith.constant 32 : i32
    %broadcast_in_dim3A_190 = arith.constant 96 : i32
    %broadcast_in_dim3A_191 = vector.broadcast %broadcast_in_dim3A_190 : i32 to vector<16xi32>
    %and3A_192 = arith.andi %iota3A, %broadcast_in_dim3A_101 : vector<16xi32>
    %scan3A_193 = arith.constant 0 : i32
    %scan3A_194 = arith.constant 32 : i32
    %scan3A_195 = arith.addi %scan3A_193, %scan3A_194 : i32
    %scan3A_196 = arith.constant 2 : i32
    %scan3A_197 = scf.for %scan3A_230 = %scan3A_193 to %scan3A_195 step %scan3A_196 iter_args(%scan3A_231 = %and3A_192) -> (vector<16xi32>)  : i32 {
      %mul3A_232 = arith.constant 1 : i32
      %mul3A_233 = arith.muli %scan3A_230, %mul3A_232 : i32
      %add3A_234 = arith.constant 0 : i32
      %add3A_235 = arith.addi %add3A_234, %mul3A_233 : i32
      %add3A_236 = arith.addi %broadcast_in_dim3A_191, %scan3A_231 : vector<16xi32>
      %gather3A = tpu.vector_load_idx %arg12[%add3A_104, %add3A_236] : memref<32x128xf32, #tpu.memory_space<vmem>>[vector<16xi32>, vector<16xi32>], vector<16xf32>,
      %mul3A_237 = arith.mulf %gather3A, %exp3A_150 : vector<16xf32>
      tpu.vector_store_idx %arg12[%add3A_104, %add3A_236], %mul3A_237 : memref<32x128xf32, #tpu.memory_space<vmem>>[vector<16xi32>, vector<16xi32>], vector<16xf32>,
      %add3A_238 = arith.addi %scan3A_231, %broadcast_in_dim3A_20 : vector<16xi32>
      %and3A_239 = arith.andi %add3A_238, %broadcast_in_dim3A_101 : vector<16xi32>
      %scan3A_240 = arith.constant 1 : i32
      %scan3A_241 = arith.addi %scan3A_230, %scan3A_240 : i32
      %mul3A_242 = arith.constant 1 : i32
      %mul3A_243 = arith.muli %scan3A_241, %mul3A_242 : i32
      %add3A_244 = arith.constant 0 : i32
      %add3A_245 = arith.addi %add3A_244, %mul3A_243 : i32
      %add3A_246 = arith.addi %broadcast_in_dim3A_191, %and3A_239 : vector<16xi32>
      %gather3A_247 = tpu.vector_load_idx %arg12[%add3A_104, %add3A_246] : memref<32x128xf32, #tpu.memory_space<vmem>>[vector<16xi32>, vector<16xi32>], vector<16xf32>,
      %mul3A_248 = arith.mulf %gather3A_247, %exp3A_150 : vector<16xf32>
      tpu.vector_store_idx %arg12[%add3A_104, %add3A_246], %mul3A_248 : memref<32x128xf32, #tpu.memory_space<vmem>>[vector<16xi32>, vector<16xi32>], vector<16xf32>,
      %add3A_249 = arith.addi %and3A_239, %broadcast_in_dim3A_20 : vector<16xi32>
      %and3A_250 = arith.andi %add3A_249, %broadcast_in_dim3A_101 : vector<16xi32>
      scf.yield %and3A_250 : vector<16xi32>
    }
    %scan3A_198 = arith.constant 32 : i32
    "tpu.region"() ({
      %run_scoped3A = tpu.sem_alloc : memref<!tpu.dma_semaphore, #tpu.memory_space<semaphore_mem>>
      %dma_start3A_230 = arith.constant 0 : i32
      %dma_start3A_231 = arith.constant 0 : i32
      %dma_start3A_232 = tpu.memref_slice %arg12[%dma_start3A_230, %dma_start3A_231] : memref<32x128xf32, #tpu.memory_space<vmem>> -> memref<16x128xf32, #tpu.memory_space<vmem>>
      %dma_start3A_233 = arith.constant 0 : i32
      %dma_start3A_234 = arith.constant 0 : i32
      %dma_start3A_235 = tpu.memref_slice %arg34[%dma_start3A_233, %dma_start3A_234] : memref<10000x128xf32, #tpu.memory_space<vmem_shared>> -> memref<10000x128xf32, #tpu.memory_space<vmem_shared>>
      tpu.enqueue_indirect_dma source(%dma_start3A_232 : memref<16x128xf32, #tpu.memory_space<vmem>>) target(%dma_start3A_235 : memref<10000x128xf32, #tpu.memory_space<vmem_shared>>) offsets(%arg31 : memref<16xi32, #tpu.memory_space<vmem>>) semaphore(%run_scoped3A : memref<!tpu.dma_semaphore, #tpu.memory_space<semaphore_mem>>) {add = true}
      %dma_wait3A_236 = arith.constant 0 : i32
      %dma_wait3A_237 = arith.constant 0 : i32
      %dma_wait3A_238 = tpu.memref_slice %arg12[%dma_wait3A_236, %dma_wait3A_237] : memref<32x128xf32, #tpu.memory_space<vmem>> -> memref<16x128xf32, #tpu.memory_space<vmem>>
      %dma_wait3A_239 = arith.constant 0 : i32
      %dma_wait3A_240 = arith.constant 0 : i32
      %dma_wait3A_241 = tpu.memref_slice %arg34[%dma_wait3A_239, %dma_wait3A_240] : memref<10000x128xf32, #tpu.memory_space<vmem_shared>> -> memref<10000x128xf32, #tpu.memory_space<vmem_shared>>
      tpu.wait_indirect_dma semaphore(%run_scoped3A : memref<!tpu.dma_semaphore, #tpu.memory_space<semaphore_mem>>) src(%dma_wait3A_238 : memref<16x128xf32, #tpu.memory_space<vmem>>) dst(%dma_wait3A_241 : memref<10000x128xf32, #tpu.memory_space<vmem_shared>>)
      tpu.yield
    }) : () -> ()
    "tpu.region"() ({
      %run_scoped3A = tpu.sem_alloc : memref<!tpu.dma_semaphore, #tpu.memory_space<semaphore_mem>>
      %dma_start3A_230 = arith.constant 0 : i32
      %dma_start3A_231 = arith.constant 0 : i32
      %dma_start3A_232 = tpu.memref_slice %arg18[%dma_start3A_230, %dma_start3A_231] : memref<32x128xf32, #tpu.memory_space<vmem>> -> memref<16x128xf32, #tpu.memory_space<vmem>>
      %dma_start3A_233 = arith.constant 0 : i32
      %dma_start3A_234 = arith.constant 0 : i32
      %dma_start3A_235 = tpu.memref_slice %arg35[%dma_start3A_233, %dma_start3A_234] : memref<320x128xf32, #tpu.memory_space<vmem_shared>> -> memref<320x128xf32, #tpu.memory_space<vmem_shared>>
      tpu.enqueue_indirect_dma source(%dma_start3A_232 : memref<16x128xf32, #tpu.memory_space<vmem>>) target(%dma_start3A_235 : memref<320x128xf32, #tpu.memory_space<vmem_shared>>) offsets(%arg32 : memref<16xi32, #tpu.memory_space<vmem>>) semaphore(%run_scoped3A : memref<!tpu.dma_semaphore, #tpu.memory_space<semaphore_mem>>) {add = true}
      %dma_wait3A_236 = arith.constant 0 : i32
      %dma_wait3A_237 = arith.constant 0 : i32
      %dma_wait3A_238 = tpu.memref_slice %arg18[%dma_wait3A_236, %dma_wait3A_237] : memref<32x128xf32, #tpu.memory_space<vmem>> -> memref<16x128xf32, #tpu.memory_space<vmem>>
      %dma_wait3A_239 = arith.constant 0 : i32
      %dma_wait3A_240 = arith.constant 0 : i32
      %dma_wait3A_241 = tpu.memref_slice %arg35[%dma_wait3A_239, %dma_wait3A_240] : memref<320x128xf32, #tpu.memory_space<vmem_shared>> -> memref<320x128xf32, #tpu.memory_space<vmem_shared>>
      tpu.wait_indirect_dma semaphore(%run_scoped3A : memref<!tpu.dma_semaphore, #tpu.memory_space<semaphore_mem>>) src(%dma_wait3A_238 : memref<16x128xf32, #tpu.memory_space<vmem>>) dst(%dma_wait3A_241 : memref<320x128xf32, #tpu.memory_space<vmem_shared>>)
      tpu.yield
    }) : () -> ()
    %broadcast_in_dim3A_199 = arith.constant 0 : i32
    %broadcast_in_dim3A_200 = vector.broadcast %broadcast_in_dim3A_199 : i32 to vector<16xi32>
    %add3A_201 = arith.addi %broadcast_in_dim3A_200, %iota3A : vector<16xi32>
    %get3A_202 = arith.constant 0 : index
    %get3A_203 = tpu.vector_load %arg31[%get3A_202] {strides = array<i32>} : memref<16xi32, #tpu.memory_space<vmem>>, vector<16xi32>,
    %and3A_204 = arith.constant 31 : i32
    %and3A_205 = vector.broadcast %and3A_204 : i32 to vector<16xi32>
    %and3A_206 = arith.andi %get3A_203, %and3A_205 : vector<16xi32>
    %mul3A_207 = arith.constant 4 : i32
    %mul3A_208 = vector.broadcast %mul3A_207 : i32 to vector<16xi32>
    %mul3A_209 = arith.muli %and3A_206, %mul3A_208 : vector<16xi32>
    %add3A_210 = arith.addi %mul3A_209, %broadcast_in_dim3A_22 : vector<16xi32>
    tpu.vector_store_idx %arg18[%add3A_201, %add3A_210], %broadcast_in_dim3A_14 : memref<32x128xf32, #tpu.memory_space<vmem>>[vector<16xi32>, vector<16xi32>], vector<16xf32>,
    %add3A_211 = arith.addi %mul3A_209, %broadcast_in_dim3A_24 : vector<16xi32>
    tpu.vector_store_idx %arg18[%add3A_201, %add3A_211], %broadcast_in_dim3A_14 : memref<32x128xf32, #tpu.memory_space<vmem>>[vector<16xi32>, vector<16xi32>], vector<16xf32>,
    %add3A_212 = arith.addi %mul3A_209, %broadcast_in_dim3A_26 : vector<16xi32>
    tpu.vector_store_idx %arg18[%add3A_201, %add3A_212], %broadcast_in_dim3A_14 : memref<32x128xf32, #tpu.memory_space<vmem>>[vector<16xi32>, vector<16xi32>], vector<16xf32>,
    %add3A_213 = arith.addi %mul3A_209, %broadcast_in_dim3A_28 : vector<16xi32>
    tpu.vector_store_idx %arg18[%add3A_201, %add3A_213], %broadcast_in_dim3A_14 : memref<32x128xf32, #tpu.memory_space<vmem>>[vector<16xi32>, vector<16xi32>], vector<16xf32>,
    %barrier3A_214 = arith.constant 0 : index
    tpu.barrier barrier_id(%barrier3A_214)
    %lt3A_215 = arith.constant 15 : i32
    %lt3A_216 = arith.cmpi slt, %arg1, %lt3A_215 : i32
    %convert_element_type3A_217 = arith.extui %lt3A_216 : i1 to i32
    %cond3A_218 = arith.constant 0 : i32
    %cond3A_219 = arith.cmpi ne, %convert_element_type3A_217, %cond3A_218 : i32
    scf.if %cond3A_219 {
      %mul3A_230 = arith.constant 10000 : i32
      %mul3A_231 = arith.muli %arg0, %mul3A_230 : i32
      %add3A_232 = arith.addi %mul3A_231, %mul3A_2 : i32
      "tpu.region"() ({
        %run_scoped3A = tpu.sem_alloc : memref<!tpu.dma_semaphore, #tpu.memory_space<semaphore_mem>>
        %dma_start3A_233 = arith.constant 0 : i32
        %dma_start3A_234 = tpu.memref_slice %arg10[%add3A_232, %dma_start3A_233] : memref<20000x128xf32, #tpu.memory_space<hbm>> -> memref<632x128xf32, #tpu.memory_space<hbm>>
        %dma_start3A_235 = arith.constant 0 : i32
        %dma_start3A_236 = tpu.memref_slice %arg34[%mul3A_2, %dma_start3A_235] : memref<10000x128xf32, #tpu.memory_space<vmem_shared>> -> memref<632x128xf32, #tpu.memory_space<vmem_shared>>
        tpu.enqueue_dma source(%dma_start3A_236 : memref<632x128xf32, #tpu.memory_space<vmem_shared>>) target(%dma_start3A_234 : memref<632x128xf32, #tpu.memory_space<hbm>>) target_semaphore(%run_scoped3A : memref<!tpu.dma_semaphore, #tpu.memory_space<semaphore_mem>>)
        %dma_wait3A_237 = arith.constant 0 : i32
        %dma_wait3A_238 = tpu.memref_slice %arg10[%add3A_232, %dma_wait3A_237] : memref<20000x128xf32, #tpu.memory_space<hbm>> -> memref<632x128xf32, #tpu.memory_space<hbm>>
        %dma_wait3A_239 = arith.constant 0 : i32
        %dma_wait3A_240 = tpu.memref_slice %arg34[%mul3A_2, %dma_wait3A_239] : memref<10000x128xf32, #tpu.memory_space<vmem_shared>> -> memref<632x128xf32, #tpu.memory_space<vmem_shared>>
        tpu.wait_dma2 semaphore(%run_scoped3A : memref<!tpu.dma_semaphore, #tpu.memory_space<semaphore_mem>>) src(%dma_wait3A_240 : memref<632x128xf32, #tpu.memory_space<vmem_shared>>) dst(%dma_wait3A_238 : memref<632x128xf32, #tpu.memory_space<hbm>>)
        tpu.yield
      }) : () -> ()
    } else {
    }
    %eq3A_220 = arith.constant 15 : i32
    %eq3A_221 = arith.cmpi eq, %arg1, %eq3A_220 : i32
    %convert_element_type3A_222 = arith.extui %eq3A_221 : i1 to i32
    %cond3A_223 = arith.constant 0 : i32
    %cond3A_224 = arith.cmpi ne, %convert_element_type3A_222, %cond3A_223 : i32
    scf.if %cond3A_224 {
      %mul3A_230 = arith.constant 10000 : i32
      %mul3A_231 = arith.muli %arg0, %mul3A_230 : i32
      %add3A_232 = arith.addi %mul3A_231, %mul3A_2 : i32
      "tpu.region"() ({
        %run_scoped3A = tpu.sem_alloc : memref<!tpu.dma_semaphore, #tpu.memory_space<semaphore_mem>>
        %dma_start3A_233 = arith.constant 0 : i32
        %dma_start3A_234 = tpu.memref_slice %arg10[%add3A_232, %dma_start3A_233] : memref<20000x128xf32, #tpu.memory_space<hbm>> -> memref<520x128xf32, #tpu.memory_space<hbm>>
        %dma_start3A_235 = arith.constant 0 : i32
        %dma_start3A_236 = tpu.memref_slice %arg34[%mul3A_2, %dma_start3A_235] : memref<10000x128xf32, #tpu.memory_space<vmem_shared>> -> memref<520x128xf32, #tpu.memory_space<vmem_shared>>
        tpu.enqueue_dma source(%dma_start3A_236 : memref<520x128xf32, #tpu.memory_space<vmem_shared>>) target(%dma_start3A_234 : memref<520x128xf32, #tpu.memory_space<hbm>>) target_semaphore(%run_scoped3A : memref<!tpu.dma_semaphore, #tpu.memory_space<semaphore_mem>>)
        %dma_wait3A_237 = arith.constant 0 : i32
        %dma_wait3A_238 = tpu.memref_slice %arg10[%add3A_232, %dma_wait3A_237] : memref<20000x128xf32, #tpu.memory_space<hbm>> -> memref<520x128xf32, #tpu.memory_space<hbm>>
        %dma_wait3A_239 = arith.constant 0 : i32
        %dma_wait3A_240 = tpu.memref_slice %arg34[%mul3A_2, %dma_wait3A_239] : memref<10000x128xf32, #tpu.memory_space<vmem_shared>> -> memref<520x128xf32, #tpu.memory_space<vmem_shared>>
        tpu.wait_dma2 semaphore(%run_scoped3A : memref<!tpu.dma_semaphore, #tpu.memory_space<semaphore_mem>>) src(%dma_wait3A_240 : memref<520x128xf32, #tpu.memory_space<vmem_shared>>) dst(%dma_wait3A_238 : memref<520x128xf32, #tpu.memory_space<hbm>>)
        tpu.yield
      }) : () -> ()
    } else {
    }
    %lt3A_225 = arith.constant 2 : i32
    %lt3A_226 = arith.cmpi slt, %arg1, %lt3A_225 : i32
    %convert_element_type3A_227 = arith.extui %lt3A_226 : i1 to i32
    %cond3A_228 = arith.constant 0 : i32
    %cond3A_229 = arith.cmpi ne, %convert_element_type3A_227, %cond3A_228 : i32
    scf.if %cond3A_229 {
      %mul3A_230 = arith.constant 160 : i32
      %mul3A_231 = arith.muli %arg1, %mul3A_230 : i32
      %mul3A_232 = arith.constant 320 : i32
      %mul3A_233 = arith.muli %arg0, %mul3A_232 : i32
      %mul3A_234 = arith.constant 160 : i32
      %mul3A_235 = arith.muli %arg1, %mul3A_234 : i32
      %add3A_236 = arith.addi %mul3A_233, %mul3A_235 : i32
      "tpu.region"() ({
        %run_scoped3A = tpu.sem_alloc : memref<!tpu.dma_semaphore, #tpu.memory_space<semaphore_mem>>
        %dma_start3A_237 = arith.constant 0 : i32
        %dma_start3A_238 = tpu.memref_slice %arg11[%add3A_236, %dma_start3A_237] : memref<640x128xf32, #tpu.memory_space<hbm>> -> memref<160x128xf32, #tpu.memory_space<hbm>>
        %dma_start3A_239 = arith.constant 0 : i32
        %dma_start3A_240 = tpu.memref_slice %arg35[%mul3A_231, %dma_start3A_239] : memref<320x128xf32, #tpu.memory_space<vmem_shared>> -> memref<160x128xf32, #tpu.memory_space<vmem_shared>>
        tpu.enqueue_dma source(%dma_start3A_240 : memref<160x128xf32, #tpu.memory_space<vmem_shared>>) target(%dma_start3A_238 : memref<160x128xf32, #tpu.memory_space<hbm>>) target_semaphore(%run_scoped3A : memref<!tpu.dma_semaphore, #tpu.memory_space<semaphore_mem>>)
        %dma_wait3A_241 = arith.constant 0 : i32
        %dma_wait3A_242 = tpu.memref_slice %arg11[%add3A_236, %dma_wait3A_241] : memref<640x128xf32, #tpu.memory_space<hbm>> -> memref<160x128xf32, #tpu.memory_space<hbm>>
        %dma_wait3A_243 = arith.constant 0 : i32
        %dma_wait3A_244 = tpu.memref_slice %arg35[%mul3A_231, %dma_wait3A_243] : memref<320x128xf32, #tpu.memory_space<vmem_shared>> -> memref<160x128xf32, #tpu.memory_space<vmem_shared>>
        tpu.wait_dma2 semaphore(%run_scoped3A : memref<!tpu.dma_semaphore, #tpu.memory_space<semaphore_mem>>) src(%dma_wait3A_244 : memref<160x128xf32, #tpu.memory_space<vmem_shared>>) dst(%dma_wait3A_242 : memref<160x128xf32, #tpu.memory_space<hbm>>)
        tpu.yield
      }) : () -> ()
    } else {
    }
    return
  }
}

module attributes {stable_mosaic.version = 14 : i64} {
  func.func @_ee_body(%arg0: i32, %arg1: memref<2000x16xf32, #tpu.memory_space<vmem>>, %arg2: memref<16x128xf32, #tpu.memory_space<vmem>>, %arg3: memref<2000x128xf32, #tpu.memory_space<vmem>>) attributes {dimension_semantics = [#tpu.dimension_semantics<arbitrary>], iteration_bounds = array<i64: 160>, scalar_prefetch = 0 : i64, scratch_operands = 0 : i64, tpu.core_type = #tpu.core_type<tc>, window_params = [{transform_indices = @transform_0, window_bounds = array<i64: 2000, 16>}, {pipeline_mode = #tpu.pipeline_mode<synchronous>, transform_indices = @transform_1, window_bounds = array<i64: 16, 128>}, {transform_indices = @transform_2, window_bounds = array<i64: 2000, 128>}]} {
    %get3A = arith.constant 0 : index
    %get3A_0 = arith.constant 0 : index
    %get3A_1 = vector.load %arg1[%get3A, %get3A_0] : memref<2000x16xf32, #tpu.memory_space<vmem>>, vector<2000x16xf32>
    %get3A_2 = arith.constant 0 : index
    %get3A_3 = arith.constant 0 : index
    %get3A_4 = vector.load %arg2[%get3A_2, %get3A_3] : memref<16x128xf32, #tpu.memory_space<vmem>>, vector<16x128xf32>
    %dot_general3A = arith.constant dense<0.000000e+00> : vector<2000x128xf32>
    %dot_general3A_5 = tpu.matmul %get3A_1, %get3A_4, %dot_general3A {dimension_numbers = #tpu.dot_dimension_numbers<[1], [0], [0], [1], [0, 0, 1, 1], [], []>, transpose_lhs_hint = false} : vector<2000x16xf32>, vector<16x128xf32>, vector<2000x128xf32> -> vector<2000x128xf32>
    %swap3A = arith.constant 0 : index
    %swap3A_6 = arith.constant 0 : index
    %swap3A_7 = vector.load %arg3[%swap3A, %swap3A_6] : memref<2000x128xf32, #tpu.memory_space<vmem>>, vector<2000x128xf32>
    tpu.vector_store %arg3[%swap3A, %swap3A_6], %dot_general3A_5 {strides = array<i32>} : memref<2000x128xf32, #tpu.memory_space<vmem>>, vector<2000x128xf32>,
    return
  }
  func.func @transform_0(%arg0: i32) -> (i32, i32) {
    %c0_i32 = arith.constant 0 : i32
    %c0_i32_0 = arith.constant 0 : i32
    return %arg0, %c0_i32 : i32, i32
  }
  func.func @transform_1(%arg0: i32) -> (i32, i32) {
    %c0_i32 = arith.constant 0 : i32
    %c0_i32_0 = arith.constant 0 : i32
    %c0_i32_1 = arith.constant 0 : i32
    return %c0_i32, %c0_i32_0 : i32, i32
  }
  func.func @transform_2(%arg0: i32) -> (i32, i32) {
    %c0_i32 = arith.constant 0 : i32
    %c0_i32_0 = arith.constant 0 : i32
    return %arg0, %c0_i32 : i32, i32
  }
}

module attributes {stable_mosaic.version = 14 : i64} {
  func.func @_proj_body(%arg0: i32, %arg1: memref<1000x128xf32, #tpu.memory_space<vmem>>, %arg2: memref<128x128xf32, #tpu.memory_space<vmem>>, %arg3: memref<1x128xf32, #tpu.memory_space<vmem>>, %arg4: memref<128x128xf32, #tpu.memory_space<vmem>>, %arg5: memref<1x128xf32, #tpu.memory_space<vmem>>, %arg6: memref<1000x128xf32, #tpu.memory_space<vmem>>, %arg7: memref<1000x128xf32, #tpu.memory_space<vmem>>) attributes {dimension_semantics = [#tpu.dimension_semantics<arbitrary>], iteration_bounds = array<i64: 10>, scalar_prefetch = 0 : i64, scratch_operands = 0 : i64, tpu.core_type = #tpu.core_type<tc>, window_params = [{transform_indices = @transform_0, window_bounds = array<i64: 1000, 128>}, {pipeline_mode = #tpu.pipeline_mode<synchronous>, transform_indices = @transform_1, window_bounds = array<i64: 128, 128>}, {pipeline_mode = #tpu.pipeline_mode<synchronous>, transform_indices = @transform_2, window_bounds = array<i64: 1, 128>}, {pipeline_mode = #tpu.pipeline_mode<synchronous>, transform_indices = @transform_3, window_bounds = array<i64: 128, 128>}, {pipeline_mode = #tpu.pipeline_mode<synchronous>, transform_indices = @transform_4, window_bounds = array<i64: 1, 128>}, {transform_indices = @transform_5, window_bounds = array<i64: 1000, 128>}, {transform_indices = @transform_6, window_bounds = array<i64: 1000, 128>}]} {
    %get3A = arith.constant 0 : index
    %get3A_0 = arith.constant 0 : index
    %get3A_1 = vector.load %arg1[%get3A, %get3A_0] : memref<1000x128xf32, #tpu.memory_space<vmem>>, vector<1000x128xf32>
    %get3A_2 = arith.constant 0 : index
    %get3A_3 = arith.constant 0 : index
    %get3A_4 = vector.load %arg2[%get3A_2, %get3A_3] : memref<128x128xf32, #tpu.memory_space<vmem>>, vector<128x128xf32>
    %dot_general3A = arith.constant dense<0.000000e+00> : vector<1000x128xf32>
    %dot_general3A_5 = tpu.matmul %get3A_1, %get3A_4, %dot_general3A {dimension_numbers = #tpu.dot_dimension_numbers<[1], [0], [0], [1], [0, 0, 1, 1], [], []>, transpose_lhs_hint = false} : vector<1000x128xf32>, vector<128x128xf32>, vector<1000x128xf32> -> vector<1000x128xf32>
    %get3A_6 = arith.constant 0 : index
    %get3A_7 = arith.constant 0 : index
    %get3A_8 = vector.load %arg3[%get3A_6, %get3A_7] : memref<1x128xf32, #tpu.memory_space<vmem>>, vector<1x128xf32>
    %add3A = vector.broadcast %get3A_8 : vector<1x128xf32> to vector<1000x128xf32>
    %add3A_9 = arith.addf %dot_general3A_5, %add3A : vector<1000x128xf32>
    %swap3A = arith.constant 0 : index
    %swap3A_10 = arith.constant 0 : index
    %swap3A_11 = vector.load %arg6[%swap3A, %swap3A_10] : memref<1000x128xf32, #tpu.memory_space<vmem>>, vector<1000x128xf32>
    tpu.vector_store %arg6[%swap3A, %swap3A_10], %add3A_9 {strides = array<i32>} : memref<1000x128xf32, #tpu.memory_space<vmem>>, vector<1000x128xf32>,
    %get3A_12 = arith.constant 0 : index
    %get3A_13 = arith.constant 0 : index
    %get3A_14 = vector.load %arg4[%get3A_12, %get3A_13] : memref<128x128xf32, #tpu.memory_space<vmem>>, vector<128x128xf32>
    %dot_general3A_15 = arith.constant dense<0.000000e+00> : vector<1000x128xf32>
    %dot_general3A_16 = tpu.matmul %get3A_1, %get3A_14, %dot_general3A_15 {dimension_numbers = #tpu.dot_dimension_numbers<[1], [0], [0], [1], [0, 0, 1, 1], [], []>, transpose_lhs_hint = false} : vector<1000x128xf32>, vector<128x128xf32>, vector<1000x128xf32> -> vector<1000x128xf32>
    %get3A_17 = arith.constant 0 : index
    %get3A_18 = arith.constant 0 : index
    %get3A_19 = vector.load %arg5[%get3A_17, %get3A_18] : memref<1x128xf32, #tpu.memory_space<vmem>>, vector<1x128xf32>
    %add3A_20 = vector.broadcast %get3A_19 : vector<1x128xf32> to vector<1000x128xf32>
    %add3A_21 = arith.addf %dot_general3A_16, %add3A_20 : vector<1000x128xf32>
    %swap3A_22 = arith.constant 0 : index
    %swap3A_23 = arith.constant 0 : index
    %swap3A_24 = vector.load %arg7[%swap3A_22, %swap3A_23] : memref<1000x128xf32, #tpu.memory_space<vmem>>, vector<1000x128xf32>
    tpu.vector_store %arg7[%swap3A_22, %swap3A_23], %add3A_21 {strides = array<i32>} : memref<1000x128xf32, #tpu.memory_space<vmem>>, vector<1000x128xf32>,
    return
  }
  func.func @transform_0(%arg0: i32) -> (i32, i32) {
    %c0_i32 = arith.constant 0 : i32
    %c0_i32_0 = arith.constant 0 : i32
    return %arg0, %c0_i32 : i32, i32
  }
  func.func @transform_1(%arg0: i32) -> (i32, i32) {
    %c0_i32 = arith.constant 0 : i32
    %c0_i32_0 = arith.constant 0 : i32
    %c0_i32_1 = arith.constant 0 : i32
    return %c0_i32, %c0_i32_0 : i32, i32
  }
  func.func @transform_2(%arg0: i32) -> (i32, i32) {
    %c0_i32 = arith.constant 0 : i32
    %c0_i32_0 = arith.constant 0 : i32
    %c0_i32_1 = arith.constant 0 : i32
    return %c0_i32, %c0_i32_0 : i32, i32
  }
  func.func @transform_3(%arg0: i32) -> (i32, i32) {
    %c0_i32 = arith.constant 0 : i32
    %c0_i32_0 = arith.constant 0 : i32
    %c0_i32_1 = arith.constant 0 : i32
    return %c0_i32, %c0_i32_0 : i32, i32
  }
  func.func @transform_4(%arg0: i32) -> (i32, i32) {
    %c0_i32 = arith.constant 0 : i32
    %c0_i32_0 = arith.constant 0 : i32
    %c0_i32_1 = arith.constant 0 : i32
    return %c0_i32, %c0_i32_0 : i32, i32
  }
  func.func @transform_5(%arg0: i32) -> (i32, i32) {
    %c0_i32 = arith.constant 0 : i32
    %c0_i32_0 = arith.constant 0 : i32
    return %arg0, %c0_i32 : i32, i32
  }
  func.func @transform_6(%arg0: i32) -> (i32, i32) {
    %c0_i32 = arith.constant 0 : i32
    %c0_i32_0 = arith.constant 0 : i32
    return %arg0, %c0_i32 : i32, i32
  }
}

module attributes {stable_mosaic.version = 14 : i64} {
  func.func @_final_body(%arg0: i32, %arg1: memref<1000x128xf32, #tpu.memory_space<vmem>>, %arg2: memref<1000x128xf32, #tpu.memory_space<vmem>>, %arg3: memref<1000x4xf32, #tpu.memory_space<vmem>>, %arg4: memref<1000x4xf32, #tpu.memory_space<vmem>>, %arg5: memref<1x128xf32, #tpu.memory_space<vmem>>, %arg6: memref<1000x128xf32, #tpu.memory_space<vmem>>, %arg7: memref<1000x128xf32, #tpu.memory_space<vmem>>) attributes {dimension_semantics = [#tpu.dimension_semantics<arbitrary>], iteration_bounds = array<i64: 10>, scalar_prefetch = 0 : i64, scratch_operands = 0 : i64, tpu.core_type = #tpu.core_type<tc>, window_params = [{transform_indices = @transform_0, window_bounds = array<i64: 1000, 128>}, {transform_indices = @transform_1, window_bounds = array<i64: 1000, 128>}, {transform_indices = @transform_2, window_bounds = array<i64: 1000, 4>}, {transform_indices = @transform_3, window_bounds = array<i64: 1000, 4>}, {pipeline_mode = #tpu.pipeline_mode<synchronous>, transform_indices = @transform_4, window_bounds = array<i64: 1, 128>}, {transform_indices = @transform_5, window_bounds = array<i64: 1000, 128>}, {transform_indices = @transform_6, window_bounds = array<i64: 1000, 128>}]} {
    %get3A = arith.constant 0 : index
    %get3A_0 = arith.constant 0 : index
    %get3A_1 = vector.load %arg1[%get3A, %get3A_0] : memref<1000x128xf32, #tpu.memory_space<vmem>>, vector<1000x128xf32>
    %get3A_2 = arith.constant 0 : index
    %get3A_3 = arith.constant 0 : index
    %get3A_4 = vector.load %arg2[%get3A_2, %get3A_3] : memref<1000x128xf32, #tpu.memory_space<vmem>>, vector<1000x128xf32>
    %add3A = arith.addf %get3A_1, %get3A_4 : vector<1000x128xf32>
    %get3A_5 = arith.constant 0 : index
    %get3A_6 = arith.constant 0 : index
    %get3A_7 = vector.load %arg3[%get3A_5, %get3A_6] : memref<1000x4xf32, #tpu.memory_space<vmem>>, vector<1000x4xf32>
    %get3A_8 = arith.constant 0 : index
    %get3A_9 = arith.constant 0 : index
    %get3A_10 = vector.load %arg4[%get3A_8, %get3A_9] : memref<1000x4xf32, #tpu.memory_space<vmem>>, vector<1000x4xf32>
    %add3A_11 = arith.addf %get3A_7, %get3A_10 : vector<1000x4xf32>
    %iota3A = tpu.iota {dimensions = array<i32: 0>} : vector<4x128xi32>
    %iota3A_12 = tpu.iota {dimensions = array<i32: 1>} : vector<4x128xi32>
    %jit3A = arith.constant 32 : i32
    %div3A = vector.broadcast %jit3A : i32 to vector<4x128xi32>
    %div3A_13 = arith.divsi %iota3A_12, %div3A : vector<4x128xi32>
    %sign3A = arith.constant 0 : i32
    %sign3A_14 = vector.broadcast %sign3A : i32 to vector<4x128xi32>
    %sign3A_15 = arith.cmpi sgt, %iota3A_12, %sign3A_14 : vector<4x128xi32>
    %sign3A_16 = arith.extui %sign3A_15 : vector<4x128xi1> to vector<4x128xi32>
    %sign3A_17 = arith.constant 0 : i32
    %sign3A_18 = vector.broadcast %sign3A_17 : i32 to vector<4x128xi32>
    %sign3A_19 = arith.cmpi slt, %iota3A_12, %sign3A_18 : vector<4x128xi32>
    %sign3A_20 = arith.extui %sign3A_19 : vector<4x128xi1> to vector<4x128xi32>
    %sign3A_21 = arith.subi %sign3A_16, %sign3A_20 : vector<4x128xi32>
    %sign3A_22 = arith.constant 0 : i32
    %sign3A_23 = arith.cmpi sgt, %jit3A, %sign3A_22 : i32
    %sign3A_24 = arith.extui %sign3A_23 : i1 to i32
    %sign3A_25 = arith.constant 0 : i32
    %sign3A_26 = arith.cmpi slt, %jit3A, %sign3A_25 : i32
    %sign3A_27 = arith.extui %sign3A_26 : i1 to i32
    %sign3A_28 = arith.subi %sign3A_24, %sign3A_27 : i32
    %ne3A = vector.broadcast %sign3A_28 : i32 to vector<4x128xi32>
    %ne3A_29 = arith.cmpi ne, %sign3A_21, %ne3A : vector<4x128xi32>
    %rem3A = vector.broadcast %jit3A : i32 to vector<4x128xi32>
    %rem3A_30 = arith.remsi %iota3A_12, %rem3A : vector<4x128xi32>
    %ne3A_31 = arith.constant 0 : i32
    %ne3A_32 = vector.broadcast %ne3A_31 : i32 to vector<4x128xi32>
    %ne3A_33 = arith.cmpi ne, %rem3A_30, %ne3A_32 : vector<4x128xi32>
    %and3A = arith.andi %ne3A_29, %ne3A_33 : vector<4x128xi1>
    %sub3A = arith.constant 1 : i32
    %sub3A_34 = vector.broadcast %sub3A : i32 to vector<4x128xi32>
    %sub3A_35 = arith.subi %div3A_13, %sub3A_34 : vector<4x128xi32>
    %select_n3A = arith.select %and3A, %sub3A_35, %div3A_13 : vector<4x128xi1>, vector<4x128xi32>
    %eq3A = arith.cmpi eq, %select_n3A, %iota3A : vector<4x128xi32>
    %convert_element_type3A = arith.extui %eq3A : vector<4x128xi1> to vector<4x128xi32>
    %convert_element_type3A_36 = arith.sitofp %convert_element_type3A : vector<4x128xi32> to vector<4x128xf32>
    %dot_general3A = arith.constant dense<0.000000e+00> : vector<1000x128xf32>
    %dot_general3A_37 = tpu.matmul %add3A_11, %convert_element_type3A_36, %dot_general3A {dimension_numbers = #tpu.dot_dimension_numbers<[1], [0], [0], [1], [0, 0, 1, 1], [], []>, transpose_lhs_hint = false} : vector<1000x4xf32>, vector<4x128xf32>, vector<1000x128xf32> -> vector<1000x128xf32>
    %add3A_38 = arith.constant 1.000000e-16 : f32
    %add3A_39 = vector.broadcast %add3A_38 : f32 to vector<1000x128xf32>
    %add3A_40 = arith.addf %dot_general3A_37, %add3A_39 : vector<1000x128xf32>
    %div3A_41 = arith.divf %add3A, %add3A_40 : vector<1000x128xf32>
    %get3A_42 = arith.constant 0 : index
    %get3A_43 = arith.constant 0 : index
    %get3A_44 = vector.load %arg5[%get3A_42, %get3A_43] : memref<1x128xf32, #tpu.memory_space<vmem>>, vector<1x128xf32>
    %add3A_45 = vector.broadcast %get3A_44 : vector<1x128xf32> to vector<1000x128xf32>
    %add3A_46 = arith.addf %div3A_41, %add3A_45 : vector<1000x128xf32>
    %max3A = arith.constant 0.000000e+00 : f32
    %max3A_47 = vector.broadcast %max3A : f32 to vector<1000x128xf32>
    %max3A_48 = arith.maximumf %add3A_46, %max3A_47 : vector<1000x128xf32>
    %get3A_49 = arith.constant 0 : index
    %get3A_50 = arith.constant 0 : index
    %get3A_51 = vector.load %arg6[%get3A_49, %get3A_50] : memref<1000x128xf32, #tpu.memory_space<vmem>>, vector<1000x128xf32>
    %add3A_52 = arith.addf %max3A_48, %get3A_51 : vector<1000x128xf32>
    %swap3A = arith.constant 0 : index
    %swap3A_53 = arith.constant 0 : index
    %swap3A_54 = vector.load %arg7[%swap3A, %swap3A_53] : memref<1000x128xf32, #tpu.memory_space<vmem>>, vector<1000x128xf32>
    tpu.vector_store %arg7[%swap3A, %swap3A_53], %add3A_52 {strides = array<i32>} : memref<1000x128xf32, #tpu.memory_space<vmem>>, vector<1000x128xf32>,
    return
  }
  func.func @transform_0(%arg0: i32) -> (i32, i32) {
    %c0_i32 = arith.constant 0 : i32
    %c0_i32_0 = arith.constant 0 : i32
    return %arg0, %c0_i32 : i32, i32
  }
  func.func @transform_1(%arg0: i32) -> (i32, i32) {
    %c0_i32 = arith.constant 0 : i32
    %c0_i32_0 = arith.constant 0 : i32
    return %arg0, %c0_i32 : i32, i32
  }
  func.func @transform_2(%arg0: i32) -> (i32, i32) {
    %c0_i32 = arith.constant 0 : i32
    %c0_i32_0 = arith.constant 0 : i32
    return %arg0, %c0_i32 : i32, i32
  }
  func.func @transform_3(%arg0: i32) -> (i32, i32) {
    %c0_i32 = arith.constant 0 : i32
    %c0_i32_0 = arith.constant 0 : i32
    return %arg0, %c0_i32 : i32, i32
  }
  func.func @transform_4(%arg0: i32) -> (i32, i32) {
    %c0_i32 = arith.constant 0 : i32
    %c0_i32_0 = arith.constant 0 : i32
    %c0_i32_1 = arith.constant 0 : i32
    return %c0_i32, %c0_i32_0 : i32, i32
  }
  func.func @transform_5(%arg0: i32) -> (i32, i32) {
    %c0_i32 = arith.constant 0 : i32
    %c0_i32_0 = arith.constant 0 : i32
    return %arg0, %c0_i32 : i32, i32
  }
  func.func @transform_6(%arg0: i32) -> (i32, i32) {
    %c0_i32 = arith.constant 0 : i32
    %c0_i32_0 = arith.constant 0 : i32
    return %arg0, %c0_i32 : i32, i32
  }
}

</mosaic_0001>

<sc_bundles>
// kernel: kernel.6.cloned.1.call-start
scs
__scs_entry_jumppad:
0x0: {  	(pc) =	sbr.rel $0x88, $3  }
0x1: {  	(tag) =	ssettag $0x0;
	lr =	simm.s32 $0x1  }
0x2: {  	[smem:$0x3F97] =	sst lr;
	_ =	strace $0xD0000000  }
0x3: {  	_ = 	snop  }
0x4: {  	_ = 	snop  }
0x5: {  	_ = 	snop  }
0x6: {  	_ = 	snop  }
0x7: {  	_ = 	snop  }
__scs_overlays_trampoline_lowered:
0x8: {  	[smem:$0x3FA6] =	sst s0  }
0x9: {  	[smem:$0x3FA7] =	sst s1  }
0xa: {  	[smem:$0x3FA8] =	sst s2  }
0xb: {  	[smem:$0x3FA9] =	sst s3  }
0xc: {  	[smem:$0x3FAA] =	sst s4  }
0xd: {  	[smem:$0x3FAB] =	sst s5  }
0xe: {  	[smem:$0x3FAC] =	sst s6  }
0xf: {  	[smem:$0x3FAD] =	sst s7  }
0x10: {  	[smem:$0x3FAE] =	sst s8  }
0x11: {  	[smem:$0x3FAF] =	sst s9;
	s0 =	simm.s32 @!p0 $0x0  }
0x12: {  	s1 =	sld [smem:$0x3F95];
	s0 =	simm.s32 @p0 $0x1  }
0x13: {  	[smem:$0x3FB0] =	sst s0;
	s0 =	simm.s32 @!p1 $0x0  }
0x14: {  	s2 =	sld [smem:$0x3F94];
	s0 =	simm.s32 @p1 $0x1  }
0x15: {  	[smem:$0x3FB1] =	sst s0;
	s0 =	simm.s32 @!p2 $0x0  }
0x16: {  	s3 =	sld [smem:$0x3FDB];
	s0 =	simm.s32 @p2 $0x1  }
0x17: {  	s4 =	simm.s32 $0x1BF5;
	[smem:$0x3FB3] =	sst s0  }
0x18: {  	s0 =	sld [smem:$0x3F96];
	_ =	swait.ge [sflag:s4], $0x0  }
0x19: {  	s7 =	sld [smem:$0x3F97]  }
0x1a: {  	s8 =	sadd.s32 $0xFFFFE003, lr  }
0x1b: {  	s9 =	sadd.s32 $0xFFFFFEF7, lr;
	s5 =	simm.s32 $0xFFFFFFFF;
	p2 =	slt.u32 s8, $0xFFFFF086  }
0x1c: {  	p1 =	slt.u32 s9, $0xF7A;
	s5 =	simm.s32 @!p2 $0x0  }
0x1d: {  	s5 =	simm.s32 @p1 $0x1;
	p0 =	seq.s32 s7, s2  }
0x1e: {  	s7 =	smul.u32 @!p0 $0xF7A, s2;
	p2 =	seq.s32 @!p0 s5, $0x0  }
0x1f: {  	s9 =	smul.u32 $0xF7A, s1;
	s8 =	simm.s32 @!p0 $0x1BF5;
	p2 =	por !p2, p0  }
0x20: {  	[sflag:s8] =	ssyncset.s32 @!p0 $0xFFFFF086;
	s6 =	sadd.s32 @!p0 s3, s7;
	s7 =	simm.s32 @!p0 $0x108  }
0x21: {  	s3 =	sadd.s32 s3, s9;
	s6 =	sadd.s32 @!p0 $0x88, s6;
	s7 =	simm.s32 @p2 $0x1082  }
0x22: {  	[simem:s7], [sflag:s8] =	dma.local @!p0 [hbm:s6], $0xF7A  }
0x23: {  	s9 =	sor.u32 $0xD0000000, s2;
	s6 =	simm.s32 $0x108;
	_ =	swait.ge @!p0 [sflag:s8], $0x0  }
0x24: {  	s3 =	sadd.s32 $0x88, s3;
	s6 =	simm.s32 @!p1 $0x1082;
	[sflag:s4] =	ssyncset.s32 $0xFFFFF086  }
0x25: {  	[simem:s6], [sflag:s4] =	dma.local [hbm:s3], $0xF7A  }
0x26: {  	[smem:$0x3F97] =	sst s1;
	(tag) =	ssettag s2;
	_ =	strace s9  }
0x27: {  	s1 =	sld [smem:$0x3FA7]  }
0x28: {  	s2 =	sld [smem:$0x3FA8]  }
0x29: {  	s4 =	sld [smem:$0x3FAA]  }
0x2a: {  	p0 =	seq.s32 s5, $0x0;
	s5 =	sld [smem:$0x3FAB]  }
0x2b: {  	s6 =	sld [smem:$0x3FAC]  }
0x2c: {  	s7 =	sld [smem:$0x3FAD]  }
0x2d: {  	s3 =	simm.s32 $0x108;
	s8 =	sld [smem:$0x3FAE]  }
0x2e: {  	s3 =	simm.s32 @!p0 $0x1082;
	s9 =	sld [smem:$0x3FAF]  }
0x2f: {  	lr =	sadd.s32 s0, s3;
	s0 =	sld [smem:$0x3FA6]  }
0x30: {  	s3 =	sld [smem:$0x3FA9]  }
0x31: {  	[smem:$0x3FB2] =	sst s10  }
0x32: {  	s10 =	sld [smem:$0x3FB0];
	_ =	sdelay $0x3  }
0x33: {  	p0 =	seq.s32 s10, $0x1;
	s10 =	sld [smem:$0x3FB2];
	_ =	sdelay $0x3  }
0x34: {  	[smem:$0x3FB2] =	sst s10  }
0x35: {  	s10 =	sld [smem:$0x3FB1];
	_ =	sdelay $0x3  }
0x36: {  	p1 =	seq.s32 s10, $0x1;
	s10 =	sld [smem:$0x3FB2];
	_ =	sdelay $0x3  }
0x37: {  	[smem:$0x3FB2] =	sst s10  }
0x38: {  	s10 =	sld [smem:$0x3FB3]  }
0x39: {  	_ = 	snop;
	(pc) =	sbr.ind lr, $3  }
0x3a: {  	_ = 	snop  }
0x3b: {  	_ = 	snop  }
0x3c: {  	p2 =	seq.s32 s10, $0x1;
	s10 =	sld [smem:$0x3FB2]  }
0x3d: {  	_ =	shalt  }
0x3e: {  	_ =	shalt  }
0x3f: {  	_ =	shalt  }
0x40: {  	_ =	shalt  }
0x41: {  	_ =	shalt  }
0x42: {  	_ =	shalt  }
0x43: {  	_ =	shalt  }
0x44: {  	_ =	shalt  }
0x45: {  	_ =	shalt  }
0x46: {  	_ =	shalt  }
0x47: {  	_ =	shalt  }
0x48: {  	_ =	shalt  }
0x49: {  	_ =	shalt  }
0x4a: {  	_ =	shalt  }
0x4b: {  	_ =	shalt  }
0x4c: {  	_ =	shalt  }
0x4d: {  	_ =	shalt  }
0x4e: {  	_ =	shalt  }
0x4f: {  	_ =	shalt  }
0x50: {  	_ =	shalt  }
0x51: {  	_ =	shalt  }
0x52: {  	_ =	shalt  }
0x53: {  	_ =	shalt  }
0x54: {  	_ =	shalt  }
0x55: {  	_ =	shalt  }
0x56: {  	_ =	shalt  }
0x57: {  	_ =	shalt  }
0x58: {  	_ =	shalt  }
0x59: {  	_ =	shalt  }
0x5a: {  	_ =	shalt  }
0x5b: {  	_ =	shalt  }
0x5c: {  	_ =	shalt  }
0x5d: {  	_ =	shalt  }
0x5e: {  	_ =	shalt  }
0x5f: {  	_ =	shalt  }
0x60: {  	_ =	shalt  }
0x61: {  	_ =	shalt  }
0x62: {  	_ =	shalt  }
0x63: {  	_ =	shalt  }
0x64: {  	_ =	shalt  }
0x65: {  	_ =	shalt  }
0x66: {  	_ =	shalt  }
0x67: {  	_ =	shalt  }
0x68: {  	_ =	shalt  }
0x69: {  	_ =	shalt  }
0x6a: {  	_ =	shalt  }
0x6b: {  	_ =	shalt  }
0x6c: {  	_ =	shalt  }
0x6d: {  	_ =	shalt  }
0x6e: {  	_ =	shalt  }
0x6f: {  	_ =	shalt  }
0x70: {  	_ =	shalt  }
0x71: {  	_ =	shalt  }
0x72: {  	_ =	shalt  }
0x73: {  	_ =	shalt  }
0x74: {  	_ =	shalt  }
0x75: {  	_ =	shalt  }
0x76: {  	_ =	shalt  }
0x77: {  	_ =	shalt  }
0x78: {  	_ =	shalt  }
0x79: {  	_ =	shalt  }
0x7a: {  	_ =	shalt  }
0x7b: {  	_ =	shalt  }
0x7c: {  	_ =	shalt  }
0x7d: {  	_ =	shalt  }
0x7e: {  	_ =	shalt  }
0x7f: {  	_ =	shalt  }
0x80: {  	_ =	shalt  }
0x81: {  	_ =	shalt  }
0x82: {  	_ =	shalt  }
0x83: {  	_ =	shalt  }
0x84: {  	_ =	shalt  }
0x85: {  	_ =	shalt  }
0x86: {  	_ =	shalt  }
0x87: {  	_ =	shalt  }
.Lfunc_end0:
.L_simem_size_0:
called_computation_lowered:
.L_overlay_start_0:
0x88: {  	s2 =	sld [smem:$0x3FD9]  }
0x89: {  	s3 =	sld [smem:$0x3FFE];
	_ =	sdelay $0x1  }
0x8a: {  	s1 =	srdreg.scid  }
0x8b: {  	s0 =	sand.u32 $0x1, s1  }
0x8c: {  	s17 =	sshll.u32 s0, $0xA;
	s2 =	sadd.s32 s3, s2  }
0x8d: {  	s2 =	sadd.s32 s2, s17  }
0x8e: {  	[smem:$0x3FBE] =	sst s2  }
0x8f: {  	_ = 	snop  }
0x90: {  	s2 =	sld [smem:$0x3FD0];
	(tm) =	ssettm $0x1  }
0x91: {  	s18 =	sld [smem:$0x3FFB];
	_ =	sdelay $0x3  }
0x92: {  	_ =	strace s18  }
0x93: {  	s3 =	sld [smem:$0x3FFC];
	_ =	sdelay $0x3  }
0x94: {  	_ =	strace s3  }
0x95: {  	s3 =	sld [smem:$0x3FFD];
	_ =	sdelay $0x3  }
0x96: {  	_ =	strace s3  }
0x97: {  	_ =	strace $0x8FFFFFFF  }
0x98: {  	s19 =	sld [smem:$0x3FDB];
	_ =	sdelay $0x1  }
0x99: {  	s4 =	simm.s32 $_scs_section_size  }
0x9a: {  	s5 =	simm.s32 $_size__tile_overlayer_lowered;
	s6 =	simm.s32 $_tile_overlayer_lowered  }
0x9b: {  	s22 =	simm.s32 $0x1BFF;
	s21 =	sshll.u32 s6, $0x1;
	s3 =	sadd.s32 s4, s19  }
0x9c: {  	s7 =	simm.s32 $0x0;
	s20 =	sshll.u32 s5, $0x1;
	s5 =	sadd.s32 s21, s3  }
0x9d: {  	[timem:s7], [sflag:s22] =	dma.local [hbm:s5], s20  }
0x9e: {  	_ =	swait.ge [sflag:s22], s20  }
0x9f: {  	s4 =	ssub.s32 $0x0, s20;
	[sflag:s22] =	ssyncset.done $0x0  }
0xa0: {  	[sflag:s22] =	ssyncadd.s32 s4;
	_ =	sdelay $0x1  }
0xa1: {  	s23 =	simm.s32 $0x1B8B  }
0xa2: {  	_ =	swait.ge [sflag:s23], $0x1  }
0xa3: {  	[sflag:s23] =	ssyncset.done $0x0  }
0xa4: {  	s25 =	simm.s32 $0x1B8E;
	s24 =	sld [smem:$0x3FFE];
	[sflag:s23] =	ssyncadd.s32 $0xFFFFFFFF  }
0xa5: {  	s26 =	simm.s32 $execute0_lowered;
	[smem:$0x3FD2] =	sst s25  }
0xa6: {  	s5 =	sshll.u32 s26, $0x1;
	_ =	strace $0x80000046;
	[dreg:$0x1] =	wrdreg $0xFFFFFFFF  }
0xa7: {  	s28 =	simm.s32 $_size_execute0_lowered;
	s3 =	sadd.s32 s3, s5;
	[dreg:$0x0] =	wrdreg $0x0  }
0xa8: {  	s5 =	sshll.u32 s28, $0x1;
	[dreg:$0x2] =	wrdreg s3  }
0xa9: {  	[dreg:$0x3] =	wrdreg s5  }
0xaa: {  	[dreg:$0x4] =	wrdreg $0xC0  }
0xab: {  	_ =	task [dreg:s7], $0x5FFFF  }
0xac: {  	[dreg:$0x1] =	wrdreg $0xFFFFFFFF  }
0xad: {  	[dreg:$0x0] =	wrdreg $0x60  }
0xae: {  	[dreg:$0x2] =	wrdreg s2  }
0xaf: {  	[dreg:$0x3] =	wrdreg s24  }
0xb0: {  	[dreg:$0x4] =	wrdreg $0x88000  }
0xb1: {  	[dreg:$0x5] =	wrdreg $0x1C0800  }
0xb2: {  	[dreg:$0x6] =	wrdreg $0x9  }
0xb3: {  	_ =	task.clear_ibuf [dreg:s7], $0x7FFFF;
	_ =	strace $0x90000046  }
0xb4: {  	s29 =	simm.s32 $0x9;
	_ =	strace $0x80000048  }
0xb5: {  	_ =	swait.ge [sflag:s29], $0x1  }
0xb6: {  	[sflag:s29] =	ssyncadd.s32 $0xFFFFFFFF  }
0xb7: {  	_ =	strace $0x90000048  }
0xb8: {  	_ =	sfence  }
0xb9: {  	s30 =	sld [smem:$0x0];
	_ =	sdelay $0x2  }
0xba: {  	s31 =	sshll.u32 s1, $0xD;
	s1 =	sshrl.u32 s1, $0x2  }
0xbb: {  	s3 =	sand.u32 $0x4000, s31;
	s1 =	sadd.s32 s1, s30  }
0xbc: {  	s0 =	sor.u32 s3, s0;
	s1 =	sshll.u32 s1, $0x11  }
0xbd: {  	s0 =	sor.u32 s1, s0  }
0xbe: {  	s0 =	sadd.s32 $0x8F2B, s0  }
0xbf: {  	[sflag:s0] =	ssyncadd.remote.s32 $0x1  }
0xc0: {  	_ =	sfence.sel $0xFFFF  }
0xc1: {  	[dreg:$0x0] =	wrdreg $0xFFFFFFFF;
	(pc) =	sbr.abs _section_cstart, $3  }
0xc2: {  	[dreg:$0x1] =	wrdreg $0xFFFFFFFF  }
0xc3: {  	_ =	task.clear_ibuf [dreg:s7], $0x2FFFF;
	_ =	strace $0x9FFFFFFF  }
0xc4: {  	(tm) =	ssettm $0x7FFFFFFF  }
0xc5: {  	_ =	shalt  }
tec
execute0_lowered:
.L_overlay_start_1:
0x0: {  	(tag) =	ssettag $0x1  }
0x1: {  	s1 =	rddreg [dreg:$0x0]  }
0x2: {  	s0 =	rddreg [dreg:$0x1]  }
0x3: {  	s2 =	rddreg [dreg:$0x2]  }
0x4: {  	s3 =	rddreg [dreg:$0x3]  }
0x5: {  	s5 =	simm.s32 $0x0;
	s30 =	stileid.u32;
	s9 =	srdreg.scid  }
0x6: {  	s31 =	simm.s32 $0x7;
	s28 =	simm.s32 $0x5000;
	s29 =	simm.s32 $0x6000  }
0x7: {  	[smem:$0x7FF] =	sst s5;
	s7 =	sadd.s32 $0x4F8200, s0;
	s4 =	smul.u32 $0x2780, s30  }
0x8: {  	s6 =	sadd.s32 $0x2400, s0;
	s8 =	sadd.s32 $0x4EE200, s0;
	s10 =	smul.u32 $0xA00, s30  }
0x9: {  	s11 =	sand.u32 $0x1, s9;
	s9 =	sadd.s32 $0x4E4400, s0;
	s16 =	smul.u32 $0x4F000, s30  }
0xa: {  	s12 =	sadd.s32 $0x4F8000, s0;
	s15 =	sadd.s32 $0x51C00, s0;
	s19 =	smul.u32 $0x14000, s30  }
0xb: {  	p0 =	sne.s32 s30, $0xF;
	p3 =	seq.s32 s30, $0xF;
	s23 =	smul.u32 $0x1400, s11  }
0xc: {  	_ =	strace $0x80000047;
	[dreg:$0x5] =	wrdreg s12;
	s26 =	smul.u32 $0x27100, s11  }
0xd: {  	s24 =	ssub.s32 $0x2, s11;
	s18 =	sshll.u32 s11, $0x4;
	s11 =	smul.u32 $0x138800, s11  }
0xe: {  	p2 =	sgt.u32 @p0 s30, $0x1;
	s13 =	sadd.s32 s4, s0;
	s14 =	sadd.s32 s10, s0  }
0xf: {  	s17 =	sshrl.u32 s24, $0x1;
	s18 =	sor.u32 s30, s18;
	s16 =	sshrl.u32 s16, $0x2  }
0x10: {  	s25 =	sshrl.u32 s19, $0x2;
	p1 =	por p2, !p0;
	p2 =	por !p2, !p0  }
0x11: {  	s10 =	sadd.s32 s10, s23;
	s12 =	ssub.s32 s24, s17;
	s16 =	sadd.s32 s16, s2  }
0x12: {  	s17 =	smul.u32 $0x2710, s18;
	s13 =	sadd.s32 $0x29600, s13;
	s3 =	sadd.s32 s25, s3  }
0x13: {  	s20 =	sadd.s32 $0x50800, s14;
	s4 =	sadd.s32 s4, s26;
	[dreg:$0x7] =	wrdreg s13  }
0x14: {  	s11 =	sshrl.u32 s11, $0x3;
	s24 =	smul.u32 $0x27100, s18;
	[dreg:$0x9] =	wrdreg s20  }
0x15: {  	s14 =	simm.s32 $0x8080;
	s10 =	sadd.s32 s10, s0;
	[dreg:$0x6] =	wrdreg s16  }
0x16: {  	s0 =	sadd.s32 $0x4E680, s0;
	s4 =	sadd.s32 s15, s4;
	[dreg:$0x8] =	wrdreg s3  }
0x17: {  	s25 =	sadd.s32 s15, s11;
	[dreg:$0xa] =	wrdreg s0;
	s21 =	sshrl.u32 s17, $0x3  }
0x18: {  	s22 =	sadd.s32 $0x20, s17;
	[dreg:$0xb] =	wrdreg s4;
	s15 =	sadd.s32 s7, s24  }
0x19: {  	s18 =	sadd.s32 $0x2700, s17;
	s19 =	sadd.s32 $0x40, s17;
	s20 =	sadd.s32 $0x60, s17  }
0x1a: {  	s24 =	sadd.s32 $0x25080, s25;
	s25 =	sadd.s32 $0x9FE00, s10;
	[dreg:$0x10] =	wrdreg s15  }
0x1b: {  	s10 =	simm.s32 $0x8780;
	s4 =	simm.s32 $0x4;
	[dreg:$0x11] =	wrdreg s19  }
0x1c: {  	s17 =	simm.s32 $0x0;
	s23 =	smov.u32 s22;
	[dreg:$0x12] =	wrdreg s20  }
0x1d: {  	s13 =	sshrl.u32 s22, $0x3;
	s26 =	sadd.s32 s8, s21;
	[dreg:$0x16] =	wrdreg s24  }
0x1e: {  	s0 =	sadd.s32 s9, s21;
	s21 =	sshrl.u32 s18, $0x3;
	[dreg:$0x17] =	wrdreg s25  }
0x1f: {  	s24 =	sadd.s32 $0x128400, s2;
	s15 =	simm.s32 $0x8180;
	[dreg:$0xc] =	wrdreg s26  }
0x20: {  	s19 =	simm.s32 $0x2000;
	s20 =	simm.s32 $0x4000;
	[dreg:$0xd] =	wrdreg s0  }
0x21: {  	s25 =	simm.s32 $0x1000;
	s11 =	sadd.s32 s8, s13;
	[dreg:$0x19] =	wrdreg s24  }
0x22: {  	s13 =	sadd.s32 s9, s13;
	s22 =	sadd.s32 s8, s21;
	[dreg:$0xe] =	wrdreg s11  }
0x23: {  	s0 =	sshll.u32 s18, $0x4;
	s26 =	smax.u32 s12, $0x1;
	[dreg:$0xf] =	wrdreg s13  }
0x24: {  	v0 =	vlaneseq.u32;
	s18 =	simm.s32 $0x20;
	[dreg:$0x13] =	wrdreg s22;
	s11 =	sadd.s32 s9, s21  }
0x25: {  	v0 =	vmul.u32 $0x80, v0;
	s0 =	sadd.s32 s7, s0;
	[dreg:$0x18] =	wrdreg s26;
	s21 =	simm.s32 $0x3  }
0x26: {  	s22 =	simm.s32 $0x2;
	s26 =	simm.s32 $0x3000;
	[dreg:$0x14] =	wrdreg s11  }
0x27: {  	v1 =	vimm.f32 $0.0e+00;
	v2 =	vor.u32 $0x60, v0;
	s13 =	simm.s32 $0x7000;
	[dreg:$0x15] =	wrdreg s0;
	s11 =	simm.s32 $0x5  }
.LBB2_1:
0x28: {  	[dreg:$0x1a] =	wrdreg s17;
	s12 =	sshll.u32 @p0 s30, $0x6  }
0x29: {  	s30 =	sshrl.u32 @p0 s16, $0x3;
	s0 =	rddreg [dreg:$0x7];
	s12 =	sor.u32 @p0 $0x1C07, s12  }
0x2a: {  	[spmem:s30], [sflag:s12] =	dma.local @p0 [hbm:s0], $0x2780  }
0x2b: {  	s30 =	simm.s32 @p0 $0x7  }
0x2c: {  	_ =	swait.ge @p0 [sflag:s30], $0x2780  }
0x2d: {  	[sflag:s30] =	ssyncset.done @p0 $0x0  }
0x2e: {  	s0 =	rddreg [dreg:$0x9];
	[sflag:s30] =	ssyncadd.s32 @p0 $0xFFFFD880;
	s30 =	sshrl.u32 @!p1 s3, $0x3  }
0x2f: {  	[spmem:s30], [sflag:s12] =	dma.local @!p1 [hbm:s0], $0xA00  }
0x30: {  	s12 =	simm.s32 @!p1 $0x7  }
0x31: {  	_ =	swait.ge @!p1 [sflag:s12], $0xA00  }
0x32: {  	s30 =	simm.s32 @!p0 $0x1FC7;
	[sflag:s12] =	ssyncset.done @!p1 $0x0  }
0x33: {  	s0 =	rddreg [dreg:$0xa];
	[sflag:s12] =	ssyncadd.s32 @!p1 $0xFFFFF600;
	s12 =	sshrl.u32 @!p0 s24, $0x3  }
0x34: {  	[spmem:s12], [sflag:s30] =	dma.local @!p0 [hbm:s0], $0x2080  }
0x35: {  	s12 =	simm.s32 @!p0 $0x7  }
0x36: {  	_ =	swait.ge @!p0 [sflag:s12], $0x2080  }
0x37: {  	p5 =	por @p0 $0x0, $0x0;
	[sflag:s12] =	ssyncset.done @!p0 $0x0  }
0x38: {  	p4 =	por @!p1 $0x1, $0x1;
	s24 =	rddreg [dreg:$0x5];
	[sflag:s12] =	ssyncadd.s32 @!p0 $0xFFFFDF80  }
0x39: {  	[tilespmem:s10], [sflag:$0x7] =	stream.linear.gather [hbm4b:s24+s5], $0x80, $0x38;
	[tilespmem:$0x1CA80] =	vst v63  }
0x3a: {  	p4 =	por @!p2 p5, p5;
	p5 =	por @!p0 $0x0, $0x0;
	_ =	swait.ge [sflag:s31], $0x80  }
0x3b: {  	p4 =	por @!p0 p5, p5;
	[sflag:s31] =	ssyncset.done $0x0  }
0x3c: {  	s30 =	simm.s32 $0x200;
	s12 =	simm.s32 $0x0;
	[sflag:s31] =	ssyncadd.s32 $0xFFFFFF80  }
.LBB2_2:
0x3d: {  	p5 =	sne.s32 s30, $0x3E00;
	[tilespmem:s12+$0x7070] =	vst v1  }
0x3e: {  	[tilespmem:s12+$0x6000] =	vst v1  }
0x3f: {  	[tilespmem:s12+$0x7000] =	vst v1  }
0x40: {  	[tilespmem:s12+$0x6010] =	vst v1  }
0x41: {  	[tilespmem:s12+$0x7010] =	vst v1  }
0x42: {  	[tilespmem:s12+$0x6020] =	vst v1  }
0x43: {  	[tilespmem:s12+$0x7020] =	vst v1  }
0x44: {  	[tilespmem:s12+$0x6030] =	vst v1  }
0x45: {  	[tilespmem:s12+$0x7030] =	vst v1  }
0x46: {  	[tilespmem:s12+$0x6040] =	vst v1  }
0x47: {  	[tilespmem:s12+$0x7040] =	vst v1  }
.Ltmp0:
0x48: {  	[tilespmem:s12+$0x6050] =	vst v1;
	(pc) =	sbr.rel @p5 .LBB2_2-.Ltmp0, $4  }
0x49: {  	[tilespmem:s12+$0x7050] =	vst v1  }
0x4a: {  	[tilespmem:s12+$0x6060] =	vst v1  }
0x4b: {  	[tilespmem:s12+$0x7060] =	vst v1  }
0x4c: {  	[tilespmem:s12+$0x6070] =	vst v1;
	s12 =	sshra.s32 s30, $0x2;
	s30 =	sadd.s32 $0x200, s30  }
0x4d: {  	[tilespmem:s12+$0x7070] =	vst v1  }
0x4e: {  	[tilespmem:s12+$0x6000] =	vst v1  }
0x4f: {  	[tilespmem:s12+$0x7000] =	vst v1  }
0x50: {  	[tilespmem:s12+$0x6010] =	vst v1  }
0x51: {  	[tilespmem:s12+$0x7010] =	vst v1  }
0x52: {  	[tilespmem:s12+$0x6020] =	vst v1  }
0x53: {  	[tilespmem:s12+$0x7020] =	vst v1  }
0x54: {  	[tilespmem:s12+$0x6030] =	vst v1  }
0x55: {  	[tilespmem:s12+$0x7030] =	vst v1  }
0x56: {  	[tilespmem:s12+$0x6040] =	vst v1  }
0x57: {  	[tilespmem:s12+$0x7040] =	vst v1  }
0x58: {  	[tilespmem:s12+$0x6050] =	vst v1  }
0x59: {  	[tilespmem:s12+$0x7050] =	vst v1  }
0x5a: {  	[tilespmem:s12+$0x6060] =	vst v1  }
0x5b: {  	[tilespmem:s12+$0x7060] =	vst v1  }
0x5c: {  	[tilespmem:s12+$0x6070] =	vst v1  }
0x5d: {  	[bflag:$0x0] =	sbarrier.arrive $0xFFFF  }
0x5e: {  	s12 =	simm.s32 $0x0;
	s16 =	simm.s32 $0x8000;
	s0 =	rddreg [dreg:$0xc]  }
0x5f: {  	[tilespmem:s16], [sflag:$0x1] =	stream.linear.gather [hbm4b:s0+s12], $0x20, $0x38;
	[tilespmem:$0x1CA80] =	vst v63  }
0x60: {  	s17 =	simm.s32 $0x8100;
	s31 =	rddreg [dreg:$0xd]  }
0x61: {  	[tilespmem:s17], [sflag:$0x1] =	stream.linear.gather [hbm4b:s31+s12], $0x20, $0x38;
	[tilespmem:$0x1CA80] =	vst v63  }
0x62: {  	s3 =	rddreg [dreg:$0xe]  }
0x63: {  	[tilespmem:s14], [sflag:$0x2] =	stream.linear.gather [hbm4b:s3+s12], $0x20, $0x38;
	[tilespmem:$0x1CA80] =	vst v63  }
0x64: {  	s30 =	simm.s32 $0x1;
	s24 =	rddreg [dreg:$0xf]  }
0x65: {  	[tilespmem:s15], [sflag:$0x2] =	stream.linear.gather [hbm4b:s24+s12], $0x20, $0x38;
	[tilespmem:$0x1CA80] =	vst v63  }
0x66: {  	_ =	swait.ge [sflag:s30], $0x20  }
0x67: {  	[sflag:s30] =	ssyncset.done $0x0  }
0x68: {  	[sflag:s30] =	ssyncadd.s32 $0xFFFFFFE0  }
0x69: {  	_ =	swait.ge [sflag:s30], $0x20  }
0x6a: {  	[sflag:s30] =	ssyncset.done $0x0  }
0x6b: {  	[sflag:s30] =	ssyncadd.s32 $0xFFFFFFE0  }
0x6c: {  	[tilespmem:s12], [sflag:$0x3] =	stream.indirect.gather [hbm4b:s1+s18], $0x80, s16, s18, $0xb8;
	[tilespmem:$0x1CA80] =	vst v63  }
0x6d: {  	s31 =	rddreg [dreg:$0x10]  }
0x6e: {  	[tilespmem:s19], [sflag:$0x3] =	stream.indirect.gather [hbm4b:s6+s18], $0x80, s17, s18, $0xb8;
	[tilespmem:$0x1CA80] =	vst v63  }
0x6f: {  	s3 =	rddreg [dreg:$0x3]  }
0x70: {  	[tilespmem:s20], [sflag:$0x3] =	stream.linear.gather [hbm4b:s31+s12], $0x1000, $0x38;
	[tilespmem:$0x1CA80] =	vst v63  }
.LBB2_4:
0x71: {  	_ =	swait.ge [sflag:s21], $0x1000  }
0x72: {  	[sflag:s21] =	ssyncset.done $0x0  }
0x73: {  	[sflag:s21] =	ssyncadd.s32 $0xFFFFF000  }
0x74: {  	_ =	swait.ge [sflag:s21], $0x1000  }
0x75: {  	[sflag:s21] =	ssyncset.done $0x0  }
0x76: {  	[sflag:s21] =	ssyncadd.s32 $0xFFFFF000  }
0x77: {  	_ =	swait.ge [sflag:s21], $0x1000  }
0x78: {  	p5 =	seq.s32 s12, $0x0;
	[sflag:s21] =	ssyncset.done $0x0  }
0x79: {  	s30 =	simm.s32 @!p5 $0x6;
	[sflag:s21] =	ssyncadd.s32 $0xFFFFF000  }
0x7a: {  	_ =	swait.ge @!p5 [sflag:s30], $0x1000  }
0x7b: {  	[sflag:s30] =	ssyncset.done @!p5 $0x0  }
0x7c: {  	[sflag:s30] =	ssyncadd.s32 @!p5 $0xFFFFF000  }
0x7d: {  	_ =	swait.ge @!p5 [sflag:s30], $0x1000  }
0x7e: {  	[sflag:s30] =	ssyncset.done @!p5 $0x0  }
0x7f: {  	[sflag:s30] =	ssyncadd.s32 @!p5 $0xFFFFF000  }
0x80: {  	v3 =	vld @!p5 [tilespmem:$0x8500];
	_ =	sdelay $0x1  }
0x81: {  	v4 =	vlaneseq.u32 @!p5  }
0x82: {  	v4 =	vmul.u32 @!p5 $0x80, v4;
	_ =	sdelay $0x1  }
0x83: {  	v6 =	vor.u32 @!p5 $0x1, v4;
	v5 =	vadd.s32 @!p5 v4, v3  }
0x84: {  	v7 =	vor.u32 @!p5 $0x2, v4;
	v6 =	vadd.s32 @!p5 v6, v3  }
0x85: {  	v8 =	vor.u32 @!p5 $0x3, v4;
	v7 =	vadd.s32 @!p5 v7, v3  }
0x86: {  	v3 =	vadd.s32 @!p5 v8, v3  }
0x87: {  	s30 =	simm.s32 @!p5 $0x7000;
	v8 =	vimm.f32 @!p5 $0.0e+00  }
0x88: {  	[tilespmem:v5+s30+$0x0] =	vst.idx.msk @!p5 $0xffff, v8  }
0x89: {  	[tilespmem:v6+s30+$0x0] =	vst.idx.msk @!p5 $0xffff, v8  }
0x8a: {  	[tilespmem:v7+s30+$0x0] =	vst.idx.msk @!p5 $0xffff, v8  }
0x8b: {  	[tilespmem:v3+s30+$0x0] =	vst.idx.msk @!p5 $0xffff, v8  }
0x8c: {  	v3 =	vld @!p5 [tilespmem:$0x8580];
	_ =	sdelay $0x3  }
0x8d: {  	v5 =	vor.u32 @!p5 $0x800, v4  }
0x8e: {  	v6 =	vor.u32 @!p5 $0x801, v4;
	v5 =	vadd.s32 @!p5 v5, v3  }
0x8f: {  	v7 =	vor.u32 @!p5 $0x802, v4;
	v6 =	vadd.s32 @!p5 v6, v3  }
0x90: {  	v4 =	vor.u32 @!p5 $0x803, v4;
	v7 =	vadd.s32 @!p5 v7, v3  }
0x91: {  	v3 =	vadd.s32 @!p5 v4, v3;
	_ =	sdelay $0x1  }
0x92: {  	[tilespmem:v5+s30+$0x0] =	vst.idx.msk @!p5 $0xffff, v8  }
0x93: {  	[tilespmem:v6+s30+$0x0] =	vst.idx.msk @!p5 $0xffff, v8  }
0x94: {  	[tilespmem:v7+s30+$0x0] =	vst.idx.msk @!p5 $0xffff, v8  }
0x95: {  	[tilespmem:v3+s30+$0x0] =	vst.idx.msk @!p5 $0xffff, v8  }
0x96: {  	_ =	swait.ge [sflag:s22], $0x20  }
0x97: {  	[sflag:s22] =	ssyncset.done $0x0  }
0x98: {  	[sflag:s22] =	ssyncadd.s32 $0xFFFFFFE0  }
0x99: {  	_ =	swait.ge [sflag:s22], $0x20  }
0x9a: {  	s30 =	sshll.u32 s12, $0x6;
	[sflag:s22] =	ssyncset.done $0x0  }
0x9b: {  	s31 =	sadd.s32 s30, s23;
	[sflag:s22] =	ssyncadd.s32 $0xFFFFFFE0  }
0x9c: {  	[tilespmem:s25], [sflag:$0x4] =	stream.indirect.gather [hbm4b:s1+s18], $0x80, s14, s18, $0xb8;
	[tilespmem:$0x1CA80] =	vst v63  }
0x9d: {  	s31 =	sshll.u32 s31, $0x4  }
0x9e: {  	[tilespmem:s26], [sflag:$0x4] =	stream.indirect.gather [hbm4b:s6+s18], $0x80, s15, s18, $0xb8;
	[tilespmem:$0x1CA80] =	vst v63  }
0x9f: {  	s31 =	sadd.s32 s7, s31  }
0xa0: {  	[tilespmem:s28], [sflag:$0x4] =	stream.linear.gather [hbm4b:s31+s5], $0x1000, $0x38;
	[tilespmem:$0x1CA80] =	vst v63  }
0xa1: {  	v3 =	vld [tilespmem:$0x8100]  }
0xa2: {  	v12 =	vlaneseq.u32;
	v5 =	vld [tilespmem:$0x8110]  }
0xa3: {  	v4 =	vmul.u32 $0x80, v12;
	_ =	sdelay $0x1  }
0xa4: {  	v7 =	vor.u32 v4, v12  }
0xa5: {  	[tilespmem:$0x8200] =	vst v3  }
0xa6: {  	v11 =	vadd.s32 $0x1, v12;
	v6 =	vshrl.u32 v3, $0x5;
	[tilespmem:$0x8210] =	vst v5  }
0xa7: {  	v3 =	vshrl.u32 v5, $0x5;
	[tilespmem:$0x8300] =	vst v6;
	v6 =	vand.u32 $0x1F, v11  }
0xa8: {  	[tilespmem:$0x8310] =	vst v3;
	v8 =	vor.u32 v4, v6  }
0xa9: {  	v3 =	vadd.s32 $0x2, v12;
	v5 =	vld.idx.msk [tilespmem:v7+s5+$0x0], $0xffff  }
0xaa: {  	v9 =	vand.u32 $0x1F, v3;
	v10 =	vld.idx.msk [tilespmem:v7+s19+$0x0], $0xffff  }
0xab: {  	v15 =	vld.idx.msk [tilespmem:v7+s20+$0x0], $0xffff;
	v13 =	vor.u32 v4, v9  }
0xac: {  	v29 =	vld.idx.msk [tilespmem:v12+s10+$0x0], $0xffff;
	v3 =	vadd.s32 $0x1, v9  }
0xad: {  	v19 =	vand.u32 $0x1F, v3;
	v16 =	vld.idx.msk [tilespmem:v8+s5+$0x0], $0xffff  }
0xae: {  	v18 =	vor.u32 v4, v19;
	v17 =	vld.idx.msk [tilespmem:v8+s19+$0x0], $0xffff  }
0xaf: {  	v20 =	vld.idx.msk [tilespmem:v8+s20+$0x0], $0xffff  }
0xb0: {  	v7 =	vadd.s32 $0x2, v9;
	v21 =	vld.idx.msk [tilespmem:v13+s5+$0x0], $0xffff  }
0xb1: {  	v7 =	vand.u32 $0x1F, v7;
	v22 =	vld.idx.msk [tilespmem:v13+s19+$0x0], $0xffff  }
0xb2: {  	v25 =	vld.idx.msk [tilespmem:v13+s20+$0x0], $0xffff;
	v13 =	vor.u32 v4, v7  }
0xb3: {  	v23 =	vld.idx.msk [tilespmem:v18+s5+$0x0], $0xffff  }
0xb4: {  	v8 =	vadd.s32 $0x1, v7;
	v24 =	vld.idx.msk [tilespmem:v18+s19+$0x0], $0xffff  }
0xb5: {  	v28 =	vld.idx.msk [tilespmem:v6+s10+$0x0], $0xffff;
	v5 =	vadd.f32 v10, v5;
	v14 =	vand.u32 $0x1F, v8  }
0xb6: {  	v27 =	vor.u32 v4, v14;
	v26 =	vld.idx.msk [tilespmem:v18+s20+$0x0], $0xffff;
	v6 =	vadd.f32 v17, v16  }
0xb7: {  	v17 =	vadd.f32 v15, v5;
	v30 =	vld.idx.msk [tilespmem:v13+s5+$0x0], $0xffff  }
0xb8: {  	v5 =	vimm.f32 $0.0e+00;
	v32 =	vld.idx.msk [tilespmem:v13+s19+$0x0], $0xffff;
	v31 =	vadd.f32 v20, v6;
	v6 =	vadd.s32 $0x2, v7  }
0xb9: {  	v16 =	vld.idx.msk [tilespmem:v13+s20+$0x0], $0xffff;
	v15 =	vand.u32 $0x1F, v6;
	v13 =	vadd.f32 v24, v23;
	v23 =	vmul.f32 $2.000000030e-01, v17  }
0xba: {  	v19 =	vld.idx.msk [tilespmem:v19+s10+$0x0], $0xffff;
	v33 =	vadd.f32 v22, v21;
	v24 =	vmul.f32 $2.000000030e-01, v31;
	v10 =	vor.u32 v4, v15  }
0xbb: {  	v18 =	vld.idx.msk [tilespmem:v27+s5+$0x0], $0xffff;
	v21 =	vadd.s32 $0x1, v15;
	v26 =	vadd.f32 v26, v13;
	v13 =	vmax.f32 v17, v23  }
0xbc: {  	v20 =	vld.idx.msk [tilespmem:v27+s19+$0x0], $0xffff;
	v22 =	vand.u32 $0x1F, v21;
	v24 =	vmax.f32 v31, v24;
	v13 =	vmul.f32 v13, v29  }
0xbd: {  	v17 =	vld.idx.msk [tilespmem:v27+s20+$0x0], $0xffff;
	v23 =	vor.u32 v4, v22;
	v29 =	vadd.s32 $0x2, v15;
	v31 =	vmul.f32 $2.000000030e-01, v26  }
0xbe: {  	v27 =	vmul.f32 v24, v28;
	v28 =	vadd.f32 v32, v30;
	v24 =	vld.idx.msk [tilespmem:v9+s10+$0x0], $0xffff;
	v30 =	vadd.f32 v13, v5  }
0xbf: {  	s31 =	simm.s32 $0x6;
	v13 =	vand.u32 $0x1F, v29;
	v29 =	vadd.f32 v25, v33;
	v21 =	vld.idx.msk [tilespmem:v10+s5+$0x0], $0xffff;
	v25 =	vmax.f32 v26, v31;
	v26 =	vmovc v7  }
.LBB2_5:
0xc0: {  	v31 =	vadd.s32 $0x1, v13;
	s31 =	sadd.s32 $0x2, s31;
	v32 =	vld.idx.msk [tilespmem:v10+s19+$0x0], $0xffff;
	v30 =	vadd.f32 v27, v30;
	v33 =	vmovc v28;
	v34 =	vmov v26  }
0xc1: {  	v27 =	vadd.f32 v20, v18;
	v26 =	vmovc v15;
	v15 =	vmovc v13;
	v31 =	vand.u32 $0x1F, v31;
	p5 =	slt.u32 s31, $0x1E;
	v35 =	vld.idx.msk [tilespmem:v10+s20+$0x0], $0xffff;
	v28 =	vmul.f32 $2.000000030e-01, v29  }
0xc2: {  	v10 =	vor.u32 v4, v13;
	v18 =	vld.idx.msk [tilespmem:v23+s5+$0x0], $0xffff  }
.Ltmp1:
0xc3: {  	v36 =	vadd.f32 v17, v27;
	v20 =	vld.idx.msk [tilespmem:v23+s19+$0x0], $0xffff;
	v27 =	vmax.f32 v29, v28;
	(pc) =	sbr.rel @p5 .LBB2_5-.Ltmp1, $4  }
0xc4: {  	v17 =	vld.idx.msk [tilespmem:v23+s20+$0x0], $0xffff;
	v29 =	vmul.f32 v27, v24  }
0xc5: {  	v23 =	vor.u32 v4, v31;
	v37 =	vmul.f32 $2.000000030e-01, v36;
	v27 =	vmul.f32 v25, v19;
	v19 =	vld.idx.msk [tilespmem:v14+s10+$0x0], $0xffff;
	v14 =	vmovc v22  }
0xc6: {  	v13 =	vadd.s32 $0x2, v13;
	v28 =	vadd.f32 v32, v21;
	v22 =	vmovc v31;
	v24 =	vld.idx.msk [tilespmem:v34+s10+$0x0], $0xffff;
	v30 =	vadd.f32 v29, v30  }
0xc7: {  	v13 =	vand.u32 $0x1F, v13;
	v29 =	vadd.f32 v16, v33;
	v25 =	vmax.f32 v36, v37;
	v16 =	vmovc v35;
	v21 =	vld.idx.msk [tilespmem:v10+s5+$0x0], $0xffff  }
0xc8: {  	_ =	sdelay $0x3  }
0xc9: {  	v31 =	vld.idx.msk [tilespmem:v10+s19+$0x0], $0xffff;
	v4 =	vlaneseq.u32  }
0xca: {  	v32 =	vld.idx.msk [tilespmem:v10+s20+$0x0], $0xffff;
	v10 =	vmul.u32 $0x80, v4  }
0xcb: {  	v33 =	vld.idx.msk [tilespmem:v23+s5+$0x0], $0xffff  }
0xcc: {  	v34 =	vld.idx.msk [tilespmem:v23+s19+$0x0], $0xffff;
	v13 =	vor.u32 $0x20, v10  }
0xcd: {  	v23 =	vld.idx.msk [tilespmem:v23+s20+$0x0], $0xffff;
	v35 =	vor.u32 v13, v11  }
0xce: {  	v14 =	vld.idx.msk [tilespmem:v14+s10+$0x0], $0xffff;
	v18 =	vadd.f32 v20, v18  }
0xcf: {  	v26 =	vld.idx.msk [tilespmem:v26+s10+$0x0], $0xffff;
	v16 =	vadd.f32 v16, v28;
	v36 =	vmul.f32 $2.000000030e-01, v29;
	v37 =	vor.u32 v13, v12  }
0xd0: {  	v22 =	vld.idx.msk [tilespmem:v22+s10+$0x0], $0xffff;
	v27 =	vadd.f32 v27, v30  }
0xd1: {  	v15 =	vld.idx.msk [tilespmem:v15+s10+$0x0], $0xffff;
	v17 =	vadd.f32 v17, v18;
	v18 =	vmul.f32 $2.000000030e-01, v16;
	v29 =	vmax.f32 v29, v36  }
0xd2: {  	v19 =	vmul.f32 v25, v19;
	v24 =	vmul.f32 v29, v24;
	v12 =	vor.u32 $0x20, v12;
	v20 =	vld.idx.msk [tilespmem:v35+s19+$0x0], $0xffff  }
0xd3: {  	v11 =	vor.u32 $0x20, v11;
	v16 =	vmax.f32 v16, v18;
	v21 =	vadd.f32 v31, v21;
	v25 =	vld.idx.msk [tilespmem:v35+s5+$0x0], $0xffff  }
0xd4: {  	v18 =	vmul.f32 $2.000000030e-01, v17;
	v59 =	vadd.f32 v34, v33;
	v24 =	vadd.f32 v24, v27;
	v27 =	vld.idx.msk [tilespmem:v37+s5+$0x0], $0xffff  }
0xd5: {  	v16 =	vmul.f32 v16, v26;
	v26 =	vor.u32 v13, v9;
	v9 =	vor.u32 $0x20, v9;
	v58 =	vld.idx.msk [tilespmem:v37+s19+$0x0], $0xffff  }
0xd6: {  	v21 =	vadd.f32 v32, v21;
	v19 =	vadd.f32 v19, v24;
	v60 =	vld.idx.msk [tilespmem:v37+s20+$0x0], $0xffff  }
0xd7: {  	v24 =	vor.u32 v13, v3;
	v61 =	vld.idx.msk [tilespmem:v12+s10+$0x0], $0xffff;
	v12 =	vmax.f32 v17, v18;
	v17 =	vadd.f32 v23, v59  }
0xd8: {  	v23 =	vld.idx.msk [tilespmem:v35+s20+$0x0], $0xffff;
	v18 =	vmul.f32 $2.000000030e-01, v21;
	v14 =	vmul.f32 v12, v14;
	v16 =	vadd.f32 v16, v19  }
0xd9: {  	v12 =	vld.idx.msk [tilespmem:v11+s10+$0x0], $0xffff  }
0xda: {  	v9 =	vld.idx.msk [tilespmem:v9+s10+$0x0], $0xffff;
	v16 =	vadd.f32 v14, v16;
	v14 =	vmax.f32 v21, v18;
	v19 =	vadd.f32 v58, v27  }
0xdb: {  	v11 =	vmul.f32 $2.000000030e-01, v17;
	v21 =	vor.u32 v13, v8;
	v18 =	vld.idx.msk [tilespmem:v26+s19+$0x0], $0xffff;
	v15 =	vmul.f32 v14, v15  }
0xdc: {  	v62 =	vld.idx.msk [tilespmem:v24+s19+$0x0], $0xffff;
	v27 =	vor.u32 $0x20, v3;
	v3 =	vadd.f32 v20, v25;
	v20 =	vadd.f32 v60, v19  }
0xdd: {  	v63 =	vld.idx.msk [tilespmem:v24+s5+$0x0], $0xffff;
	v11 =	vmax.f32 v17, v11  }
0xde: {  	v14 =	vld.idx.msk [tilespmem:v26+s5+$0x0], $0xffff;
	v17 =	vmul.f32 v11, v22;
	v15 =	vadd.f32 v15, v16;
	v22 =	vmul.f32 $2.000000030e-01, v20  }
0xdf: {  	v11 =	vld.idx.msk [tilespmem:v26+s20+$0x0], $0xffff;
	v25 =	vadd.f32 v23, v3  }
0xe0: {  	v19 =	vld.idx.msk [tilespmem:v24+s20+$0x0], $0xffff;
	v3 =	vadd.f32 v17, v15;
	v17 =	vor.u32 v13, v7;
	v20 =	vmax.f32 v20, v22  }
0xe1: {  	v15 =	vld.idx.msk [tilespmem:v21+s19+$0x0], $0xffff;
	v24 =	vmul.f32 $2.000000030e-01, v25  }
0xe2: {  	v8 =	vor.u32 $0x20, v8;
	v16 =	vor.u32 $0x20, v7;
	v7 =	vld.idx.msk [tilespmem:v27+s10+$0x0], $0xffff  }
0xe3: {  	s31 =	simm.s32 $0x6;
	v22 =	vadd.f32 v62, v63;
	v24 =	vmax.f32 v25, v24;
	v23 =	vmul.f32 v20, v61;
	v20 =	vmovc v21  }
.LBB2_7:
0xe4: {  	s31 =	sadd.s32 $0x2, s31;
	v25 =	vld.idx.msk [tilespmem:v21+s5+$0x0], $0xffff;
	v6 =	vand.u32 $0x1F, v6;
	v26 =	vadd.f32 v18, v14;
	v12 =	vmul.f32 v24, v12  }
0xe5: {  	v18 =	vor.u32 $0x20, v10;
	p5 =	slt.u32 s31, $0x1E;
	v24 =	vadd.s32 $0x1, v6;
	v14 =	vld.idx.msk [tilespmem:v17+s5+$0x0], $0xffff;
	v5 =	vadd.f32 v23, v5  }
0xe6: {  	v23 =	vor.u32 v18, v6;
	v21 =	vor.u32 v18, v24;
	v18 =	vld.idx.msk [tilespmem:v17+s19+$0x0], $0xffff;
	v26 =	vadd.f32 v11, v26  }
.Ltmp2:
0xe7: {  	v27 =	vor.u32 $0x20, v6;
	v28 =	vadd.f32 v19, v22;
	v11 =	vld.idx.msk [tilespmem:v17+s20+$0x0], $0xffff;
	v5 =	vadd.f32 v12, v5;
	v17 =	vmovc v23;
	(pc) =	sbr.rel @p5 .LBB2_7-.Ltmp2, $4  }
0xe8: {  	v29 =	vmovc v9;
	v23 =	vor.u32 $0x20, v24;
	v24 =	vmul.f32 $2.000000030e-01, v26;
	v9 =	vld.idx.msk [tilespmem:v16+s10+$0x0], $0xffff;
	v16 =	vmovc v27;
	v12 =	vmov v7  }
0xe9: {  	v6 =	vadd.s32 $0x2, v6;
	v27 =	vmul.f32 $2.000000030e-01, v28;
	v19 =	vld.idx.msk [tilespmem:v20+s20+$0x0], $0xffff;
	v20 =	vmov v21  }
0xea: {  	v22 =	vadd.f32 v15, v25;
	v7 =	vld.idx.msk [tilespmem:v8+s10+$0x0], $0xffff;
	v24 =	vmax.f32 v26, v24;
	v8 =	vmov v23  }
0xeb: {  	v15 =	vld.idx.msk [tilespmem:v21+s19+$0x0], $0xffff;
	v23 =	vmul.f32 v24, v29;
	v24 =	vmax.f32 v28, v27  }
0xec: {  	_ =	sdelay $0x3  }
0xed: {  	v21 =	vld.idx.msk [tilespmem:v21+s5+$0x0], $0xffff  }
0xee: {  	v6 =	vand.u32 $0x1F, v6;
	v26 =	vld.idx.msk [tilespmem:v17+s5+$0x0], $0xffff  }
0xef: {  	v14 =	vadd.f32 v18, v14;
	v27 =	vld.idx.msk [tilespmem:v17+s19+$0x0], $0xffff;
	v28 =	vor.u32 v13, v6  }
0xf0: {  	v17 =	vld.idx.msk [tilespmem:v17+s20+$0x0], $0xffff;
	v25 =	vadd.s32 $0x1, v6;
	v6 =	vor.u32 $0x20, v6  }
0xf1: {  	v18 =	vor.u32 v13, v25;
	v11 =	vadd.f32 v11, v14;
	v14 =	vld.idx.msk [tilespmem:v16+s10+$0x0], $0xffff  }
0xf2: {  	v12 =	vmul.f32 v24, v12;
	v5 =	vadd.f32 v23, v5;
	v16 =	vld.idx.msk [tilespmem:v20+s20+$0x0], $0xffff  }
0xf3: {  	v19 =	vadd.f32 v19, v22;
	v20 =	vld.idx.msk [tilespmem:v8+s10+$0x0], $0xffff  }
0xf4: {  	v8 =	vor.u32 $0x20, v25;
	v5 =	vadd.f32 v12, v5;
	v13 =	vmul.f32 $2.000000030e-01, v11;
	v24 =	vld.idx.msk [tilespmem:v28+s19+$0x0], $0xffff  }
0xf5: {  	v22 =	vmul.f32 $2.000000030e-01, v19;
	v15 =	vadd.f32 v15, v21;
	v23 =	vadd.f32 v27, v26;
	v6 =	vld.idx.msk [tilespmem:v6+s10+$0x0], $0xffff  }
0xf6: {  	v11 =	vmax.f32 v11, v13;
	v13 =	vor.u32 $0x40, v10;
	v10 =	vadd.s32 $0x1, v4;
	v12 =	vld.idx.msk [tilespmem:v18+s19+$0x0], $0xffff  }
0xf7: {  	v19 =	vmax.f32 v19, v22;
	v21 =	vld.idx.msk [tilespmem:v18+s5+$0x0], $0xffff;
	v9 =	vmul.f32 v11, v9;
	v25 =	vor.u32 v13, v4  }
0xf8: {  	v11 =	vld.idx.msk [tilespmem:v28+s5+$0x0], $0xffff;
	v26 =	vand.u32 $0x1F, v10;
	v7 =	vmul.f32 v19, v7;
	v15 =	vadd.f32 v16, v15  }
0xf9: {  	v17 =	vadd.f32 v17, v23;
	v16 =	vld.idx.msk [tilespmem:v18+s20+$0x0], $0xffff;
	v22 =	vor.u32 v13, v26;
	v5 =	vadd.f32 v9, v5  }
0xfa: {  	v9 =	vld.idx.msk [tilespmem:v28+s20+$0x0], $0xffff;
	v18 =	vmul.f32 $2.000000030e-01, v15  }
0xfb: {  	v19 =	vld.idx.msk [tilespmem:v8+s10+$0x0], $0xffff;
	v8 =	vadd.s32 $0x2, v4;
	v5 =	vadd.f32 v7, v5;
	v7 =	vmul.f32 $2.000000030e-01, v17  }
0xfc: {  	v15 =	vmax.f32 v15, v18;
	v12 =	vadd.f32 v12, v21;
	v21 =	vor.u32 $0x40, v4;
	v23 =	vld.idx.msk [tilespmem:v25+s20+$0x0], $0xffff  }
0xfd: {  	v11 =	vadd.f32 v24, v11;
	v28 =	vld.idx.msk [tilespmem:v25+s19+$0x0], $0xffff;
	v17 =	vmax.f32 v17, v7;
	v7 =	vand.u32 $0x1F, v8  }
0xfe: {  	v24 =	vld.idx.msk [tilespmem:v22+s5+$0x0], $0xffff;
	v14 =	vmul.f32 v17, v14;
	v17 =	vor.u32 $0x40, v26;
	v8 =	vadd.s32 $0x1, v7  }
0xff: {  	v18 =	vld.idx.msk [tilespmem:v22+s19+$0x0], $0xffff;
	v9 =	vadd.f32 v9, v11;
	v11 =	vor.u32 v13, v7;
	v12 =	vadd.f32 v16, v12  }
0x100: {  	v15 =	vmul.f32 v15, v20;
	v30 =	vld.idx.msk [tilespmem:v22+s20+$0x0], $0xffff;
	v27 =	vand.u32 $0x1F, v8  }
0x101: {  	v26 =	vld.idx.msk [tilespmem:v25+s5+$0x0], $0xffff;
	v5 =	vadd.f32 v14, v5;
	v14 =	vmul.f32 $2.000000030e-01, v9;
	v20 =	vmul.f32 $2.000000030e-01, v12  }
0x102: {  	v16 =	vor.u32 v13, v27;
	v29 =	vld.idx.msk [tilespmem:v21+s10+$0x0], $0xffff  }
0x103: {  	v5 =	vadd.f32 v15, v5;
	v9 =	vmax.f32 v9, v14;
	v12 =	vmax.f32 v12, v20;
	v14 =	vld.idx.msk [tilespmem:v17+s10+$0x0], $0xffff  }
0x104: {  	v15 =	vor.u32 $0x40, v7;
	v20 =	vadd.s32 $0x2, v7;
	v17 =	vld.idx.msk [tilespmem:v11+s20+$0x0], $0xffff;
	v21 =	vmul.f32 v9, v6  }
0x105: {  	v12 =	vmul.f32 v12, v19;
	v6 =	vand.u32 $0x1F, v20;
	v19 =	vor.u32 $0x40, v27;
	v27 =	vld.idx.msk [tilespmem:v11+s5+$0x0], $0xffff  }
0x106: {  	v26 =	vadd.f32 v28, v26;
	v32 =	vld.idx.msk [tilespmem:v11+s19+$0x0], $0xffff;
	v9 =	vadd.s32 $0x1, v6  }
0x107: {  	v25 =	vld.idx.msk [tilespmem:v16+s5+$0x0], $0xffff;
	v5 =	vadd.f32 v21, v5;
	v21 =	vor.u32 v13, v6;
	v28 =	vand.u32 $0x1F, v9  }
0x108: {  	v24 =	vadd.f32 v18, v24;
	v22 =	vld.idx.msk [tilespmem:v16+s19+$0x0], $0xffff;
	v23 =	vadd.f32 v23, v26;
	v20 =	vor.u32 v13, v28  }
0x109: {  	v11 =	vimm.f32 $0.0e+00;
	v18 =	vld.idx.msk [tilespmem:v16+s20+$0x0], $0xffff  }
0x10a: {  	v26 =	vadd.f32 v30, v24;
	v24 =	vor.u32 $0x40, v28;
	v15 =	vld.idx.msk [tilespmem:v15+s10+$0x0], $0xffff;
	v31 =	vmul.f32 $2.000000030e-01, v23  }
0x10b: {  	v28 =	vor.u32 $0x40, v6;
	v5 =	vadd.f32 v12, v5;
	v12 =	vadd.s32 $0x2, v6;
	v16 =	vld.idx.msk [tilespmem:v19+s10+$0x0], $0xffff  }
0x10c: {  	v30 =	vand.u32 $0x1F, v12;
	v32 =	vadd.f32 v32, v27;
	v33 =	vmax.f32 v23, v31;
	v19 =	vld.idx.msk [tilespmem:v21+s20+$0x0], $0xffff  }
0x10d: {  	s31 =	simm.s32 $0x4;
	v27 =	vimm.f32 $0.0e+00;
	v31 =	vmul.f32 $2.000000030e-01, v26;
	v29 =	vmul.f32 v33, v29;
	v23 =	vld.idx.msk [tilespmem:v20+s5+$0x0], $0xffff  }
.LBB2_9:
0x10e: {  	v33 =	vadd.s32 $0x1, v30;
	s31 =	sadd.s32 $0x2, s31;
	v34 =	vld.idx.msk [tilespmem:v21+s5+$0x0], $0xffff;
	v25 =	vadd.f32 v22, v25  }
0x10f: {  	v26 =	vmax.f32 v26, v31;
	v36 =	vmovc v15;
	v33 =	vand.u32 $0x1F, v33;
	p5 =	slt.u32 s31, $0x1E;
	v35 =	vld.idx.msk [tilespmem:v21+s19+$0x0], $0xffff;
	v21 =	vor.u32 v13, v30  }
0x110: {  	v31 =	vadd.f32 v17, v32;
	v32 =	vmul.f32 v26, v14;
	v37 =	vor.u32 v13, v33;
	v22 =	vld.idx.msk [tilespmem:v20+s19+$0x0], $0xffff  }
.Ltmp3:
0x111: {  	v27 =	vadd.f32 v29, v27;
	v33 =	vor.u32 $0x40, v33;
	v14 =	vmov v16;
	v15 =	vld.idx.msk [tilespmem:v28+s10+$0x0], $0xffff;
	(pc) =	sbr.rel @p5 .LBB2_9-.Ltmp3, $4  }
0x112: {  	v26 =	vadd.f32 v18, v25;
	v29 =	vmul.f32 $2.000000030e-01, v31;
	v17 =	vmovc v19;
	v18 =	vld.idx.msk [tilespmem:v20+s20+$0x0], $0xffff;
	v20 =	vmov v37  }
0x113: {  	v28 =	vor.u32 $0x40, v30;
	v27 =	vadd.f32 v32, v27;
	v25 =	vmovc v23;
	v16 =	vld.idx.msk [tilespmem:v24+s10+$0x0], $0xffff;
	v24 =	vmov v33  }
0x114: {  	v30 =	vadd.s32 $0x2, v30;
	v29 =	vmax.f32 v31, v29;
	v31 =	vmul.f32 $2.000000030e-01, v26;
	v19 =	vld.idx.msk [tilespmem:v21+s20+$0x0], $0xffff  }
0x115: {  	v30 =	vand.u32 $0x1F, v30;
	v32 =	vadd.f32 v35, v34;
	v29 =	vmul.f32 v29, v36;
	v23 =	vld.idx.msk [tilespmem:v37+s5+$0x0], $0xffff  }
0x116: {  	_ =	sdelay $0x3  }
0x117: {  	v13 =	vld.idx.msk [tilespmem:v21+s5+$0x0], $0xffff  }
0x118: {  	v51 =	vld.idx.msk [tilespmem:v21+s19+$0x0], $0xffff;
	v30 =	vor.u32 v2, v4  }
0x119: {  	v33 =	vld.idx.msk [tilespmem:v20+s19+$0x0], $0xffff  }
0x11a: {  	v28 =	vld.idx.msk [tilespmem:v28+s10+$0x0], $0xffff  }
0x11b: {  	v20 =	vld.idx.msk [tilespmem:v20+s20+$0x0], $0xffff;
	v34 =	vor.u32 v2, v10  }
0x11c: {  	v24 =	vld.idx.msk [tilespmem:v24+s10+$0x0], $0xffff  }
0x11d: {  	v10 =	vor.u32 $0x60, v10;
	v17 =	vadd.f32 v17, v32;
	v52 =	vld.idx.msk [tilespmem:v30+s19+$0x0], $0xffff  }
0x11e: {  	v22 =	vadd.f32 v22, v25;
	v26 =	vmax.f32 v26, v31;
	v4 =	vor.u32 $0x60, v4;
	v53 =	vld.idx.msk [tilespmem:v30+s5+$0x0], $0xffff  }
0x11f: {  	v55 =	vor.u32 v2, v7;
	v57 =	vadd.f32 v29, v27;
	v54 =	vmul.f32 $2.000000030e-01, v17;
	v30 =	vld.idx.msk [tilespmem:v30+s20+$0x0], $0xffff  }
0x120: {  	v14 =	vmul.f32 v26, v14;
	v18 =	vadd.f32 v18, v22;
	v13 =	vadd.f32 v51, v13;
	v56 =	vld.idx.msk [tilespmem:v34+s19+$0x0], $0xffff  }
0x121: {  	v61 =	vor.u32 $0x60, v7;
	v17 =	vmax.f32 v17, v54;
	v58 =	vld.idx.msk [tilespmem:v34+s5+$0x0], $0xffff;
	v23 =	vadd.f32 v33, v23  }
0x122: {  	v59 =	vld.idx.msk [tilespmem:v10+s10+$0x0], $0xffff;
	v10 =	vadd.f32 v14, v57;
	v13 =	vadd.f32 v19, v13;
	v19 =	vmul.f32 $2.000000030e-01, v18  }
0x123: {  	v14 =	vmul.f32 v17, v15;
	v15 =	vor.u32 v2, v8;
	v17 =	vld.idx.msk [tilespmem:v34+s20+$0x0], $0xffff;
	v8 =	vor.u32 $0x60, v8  }
0x124: {  	v60 =	vld.idx.msk [tilespmem:v4+s10+$0x0], $0xffff;
	v20 =	vadd.f32 v20, v23;
	v18 =	vmax.f32 v18, v19;
	v19 =	vmul.f32 $2.000000030e-01, v13  }
0x125: {  	v21 =	vld.idx.msk [tilespmem:v55+s20+$0x0], $0xffff;
	v10 =	vadd.f32 v14, v10;
	v4 =	vmul.f32 v18, v16;
	v16 =	vadd.f32 v52, v53  }
0x126: {  	v14 =	vmul.f32 $2.000000030e-01, v20;
	v18 =	vld.idx.msk [tilespmem:v55+s19+$0x0], $0xffff;
	v7 =	vadd.f32 v56, v58;
	v13 =	vmax.f32 v13, v19  }
0x127: {  	v19 =	vld.idx.msk [tilespmem:v55+s5+$0x0], $0xffff;
	v16 =	vadd.f32 v30, v16;
	v4 =	vadd.f32 v4, v10;
	v10 =	vmul.f32 v13, v28  }
0x128: {  	v62 =	vor.u32 v2, v6;
	v63 =	vld.idx.msk [tilespmem:v15+s19+$0x0], $0xffff;
	v13 =	vmax.f32 v20, v14;
	v17 =	vadd.f32 v17, v7  }
0x129: {  	v20 =	vld.idx.msk [tilespmem:v15+s5+$0x0], $0xffff;
	v13 =	vmul.f32 v13, v24;
	v14 =	vmul.f32 $2.000000030e-01, v16;
	v4 =	vadd.f32 v10, v4  }
0x12a: {  	v10 =	vld.idx.msk [tilespmem:v15+s20+$0x0], $0xffff;
	v15 =	vmul.f32 $2.000000030e-01, v17  }
0x12b: {  	v7 =	vld.idx.msk [tilespmem:v8+s10+$0x0], $0xffff;
	v14 =	vmax.f32 v16, v14;
	v4 =	vadd.f32 v13, v4;
	v13 =	vor.u32 v2, v9  }
0x12c: {  	v8 =	vld.idx.msk [tilespmem:v61+s10+$0x0], $0xffff;
	v16 =	vadd.f32 v18, v19;
	v18 =	vmul.f32 v14, v60  }
0x12d: {  	v9 =	vor.u32 $0x60, v9;
	v19 =	vmax.f32 v17, v15;
	v15 =	vld.idx.msk [tilespmem:v62+s5+$0x0], $0xffff  }
0x12e: {  	v12 =	vand.u32 $0x1F, v12;
	v14 =	vld.idx.msk [tilespmem:v62+s19+$0x0], $0xffff;
	v17 =	vadd.f32 v18, v11;
	v18 =	vmul.f32 v19, v59  }
0x12f: {  	s31 =	simm.s32 $0x4;
	v16 =	vadd.f32 v21, v16;
	v11 =	vor.u32 $0x60, v6;
	v6 =	vld.idx.msk [tilespmem:v62+s20+$0x0], $0xffff;
	v19 =	vadd.f32 v63, v20  }
.LBB2_11:
0x130: {  	v20 =	vor.u32 v2, v12;
	s31 =	sadd.s32 $0x2, s31;
	v21 =	vld.idx.msk [tilespmem:v13+s19+$0x0], $0xffff;
	v17 =	vadd.f32 v18, v17;
	v18 =	vmov v7  }
0x131: {  	v22 =	vadd.s32 $0x1, v12;
	v24 =	vmul.f32 $2.000000030e-01, v16;
	p5 =	slt.u32 s31, $0x1E;
	v23 =	vld.idx.msk [tilespmem:v13+s5+$0x0], $0xffff;
	v19 =	vadd.f32 v10, v19  }
0x132: {  	v25 =	vor.u32 v2, v22;
	v7 =	vld.idx.msk [tilespmem:v9+s10+$0x0], $0xffff  }
.Ltmp4:
0x133: {  	v9 =	vmax.f32 v16, v24;
	v10 =	vld.idx.msk [tilespmem:v13+s20+$0x0], $0xffff;
	v16 =	vmul.f32 $2.000000030e-01, v19;
	v13 =	vmov v25;
	(pc) =	sbr.rel @p5 .LBB2_11-.Ltmp4, $4  }
0x134: {  	v24 =	vadd.f32 v14, v15;
	v25 =	vmul.f32 v9, v8;
	v8 =	vld.idx.msk [tilespmem:v11+s10+$0x0], $0xffff  }
0x135: {  	v9 =	vor.u32 $0x60, v22;
	v22 =	vadd.s32 $0x2, v12;
	v14 =	vld.idx.msk [tilespmem:v20+s19+$0x0], $0xffff;
	v11 =	vmax.f32 v19, v16  }
0x136: {  	v16 =	vadd.f32 v6, v24;
	v17 =	vadd.f32 v25, v17;
	v15 =	vld.idx.msk [tilespmem:v20+s5+$0x0], $0xffff;
	v18 =	vmul.f32 v11, v18  }
0x137: {  	v11 =	vor.u32 $0x60, v12;
	v12 =	vand.u32 $0x1F, v22;
	v19 =	vadd.f32 v21, v23;
	v6 =	vld.idx.msk [tilespmem:v20+s20+$0x0], $0xffff  }
0x138: {  	_ =	sdelay $0x3  }
0x139: {  	v12 =	vld.idx.msk [tilespmem:v13+s19+$0x0], $0xffff  }
0x13a: {  	v20 =	vld.idx.msk [tilespmem:v13+s5+$0x0], $0xffff;
	_ =	sdelay $0x1  }
0x13b: {  	v21 =	vmul.f32 $2.000000030e-01, v16;
	v13 =	vld.idx.msk [tilespmem:v13+s20+$0x0], $0xffff  }
0x13c: {  	v10 =	vadd.f32 v10, v19;
	v14 =	vadd.f32 v14, v15  }
0x13d: {  	v15 =	vmax.f32 v16, v21  }
0x13e: {  	v11 =	vld.idx.msk [tilespmem:v11+s10+$0x0], $0xffff;
	v63 =	vmul.f32 $2.000000030e-01, v10;
	v6 =	vadd.f32 v6, v14;
	v12 =	vadd.f32 v12, v20  }
0x13f: {  	v8 =	vmul.f32 v15, v8;
	v14 =	vadd.f32 v18, v17  }
0x140: {  	v9 =	vld.idx.msk [tilespmem:v9+s10+$0x0], $0xffff;
	v10 =	vmax.f32 v10, v63;
	v15 =	vmul.f32 $2.000000030e-01, v6;
	v12 =	vadd.f32 v13, v12  }
0x141: {  	v7 =	vmul.f32 v10, v7;
	v8 =	vadd.f32 v8, v14  }
0x142: {  	v6 =	vmax.f32 v6, v15;
	v10 =	vmul.f32 $2.000000030e-01, v12  }
0x143: {  	v7 =	vadd.f32 v7, v8;
	v6 =	vmul.f32 v6, v11  }
0x144: {  	v8 =	vmax.f32 v12, v10  }
0x145: {  	v6 =	vadd.f32 v6, v7;
	v7 =	vmul.f32 v8, v9  }
0x146: {  	v3 =	vmul.f32 $1.442695020e+00, v3;
	v8 =	vld [tilespmem:$0x8100]  }
0x147: {  	v5 =	vmul.f32 $1.442695020e+00, v5;
	v6 =	vadd.f32 v7, v6  }
0x148: {  	(erf) = vpow2.f32 v3;
	v3 =	vmul.f32 $1.442695020e+00, v4  }
0x149: {  	(erf) = vpow2.f32 v5;
	v4 =	vmul.f32 $1.442695020e+00, v6  }
0x14a: {  	(erf) = vpow2.f32 v3;
	v6 =	vlaneseq.u32  }
0x14b: {  	v3 =	vshll.u32 v8, $0x2;
	v7 =	vmul.u32 $0x80, v6;
	(erf) = vpow2.f32 v4  }
0x14c: {  	v3 =	vand.u32 $0x7C, v3  }
0x14d: {  	v4 =	vor.u32 v7, v3;
	v5 =	vor.u32 $0x1, v7  }
0x14e: {  	v9 =	vor.u32 v5, v3;
	v5 =	vor.u32 $0x2, v7  }
0x14f: {  	v10 =	vor.u32 v5, v3;
	v5 =	vor.u32 $0x3, v7  }
0x150: {  	v11 =	vor.u32 v5, v3  }
0x151: {  	v8 =	vpop (erf);
	[tilespmem:$0x8400] =	vst v3;
	v13 =	vor.u32 v7, v6  }
0x152: {  	v5 =	vpop (erf);
	[tilespmem:v4+s29+$0x0] =	vst.idx.msk $0xffff, v8  }
0x153: {  	v4 =	vpop (erf);
	[tilespmem:v9+s29+$0x0] =	vst.idx.msk $0xffff, v5  }
0x154: {  	[tilespmem:v10+s29+$0x0] =	vst.idx.msk $0xffff, v4;
	v3 =	vpop (erf)  }
0x155: {  	[tilespmem:v11+s29+$0x0] =	vst.idx.msk $0xffff, v3  }
0x156: {  	v10 =	vld.idx.msk [tilespmem:v13+s5+$0x0], $0xffff  }
0x157: {  	v9 =	vadd.s32 $0x1, v6  }
0x158: {  	v11 =	vand.u32 $0x1F, v9  }
0x159: {  	v12 =	vor.u32 v7, v11;
	_ =	sdelay $0x1  }
0x15a: {  	v10 =	vmul.f32 v10, v8;
	_ =	sdelay $0x1  }
0x15b: {  	[tilespmem:v13+s5+$0x0] =	vst.idx.msk $0xffff, v10  }
0x15c: {  	v14 =	vld.idx.msk [tilespmem:v12+s5+$0x0], $0xffff  }
0x15d: {  	v10 =	vadd.s32 $0x2, v6  }
0x15e: {  	v11 =	vand.u32 $0x1F, v10  }
0x15f: {  	v13 =	vor.u32 v7, v11;
	_ =	sdelay $0x1  }
0x160: {  	s31 =	simm.s32 $0x2;
	v14 =	vmul.f32 v14, v8  }
.LBB2_13:
0x161: {  	_ = 	snop  }
0x162: {  	s31 =	sadd.s32 $0x2, s31;
	[tilespmem:v12+s5+$0x0] =	vst.idx.msk $0xffff, v14  }
0x163: {  	p5 =	slt.u32 s31, $0x1E;
	v14 =	vld.idx.msk [tilespmem:v13+s5+$0x0], $0xffff;
	_ =	sdelay $0x1  }
0x164: {  	v12 =	vadd.s32 $0x1, v11  }
0x165: {  	v12 =	vand.u32 $0x1F, v12  }
0x166: {  	v12 =	vor.u32 v7, v12;
	_ =	sdelay $0x1  }
0x167: {  	v14 =	vmul.f32 v14, v8;
	_ =	sdelay $0x1  }
0x168: {  	[tilespmem:v13+s5+$0x0] =	vst.idx.msk $0xffff, v14  }
0x169: {  	v14 =	vld.idx.msk [tilespmem:v12+s5+$0x0], $0xffff;
	_ =	sdelay $0x1  }
.Ltmp5:
0x16a: {  	v11 =	vadd.s32 $0x2, v11;
	(pc) =	sbr.rel @p5 .LBB2_13-.Ltmp5, $3  }
0x16b: {  	v11 =	vand.u32 $0x1F, v11  }
0x16c: {  	v13 =	vor.u32 v7, v11;
	_ =	sdelay $0x1  }
0x16d: {  	v14 =	vmul.f32 v14, v8  }
0x16e: {  	_ =	sdelay $0x3  }
0x16f: {  	[tilespmem:v12+s5+$0x0] =	vst.idx.msk $0xffff, v14  }
0x170: {  	v12 =	vld.idx.msk [tilespmem:v13+s5+$0x0], $0xffff  }
0x171: {  	v11 =	vadd.s32 $0x1, v11  }
0x172: {  	v11 =	vand.u32 $0x1F, v11  }
0x173: {  	v14 =	vor.u32 v7, v11;
	_ =	sdelay $0x1  }
0x174: {  	v7 =	vmul.f32 v12, v8;
	_ =	sdelay $0x1  }
0x175: {  	[tilespmem:v13+s5+$0x0] =	vst.idx.msk $0xffff, v7;
	v7 =	vlaneseq.u32  }
0x176: {  	v13 =	vld.idx.msk [tilespmem:v14+s5+$0x0], $0xffff;
	v11 =	vmul.u32 $0x80, v7;
	_ =	sdelay $0x1  }
0x177: {  	v12 =	vor.u32 $0x20, v11  }
0x178: {  	v6 =	vor.u32 v12, v6;
	_ =	sdelay $0x1  }
0x179: {  	v8 =	vmul.f32 v13, v8;
	_ =	sdelay $0x1  }
0x17a: {  	[tilespmem:v14+s5+$0x0] =	vst.idx.msk $0xffff, v8  }
0x17b: {  	v13 =	vld.idx.msk [tilespmem:v6+s5+$0x0], $0xffff;
	_ =	sdelay $0x2  }
0x17c: {  	v8 =	vor.u32 v12, v9;
	_ =	sdelay $0x1  }
0x17d: {  	v9 =	vmul.f32 v13, v5;
	_ =	sdelay $0x1  }
0x17e: {  	[tilespmem:v6+s5+$0x0] =	vst.idx.msk $0xffff, v9  }
0x17f: {  	v13 =	vld.idx.msk [tilespmem:v8+s5+$0x0], $0xffff;
	_ =	sdelay $0x1  }
0x180: {  	v6 =	vand.u32 $0x1F, v10  }
0x181: {  	v9 =	vor.u32 v12, v6;
	_ =	sdelay $0x1  }
0x182: {  	s31 =	simm.s32 $0x2;
	v10 =	vmul.f32 v13, v5  }
.LBB2_15:
0x183: {  	_ = 	snop  }
0x184: {  	s31 =	sadd.s32 $0x2, s31;
	[tilespmem:v8+s5+$0x0] =	vst.idx.msk $0xffff, v10  }
0x185: {  	p5 =	slt.u32 s31, $0x1E;
	v10 =	vld.idx.msk [tilespmem:v9+s5+$0x0], $0xffff;
	_ =	sdelay $0x2  }
0x186: {  	v8 =	vadd.s32 $0x1, v6  }
0x187: {  	v8 =	vor.u32 v12, v8;
	_ =	sdelay $0x1  }
0x188: {  	v10 =	vmul.f32 v10, v5;
	_ =	sdelay $0x1  }
0x189: {  	[tilespmem:v9+s5+$0x0] =	vst.idx.msk $0xffff, v10  }
0x18a: {  	v10 =	vld.idx.msk [tilespmem:v8+s5+$0x0], $0xffff;
	_ =	sdelay $0x1  }
.Ltmp6:
0x18b: {  	v6 =	vadd.s32 $0x2, v6;
	(pc) =	sbr.rel @p5 .LBB2_15-.Ltmp6, $3  }
0x18c: {  	v6 =	vand.u32 $0x1F, v6  }
0x18d: {  	v9 =	vor.u32 v12, v6;
	_ =	sdelay $0x1  }
0x18e: {  	v10 =	vmul.f32 v10, v5  }
0x18f: {  	_ =	sdelay $0x3  }
0x190: {  	[tilespmem:v8+s5+$0x0] =	vst.idx.msk $0xffff, v10  }
0x191: {  	v8 =	vld.idx.msk [tilespmem:v9+s5+$0x0], $0xffff;
	_ =	sdelay $0x1  }
0x192: {  	v6 =	vadd.s32 $0x1, v6  }
0x193: {  	v10 =	vor.u32 v12, v6;
	_ =	sdelay $0x1  }
0x194: {  	v6 =	vmul.f32 v8, v5;
	_ =	sdelay $0x1  }
0x195: {  	[tilespmem:v9+s5+$0x0] =	vst.idx.msk $0xffff, v6  }
0x196: {  	v8 =	vld.idx.msk [tilespmem:v10+s5+$0x0], $0xffff;
	_ =	sdelay $0x1  }
0x197: {  	v6 =	vor.u32 $0x40, v11  }
0x198: {  	v9 =	vor.u32 v6, v7;
	_ =	sdelay $0x1  }
0x199: {  	v5 =	vmul.f32 v8, v5;
	_ =	sdelay $0x1  }
0x19a: {  	[tilespmem:v10+s5+$0x0] =	vst.idx.msk $0xffff, v5  }
0x19b: {  	v8 =	vld.idx.msk [tilespmem:v9+s5+$0x0], $0xffff  }
0x19c: {  	v5 =	vadd.s32 $0x1, v7  }
0x19d: {  	v10 =	vand.u32 $0x1F, v5  }
0x19e: {  	v10 =	vor.u32 v6, v10;
	_ =	sdelay $0x1  }
0x19f: {  	v8 =	vmul.f32 v8, v4;
	_ =	sdelay $0x1  }
0x1a0: {  	[tilespmem:v9+s5+$0x0] =	vst.idx.msk $0xffff, v8  }
0x1a1: {  	v12 =	vld.idx.msk [tilespmem:v10+s5+$0x0], $0xffff  }
0x1a2: {  	v8 =	vadd.s32 $0x2, v7  }
0x1a3: {  	v9 =	vand.u32 $0x1F, v8  }
0x1a4: {  	v11 =	vor.u32 v6, v9;
	_ =	sdelay $0x1  }
0x1a5: {  	s31 =	simm.s32 $0x2;
	v12 =	vmul.f32 v12, v4  }
.LBB2_17:
0x1a6: {  	_ = 	snop  }
0x1a7: {  	s31 =	sadd.s32 $0x2, s31;
	[tilespmem:v10+s5+$0x0] =	vst.idx.msk $0xffff, v12  }
0x1a8: {  	p5 =	slt.u32 s31, $0x1E;
	v12 =	vld.idx.msk [tilespmem:v11+s5+$0x0], $0xffff;
	_ =	sdelay $0x1  }
0x1a9: {  	v10 =	vadd.s32 $0x1, v9  }
0x1aa: {  	v10 =	vand.u32 $0x1F, v10  }
0x1ab: {  	v10 =	vor.u32 v6, v10;
	_ =	sdelay $0x1  }
0x1ac: {  	v12 =	vmul.f32 v12, v4;
	_ =	sdelay $0x1  }
0x1ad: {  	[tilespmem:v11+s5+$0x0] =	vst.idx.msk $0xffff, v12  }
0x1ae: {  	v12 =	vld.idx.msk [tilespmem:v10+s5+$0x0], $0xffff;
	_ =	sdelay $0x1  }
.Ltmp7:
0x1af: {  	v9 =	vadd.s32 $0x2, v9;
	(pc) =	sbr.rel @p5 .LBB2_17-.Ltmp7, $3  }
0x1b0: {  	v9 =	vand.u32 $0x1F, v9  }
0x1b1: {  	v11 =	vor.u32 v6, v9;
	_ =	sdelay $0x1  }
0x1b2: {  	v12 =	vmul.f32 v12, v4  }
0x1b3: {  	_ =	sdelay $0x3  }
0x1b4: {  	[tilespmem:v10+s5+$0x0] =	vst.idx.msk $0xffff, v12  }
0x1b5: {  	v10 =	vld.idx.msk [tilespmem:v11+s5+$0x0], $0xffff  }
0x1b6: {  	v9 =	vadd.s32 $0x1, v9  }
0x1b7: {  	v9 =	vand.u32 $0x1F, v9  }
0x1b8: {  	v63 =	vor.u32 v6, v9;
	_ =	sdelay $0x1  }
0x1b9: {  	v6 =	vmul.f32 v10, v4;
	_ =	sdelay $0x1  }
0x1ba: {  	[tilespmem:v11+s5+$0x0] =	vst.idx.msk $0xffff, v6;
	v6 =	vlaneseq.u32  }
0x1bb: {  	v11 =	vld.idx.msk [tilespmem:v63+s5+$0x0], $0xffff;
	v9 =	vmul.u32 $0x80, v6;
	_ =	sdelay $0x1  }
0x1bc: {  	v10 =	vor.u32 $0x60, v9  }
0x1bd: {  	v7 =	vor.u32 v10, v7;
	_ =	sdelay $0x1  }
0x1be: {  	v4 =	vmul.f32 v11, v4;
	_ =	sdelay $0x1  }
0x1bf: {  	[tilespmem:v63+s5+$0x0] =	vst.idx.msk $0xffff, v4  }
0x1c0: {  	v4 =	vld.idx.msk [tilespmem:v7+s5+$0x0], $0xffff;
	_ =	sdelay $0x2  }
0x1c1: {  	v5 =	vor.u32 v10, v5;
	_ =	sdelay $0x1  }
0x1c2: {  	v4 =	vmul.f32 v4, v3;
	_ =	sdelay $0x1  }
0x1c3: {  	[tilespmem:v7+s5+$0x0] =	vst.idx.msk $0xffff, v4  }
0x1c4: {  	v11 =	vld.idx.msk [tilespmem:v5+s5+$0x0], $0xffff;
	_ =	sdelay $0x1  }
0x1c5: {  	v4 =	vand.u32 $0x1F, v8  }
0x1c6: {  	v7 =	vor.u32 v10, v4;
	_ =	sdelay $0x1  }
0x1c7: {  	s31 =	simm.s32 $0x2;
	v8 =	vmul.f32 v11, v3  }
.LBB2_19:
0x1c8: {  	_ = 	snop  }
0x1c9: {  	s31 =	sadd.s32 $0x2, s31;
	[tilespmem:v5+s5+$0x0] =	vst.idx.msk $0xffff, v8  }
0x1ca: {  	p5 =	slt.u32 s31, $0x1E;
	v8 =	vld.idx.msk [tilespmem:v7+s5+$0x0], $0xffff;
	_ =	sdelay $0x2  }
0x1cb: {  	v5 =	vadd.s32 $0x1, v4  }
0x1cc: {  	v5 =	vor.u32 v10, v5;
	_ =	sdelay $0x1  }
0x1cd: {  	v8 =	vmul.f32 v8, v3;
	_ =	sdelay $0x1  }
0x1ce: {  	[tilespmem:v7+s5+$0x0] =	vst.idx.msk $0xffff, v8  }
0x1cf: {  	v8 =	vld.idx.msk [tilespmem:v5+s5+$0x0], $0xffff;
	_ =	sdelay $0x1  }
.Ltmp8:
0x1d0: {  	v4 =	vadd.s32 $0x2, v4;
	(pc) =	sbr.rel @p5 .LBB2_19-.Ltmp8, $3  }
0x1d1: {  	v4 =	vand.u32 $0x1F, v4  }
0x1d2: {  	v7 =	vor.u32 v10, v4;
	_ =	sdelay $0x1  }
0x1d3: {  	v8 =	vmul.f32 v8, v3  }
0x1d4: {  	_ =	sdelay $0x3  }
0x1d5: {  	[tilespmem:v5+s5+$0x0] =	vst.idx.msk $0xffff, v8  }
0x1d6: {  	v5 =	vld.idx.msk [tilespmem:v7+s5+$0x0], $0xffff;
	_ =	sdelay $0x1  }
0x1d7: {  	v4 =	vadd.s32 $0x1, v4  }
0x1d8: {  	v8 =	vor.u32 v10, v4;
	_ =	sdelay $0x1  }
0x1d9: {  	v4 =	vmul.f32 v5, v3;
	_ =	sdelay $0x1  }
0x1da: {  	[tilespmem:v7+s5+$0x0] =	vst.idx.msk $0xffff, v4  }
0x1db: {  	v5 =	vld.idx.msk [tilespmem:v8+s5+$0x0], $0xffff;
	_ =	sdelay $0x1  }
0x1dc: {  	v4 =	vor.u32 $0x800, v9  }
0x1dd: {  	v7 =	vor.u32 v4, v6;
	_ =	sdelay $0x1  }
0x1de: {  	v13 =	vadd.s32 $0x1, v6;
	v3 =	vmul.f32 v5, v3  }
0x1df: {  	v5 =	vand.u32 $0x1F, v13  }
0x1e0: {  	v9 =	vor.u32 v4, v5;
	[tilespmem:v8+s5+$0x0] =	vst.idx.msk $0xffff, v3  }
0x1e1: {  	v8 =	vld.idx.msk [tilespmem:v7+s5+$0x0], $0xffff  }
0x1e2: {  	v3 =	vadd.s32 $0x2, v6;
	v10 =	vld.idx.msk [tilespmem:v7+s19+$0x0], $0xffff  }
0x1e3: {  	v11 =	vand.u32 $0x1F, v3;
	v7 =	vld.idx.msk [tilespmem:v7+s20+$0x0], $0xffff  }
0x1e4: {  	v22 =	vld.idx.msk [tilespmem:v6+s10+$0x0], $0xffff;
	v12 =	vor.u32 v4, v11  }
0x1e5: {  	v3 =	vadd.s32 $0x1, v11;
	v14 =	vld.idx.msk [tilespmem:v9+s5+$0x0], $0xffff  }
0x1e6: {  	v19 =	vand.u32 $0x1F, v3;
	v15 =	vld.idx.msk [tilespmem:v9+s19+$0x0], $0xffff  }
0x1e7: {  	v23 =	vld.idx.msk [tilespmem:v5+s10+$0x0], $0xffff;
	v18 =	vor.u32 v4, v19  }
0x1e8: {  	v17 =	vld.idx.msk [tilespmem:v9+s20+$0x0], $0xffff  }
0x1e9: {  	v24 =	vld.idx.msk [tilespmem:v12+s5+$0x0], $0xffff  }
0x1ea: {  	v5 =	vadd.f32 v10, v8;
	v8 =	vadd.s32 $0x2, v11;
	v25 =	vld.idx.msk [tilespmem:v12+s19+$0x0], $0xffff  }
0x1eb: {  	v9 =	vand.u32 $0x1F, v8;
	v27 =	vld.idx.msk [tilespmem:v12+s20+$0x0], $0xffff;
	v8 =	vadd.f32 v15, v14  }
0x1ec: {  	v7 =	vadd.f32 v7, v5;
	v12 =	vor.u32 v4, v9;
	v16 =	vld.idx.msk [tilespmem:v18+s5+$0x0], $0xffff  }
0x1ed: {  	v10 =	vadd.s32 $0x1, v9;
	v20 =	vld.idx.msk [tilespmem:v18+s19+$0x0], $0xffff;
	v8 =	vadd.f32 v17, v8  }
0x1ee: {  	v18 =	vld.idx.msk [tilespmem:v18+s20+$0x0], $0xffff;
	v15 =	vmul.f32 $2.000000030e-01, v7;
	v17 =	vand.u32 $0x1F, v10  }
0x1ef: {  	v14 =	vld.idx.msk [tilespmem:v19+s10+$0x0], $0xffff;
	v21 =	vor.u32 v4, v17;
	v24 =	vadd.f32 v25, v24;
	v28 =	vmul.f32 $2.000000030e-01, v8  }
0x1f0: {  	v5 =	vimm.f32 $0.0e+00;
	v19 =	vmax.f32 v7, v15;
	v15 =	vld.idx.msk [tilespmem:v11+s10+$0x0], $0xffff;
	v7 =	vadd.s32 $0x2, v9  }
0x1f1: {  	v26 =	vmul.f32 v19, v22;
	v19 =	vld.idx.msk [tilespmem:v12+s5+$0x0], $0xffff;
	v25 =	vadd.f32 v27, v24;
	v28 =	vmax.f32 v8, v28  }
0x1f2: {  	s31 =	simm.s32 $0x4;
	v22 =	vld.idx.msk [tilespmem:v12+s19+$0x0], $0xffff;
	v24 =	vimm.f32 $0.0e+00;
	v8 =	vand.u32 $0x1F, v7;
	v27 =	vmul.f32 v28, v23;
	v23 =	vmovc v9  }
.LBB2_21:
0x1f3: {  	v28 =	vadd.s32 $0x1, v8;
	s31 =	sadd.s32 $0x2, s31;
	v29 =	vld.idx.msk [tilespmem:v12+s20+$0x0], $0xffff;
	v30 =	vadd.f32 v20, v16  }
0x1f4: {  	v12 =	vor.u32 v4, v8;
	v24 =	vadd.f32 v26, v24;
	v28 =	vand.u32 $0x1F, v28;
	p5 =	slt.u32 s31, $0x1E;
	v16 =	vld.idx.msk [tilespmem:v21+s5+$0x0], $0xffff  }
0x1f5: {  	v31 =	vmul.f32 $2.000000030e-01, v25;
	v32 =	vmovc v14;
	v26 =	vor.u32 v4, v28;
	v20 =	vld.idx.msk [tilespmem:v21+s19+$0x0], $0xffff;
	v30 =	vadd.f32 v18, v30  }
.Ltmp9:
0x1f6: {  	v24 =	vadd.f32 v27, v24;
	v18 =	vld.idx.msk [tilespmem:v21+s20+$0x0], $0xffff;
	v21 =	vmov v26;
	(pc) =	sbr.rel @p5 .LBB2_21-.Ltmp9, $4  }
0x1f7: {  	v25 =	vmax.f32 v25, v31;
	v14 =	vld.idx.msk [tilespmem:v17+s10+$0x0], $0xffff;
	v27 =	vmul.f32 $2.000000030e-01, v30;
	v17 =	vmov v28  }
0x1f8: {  	v28 =	vadd.f32 v22, v19;
	v26 =	vmul.f32 v25, v15;
	v15 =	vld.idx.msk [tilespmem:v23+s10+$0x0], $0xffff;
	v23 =	vmov v8  }
0x1f9: {  	v8 =	vadd.s32 $0x2, v8;
	v19 =	vld.idx.msk [tilespmem:v12+s5+$0x0], $0xffff;
	v27 =	vmax.f32 v30, v27  }
0x1fa: {  	v8 =	vand.u32 $0x1F, v8;
	v25 =	vadd.f32 v29, v28;
	v22 =	vld.idx.msk [tilespmem:v12+s19+$0x0], $0xffff;
	v27 =	vmul.f32 v27, v32  }
0x1fb: {  	_ = 	snop  }
0x1fc: {  	v4 =	vlaneseq.u32  }
0x1fd: {  	v8 =	vmul.u32 $0x80, v4;
	_ =	sdelay $0x1  }
0x1fe: {  	v28 =	vld.idx.msk [tilespmem:v12+s20+$0x0], $0xffff;
	v12 =	vor.u32 $0x820, v8  }
0x1ff: {  	v29 =	vld.idx.msk [tilespmem:v21+s5+$0x0], $0xffff;
	v30 =	vor.u32 v12, v13  }
0x200: {  	v31 =	vld.idx.msk [tilespmem:v21+s19+$0x0], $0xffff;
	v32 =	vor.u32 v12, v6  }
0x201: {  	v21 =	vld.idx.msk [tilespmem:v21+s20+$0x0], $0xffff;
	v16 =	vadd.f32 v20, v16  }
0x202: {  	v17 =	vld.idx.msk [tilespmem:v17+s10+$0x0], $0xffff  }
0x203: {  	v20 =	vld.idx.msk [tilespmem:v23+s10+$0x0], $0xffff;
	v16 =	vadd.f32 v18, v16  }
0x204: {  	v23 =	vmul.f32 $2.000000030e-01, v25;
	v6 =	vor.u32 $0x20, v6;
	v18 =	vld.idx.msk [tilespmem:v30+s19+$0x0], $0xffff  }
0x205: {  	v24 =	vadd.f32 v26, v24;
	v26 =	vmul.f32 $2.000000030e-01, v16;
	v19 =	vadd.f32 v22, v19;
	v34 =	vld.idx.msk [tilespmem:v32+s5+$0x0], $0xffff  }
0x206: {  	v23 =	vmax.f32 v25, v23;
	v13 =	vor.u32 $0x20, v13;
	v22 =	vor.u32 v12, v3;
	v25 =	vld.idx.msk [tilespmem:v32+s19+$0x0], $0xffff  }
0x207: {  	v16 =	vmax.f32 v16, v26;
	v19 =	vadd.f32 v28, v19;
	v26 =	vadd.f32 v31, v29;
	v33 =	vld.idx.msk [tilespmem:v30+s5+$0x0], $0xffff  }
0x208: {  	v24 =	vadd.f32 v27, v24;
	v15 =	vmul.f32 v23, v15;
	v27 =	vor.u32 v12, v11;
	v23 =	vld.idx.msk [tilespmem:v32+s20+$0x0], $0xffff  }
0x209: {  	v62 =	vld.idx.msk [tilespmem:v6+s10+$0x0], $0xffff;
	v6 =	vmul.f32 v16, v14;
	v16 =	vadd.f32 v21, v26;
	v21 =	vmul.f32 $2.000000030e-01, v19  }
0x20a: {  	v14 =	vadd.f32 v15, v24;
	v15 =	vld.idx.msk [tilespmem:v30+s20+$0x0], $0xffff;
	v24 =	vor.u32 $0x20, v11  }
0x20b: {  	v13 =	vld.idx.msk [tilespmem:v13+s10+$0x0], $0xffff;
	v11 =	vmax.f32 v19, v21;
	v19 =	vmul.f32 $2.000000030e-01, v16;
	v25 =	vadd.f32 v25, v34  }
0x20c: {  	v26 =	vld.idx.msk [tilespmem:v22+s19+$0x0], $0xffff;
	v6 =	vadd.f32 v6, v14;
	v11 =	vmul.f32 v11, v20;
	v20 =	vor.u32 $0x20, v3  }
0x20d: {  	v63 =	vld.idx.msk [tilespmem:v22+s5+$0x0], $0xffff;
	v16 =	vmax.f32 v16, v19;
	v3 =	vadd.f32 v18, v33;
	v23 =	vadd.f32 v23, v25  }
0x20e: {  	v14 =	vld.idx.msk [tilespmem:v27+s5+$0x0], $0xffff;
	v16 =	vmul.f32 v16, v17;
	v17 =	vadd.f32 v11, v6  }
0x20f: {  	v21 =	vor.u32 v12, v10;
	v18 =	vld.idx.msk [tilespmem:v27+s19+$0x0], $0xffff;
	v25 =	vadd.f32 v15, v3;
	v15 =	vmul.f32 $2.000000030e-01, v23  }
0x210: {  	v11 =	vld.idx.msk [tilespmem:v27+s20+$0x0], $0xffff;
	v3 =	vadd.f32 v16, v17  }
0x211: {  	v17 =	vor.u32 v12, v9;
	v16 =	vor.u32 $0x20, v9;
	v9 =	vld.idx.msk [tilespmem:v20+s10+$0x0], $0xffff;
	v20 =	vmax.f32 v23, v15  }
0x212: {  	v6 =	vld.idx.msk [tilespmem:v24+s10+$0x0], $0xffff;
	v24 =	vmul.f32 $2.000000030e-01, v25  }
0x213: {  	v19 =	vld.idx.msk [tilespmem:v22+s20+$0x0], $0xffff;
	v22 =	vadd.f32 v26, v63  }
0x214: {  	s31 =	simm.s32 $0x6;
	v10 =	vor.u32 $0x20, v10;
	v15 =	vld.idx.msk [tilespmem:v21+s19+$0x0], $0xffff;
	v24 =	vmax.f32 v25, v24;
	v23 =	vmul.f32 v20, v62;
	v20 =	vmovc v21  }
.LBB2_23:
0x215: {  	s31 =	sadd.s32 $0x2, s31;
	v25 =	vld.idx.msk [tilespmem:v21+s5+$0x0], $0xffff;
	v7 =	vand.u32 $0x1F, v7;
	v26 =	vadd.f32 v18, v14;
	v13 =	vmul.f32 v24, v13  }
0x216: {  	v18 =	vor.u32 $0x820, v8;
	p5 =	slt.u32 s31, $0x1E;
	v24 =	vadd.s32 $0x1, v7;
	v14 =	vld.idx.msk [tilespmem:v17+s5+$0x0], $0xffff;
	v5 =	vadd.f32 v23, v5  }
0x217: {  	v23 =	vor.u32 v18, v7;
	v21 =	vor.u32 v18, v24;
	v18 =	vld.idx.msk [tilespmem:v17+s19+$0x0], $0xffff;
	v26 =	vadd.f32 v11, v26  }
.Ltmp10:
0x218: {  	v27 =	vor.u32 $0x20, v7;
	v28 =	vadd.f32 v19, v22;
	v11 =	vld.idx.msk [tilespmem:v17+s20+$0x0], $0xffff;
	v5 =	vadd.f32 v13, v5;
	v17 =	vmovc v23;
	(pc) =	sbr.rel @p5 .LBB2_23-.Ltmp10, $4  }
0x219: {  	v29 =	vmovc v6;
	v23 =	vor.u32 $0x20, v24;
	v24 =	vmul.f32 $2.000000030e-01, v26;
	v6 =	vld.idx.msk [tilespmem:v16+s10+$0x0], $0xffff;
	v16 =	vmovc v27;
	v13 =	vmov v9  }
0x21a: {  	v7 =	vadd.s32 $0x2, v7;
	v27 =	vmul.f32 $2.000000030e-01, v28;
	v19 =	vld.idx.msk [tilespmem:v20+s20+$0x0], $0xffff;
	v20 =	vmov v21  }
0x21b: {  	v22 =	vadd.f32 v15, v25;
	v9 =	vld.idx.msk [tilespmem:v10+s10+$0x0], $0xffff;
	v24 =	vmax.f32 v26, v24;
	v10 =	vmov v23  }
0x21c: {  	v15 =	vld.idx.msk [tilespmem:v21+s19+$0x0], $0xffff;
	v23 =	vmul.f32 v24, v29;
	v24 =	vmax.f32 v28, v27  }
0x21d: {  	_ =	sdelay $0x3  }
0x21e: {  	v21 =	vld.idx.msk [tilespmem:v21+s5+$0x0], $0xffff;
	v7 =	vand.u32 $0x1F, v7  }
0x21f: {  	v26 =	vld.idx.msk [tilespmem:v17+s5+$0x0], $0xffff;
	v25 =	vadd.s32 $0x1, v7  }
0x220: {  	v14 =	vadd.f32 v18, v14;
	v27 =	vld.idx.msk [tilespmem:v17+s19+$0x0], $0xffff;
	v18 =	vor.u32 v12, v25  }
0x221: {  	v17 =	vld.idx.msk [tilespmem:v17+s20+$0x0], $0xffff  }
0x222: {  	v12 =	vor.u32 v12, v7;
	v11 =	vadd.f32 v11, v14;
	v14 =	vld.idx.msk [tilespmem:v16+s10+$0x0], $0xffff  }
0x223: {  	v13 =	vmul.f32 v24, v13;
	v16 =	vld.idx.msk [tilespmem:v20+s20+$0x0], $0xffff  }
0x224: {  	v5 =	vadd.f32 v23, v5;
	v19 =	vadd.f32 v19, v22;
	v22 =	vld.idx.msk [tilespmem:v10+s10+$0x0], $0xffff;
	v20 =	vmul.f32 $2.000000030e-01, v11  }
0x225: {  	v7 =	vor.u32 $0x20, v7;
	v23 =	vld.idx.msk [tilespmem:v18+s19+$0x0], $0xffff  }
0x226: {  	v5 =	vadd.f32 v13, v5;
	v15 =	vadd.f32 v15, v21;
	v10 =	vmax.f32 v11, v20;
	v11 =	vld.idx.msk [tilespmem:v18+s5+$0x0], $0xffff  }
0x227: {  	v13 =	vor.u32 $0x20, v25;
	v24 =	vmul.f32 $2.000000030e-01, v19;
	v20 =	vmul.f32 v10, v6;
	v21 =	vld.idx.msk [tilespmem:v12+s5+$0x0], $0xffff  }
0x228: {  	v6 =	vor.u32 $0x840, v8;
	v15 =	vadd.f32 v16, v15;
	v16 =	vld.idx.msk [tilespmem:v18+s20+$0x0], $0xffff;
	v18 =	vor.u32 $0x40, v4  }
0x229: {  	v19 =	vmax.f32 v19, v24;
	v8 =	vadd.f32 v27, v26;
	v25 =	vld.idx.msk [tilespmem:v12+s19+$0x0], $0xffff;
	v26 =	vor.u32 v6, v4  }
0x22a: {  	v10 =	vadd.s32 $0x1, v4;
	v12 =	vld.idx.msk [tilespmem:v12+s20+$0x0], $0xffff;
	v9 =	vmul.f32 v19, v9  }
0x22b: {  	v7 =	vld.idx.msk [tilespmem:v7+s10+$0x0], $0xffff;
	v27 =	vand.u32 $0x1F, v10;
	v5 =	vadd.f32 v20, v5;
	v8 =	vadd.f32 v17, v8  }
0x22c: {  	v13 =	vld.idx.msk [tilespmem:v13+s10+$0x0], $0xffff;
	v20 =	vor.u32 v6, v27  }
0x22d: {  	v17 =	vmul.f32 $2.000000030e-01, v15;
	v5 =	vadd.f32 v9, v5;
	v9 =	vmul.f32 $2.000000030e-01, v8;
	v30 =	vld.idx.msk [tilespmem:v18+s10+$0x0], $0xffff  }
0x22e: {  	v11 =	vadd.f32 v23, v11;
	v23 =	vadd.s32 $0x2, v4;
	v21 =	vadd.f32 v25, v21;
	v19 =	vld.idx.msk [tilespmem:v26+s20+$0x0], $0xffff  }
0x22f: {  	v9 =	vmax.f32 v8, v9;
	v8 =	vand.u32 $0x1F, v23;
	v23 =	vor.u32 $0x40, v27;
	v27 =	vld.idx.msk [tilespmem:v26+s5+$0x0], $0xffff  }
0x230: {  	v26 =	vld.idx.msk [tilespmem:v26+s19+$0x0], $0xffff;
	v14 =	vmul.f32 v9, v14;
	v12 =	vadd.f32 v12, v21;
	v28 =	vor.u32 v6, v8  }
0x231: {  	v15 =	vmax.f32 v15, v17;
	v24 =	vld.idx.msk [tilespmem:v20+s5+$0x0], $0xffff;
	v9 =	vadd.s32 $0x1, v8;
	v11 =	vadd.f32 v16, v11  }
0x232: {  	v29 =	vld.idx.msk [tilespmem:v20+s19+$0x0], $0xffff;
	v21 =	vand.u32 $0x1F, v9;
	v5 =	vadd.f32 v14, v5;
	v14 =	vmul.f32 $2.000000030e-01, v12  }
0x233: {  	v15 =	vmul.f32 v15, v22;
	v22 =	vld.idx.msk [tilespmem:v20+s20+$0x0], $0xffff;
	v16 =	vor.u32 v6, v21;
	v17 =	vmul.f32 $2.000000030e-01, v11  }
0x234: {  	v18 =	vadd.s32 $0x2, v8;
	v12 =	vmax.f32 v12, v14;
	v14 =	vld.idx.msk [tilespmem:v23+s10+$0x0], $0xffff  }
0x235: {  	v5 =	vadd.f32 v15, v5;
	v11 =	vmax.f32 v11, v17;
	v15 =	vor.u32 $0x40, v8;
	v17 =	vld.idx.msk [tilespmem:v28+s20+$0x0], $0xffff  }
0x236: {  	v7 =	vmul.f32 v12, v7;
	v12 =	vand.u32 $0x1F, v18;
	v18 =	vadd.f32 v26, v27;
	v27 =	vld.idx.msk [tilespmem:v28+s5+$0x0], $0xffff  }
0x237: {  	v31 =	vor.u32 $0x40, v21;
	v13 =	vmul.f32 v11, v13;
	v32 =	vld.idx.msk [tilespmem:v28+s19+$0x0], $0xffff;
	v11 =	vadd.s32 $0x1, v12  }
0x238: {  	v21 =	vor.u32 v6, v12;
	v25 =	vld.idx.msk [tilespmem:v16+s5+$0x0], $0xffff;
	v23 =	vand.u32 $0x1F, v11  }
0x239: {  	v26 =	vadd.f32 v29, v24;
	v24 =	vld.idx.msk [tilespmem:v16+s19+$0x0], $0xffff;
	v29 =	vadd.f32 v19, v18;
	v20 =	vor.u32 v6, v23  }
0x23a: {  	v28 =	vor.u32 $0x40, v12;
	v5 =	vadd.f32 v7, v5;
	v18 =	vld.idx.msk [tilespmem:v16+s20+$0x0], $0xffff  }
0x23b: {  	v7 =	vimm.f32 $0.0e+00;
	v26 =	vadd.f32 v22, v26;
	v15 =	vld.idx.msk [tilespmem:v15+s10+$0x0], $0xffff;
	v33 =	vmul.f32 $2.000000030e-01, v29  }
0x23c: {  	v16 =	vld.idx.msk [tilespmem:v31+s10+$0x0], $0xffff;
	v23 =	vor.u32 $0x40, v23;
	v5 =	vadd.f32 v13, v5;
	v13 =	vadd.s32 $0x2, v12  }
0x23d: {  	v31 =	vmul.f32 $2.000000030e-01, v26;
	v32 =	vadd.f32 v32, v27;
	v19 =	vld.idx.msk [tilespmem:v21+s20+$0x0], $0xffff;
	v33 =	vmax.f32 v29, v33  }
0x23e: {  	s31 =	simm.s32 $0x4;
	v27 =	vimm.f32 $0.0e+00;
	v29 =	vand.u32 $0x1F, v13;
	v30 =	vmul.f32 v33, v30;
	v22 =	vld.idx.msk [tilespmem:v20+s5+$0x0], $0xffff  }
.LBB2_25:
0x23f: {  	v33 =	vadd.s32 $0x1, v29;
	s31 =	sadd.s32 $0x2, s31;
	v34 =	vld.idx.msk [tilespmem:v21+s5+$0x0], $0xffff;
	v25 =	vadd.f32 v24, v25  }
0x240: {  	v26 =	vmax.f32 v26, v31;
	v36 =	vmovc v15;
	v33 =	vand.u32 $0x1F, v33;
	p5 =	slt.u32 s31, $0x1E;
	v35 =	vld.idx.msk [tilespmem:v21+s19+$0x0], $0xffff;
	v21 =	vor.u32 v6, v29  }
0x241: {  	v31 =	vadd.f32 v17, v32;
	v32 =	vmul.f32 v26, v14;
	v37 =	vor.u32 v6, v33;
	v24 =	vld.idx.msk [tilespmem:v20+s19+$0x0], $0xffff  }
.Ltmp11:
0x242: {  	v27 =	vadd.f32 v30, v27;
	v33 =	vor.u32 $0x40, v33;
	v14 =	vmov v16;
	v15 =	vld.idx.msk [tilespmem:v28+s10+$0x0], $0xffff;
	(pc) =	sbr.rel @p5 .LBB2_25-.Ltmp11, $4  }
0x243: {  	v26 =	vadd.f32 v18, v25;
	v30 =	vmul.f32 $2.000000030e-01, v31;
	v17 =	vmovc v19;
	v18 =	vld.idx.msk [tilespmem:v20+s20+$0x0], $0xffff;
	v20 =	vmov v37  }
0x244: {  	v28 =	vor.u32 $0x40, v29;
	v27 =	vadd.f32 v32, v27;
	v25 =	vmovc v22;
	v16 =	vld.idx.msk [tilespmem:v23+s10+$0x0], $0xffff;
	v23 =	vmov v33  }
0x245: {  	v29 =	vadd.s32 $0x2, v29;
	v30 =	vmax.f32 v31, v30;
	v31 =	vmul.f32 $2.000000030e-01, v26;
	v19 =	vld.idx.msk [tilespmem:v21+s20+$0x0], $0xffff  }
0x246: {  	v29 =	vand.u32 $0x1F, v29;
	v32 =	vadd.f32 v35, v34;
	v30 =	vmul.f32 v30, v36;
	v22 =	vld.idx.msk [tilespmem:v37+s5+$0x0], $0xffff  }
0x247: {  	_ =	sdelay $0x3  }
0x248: {  	v29 =	vld.idx.msk [tilespmem:v21+s5+$0x0], $0xffff;
	v6 =	vor.u32 $0x860, v0  }
0x249: {  	v21 =	vld.idx.msk [tilespmem:v21+s19+$0x0], $0xffff;
	v33 =	vor.u32 v6, v4  }
0x24a: {  	v34 =	vld.idx.msk [tilespmem:v20+s19+$0x0], $0xffff  }
0x24b: {  	v28 =	vld.idx.msk [tilespmem:v28+s10+$0x0], $0xffff;
	v35 =	vor.u32 v6, v10  }
0x24c: {  	v20 =	vld.idx.msk [tilespmem:v20+s20+$0x0], $0xffff;
	v24 =	vadd.f32 v24, v25  }
0x24d: {  	v23 =	vld.idx.msk [tilespmem:v23+s10+$0x0], $0xffff;
	v17 =	vadd.f32 v17, v32  }
0x24e: {  	v50 =	vmax.f32 v26, v31;
	v10 =	vor.u32 $0x60, v10;
	v18 =	vadd.f32 v18, v24;
	v51 =	vld.idx.msk [tilespmem:v33+s19+$0x0], $0xffff  }
0x24f: {  	v14 =	vmul.f32 v50, v14;
	v52 =	vmul.f32 $2.000000030e-01, v17;
	v53 =	vld.idx.msk [tilespmem:v33+s5+$0x0], $0xffff  }
0x250: {  	v27 =	vadd.f32 v30, v27;
	v4 =	vor.u32 $0x60, v4;
	v55 =	vmul.f32 $2.000000030e-01, v18;
	v54 =	vld.idx.msk [tilespmem:v35+s19+$0x0], $0xffff  }
0x251: {  	v56 =	vor.u32 v6, v8;
	v21 =	vadd.f32 v21, v29;
	v17 =	vmax.f32 v17, v52;
	v57 =	vld.idx.msk [tilespmem:v35+s5+$0x0], $0xffff  }
0x252: {  	v14 =	vadd.f32 v14, v27;
	v15 =	vmul.f32 v17, v15;
	v18 =	vmax.f32 v18, v55;
	v58 =	vld.idx.msk [tilespmem:v35+s20+$0x0], $0xffff  }
0x253: {  	v59 =	vld.idx.msk [tilespmem:v10+s10+$0x0], $0xffff;
	v17 =	vadd.f32 v19, v21;
	v21 =	vadd.f32 v34, v22;
	v22 =	vor.u32 v6, v9  }
0x254: {  	v19 =	vld.idx.msk [tilespmem:v33+s20+$0x0], $0xffff;
	v16 =	vmul.f32 v18, v16  }
0x255: {  	v18 =	vld.idx.msk [tilespmem:v4+s10+$0x0], $0xffff;
	v14 =	vadd.f32 v15, v14;
	v15 =	vmul.f32 $2.000000030e-01, v17;
	v10 =	vadd.f32 v20, v21  }
0x256: {  	v20 =	vor.u32 $0x60, v9;
	v21 =	vld.idx.msk [tilespmem:v56+s5+$0x0], $0xffff  }
0x257: {  	v4 =	vadd.f32 v16, v14;
	v14 =	vmax.f32 v17, v15;
	v17 =	vld.idx.msk [tilespmem:v56+s19+$0x0], $0xffff;
	v15 =	vmul.f32 $2.000000030e-01, v10  }
0x258: {  	v60 =	vor.u32 $0x60, v8;
	v16 =	vadd.f32 v51, v53;
	v8 =	vadd.f32 v54, v57;
	v61 =	vld.idx.msk [tilespmem:v22+s19+$0x0], $0xffff  }
0x259: {  	v9 =	vor.u32 v6, v12;
	v14 =	vmul.f32 v14, v28;
	v62 =	vld.idx.msk [tilespmem:v22+s5+$0x0], $0xffff;
	v10 =	vmax.f32 v10, v15  }
0x25a: {  	v19 =	vadd.f32 v19, v16;
	v16 =	vld.idx.msk [tilespmem:v56+s20+$0x0], $0xffff;
	v10 =	vmul.f32 v10, v23;
	v23 =	vadd.f32 v58, v8  }
0x25b: {  	v15 =	vor.u32 v6, v11;
	v4 =	vadd.f32 v14, v4;
	v14 =	vld.idx.msk [tilespmem:v22+s20+$0x0], $0xffff  }
0x25c: {  	v13 =	vand.u32 $0x1F, v13;
	v8 =	vld.idx.msk [tilespmem:v20+s10+$0x0], $0xffff;
	v63 =	vmul.f32 $2.000000030e-01, v19;
	v20 =	vmul.f32 $2.000000030e-01, v23  }
0x25d: {  	v12 =	vor.u32 $0x60, v12;
	v11 =	vor.u32 $0x60, v11;
	v4 =	vadd.f32 v10, v4;
	v10 =	vld.idx.msk [tilespmem:v60+s10+$0x0], $0xffff  }
0x25e: {  	v21 =	vadd.f32 v17, v21;
	v17 =	vld.idx.msk [tilespmem:v9+s19+$0x0], $0xffff;
	v19 =	vmax.f32 v19, v63;
	v20 =	vmax.f32 v23, v20  }
0x25f: {  	s31 =	simm.s32 $0x4;
	v22 =	vadd.f32 v61, v62;
	v19 =	vmul.f32 v19, v18;
	v18 =	vld.idx.msk [tilespmem:v9+s5+$0x0], $0xffff;
	v20 =	vmul.f32 v20, v59  }
.LBB2_27:
0x260: {  	v23 =	vadd.s32 $0x1, v13;
	s31 =	sadd.s32 $0x2, s31;
	v24 =	vld.idx.msk [tilespmem:v15+s19+$0x0], $0xffff;
	v21 =	vadd.f32 v16, v21  }
0x261: {  	v25 =	vor.u32 v6, v13;
	v7 =	vadd.f32 v19, v7;
	v26 =	vor.u32 v6, v23;
	p5 =	slt.u32 s31, $0x1E;
	v27 =	vld.idx.msk [tilespmem:v15+s5+$0x0], $0xffff  }
0x262: {  	v28 =	vor.u32 $0x60, v13;
	v22 =	vadd.f32 v14, v22;
	v29 =	vmovc v8;
	v16 =	vld.idx.msk [tilespmem:v9+s20+$0x0], $0xffff;
	v19 =	vmul.f32 $2.000000030e-01, v21;
	v9 =	vmovc v25  }
.Ltmp12:
0x263: {  	v7 =	vadd.f32 v20, v7;
	v14 =	vld.idx.msk [tilespmem:v15+s20+$0x0], $0xffff;
	v15 =	vmov v26;
	(pc) =	sbr.rel @p5 .LBB2_27-.Ltmp12, $4  }
0x264: {  	v20 =	vmul.f32 $2.000000030e-01, v22;
	v8 =	vld.idx.msk [tilespmem:v11+s10+$0x0], $0xffff;
	v11 =	vmax.f32 v21, v19  }
0x265: {  	v21 =	vadd.f32 v17, v18;
	v19 =	vmul.f32 v11, v10;
	v10 =	vld.idx.msk [tilespmem:v12+s10+$0x0], $0xffff;
	v12 =	vmov v28  }
0x266: {  	v13 =	vadd.s32 $0x2, v13;
	v11 =	vor.u32 $0x60, v23;
	v20 =	vmax.f32 v22, v20;
	v17 =	vld.idx.msk [tilespmem:v25+s19+$0x0], $0xffff  }
0x267: {  	v13 =	vand.u32 $0x1F, v13;
	v22 =	vadd.f32 v24, v27;
	v20 =	vmul.f32 v20, v29;
	v18 =	vld.idx.msk [tilespmem:v25+s5+$0x0], $0xffff  }
0x268: {  	_ =	sdelay $0x3  }
0x269: {  	v13 =	vld.idx.msk [tilespmem:v15+s19+$0x0], $0xffff  }
0x26a: {  	v23 =	vld.idx.msk [tilespmem:v15+s5+$0x0], $0xffff  }
0x26b: {  	v9 =	vld.idx.msk [tilespmem:v9+s20+$0x0], $0xffff  }
0x26c: {  	v16 =	vadd.f32 v16, v21  }
0x26d: {  	v15 =	vld.idx.msk [tilespmem:v15+s20+$0x0], $0xffff;
	v14 =	vadd.f32 v14, v22  }
0x26e: {  	v21 =	vmul.f32 $2.000000030e-01, v16;
	v17 =	vadd.f32 v17, v18  }
0x26f: {  	v7 =	vadd.f32 v19, v7;
	v63 =	vmul.f32 $2.000000030e-01, v14  }
0x270: {  	v12 =	vld.idx.msk [tilespmem:v12+s10+$0x0], $0xffff;
	v16 =	vmax.f32 v16, v21;
	v13 =	vadd.f32 v13, v23;
	v9 =	vadd.f32 v9, v17  }
0x271: {  	v7 =	vadd.f32 v20, v7;
	v10 =	vmul.f32 v16, v10  }
0x272: {  	v11 =	vld.idx.msk [tilespmem:v11+s10+$0x0], $0xffff;
	v14 =	vmax.f32 v14, v63;
	v13 =	vadd.f32 v15, v13;
	v16 =	vmul.f32 $2.000000030e-01, v9  }
0x273: {  	v8 =	vmul.f32 v14, v8;
	v7 =	vadd.f32 v10, v7  }
0x274: {  	v10 =	vmul.f32 $2.000000030e-01, v13;
	v9 =	vmax.f32 v9, v16  }
0x275: {  	v7 =	vadd.f32 v8, v7;
	v8 =	vmul.f32 v9, v12  }
0x276: {  	v9 =	vmax.f32 v13, v10  }
0x277: {  	v9 =	vmul.f32 v9, v11;
	v7 =	vadd.f32 v8, v7  }
0x278: {  	v3 =	vmul.f32 $1.442695020e+00, v3;
	v10 =	vld [tilespmem:$0x8110]  }
0x279: {  	v5 =	vmul.f32 $1.442695020e+00, v5;
	v7 =	vadd.f32 v9, v7  }
0x27a: {  	(erf) = vpow2.f32 v3;
	v3 =	vmul.f32 $1.442695020e+00, v4  }
0x27b: {  	(erf) = vpow2.f32 v5;
	v8 =	vlaneseq.u32;
	v4 =	vmul.f32 $1.442695020e+00, v7  }
0x27c: {  	(erf) = vpow2.f32 v3;
	v3 =	vmul.u32 $0x80, v8  }
0x27d: {  	(erf) = vpow2.f32 v4;
	v4 =	vshll.u32 v10, $0x2  }
0x27e: {  	v7 =	vor.u32 $0x800, v3;
	v4 =	vand.u32 $0x7C, v4  }
0x27f: {  	v5 =	vor.u32 $0x801, v3;
	v10 =	vor.u32 v7, v4  }
0x280: {  	v11 =	vor.u32 v5, v4;
	v5 =	vor.u32 $0x802, v3  }
0x281: {  	v3 =	vor.u32 $0x803, v3;
	v12 =	vor.u32 v5, v4  }
0x282: {  	v13 =	vor.u32 v3, v4  }
0x283: {  	v9 =	vpop (erf);
	v14 =	vor.u32 v7, v8;
	[tilespmem:$0x8480] =	vst v4  }
0x284: {  	v5 =	vpop (erf);
	[tilespmem:v10+s29+$0x0] =	vst.idx.msk $0xffff, v9  }
0x285: {  	v4 =	vpop (erf);
	[tilespmem:v11+s29+$0x0] =	vst.idx.msk $0xffff, v5  }
0x286: {  	v3 =	vpop (erf);
	[tilespmem:v12+s29+$0x0] =	vst.idx.msk $0xffff, v4  }
0x287: {  	[tilespmem:v13+s29+$0x0] =	vst.idx.msk $0xffff, v3  }
0x288: {  	v11 =	vld.idx.msk [tilespmem:v14+s5+$0x0], $0xffff  }
0x289: {  	v10 =	vadd.s32 $0x1, v8  }
0x28a: {  	v12 =	vand.u32 $0x1F, v10  }
0x28b: {  	v13 =	vor.u32 v7, v12;
	_ =	sdelay $0x1  }
0x28c: {  	v11 =	vmul.f32 v11, v9;
	_ =	sdelay $0x1  }
0x28d: {  	[tilespmem:v14+s5+$0x0] =	vst.idx.msk $0xffff, v11  }
0x28e: {  	v15 =	vld.idx.msk [tilespmem:v13+s5+$0x0], $0xffff  }
0x28f: {  	v11 =	vadd.s32 $0x2, v8  }
0x290: {  	v12 =	vand.u32 $0x1F, v11  }
0x291: {  	v14 =	vor.u32 v7, v12;
	_ =	sdelay $0x1  }
0x292: {  	s31 =	simm.s32 $0x2;
	v15 =	vmul.f32 v15, v9  }
.LBB2_29:
0x293: {  	_ = 	snop  }
0x294: {  	s31 =	sadd.s32 $0x2, s31;
	[tilespmem:v13+s5+$0x0] =	vst.idx.msk $0xffff, v15  }
0x295: {  	p5 =	slt.u32 s31, $0x1E;
	v15 =	vld.idx.msk [tilespmem:v14+s5+$0x0], $0xffff;
	_ =	sdelay $0x1  }
0x296: {  	v13 =	vadd.s32 $0x1, v12  }
0x297: {  	v13 =	vand.u32 $0x1F, v13  }
0x298: {  	v13 =	vor.u32 v7, v13;
	_ =	sdelay $0x1  }
0x299: {  	v15 =	vmul.f32 v15, v9;
	_ =	sdelay $0x1  }
0x29a: {  	[tilespmem:v14+s5+$0x0] =	vst.idx.msk $0xffff, v15  }
0x29b: {  	v15 =	vld.idx.msk [tilespmem:v13+s5+$0x0], $0xffff;
	_ =	sdelay $0x1  }
.Ltmp13:
0x29c: {  	v12 =	vadd.s32 $0x2, v12;
	(pc) =	sbr.rel @p5 .LBB2_29-.Ltmp13, $3  }
0x29d: {  	v12 =	vand.u32 $0x1F, v12  }
0x29e: {  	v14 =	vor.u32 v7, v12;
	_ =	sdelay $0x1  }
0x29f: {  	v15 =	vmul.f32 v15, v9  }
0x2a0: {  	_ =	sdelay $0x3  }
0x2a1: {  	[tilespmem:v13+s5+$0x0] =	vst.idx.msk $0xffff, v15  }
0x2a2: {  	v13 =	vld.idx.msk [tilespmem:v14+s5+$0x0], $0xffff  }
0x2a3: {  	v12 =	vadd.s32 $0x1, v12  }
0x2a4: {  	v12 =	vand.u32 $0x1F, v12  }
0x2a5: {  	v15 =	vor.u32 v7, v12;
	_ =	sdelay $0x1  }
0x2a6: {  	v7 =	vmul.f32 v13, v9;
	_ =	sdelay $0x1  }
0x2a7: {  	[tilespmem:v14+s5+$0x0] =	vst.idx.msk $0xffff, v7;
	v7 =	vlaneseq.u32  }
0x2a8: {  	v14 =	vld.idx.msk [tilespmem:v15+s5+$0x0], $0xffff;
	v12 =	vmul.u32 $0x80, v7;
	_ =	sdelay $0x1  }
0x2a9: {  	v13 =	vor.u32 $0x820, v12  }
0x2aa: {  	v8 =	vor.u32 v13, v8;
	_ =	sdelay $0x1  }
0x2ab: {  	v9 =	vmul.f32 v14, v9;
	_ =	sdelay $0x1  }
0x2ac: {  	[tilespmem:v15+s5+$0x0] =	vst.idx.msk $0xffff, v9  }
0x2ad: {  	v14 =	vld.idx.msk [tilespmem:v8+s5+$0x0], $0xffff;
	_ =	sdelay $0x2  }
0x2ae: {  	v9 =	vor.u32 v13, v10;
	_ =	sdelay $0x1  }
0x2af: {  	v10 =	vmul.f32 v14, v5;
	_ =	sdelay $0x1  }
0x2b0: {  	[tilespmem:v8+s5+$0x0] =	vst.idx.msk $0xffff, v10  }
0x2b1: {  	v14 =	vld.idx.msk [tilespmem:v9+s5+$0x0], $0xffff;
	_ =	sdelay $0x1  }
0x2b2: {  	v8 =	vand.u32 $0x1F, v11  }
0x2b3: {  	v10 =	vor.u32 v13, v8;
	_ =	sdelay $0x1  }
0x2b4: {  	s31 =	simm.s32 $0x2;
	v11 =	vmul.f32 v14, v5  }
.LBB2_31:
0x2b5: {  	_ = 	snop  }
0x2b6: {  	s31 =	sadd.s32 $0x2, s31;
	[tilespmem:v9+s5+$0x0] =	vst.idx.msk $0xffff, v11  }
0x2b7: {  	p5 =	slt.u32 s31, $0x1E;
	v11 =	vld.idx.msk [tilespmem:v10+s5+$0x0], $0xffff;
	_ =	sdelay $0x2  }
0x2b8: {  	v9 =	vadd.s32 $0x1, v8  }
0x2b9: {  	v9 =	vor.u32 v13, v9;
	_ =	sdelay $0x1  }
0x2ba: {  	v11 =	vmul.f32 v11, v5;
	_ =	sdelay $0x1  }
0x2bb: {  	[tilespmem:v10+s5+$0x0] =	vst.idx.msk $0xffff, v11  }
0x2bc: {  	v11 =	vld.idx.msk [tilespmem:v9+s5+$0x0], $0xffff;
	_ =	sdelay $0x1  }
.Ltmp14:
0x2bd: {  	v8 =	vadd.s32 $0x2, v8;
	(pc) =	sbr.rel @p5 .LBB2_31-.Ltmp14, $3  }
0x2be: {  	v8 =	vand.u32 $0x1F, v8  }
0x2bf: {  	v10 =	vor.u32 v13, v8;
	_ =	sdelay $0x1  }
0x2c0: {  	v11 =	vmul.f32 v11, v5  }
0x2c1: {  	_ =	sdelay $0x3  }
0x2c2: {  	[tilespmem:v9+s5+$0x0] =	vst.idx.msk $0xffff, v11  }
0x2c3: {  	v9 =	vld.idx.msk [tilespmem:v10+s5+$0x0], $0xffff;
	_ =	sdelay $0x1  }
0x2c4: {  	v8 =	vadd.s32 $0x1, v8  }
0x2c5: {  	v8 =	vor.u32 v13, v8;
	_ =	sdelay $0x1  }
0x2c6: {  	v9 =	vmul.f32 v9, v5;
	_ =	sdelay $0x1  }
0x2c7: {  	[tilespmem:v10+s5+$0x0] =	vst.idx.msk $0xffff, v9  }
0x2c8: {  	v10 =	vld.idx.msk [tilespmem:v8+s5+$0x0], $0xffff;
	_ =	sdelay $0x1  }
0x2c9: {  	v9 =	vor.u32 $0x840, v12  }
0x2ca: {  	v12 =	vor.u32 v9, v7;
	_ =	sdelay $0x1  }
0x2cb: {  	v5 =	vmul.f32 v10, v5;
	_ =	sdelay $0x1  }
0x2cc: {  	[tilespmem:v8+s5+$0x0] =	vst.idx.msk $0xffff, v5  }
0x2cd: {  	v8 =	vld.idx.msk [tilespmem:v12+s5+$0x0], $0xffff  }
0x2ce: {  	v5 =	vadd.s32 $0x1, v7  }
0x2cf: {  	v10 =	vand.u32 $0x1F, v5  }
0x2d0: {  	v11 =	vor.u32 v9, v10;
	_ =	sdelay $0x1  }
0x2d1: {  	v8 =	vmul.f32 v8, v4;
	_ =	sdelay $0x1  }
0x2d2: {  	[tilespmem:v12+s5+$0x0] =	vst.idx.msk $0xffff, v8  }
0x2d3: {  	v13 =	vld.idx.msk [tilespmem:v11+s5+$0x0], $0xffff  }
0x2d4: {  	v8 =	vadd.s32 $0x2, v7  }
0x2d5: {  	v10 =	vand.u32 $0x1F, v8  }
0x2d6: {  	v12 =	vor.u32 v9, v10;
	_ =	sdelay $0x1  }
0x2d7: {  	s31 =	simm.s32 $0x2;
	v13 =	vmul.f32 v13, v4  }
.LBB2_33:
0x2d8: {  	_ = 	snop  }
0x2d9: {  	s31 =	sadd.s32 $0x2, s31;
	[tilespmem:v11+s5+$0x0] =	vst.idx.msk $0xffff, v13  }
0x2da: {  	p5 =	slt.u32 s31, $0x1E;
	v13 =	vld.idx.msk [tilespmem:v12+s5+$0x0], $0xffff;
	_ =	sdelay $0x1  }
0x2db: {  	v11 =	vadd.s32 $0x1, v10  }
0x2dc: {  	v11 =	vand.u32 $0x1F, v11  }
0x2dd: {  	v11 =	vor.u32 v9, v11;
	_ =	sdelay $0x1  }
0x2de: {  	v13 =	vmul.f32 v13, v4;
	_ =	sdelay $0x1  }
0x2df: {  	[tilespmem:v12+s5+$0x0] =	vst.idx.msk $0xffff, v13  }
0x2e0: {  	v13 =	vld.idx.msk [tilespmem:v11+s5+$0x0], $0xffff;
	_ =	sdelay $0x1  }
.Ltmp15:
0x2e1: {  	v10 =	vadd.s32 $0x2, v10;
	(pc) =	sbr.rel @p5 .LBB2_33-.Ltmp15, $3  }
0x2e2: {  	v10 =	vand.u32 $0x1F, v10  }
0x2e3: {  	v12 =	vor.u32 v9, v10;
	_ =	sdelay $0x1  }
0x2e4: {  	v13 =	vmul.f32 v13, v4  }
0x2e5: {  	_ =	sdelay $0x3  }
0x2e6: {  	[tilespmem:v11+s5+$0x0] =	vst.idx.msk $0xffff, v13  }
0x2e7: {  	v11 =	vld.idx.msk [tilespmem:v12+s5+$0x0], $0xffff  }
0x2e8: {  	v10 =	vadd.s32 $0x1, v10  }
0x2e9: {  	v10 =	vand.u32 $0x1F, v10  }
0x2ea: {  	v9 =	vor.u32 v9, v10;
	_ =	sdelay $0x1  }
0x2eb: {  	v10 =	vmul.f32 v11, v4;
	_ =	sdelay $0x1  }
0x2ec: {  	[tilespmem:v12+s5+$0x0] =	vst.idx.msk $0xffff, v10  }
0x2ed: {  	v10 =	vld.idx.msk [tilespmem:v9+s5+$0x0], $0xffff;
	_ =	sdelay $0x2  }
0x2ee: {  	v7 =	vor.u32 v6, v7;
	_ =	sdelay $0x1  }
0x2ef: {  	v4 =	vmul.f32 v10, v4;
	_ =	sdelay $0x1  }
0x2f0: {  	[tilespmem:v9+s5+$0x0] =	vst.idx.msk $0xffff, v4  }
0x2f1: {  	v4 =	vld.idx.msk [tilespmem:v7+s5+$0x0], $0xffff;
	_ =	sdelay $0x2  }
0x2f2: {  	v5 =	vor.u32 v6, v5;
	_ =	sdelay $0x1  }
0x2f3: {  	v4 =	vmul.f32 v4, v3;
	_ =	sdelay $0x1  }
0x2f4: {  	[tilespmem:v7+s5+$0x0] =	vst.idx.msk $0xffff, v4  }
0x2f5: {  	v9 =	vld.idx.msk [tilespmem:v5+s5+$0x0], $0xffff;
	_ =	sdelay $0x1  }
0x2f6: {  	v4 =	vand.u32 $0x1F, v8  }
0x2f7: {  	v7 =	vor.u32 v6, v4;
	_ =	sdelay $0x1  }
0x2f8: {  	s31 =	simm.s32 $0x2;
	v8 =	vmul.f32 v9, v3  }
.LBB2_35:
0x2f9: {  	_ = 	snop  }
0x2fa: {  	s31 =	sadd.s32 $0x2, s31;
	[tilespmem:v5+s5+$0x0] =	vst.idx.msk $0xffff, v8  }
0x2fb: {  	p5 =	slt.u32 s31, $0x1E;
	v8 =	vld.idx.msk [tilespmem:v7+s5+$0x0], $0xffff;
	_ =	sdelay $0x2  }
0x2fc: {  	v5 =	vadd.s32 $0x1, v4  }
0x2fd: {  	v5 =	vor.u32 v6, v5;
	_ =	sdelay $0x1  }
0x2fe: {  	v8 =	vmul.f32 v8, v3;
	_ =	sdelay $0x1  }
0x2ff: {  	[tilespmem:v7+s5+$0x0] =	vst.idx.msk $0xffff, v8  }
0x300: {  	v8 =	vld.idx.msk [tilespmem:v5+s5+$0x0], $0xffff;
	_ =	sdelay $0x1  }
.Ltmp16:
0x301: {  	v4 =	vadd.s32 $0x2, v4;
	(pc) =	sbr.rel @p5 .LBB2_35-.Ltmp16, $3  }
0x302: {  	v4 =	vand.u32 $0x1F, v4  }
0x303: {  	v7 =	vor.u32 v6, v4;
	_ =	sdelay $0x1  }
0x304: {  	v8 =	vmul.f32 v8, v3  }
0x305: {  	_ =	sdelay $0x3  }
0x306: {  	[tilespmem:v5+s5+$0x0] =	vst.idx.msk $0xffff, v8  }
0x307: {  	v5 =	vld.idx.msk [tilespmem:v7+s5+$0x0], $0xffff;
	_ =	sdelay $0x1  }
0x308: {  	v4 =	vadd.s32 $0x1, v4  }
0x309: {  	v4 =	vor.u32 v6, v4;
	_ =	sdelay $0x1  }
0x30a: {  	v5 =	vmul.f32 v5, v3;
	_ =	sdelay $0x1  }
0x30b: {  	[tilespmem:v7+s5+$0x0] =	vst.idx.msk $0xffff, v5  }
0x30c: {  	v5 =	vld.idx.msk [tilespmem:v4+s5+$0x0], $0xffff;
	_ =	sdelay $0x3  }
0x30d: {  	p5 =	seq.s32 s12, $0x9B;
	s0 =	rddreg [dreg:$0x11]  }
0x30e: {  	s31 =	sadd.s32 @!p5 s30, s0;
	v3 =	vmul.f32 v5, v3  }
0x30f: {  	s0 =	sshrl.u32 @!p5 s31, $0x3  }
0x310: {  	s24 =	simm.s32 @!p5 $0x0;
	s16 =	simm.s32 @!p5 $0x8000;
	s17 =	sadd.s32 @!p5 s8, s0;
	[tilespmem:v4+s5+$0x0] =	vst.idx.msk $0xffff, v3  }
0x311: {  	[tilespmem:s16], [sflag:$0x1] =	stream.linear.gather @!p5 [hbm4b:s17+s24], $0x20, $0x38;
	[tilespmem:$0x1CA80] =	vst v63  }
0x312: {  	s0 =	sadd.s32 @!p5 s9, s0;
	s17 =	simm.s32 @!p5 $0x8100  }
0x313: {  	[tilespmem:s17], [sflag:$0x1] =	stream.linear.gather @!p5 [hbm4b:s0+s24], $0x20, $0x38;
	[tilespmem:$0x1CA80] =	vst v63  }
0x314: {  	s0 =	simm.s32 $0x8200  }
0x315: {  	[spmem:s2] =	stream.indirect.scatter.add.f32 [tilespmem:s5], [sflag:$0x5], $0x80, s0, s18, $0xb8;
	[tilespmem:$0x1CA80] =	vst v63  }
0x316: {  	s0 =	simm.s32 $0x8300  }
0x317: {  	[spmem:s3] =	stream.indirect.scatter.add.f32 [tilespmem:s29], [sflag:$0x5], $0x80, s0, s18, $0xb8;
	[tilespmem:$0x1CA80] =	vst v63  }
0x318: {  	_ =	swait.ge [sflag:s4], $0x1000  }
0x319: {  	[sflag:s4] =	ssyncset.done $0x0  }
0x31a: {  	[sflag:s4] =	ssyncadd.s32 $0xFFFFF000  }
0x31b: {  	_ =	swait.ge [sflag:s4], $0x1000  }
0x31c: {  	[sflag:s4] =	ssyncset.done $0x0  }
0x31d: {  	[sflag:s4] =	ssyncadd.s32 $0xFFFFF000  }
0x31e: {  	_ =	swait.ge [sflag:s4], $0x1000  }
0x31f: {  	[sflag:s4] =	ssyncset.done $0x0  }
0x320: {  	[sflag:s4] =	ssyncadd.s32 $0xFFFFF000  }
0x321: {  	_ =	swait.ge [sflag:s11], $0x1000  }
0x322: {  	[sflag:s11] =	ssyncset.done $0x0  }
0x323: {  	[sflag:s11] =	ssyncadd.s32 $0xFFFFF000  }
0x324: {  	_ =	swait.ge [sflag:s11], $0x1000  }
0x325: {  	[sflag:s11] =	ssyncset.done $0x0  }
0x326: {  	[sflag:s11] =	ssyncadd.s32 $0xFFFFF000  }
0x327: {  	v7 =	vld [tilespmem:$0x8400];
	_ =	sdelay $0x4  }
0x328: {  	v3 =	vor.u32 $0x1, v0;
	v8 =	vadd.s32 v0, v7  }
0x329: {  	v4 =	vor.u32 $0x2, v0;
	v9 =	vadd.s32 v3, v7  }
0x32a: {  	v5 =	vor.u32 $0x3, v0;
	v10 =	vadd.s32 v4, v7  }
0x32b: {  	v7 =	vadd.s32 v5, v7;
	_ =	sdelay $0x1  }
0x32c: {  	[tilespmem:v8+s29+$0x0] =	vst.idx.msk $0xffff, v1  }
0x32d: {  	[tilespmem:v9+s29+$0x0] =	vst.idx.msk $0xffff, v1  }
0x32e: {  	[tilespmem:v10+s29+$0x0] =	vst.idx.msk $0xffff, v1  }
0x32f: {  	[tilespmem:v7+s29+$0x0] =	vst.idx.msk $0xffff, v1  }
0x330: {  	v7 =	vld [tilespmem:$0x8480];
	_ =	sdelay $0x3  }
0x331: {  	v8 =	vor.u32 $0x800, v0  }
0x332: {  	v9 =	vor.u32 $0x801, v0;
	v8 =	vadd.s32 v8, v7  }
0x333: {  	v10 =	vor.u32 $0x802, v0;
	v9 =	vadd.s32 v9, v7  }
0x334: {  	v11 =	vor.u32 $0x803, v0;
	v10 =	vadd.s32 v10, v7  }
0x335: {  	v7 =	vadd.s32 v11, v7;
	_ =	sdelay $0x1  }
0x336: {  	[tilespmem:v8+s29+$0x0] =	vst.idx.msk $0xffff, v1  }
0x337: {  	[tilespmem:v9+s29+$0x0] =	vst.idx.msk $0xffff, v1  }
0x338: {  	[tilespmem:v10+s29+$0x0] =	vst.idx.msk $0xffff, v1  }
0x339: {  	s0 =	simm.s32 @!p5 $0x1;
	[tilespmem:v7+s29+$0x0] =	vst.idx.msk $0xffff, v1  }
0x33a: {  	_ =	swait.ge @!p5 [sflag:s0], $0x20  }
0x33b: {  	[sflag:s0] =	ssyncset.done @!p5 $0x0  }
0x33c: {  	[sflag:s0] =	ssyncadd.s32 @!p5 $0xFFFFFFE0  }
0x33d: {  	_ =	swait.ge @!p5 [sflag:s0], $0x20  }
0x33e: {  	[sflag:s0] =	ssyncset.done @!p5 $0x0  }
0x33f: {  	[sflag:s0] =	ssyncadd.s32 @!p5 $0xFFFFFFE0;
	s0 =	simm.s32 @!p5 $0x20  }
0x340: {  	[tilespmem:s24], [sflag:$0x3] =	stream.indirect.gather @!p5 [hbm4b:s1+s0], $0x80, s16, s0, $0xb8;
	[tilespmem:$0x1CA80] =	vst v63  }
0x341: {  	s16 =	simm.s32 @!p5 $0x2000  }
0x342: {  	[tilespmem:s16], [sflag:$0x3] =	stream.indirect.gather @!p5 [hbm4b:s6+s0], $0x80, s17, s0, $0xb8;
	[tilespmem:$0x1CA80] =	vst v63  }
0x343: {  	s0 =	sshll.u32 @!p5 s31, $0x4  }
0x344: {  	s16 =	simm.s32 @!p5 $0x4000;
	s0 =	sadd.s32 @!p5 s7, s0  }
0x345: {  	[tilespmem:s16], [sflag:$0x3] =	stream.linear.gather @!p5 [hbm4b:s0+s24], $0x1000, $0x38;
	[tilespmem:$0x1CA80] =	vst v63  }
0x346: {  	v7 =	vld [tilespmem:$0x8180]  }
0x347: {  	v16 =	vlaneseq.u32;
	v9 =	vld [tilespmem:$0x8190]  }
0x348: {  	v8 =	vmul.u32 $0x80, v16;
	_ =	sdelay $0x1  }
0x349: {  	v11 =	vor.u32 v8, v16  }
0x34a: {  	[tilespmem:$0x8280] =	vst v7  }
0x34b: {  	v15 =	vadd.s32 $0x1, v16;
	v10 =	vshrl.u32 v7, $0x5;
	[tilespmem:$0x8290] =	vst v9  }
0x34c: {  	v7 =	vshrl.u32 v9, $0x5;
	[tilespmem:$0x8380] =	vst v10;
	v10 =	vand.u32 $0x1F, v15  }
0x34d: {  	[tilespmem:$0x8390] =	vst v7;
	v12 =	vor.u32 v8, v10  }
0x34e: {  	v7 =	vadd.s32 $0x2, v16;
	v9 =	vld.idx.msk [tilespmem:v11+s25+$0x0], $0xffff  }
0x34f: {  	v13 =	vand.u32 $0x1F, v7;
	v14 =	vld.idx.msk [tilespmem:v11+s26+$0x0], $0xffff  }
0x350: {  	v19 =	vld.idx.msk [tilespmem:v11+s28+$0x0], $0xffff;
	v17 =	vor.u32 v8, v13  }
0x351: {  	v33 =	vld.idx.msk [tilespmem:v16+s10+$0x0], $0xffff;
	v7 =	vadd.s32 $0x1, v13  }
0x352: {  	v23 =	vand.u32 $0x1F, v7;
	v20 =	vld.idx.msk [tilespmem:v12+s25+$0x0], $0xffff  }
0x353: {  	v22 =	vor.u32 v8, v23;
	v21 =	vld.idx.msk [tilespmem:v12+s26+$0x0], $0xffff  }
0x354: {  	v24 =	vld.idx.msk [tilespmem:v12+s28+$0x0], $0xffff  }
0x355: {  	v11 =	vadd.s32 $0x2, v13;
	v25 =	vld.idx.msk [tilespmem:v17+s25+$0x0], $0xffff  }
0x356: {  	v11 =	vand.u32 $0x1F, v11;
	v26 =	vld.idx.msk [tilespmem:v17+s26+$0x0], $0xffff  }
0x357: {  	v29 =	vld.idx.msk [tilespmem:v17+s28+$0x0], $0xffff;
	v17 =	vor.u32 v8, v11  }
0x358: {  	v27 =	vld.idx.msk [tilespmem:v22+s25+$0x0], $0xffff  }
0x359: {  	v12 =	vadd.s32 $0x1, v11;
	v28 =	vld.idx.msk [tilespmem:v22+s26+$0x0], $0xffff  }
0x35a: {  	v32 =	vld.idx.msk [tilespmem:v10+s10+$0x0], $0xffff;
	v9 =	vadd.f32 v14, v9;
	v18 =	vand.u32 $0x1F, v12  }
0x35b: {  	v31 =	vor.u32 v8, v18;
	v30 =	vld.idx.msk [tilespmem:v22+s28+$0x0], $0xffff;
	v10 =	vadd.f32 v21, v20  }
0x35c: {  	v21 =	vadd.f32 v19, v9;
	v34 =	vld.idx.msk [tilespmem:v17+s25+$0x0], $0xffff  }
0x35d: {  	v9 =	vimm.f32 $0.0e+00;
	v36 =	vld.idx.msk [tilespmem:v17+s26+$0x0], $0xffff;
	v35 =	vadd.f32 v24, v10;
	v10 =	vadd.s32 $0x2, v11  }
0x35e: {  	v20 =	vld.idx.msk [tilespmem:v17+s28+$0x0], $0xffff;
	v19 =	vand.u32 $0x1F, v10;
	v17 =	vadd.f32 v28, v27;
	v27 =	vmul.f32 $2.000000030e-01, v21  }
0x35f: {  	v23 =	vld.idx.msk [tilespmem:v23+s10+$0x0], $0xffff;
	v37 =	vadd.f32 v26, v25;
	v28 =	vmul.f32 $2.000000030e-01, v35;
	v14 =	vor.u32 v8, v19  }
0x360: {  	v22 =	vld.idx.msk [tilespmem:v31+s25+$0x0], $0xffff;
	v25 =	vadd.s32 $0x1, v19;
	v30 =	vadd.f32 v30, v17;
	v17 =	vmax.f32 v21, v27  }
0x361: {  	v24 =	vld.idx.msk [tilespmem:v31+s26+$0x0], $0xffff;
	v63 =	vadd.s32 $0x2, v19;
	v26 =	vand.u32 $0x1F, v25;
	v17 =	vmul.f32 v17, v33  }
0x362: {  	v21 =	vld.idx.msk [tilespmem:v31+s28+$0x0], $0xffff;
	v28 =	vmax.f32 v35, v28;
	v27 =	vor.u32 v8, v26;
	v62 =	vmul.f32 $2.000000030e-01, v30  }
0x363: {  	v31 =	vmul.f32 v28, v32;
	v32 =	vadd.f32 v36, v34;
	v28 =	vld.idx.msk [tilespmem:v13+s10+$0x0], $0xffff;
	v34 =	vadd.f32 v17, v9  }
0x364: {  	s31 =	simm.s32 $0x6;
	v33 =	vadd.f32 v29, v37;
	v17 =	vand.u32 $0x1F, v63;
	v25 =	vld.idx.msk [tilespmem:v14+s25+$0x0], $0xffff;
	v29 =	vmax.f32 v30, v62;
	v30 =	vmovc v11  }
.LBB2_37:
0x365: {  	v35 =	vadd.s32 $0x1, v17;
	s31 =	sadd.s32 $0x2, s31;
	v36 =	vld.idx.msk [tilespmem:v14+s26+$0x0], $0xffff;
	v34 =	vadd.f32 v31, v34;
	v37 =	vmovc v32;
	v38 =	vmov v30  }
0x366: {  	v31 =	vadd.f32 v24, v22;
	v30 =	vmovc v19;
	v19 =	vmovc v17;
	v35 =	vand.u32 $0x1F, v35;
	p6 =	slt.u32 s31, $0x1E;
	v39 =	vld.idx.msk [tilespmem:v14+s28+$0x0], $0xffff;
	v32 =	vmul.f32 $2.000000030e-01, v33  }
0x367: {  	v14 =	vor.u32 v8, v17;
	v22 =	vld.idx.msk [tilespmem:v27+s25+$0x0], $0xffff  }
.Ltmp17:
0x368: {  	v40 =	vadd.f32 v21, v31;
	v24 =	vld.idx.msk [tilespmem:v27+s26+$0x0], $0xffff;
	v31 =	vmax.f32 v33, v32;
	(pc) =	sbr.rel @p6 .LBB2_37-.Ltmp17, $4  }
0x369: {  	v21 =	vld.idx.msk [tilespmem:v27+s28+$0x0], $0xffff;
	v33 =	vmul.f32 v31, v28  }
0x36a: {  	v27 =	vor.u32 v8, v35;
	v41 =	vmul.f32 $2.000000030e-01, v40;
	v31 =	vmul.f32 v29, v23;
	v23 =	vld.idx.msk [tilespmem:v18+s10+$0x0], $0xffff;
	v18 =	vmovc v26  }
0x36b: {  	v17 =	vadd.s32 $0x2, v17;
	v32 =	vadd.f32 v36, v25;
	v26 =	vmovc v35;
	v28 =	vld.idx.msk [tilespmem:v38+s10+$0x0], $0xffff;
	v34 =	vadd.f32 v33, v34  }
0x36c: {  	v17 =	vand.u32 $0x1F, v17;
	v33 =	vadd.f32 v20, v37;
	v29 =	vmax.f32 v40, v41;
	v20 =	vmovc v39;
	v25 =	vld.idx.msk [tilespmem:v14+s25+$0x0], $0xffff  }
0x36d: {  	_ =	sdelay $0x3  }
0x36e: {  	v35 =	vld.idx.msk [tilespmem:v14+s26+$0x0], $0xffff;
	v8 =	vlaneseq.u32  }
0x36f: {  	v36 =	vld.idx.msk [tilespmem:v14+s28+$0x0], $0xffff;
	v14 =	vmul.u32 $0x80, v8  }
0x370: {  	v37 =	vld.idx.msk [tilespmem:v27+s25+$0x0], $0xffff  }
0x371: {  	v38 =	vld.idx.msk [tilespmem:v27+s26+$0x0], $0xffff;
	v17 =	vor.u32 $0x20, v14  }
0x372: {  	v27 =	vld.idx.msk [tilespmem:v27+s28+$0x0], $0xffff;
	v39 =	vor.u32 v17, v15  }
0x373: {  	v18 =	vld.idx.msk [tilespmem:v18+s10+$0x0], $0xffff;
	v22 =	vadd.f32 v24, v22  }
0x374: {  	v30 =	vld.idx.msk [tilespmem:v30+s10+$0x0], $0xffff;
	v20 =	vadd.f32 v20, v32;
	v40 =	vmul.f32 $2.000000030e-01, v33;
	v41 =	vor.u32 v17, v16  }
0x375: {  	v26 =	vld.idx.msk [tilespmem:v26+s10+$0x0], $0xffff;
	v31 =	vadd.f32 v31, v34  }
0x376: {  	v19 =	vld.idx.msk [tilespmem:v19+s10+$0x0], $0xffff;
	v21 =	vadd.f32 v21, v22;
	v22 =	vmul.f32 $2.000000030e-01, v20;
	v33 =	vmax.f32 v33, v40  }
0x377: {  	v23 =	vmul.f32 v29, v23;
	v28 =	vmul.f32 v33, v28;
	v16 =	vor.u32 $0x20, v16;
	v24 =	vld.idx.msk [tilespmem:v39+s26+$0x0], $0xffff  }
0x378: {  	v15 =	vor.u32 $0x20, v15;
	v20 =	vmax.f32 v20, v22;
	v25 =	vadd.f32 v35, v25;
	v29 =	vld.idx.msk [tilespmem:v39+s25+$0x0], $0xffff  }
0x379: {  	v22 =	vmul.f32 $2.000000030e-01, v21;
	v59 =	vadd.f32 v38, v37;
	v28 =	vadd.f32 v28, v31;
	v31 =	vld.idx.msk [tilespmem:v41+s25+$0x0], $0xffff  }
0x37a: {  	v20 =	vmul.f32 v20, v30;
	v30 =	vor.u32 v17, v13;
	v13 =	vor.u32 $0x20, v13;
	v58 =	vld.idx.msk [tilespmem:v41+s26+$0x0], $0xffff  }
0x37b: {  	v25 =	vadd.f32 v36, v25;
	v23 =	vadd.f32 v23, v28;
	v60 =	vld.idx.msk [tilespmem:v41+s28+$0x0], $0xffff  }
0x37c: {  	v28 =	vor.u32 v17, v7;
	v61 =	vld.idx.msk [tilespmem:v16+s10+$0x0], $0xffff;
	v16 =	vmax.f32 v21, v22;
	v21 =	vadd.f32 v27, v59  }
0x37d: {  	v27 =	vld.idx.msk [tilespmem:v39+s28+$0x0], $0xffff;
	v22 =	vmul.f32 $2.000000030e-01, v25;
	v18 =	vmul.f32 v16, v18;
	v20 =	vadd.f32 v20, v23  }
0x37e: {  	v16 =	vld.idx.msk [tilespmem:v15+s10+$0x0], $0xffff  }
0x37f: {  	v13 =	vld.idx.msk [tilespmem:v13+s10+$0x0], $0xffff;
	v20 =	vadd.f32 v18, v20;
	v18 =	vmax.f32 v25, v22;
	v23 =	vadd.f32 v58, v31  }
0x380: {  	v15 =	vmul.f32 $2.000000030e-01, v21;
	v25 =	vor.u32 v17, v12;
	v22 =	vld.idx.msk [tilespmem:v30+s26+$0x0], $0xffff;
	v19 =	vmul.f32 v18, v19  }
0x381: {  	v62 =	vld.idx.msk [tilespmem:v28+s26+$0x0], $0xffff;
	v31 =	vor.u32 $0x20, v7;
	v7 =	vadd.f32 v24, v29;
	v24 =	vadd.f32 v60, v23  }
0x382: {  	v63 =	vld.idx.msk [tilespmem:v28+s25+$0x0], $0xffff;
	v15 =	vmax.f32 v21, v15  }
0x383: {  	v18 =	vld.idx.msk [tilespmem:v30+s25+$0x0], $0xffff;
	v21 =	vmul.f32 v15, v26;
	v19 =	vadd.f32 v19, v20;
	v26 =	vmul.f32 $2.000000030e-01, v24  }
0x384: {  	v15 =	vld.idx.msk [tilespmem:v30+s28+$0x0], $0xffff;
	v29 =	vadd.f32 v27, v7  }
0x385: {  	v23 =	vld.idx.msk [tilespmem:v28+s28+$0x0], $0xffff;
	v7 =	vadd.f32 v21, v19;
	v21 =	vor.u32 v17, v11;
	v24 =	vmax.f32 v24, v26  }
0x386: {  	v19 =	vld.idx.msk [tilespmem:v25+s26+$0x0], $0xffff;
	v28 =	vmul.f32 $2.000000030e-01, v29  }
0x387: {  	v12 =	vor.u32 $0x20, v12;
	v20 =	vor.u32 $0x20, v11;
	v11 =	vld.idx.msk [tilespmem:v31+s10+$0x0], $0xffff  }
0x388: {  	s31 =	simm.s32 $0x6;
	v26 =	vadd.f32 v62, v63;
	v28 =	vmax.f32 v29, v28;
	v27 =	vmul.f32 v24, v61;
	v24 =	vmovc v25  }
.LBB2_39:
0x389: {  	s31 =	sadd.s32 $0x2, s31;
	v29 =	vld.idx.msk [tilespmem:v25+s25+$0x0], $0xffff;
	v10 =	vand.u32 $0x1F, v10;
	v30 =	vadd.f32 v22, v18;
	v16 =	vmul.f32 v28, v16  }
0x38a: {  	v22 =	vor.u32 $0x20, v14;
	p6 =	slt.u32 s31, $0x1E;
	v28 =	vadd.s32 $0x1, v10;
	v18 =	vld.idx.msk [tilespmem:v21+s25+$0x0], $0xffff;
	v9 =	vadd.f32 v27, v9  }
0x38b: {  	v27 =	vor.u32 v22, v10;
	v25 =	vor.u32 v22, v28;
	v22 =	vld.idx.msk [tilespmem:v21+s26+$0x0], $0xffff;
	v30 =	vadd.f32 v15, v30  }
.Ltmp18:
0x38c: {  	v31 =	vor.u32 $0x20, v10;
	v32 =	vadd.f32 v23, v26;
	v15 =	vld.idx.msk [tilespmem:v21+s28+$0x0], $0xffff;
	v9 =	vadd.f32 v16, v9;
	v21 =	vmovc v27;
	(pc) =	sbr.rel @p6 .LBB2_39-.Ltmp18, $4  }
0x38d: {  	v33 =	vmovc v13;
	v27 =	vor.u32 $0x20, v28;
	v28 =	vmul.f32 $2.000000030e-01, v30;
	v13 =	vld.idx.msk [tilespmem:v20+s10+$0x0], $0xffff;
	v20 =	vmovc v31;
	v16 =	vmov v11  }
0x38e: {  	v10 =	vadd.s32 $0x2, v10;
	v31 =	vmul.f32 $2.000000030e-01, v32;
	v23 =	vld.idx.msk [tilespmem:v24+s28+$0x0], $0xffff;
	v24 =	vmov v25  }
0x38f: {  	v26 =	vadd.f32 v19, v29;
	v11 =	vld.idx.msk [tilespmem:v12+s10+$0x0], $0xffff;
	v28 =	vmax.f32 v30, v28;
	v12 =	vmov v27  }
0x390: {  	v19 =	vld.idx.msk [tilespmem:v25+s26+$0x0], $0xffff;
	v27 =	vmul.f32 v28, v33;
	v28 =	vmax.f32 v32, v31  }
0x391: {  	_ =	sdelay $0x3  }
0x392: {  	v25 =	vld.idx.msk [tilespmem:v25+s25+$0x0], $0xffff  }
0x393: {  	v10 =	vand.u32 $0x1F, v10;
	v30 =	vld.idx.msk [tilespmem:v21+s25+$0x0], $0xffff  }
0x394: {  	v18 =	vadd.f32 v22, v18;
	v31 =	vld.idx.msk [tilespmem:v21+s26+$0x0], $0xffff;
	v32 =	vor.u32 v17, v10  }
0x395: {  	v21 =	vld.idx.msk [tilespmem:v21+s28+$0x0], $0xffff;
	v29 =	vadd.s32 $0x1, v10;
	v10 =	vor.u32 $0x20, v10  }
0x396: {  	v22 =	vor.u32 v17, v29;
	v15 =	vadd.f32 v15, v18;
	v18 =	vld.idx.msk [tilespmem:v20+s10+$0x0], $0xffff  }
0x397: {  	v16 =	vmul.f32 v28, v16;
	v9 =	vadd.f32 v27, v9;
	v20 =	vld.idx.msk [tilespmem:v24+s28+$0x0], $0xffff  }
0x398: {  	v23 =	vadd.f32 v23, v26;
	v24 =	vld.idx.msk [tilespmem:v12+s10+$0x0], $0xffff  }
0x399: {  	v12 =	vor.u32 $0x20, v29;
	v9 =	vadd.f32 v16, v9;
	v17 =	vmul.f32 $2.000000030e-01, v15;
	v28 =	vld.idx.msk [tilespmem:v32+s26+$0x0], $0xffff  }
0x39a: {  	v26 =	vmul.f32 $2.000000030e-01, v23;
	v19 =	vadd.f32 v19, v25;
	v27 =	vadd.f32 v31, v30;
	v10 =	vld.idx.msk [tilespmem:v10+s10+$0x0], $0xffff  }
0x39b: {  	v15 =	vmax.f32 v15, v17;
	v17 =	vor.u32 $0x40, v14;
	v14 =	vadd.s32 $0x1, v8;
	v16 =	vld.idx.msk [tilespmem:v22+s26+$0x0], $0xffff  }
0x39c: {  	v23 =	vmax.f32 v23, v26;
	v25 =	vld.idx.msk [tilespmem:v22+s25+$0x0], $0xffff;
	v13 =	vmul.f32 v15, v13;
	v29 =	vor.u32 v17, v8  }
0x39d: {  	v15 =	vld.idx.msk [tilespmem:v32+s25+$0x0], $0xffff;
	v30 =	vand.u32 $0x1F, v14;
	v11 =	vmul.f32 v23, v11;
	v19 =	vadd.f32 v20, v19  }
0x39e: {  	v21 =	vadd.f32 v21, v27;
	v20 =	vld.idx.msk [tilespmem:v22+s28+$0x0], $0xffff;
	v26 =	vor.u32 v17, v30;
	v9 =	vadd.f32 v13, v9  }
0x39f: {  	v13 =	vld.idx.msk [tilespmem:v32+s28+$0x0], $0xffff;
	v22 =	vmul.f32 $2.000000030e-01, v19  }
0x3a0: {  	v23 =	vld.idx.msk [tilespmem:v12+s10+$0x0], $0xffff;
	v12 =	vadd.s32 $0x2, v8;
	v9 =	vadd.f32 v11, v9;
	v11 =	vmul.f32 $2.000000030e-01, v21  }
0x3a1: {  	v19 =	vmax.f32 v19, v22;
	v16 =	vadd.f32 v16, v25;
	v25 =	vor.u32 $0x40, v8;
	v27 =	vld.idx.msk [tilespmem:v29+s28+$0x0], $0xffff  }
0x3a2: {  	v15 =	vadd.f32 v28, v15;
	v62 =	vld.idx.msk [tilespmem:v29+s26+$0x0], $0xffff;
	v21 =	vmax.f32 v21, v11;
	v11 =	vand.u32 $0x1F, v12  }
0x3a3: {  	v28 =	vld.idx.msk [tilespmem:v26+s25+$0x0], $0xffff;
	v18 =	vmul.f32 v21, v18;
	v21 =	vor.u32 $0x40, v30;
	v12 =	vadd.s32 $0x1, v11  }
0x3a4: {  	v22 =	vld.idx.msk [tilespmem:v26+s26+$0x0], $0xffff;
	v13 =	vadd.f32 v13, v15;
	v15 =	vor.u32 v17, v11;
	v16 =	vadd.f32 v20, v16  }
0x3a5: {  	v19 =	vmul.f32 v19, v24;
	v34 =	vld.idx.msk [tilespmem:v26+s28+$0x0], $0xffff;
	v31 =	vand.u32 $0x1F, v12  }
0x3a6: {  	v30 =	vld.idx.msk [tilespmem:v29+s25+$0x0], $0xffff;
	v9 =	vadd.f32 v18, v9;
	v18 =	vmul.f32 $2.000000030e-01, v13;
	v24 =	vmul.f32 $2.000000030e-01, v16  }
0x3a7: {  	v20 =	vor.u32 v17, v31;
	v33 =	vld.idx.msk [tilespmem:v25+s10+$0x0], $0xffff  }
0x3a8: {  	v9 =	vadd.f32 v19, v9;
	v13 =	vmax.f32 v13, v18;
	v16 =	vmax.f32 v16, v24;
	v18 =	vld.idx.msk [tilespmem:v21+s10+$0x0], $0xffff  }
0x3a9: {  	v19 =	vor.u32 $0x40, v11;
	v24 =	vadd.s32 $0x2, v11;
	v21 =	vld.idx.msk [tilespmem:v15+s28+$0x0], $0xffff;
	v25 =	vmul.f32 v13, v10  }
0x3aa: {  	v16 =	vmul.f32 v16, v23;
	v10 =	vand.u32 $0x1F, v24;
	v23 =	vor.u32 $0x40, v31;
	v31 =	vld.idx.msk [tilespmem:v15+s25+$0x0], $0xffff  }
0x3ab: {  	v30 =	vadd.f32 v62, v30;
	v36 =	vld.idx.msk [tilespmem:v15+s26+$0x0], $0xffff;
	v13 =	vadd.s32 $0x1, v10  }
0x3ac: {  	v29 =	vld.idx.msk [tilespmem:v20+s25+$0x0], $0xffff;
	v9 =	vadd.f32 v25, v9;
	v25 =	vor.u32 v17, v10;
	v63 =	vand.u32 $0x1F, v13  }
0x3ad: {  	v28 =	vadd.f32 v22, v28;
	v26 =	vld.idx.msk [tilespmem:v20+s26+$0x0], $0xffff;
	v27 =	vadd.f32 v27, v30;
	v24 =	vor.u32 v17, v63  }
0x3ae: {  	v15 =	vimm.f32 $0.0e+00;
	v22 =	vld.idx.msk [tilespmem:v20+s28+$0x0], $0xffff  }
0x3af: {  	v32 =	vor.u32 $0x40, v10;
	v30 =	vadd.f32 v34, v28;
	v19 =	vld.idx.msk [tilespmem:v19+s10+$0x0], $0xffff;
	v35 =	vmul.f32 $2.000000030e-01, v27  }
0x3b0: {  	v28 =	vor.u32 $0x40, v63;
	v9 =	vadd.f32 v16, v9;
	v16 =	vadd.s32 $0x2, v10;
	v20 =	vld.idx.msk [tilespmem:v23+s10+$0x0], $0xffff  }
0x3b1: {  	v34 =	vand.u32 $0x1F, v16;
	v36 =	vadd.f32 v36, v31;
	v37 =	vmax.f32 v27, v35;
	v23 =	vld.idx.msk [tilespmem:v25+s28+$0x0], $0xffff  }
0x3b2: {  	s31 =	simm.s32 $0x4;
	v31 =	vimm.f32 $0.0e+00;
	v35 =	vmul.f32 $2.000000030e-01, v30;
	v33 =	vmul.f32 v37, v33;
	v27 =	vld.idx.msk [tilespmem:v24+s25+$0x0], $0xffff  }
.LBB2_41:
0x3b3: {  	v37 =	vadd.s32 $0x1, v34;
	s31 =	sadd.s32 $0x2, s31;
	v38 =	vld.idx.msk [tilespmem:v25+s25+$0x0], $0xffff;
	v29 =	vadd.f32 v26, v29  }
0x3b4: {  	v30 =	vmax.f32 v30, v35;
	v40 =	vmovc v19;
	v37 =	vand.u32 $0x1F, v37;
	p6 =	slt.u32 s31, $0x1E;
	v39 =	vld.idx.msk [tilespmem:v25+s26+$0x0], $0xffff;
	v25 =	vor.u32 v17, v34  }
0x3b5: {  	v35 =	vadd.f32 v21, v36;
	v36 =	vmul.f32 v30, v18;
	v41 =	vor.u32 v17, v37;
	v26 =	vld.idx.msk [tilespmem:v24+s26+$0x0], $0xffff  }
.Ltmp19:
0x3b6: {  	v31 =	vadd.f32 v33, v31;
	v37 =	vor.u32 $0x40, v37;
	v18 =	vmov v20;
	v19 =	vld.idx.msk [tilespmem:v32+s10+$0x0], $0xffff;
	(pc) =	sbr.rel @p6 .LBB2_41-.Ltmp19, $4  }
0x3b7: {  	v30 =	vadd.f32 v22, v29;
	v33 =	vmul.f32 $2.000000030e-01, v35;
	v21 =	vmovc v23;
	v22 =	vld.idx.msk [tilespmem:v24+s28+$0x0], $0xffff;
	v24 =	vmov v41  }
0x3b8: {  	v32 =	vor.u32 $0x40, v34;
	v31 =	vadd.f32 v36, v31;
	v29 =	vmovc v27;
	v20 =	vld.idx.msk [tilespmem:v28+s10+$0x0], $0xffff;
	v28 =	vmov v37  }
0x3b9: {  	v34 =	vadd.s32 $0x2, v34;
	v33 =	vmax.f32 v35, v33;
	v35 =	vmul.f32 $2.000000030e-01, v30;
	v23 =	vld.idx.msk [tilespmem:v25+s28+$0x0], $0xffff  }
0x3ba: {  	v34 =	vand.u32 $0x1F, v34;
	v36 =	vadd.f32 v39, v38;
	v33 =	vmul.f32 v33, v40;
	v27 =	vld.idx.msk [tilespmem:v41+s25+$0x0], $0xffff  }
0x3bb: {  	_ =	sdelay $0x3  }
0x3bc: {  	v17 =	vld.idx.msk [tilespmem:v25+s25+$0x0], $0xffff  }
0x3bd: {  	v49 =	vld.idx.msk [tilespmem:v25+s26+$0x0], $0xffff;
	v34 =	vor.u32 v2, v8  }
0x3be: {  	v37 =	vld.idx.msk [tilespmem:v24+s26+$0x0], $0xffff  }
0x3bf: {  	v32 =	vld.idx.msk [tilespmem:v32+s10+$0x0], $0xffff  }
0x3c0: {  	v50 =	vld.idx.msk [tilespmem:v24+s28+$0x0], $0xffff;
	v38 =	vor.u32 v2, v14  }
0x3c1: {  	v28 =	vld.idx.msk [tilespmem:v28+s10+$0x0], $0xffff  }
0x3c2: {  	v14 =	vor.u32 $0x60, v14;
	v21 =	vadd.f32 v21, v36;
	v51 =	vld.idx.msk [tilespmem:v34+s26+$0x0], $0xffff  }
0x3c3: {  	v26 =	vadd.f32 v26, v29;
	v30 =	vmax.f32 v30, v35;
	v8 =	vor.u32 $0x60, v8;
	v52 =	vld.idx.msk [tilespmem:v34+s25+$0x0], $0xffff  }
0x3c4: {  	v54 =	vor.u32 v2, v11;
	v56 =	vadd.f32 v33, v31;
	v53 =	vmul.f32 $2.000000030e-01, v21;
	v34 =	vld.idx.msk [tilespmem:v34+s28+$0x0], $0xffff  }
0x3c5: {  	v18 =	vmul.f32 v30, v18;
	v22 =	vadd.f32 v22, v26;
	v17 =	vadd.f32 v49, v17;
	v55 =	vld.idx.msk [tilespmem:v38+s26+$0x0], $0xffff  }
0x3c6: {  	v60 =	vor.u32 $0x60, v11;
	v21 =	vmax.f32 v21, v53;
	v57 =	vld.idx.msk [tilespmem:v38+s25+$0x0], $0xffff;
	v27 =	vadd.f32 v37, v27  }
0x3c7: {  	v58 =	vld.idx.msk [tilespmem:v14+s10+$0x0], $0xffff;
	v14 =	vadd.f32 v18, v56;
	v17 =	vadd.f32 v23, v17;
	v23 =	vmul.f32 $2.000000030e-01, v22  }
0x3c8: {  	v18 =	vmul.f32 v21, v19;
	v19 =	vor.u32 v2, v12;
	v21 =	vld.idx.msk [tilespmem:v38+s28+$0x0], $0xffff;
	v12 =	vor.u32 $0x60, v12  }
0x3c9: {  	v59 =	vld.idx.msk [tilespmem:v8+s10+$0x0], $0xffff;
	v24 =	vadd.f32 v50, v27;
	v22 =	vmax.f32 v22, v23;
	v23 =	vmul.f32 $2.000000030e-01, v17  }
0x3ca: {  	v25 =	vld.idx.msk [tilespmem:v54+s28+$0x0], $0xffff;
	v14 =	vadd.f32 v18, v14;
	v8 =	vmul.f32 v22, v20;
	v20 =	vadd.f32 v51, v52  }
0x3cb: {  	v18 =	vmul.f32 $2.000000030e-01, v24;
	v22 =	vld.idx.msk [tilespmem:v54+s26+$0x0], $0xffff;
	v11 =	vadd.f32 v55, v57;
	v17 =	vmax.f32 v17, v23  }
0x3cc: {  	v23 =	vld.idx.msk [tilespmem:v54+s25+$0x0], $0xffff;
	v20 =	vadd.f32 v34, v20;
	v8 =	vadd.f32 v8, v14;
	v14 =	vmul.f32 v17, v32  }
0x3cd: {  	v61 =	vor.u32 v2, v10;
	v62 =	vld.idx.msk [tilespmem:v19+s26+$0x0], $0xffff;
	v17 =	vmax.f32 v24, v18;
	v21 =	vadd.f32 v21, v11  }
0x3ce: {  	v63 =	vld.idx.msk [tilespmem:v19+s25+$0x0], $0xffff;
	v17 =	vmul.f32 v17, v28;
	v18 =	vmul.f32 $2.000000030e-01, v20;
	v8 =	vadd.f32 v14, v8  }
0x3cf: {  	v14 =	vld.idx.msk [tilespmem:v19+s28+$0x0], $0xffff;
	v19 =	vmul.f32 $2.000000030e-01, v21  }
0x3d0: {  	v11 =	vld.idx.msk [tilespmem:v12+s10+$0x0], $0xffff;
	v18 =	vmax.f32 v20, v18;
	v8 =	vadd.f32 v17, v8;
	v17 =	vor.u32 v2, v13  }
0x3d1: {  	v12 =	vld.idx.msk [tilespmem:v60+s10+$0x0], $0xffff;
	v20 =	vadd.f32 v22, v23;
	v22 =	vmul.f32 v18, v59  }
0x3d2: {  	v13 =	vor.u32 $0x60, v13;
	v23 =	vmax.f32 v21, v19;
	v19 =	vld.idx.msk [tilespmem:v61+s25+$0x0], $0xffff  }
0x3d3: {  	v16 =	vand.u32 $0x1F, v16;
	v18 =	vld.idx.msk [tilespmem:v61+s26+$0x0], $0xffff;
	v21 =	vadd.f32 v22, v15;
	v22 =	vmul.f32 v23, v58  }
0x3d4: {  	s31 =	simm.s32 $0x4;
	v20 =	vadd.f32 v25, v20;
	v15 =	vor.u32 $0x60, v10;
	v10 =	vld.idx.msk [tilespmem:v61+s28+$0x0], $0xffff;
	v23 =	vadd.f32 v62, v63  }
.LBB2_43:
0x3d5: {  	v24 =	vor.u32 v2, v16;
	s31 =	sadd.s32 $0x2, s31;
	v25 =	vld.idx.msk [tilespmem:v17+s26+$0x0], $0xffff;
	v21 =	vadd.f32 v22, v21;
	v22 =	vmov v11  }
0x3d6: {  	v26 =	vadd.s32 $0x1, v16;
	v28 =	vmul.f32 $2.000000030e-01, v20;
	p6 =	slt.u32 s31, $0x1E;
	v27 =	vld.idx.msk [tilespmem:v17+s25+$0x0], $0xffff;
	v23 =	vadd.f32 v14, v23  }
0x3d7: {  	v29 =	vor.u32 v2, v26;
	v11 =	vld.idx.msk [tilespmem:v13+s10+$0x0], $0xffff  }
.Ltmp20:
0x3d8: {  	v13 =	vmax.f32 v20, v28;
	v14 =	vld.idx.msk [tilespmem:v17+s28+$0x0], $0xffff;
	v20 =	vmul.f32 $2.000000030e-01, v23;
	v17 =	vmov v29;
	(pc) =	sbr.rel @p6 .LBB2_43-.Ltmp20, $4  }
0x3d9: {  	v28 =	vadd.f32 v18, v19;
	v29 =	vmul.f32 v13, v12;
	v12 =	vld.idx.msk [tilespmem:v15+s10+$0x0], $0xffff  }
0x3da: {  	v13 =	vor.u32 $0x60, v26;
	v26 =	vadd.s32 $0x2, v16;
	v18 =	vld.idx.msk [tilespmem:v24+s26+$0x0], $0xffff;
	v15 =	vmax.f32 v23, v20  }
0x3db: {  	v20 =	vadd.f32 v10, v28;
	v21 =	vadd.f32 v29, v21;
	v19 =	vld.idx.msk [tilespmem:v24+s25+$0x0], $0xffff;
	v22 =	vmul.f32 v15, v22  }
0x3dc: {  	v15 =	vor.u32 $0x60, v16;
	v16 =	vand.u32 $0x1F, v26;
	v23 =	vadd.f32 v25, v27;
	v10 =	vld.idx.msk [tilespmem:v24+s28+$0x0], $0xffff  }
0x3dd: {  	_ =	sdelay $0x3  }
0x3de: {  	v16 =	vld.idx.msk [tilespmem:v17+s26+$0x0], $0xffff  }
0x3df: {  	v24 =	vld.idx.msk [tilespmem:v17+s25+$0x0], $0xffff;
	_ =	sdelay $0x1  }
0x3e0: {  	v25 =	vmul.f32 $2.000000030e-01, v20;
	v17 =	vld.idx.msk [tilespmem:v17+s28+$0x0], $0xffff  }
0x3e1: {  	v14 =	vadd.f32 v14, v23;
	v18 =	vadd.f32 v18, v19  }
0x3e2: {  	v19 =	vmax.f32 v20, v25  }
0x3e3: {  	v15 =	vld.idx.msk [tilespmem:v15+s10+$0x0], $0xffff;
	v20 =	vmul.f32 $2.000000030e-01, v14;
	v10 =	vadd.f32 v10, v18;
	v16 =	vadd.f32 v16, v24  }
0x3e4: {  	v12 =	vmul.f32 v19, v12;
	v18 =	vadd.f32 v22, v21  }
0x3e5: {  	v13 =	vld.idx.msk [tilespmem:v13+s10+$0x0], $0xffff;
	v14 =	vmax.f32 v14, v20;
	v19 =	vmul.f32 $2.000000030e-01, v10;
	v16 =	vadd.f32 v17, v16  }
0x3e6: {  	v11 =	vmul.f32 v14, v11;
	v12 =	vadd.f32 v12, v18  }
0x3e7: {  	v10 =	vmax.f32 v10, v19;
	v14 =	vmul.f32 $2.000000030e-01, v16  }
0x3e8: {  	v11 =	vadd.f32 v11, v12;
	v10 =	vmul.f32 v10, v15  }
0x3e9: {  	v12 =	vmax.f32 v16, v14  }
0x3ea: {  	v10 =	vadd.f32 v10, v11;
	v11 =	vmul.f32 v12, v13  }
0x3eb: {  	v7 =	vmul.f32 $1.442695020e+00, v7;
	v12 =	vld [tilespmem:$0x8180]  }
0x3ec: {  	v9 =	vmul.f32 $1.442695020e+00, v9;
	v10 =	vadd.f32 v11, v10  }
0x3ed: {  	(erf) = vpow2.f32 v7;
	v7 =	vmul.f32 $1.442695020e+00, v8  }
0x3ee: {  	(erf) = vpow2.f32 v9;
	v8 =	vmul.f32 $1.442695020e+00, v10  }
0x3ef: {  	(erf) = vpow2.f32 v7;
	v10 =	vlaneseq.u32  }
0x3f0: {  	v7 =	vshll.u32 v12, $0x2;
	v11 =	vmul.u32 $0x80, v10;
	(erf) = vpow2.f32 v8  }
0x3f1: {  	v7 =	vand.u32 $0x7C, v7  }
0x3f2: {  	v8 =	vor.u32 v11, v7;
	v9 =	vor.u32 $0x1, v11  }
0x3f3: {  	v13 =	vor.u32 v9, v7;
	v9 =	vor.u32 $0x2, v11  }
0x3f4: {  	v14 =	vor.u32 v9, v7;
	v9 =	vor.u32 $0x3, v11  }
0x3f5: {  	v15 =	vor.u32 v9, v7  }
0x3f6: {  	v12 =	vpop (erf);
	[tilespmem:$0x8500] =	vst v7;
	v17 =	vor.u32 v11, v10  }
0x3f7: {  	v9 =	vpop (erf);
	[tilespmem:v8+s13+$0x0] =	vst.idx.msk $0xffff, v12  }
0x3f8: {  	v8 =	vpop (erf);
	[tilespmem:v13+s13+$0x0] =	vst.idx.msk $0xffff, v9  }
0x3f9: {  	[tilespmem:v14+s13+$0x0] =	vst.idx.msk $0xffff, v8;
	v7 =	vpop (erf)  }
0x3fa: {  	[tilespmem:v15+s13+$0x0] =	vst.idx.msk $0xffff, v7  }
0x3fb: {  	v14 =	vld.idx.msk [tilespmem:v17+s25+$0x0], $0xffff  }
0x3fc: {  	v13 =	vadd.s32 $0x1, v10  }
0x3fd: {  	v15 =	vand.u32 $0x1F, v13  }
0x3fe: {  	v16 =	vor.u32 v11, v15;
	_ =	sdelay $0x1  }
0x3ff: {  	v14 =	vmul.f32 v14, v12;
	_ =	sdelay $0x1  }
0x400: {  	[tilespmem:v17+s25+$0x0] =	vst.idx.msk $0xffff, v14  }
0x401: {  	v18 =	vld.idx.msk [tilespmem:v16+s25+$0x0], $0xffff  }
0x402: {  	v14 =	vadd.s32 $0x2, v10  }
0x403: {  	v15 =	vand.u32 $0x1F, v14  }
0x404: {  	v17 =	vor.u32 v11, v15;
	_ =	sdelay $0x1  }
0x405: {  	s31 =	simm.s32 $0x2;
	v18 =	vmul.f32 v18, v12  }
.LBB2_45:
0x406: {  	_ = 	snop  }
0x407: {  	s31 =	sadd.s32 $0x2, s31;
	[tilespmem:v16+s25+$0x0] =	vst.idx.msk $0xffff, v18  }
0x408: {  	p6 =	slt.u32 s31, $0x1E;
	v18 =	vld.idx.msk [tilespmem:v17+s25+$0x0], $0xffff;
	_ =	sdelay $0x1  }
0x409: {  	v16 =	vadd.s32 $0x1, v15  }
0x40a: {  	v16 =	vand.u32 $0x1F, v16  }
0x40b: {  	v16 =	vor.u32 v11, v16;
	_ =	sdelay $0x1  }
0x40c: {  	v18 =	vmul.f32 v18, v12;
	_ =	sdelay $0x1  }
0x40d: {  	[tilespmem:v17+s25+$0x0] =	vst.idx.msk $0xffff, v18  }
0x40e: {  	v18 =	vld.idx.msk [tilespmem:v16+s25+$0x0], $0xffff;
	_ =	sdelay $0x1  }
.Ltmp21:
0x40f: {  	v15 =	vadd.s32 $0x2, v15;
	(pc) =	sbr.rel @p6 .LBB2_45-.Ltmp21, $3  }
0x410: {  	v15 =	vand.u32 $0x1F, v15  }
0x411: {  	v17 =	vor.u32 v11, v15;
	_ =	sdelay $0x1  }
0x412: {  	v18 =	vmul.f32 v18, v12  }
0x413: {  	_ =	sdelay $0x3  }
0x414: {  	[tilespmem:v16+s25+$0x0] =	vst.idx.msk $0xffff, v18  }
0x415: {  	v16 =	vld.idx.msk [tilespmem:v17+s25+$0x0], $0xffff  }
0x416: {  	v15 =	vadd.s32 $0x1, v15  }
0x417: {  	v15 =	vand.u32 $0x1F, v15  }
0x418: {  	v18 =	vor.u32 v11, v15;
	_ =	sdelay $0x1  }
0x419: {  	v11 =	vmul.f32 v16, v12;
	_ =	sdelay $0x1  }
0x41a: {  	[tilespmem:v17+s25+$0x0] =	vst.idx.msk $0xffff, v11;
	v11 =	vlaneseq.u32  }
0x41b: {  	v17 =	vld.idx.msk [tilespmem:v18+s25+$0x0], $0xffff;
	v15 =	vmul.u32 $0x80, v11;
	_ =	sdelay $0x1  }
0x41c: {  	v16 =	vor.u32 $0x20, v15  }
0x41d: {  	v10 =	vor.u32 v16, v10;
	_ =	sdelay $0x1  }
0x41e: {  	v12 =	vmul.f32 v17, v12;
	_ =	sdelay $0x1  }
0x41f: {  	[tilespmem:v18+s25+$0x0] =	vst.idx.msk $0xffff, v12  }
0x420: {  	v17 =	vld.idx.msk [tilespmem:v10+s25+$0x0], $0xffff;
	_ =	sdelay $0x2  }
0x421: {  	v12 =	vor.u32 v16, v13;
	_ =	sdelay $0x1  }
0x422: {  	v13 =	vmul.f32 v17, v9;
	_ =	sdelay $0x1  }
0x423: {  	[tilespmem:v10+s25+$0x0] =	vst.idx.msk $0xffff, v13  }
0x424: {  	v17 =	vld.idx.msk [tilespmem:v12+s25+$0x0], $0xffff;
	_ =	sdelay $0x1  }
0x425: {  	v10 =	vand.u32 $0x1F, v14  }
0x426: {  	v13 =	vor.u32 v16, v10;
	_ =	sdelay $0x1  }
0x427: {  	s31 =	simm.s32 $0x2;
	v14 =	vmul.f32 v17, v9  }
.LBB2_47:
0x428: {  	_ = 	snop  }
0x429: {  	s31 =	sadd.s32 $0x2, s31;
	[tilespmem:v12+s25+$0x0] =	vst.idx.msk $0xffff, v14  }
0x42a: {  	p6 =	slt.u32 s31, $0x1E;
	v14 =	vld.idx.msk [tilespmem:v13+s25+$0x0], $0xffff;
	_ =	sdelay $0x2  }
0x42b: {  	v12 =	vadd.s32 $0x1, v10  }
0x42c: {  	v12 =	vor.u32 v16, v12;
	_ =	sdelay $0x1  }
0x42d: {  	v14 =	vmul.f32 v14, v9;
	_ =	sdelay $0x1  }
0x42e: {  	[tilespmem:v13+s25+$0x0] =	vst.idx.msk $0xffff, v14  }
0x42f: {  	v14 =	vld.idx.msk [tilespmem:v12+s25+$0x0], $0xffff;
	_ =	sdelay $0x1  }
.Ltmp22:
0x430: {  	v10 =	vadd.s32 $0x2, v10;
	(pc) =	sbr.rel @p6 .LBB2_47-.Ltmp22, $3  }
0x431: {  	v10 =	vand.u32 $0x1F, v10  }
0x432: {  	v13 =	vor.u32 v16, v10;
	_ =	sdelay $0x1  }
0x433: {  	v14 =	vmul.f32 v14, v9  }
0x434: {  	_ =	sdelay $0x3  }
0x435: {  	[tilespmem:v12+s25+$0x0] =	vst.idx.msk $0xffff, v14  }
0x436: {  	v12 =	vld.idx.msk [tilespmem:v13+s25+$0x0], $0xffff;
	_ =	sdelay $0x1  }
0x437: {  	v10 =	vadd.s32 $0x1, v10  }
0x438: {  	v14 =	vor.u32 v16, v10;
	_ =	sdelay $0x1  }
0x439: {  	v10 =	vmul.f32 v12, v9;
	_ =	sdelay $0x1  }
0x43a: {  	[tilespmem:v13+s25+$0x0] =	vst.idx.msk $0xffff, v10  }
0x43b: {  	v12 =	vld.idx.msk [tilespmem:v14+s25+$0x0], $0xffff;
	_ =	sdelay $0x1  }
0x43c: {  	v10 =	vor.u32 $0x40, v15  }
0x43d: {  	v13 =	vor.u32 v10, v11;
	_ =	sdelay $0x1  }
0x43e: {  	v9 =	vmul.f32 v12, v9;
	_ =	sdelay $0x1  }
0x43f: {  	[tilespmem:v14+s25+$0x0] =	vst.idx.msk $0xffff, v9  }
0x440: {  	v12 =	vld.idx.msk [tilespmem:v13+s25+$0x0], $0xffff  }
0x441: {  	v9 =	vadd.s32 $0x1, v11  }
0x442: {  	v14 =	vand.u32 $0x1F, v9  }
0x443: {  	v14 =	vor.u32 v10, v14;
	_ =	sdelay $0x1  }
0x444: {  	v12 =	vmul.f32 v12, v8;
	_ =	sdelay $0x1  }
0x445: {  	[tilespmem:v13+s25+$0x0] =	vst.idx.msk $0xffff, v12  }
0x446: {  	v16 =	vld.idx.msk [tilespmem:v14+s25+$0x0], $0xffff  }
0x447: {  	v12 =	vadd.s32 $0x2, v11  }
0x448: {  	v13 =	vand.u32 $0x1F, v12  }
0x449: {  	v15 =	vor.u32 v10, v13;
	_ =	sdelay $0x1  }
0x44a: {  	s31 =	simm.s32 $0x2;
	v16 =	vmul.f32 v16, v8  }
.LBB2_49:
0x44b: {  	_ = 	snop  }
0x44c: {  	s31 =	sadd.s32 $0x2, s31;
	[tilespmem:v14+s25+$0x0] =	vst.idx.msk $0xffff, v16  }
0x44d: {  	p6 =	slt.u32 s31, $0x1E;
	v16 =	vld.idx.msk [tilespmem:v15+s25+$0x0], $0xffff;
	_ =	sdelay $0x1  }
0x44e: {  	v14 =	vadd.s32 $0x1, v13  }
0x44f: {  	v14 =	vand.u32 $0x1F, v14  }
0x450: {  	v14 =	vor.u32 v10, v14;
	_ =	sdelay $0x1  }
0x451: {  	v16 =	vmul.f32 v16, v8;
	_ =	sdelay $0x1  }
0x452: {  	[tilespmem:v15+s25+$0x0] =	vst.idx.msk $0xffff, v16  }
0x453: {  	v16 =	vld.idx.msk [tilespmem:v14+s25+$0x0], $0xffff;
	_ =	sdelay $0x1  }
.Ltmp23:
0x454: {  	v13 =	vadd.s32 $0x2, v13;
	(pc) =	sbr.rel @p6 .LBB2_49-.Ltmp23, $3  }
0x455: {  	v13 =	vand.u32 $0x1F, v13  }
0x456: {  	v15 =	vor.u32 v10, v13;
	_ =	sdelay $0x1  }
0x457: {  	v16 =	vmul.f32 v16, v8  }
0x458: {  	_ =	sdelay $0x3  }
0x459: {  	[tilespmem:v14+s25+$0x0] =	vst.idx.msk $0xffff, v16  }
0x45a: {  	v14 =	vld.idx.msk [tilespmem:v15+s25+$0x0], $0xffff  }
0x45b: {  	v13 =	vadd.s32 $0x1, v13  }
0x45c: {  	v13 =	vand.u32 $0x1F, v13  }
0x45d: {  	v63 =	vor.u32 v10, v13;
	_ =	sdelay $0x1  }
0x45e: {  	v10 =	vmul.f32 v14, v8;
	_ =	sdelay $0x1  }
0x45f: {  	[tilespmem:v15+s25+$0x0] =	vst.idx.msk $0xffff, v10;
	v10 =	vlaneseq.u32  }
0x460: {  	v15 =	vld.idx.msk [tilespmem:v63+s25+$0x0], $0xffff;
	v13 =	vmul.u32 $0x80, v10;
	_ =	sdelay $0x1  }
0x461: {  	v14 =	vor.u32 $0x60, v13  }
0x462: {  	v11 =	vor.u32 v14, v11;
	_ =	sdelay $0x1  }
0x463: {  	v8 =	vmul.f32 v15, v8;
	_ =	sdelay $0x1  }
0x464: {  	[tilespmem:v63+s25+$0x0] =	vst.idx.msk $0xffff, v8  }
0x465: {  	v8 =	vld.idx.msk [tilespmem:v11+s25+$0x0], $0xffff;
	_ =	sdelay $0x2  }
0x466: {  	v9 =	vor.u32 v14, v9;
	_ =	sdelay $0x1  }
0x467: {  	v8 =	vmul.f32 v8, v7;
	_ =	sdelay $0x1  }
0x468: {  	[tilespmem:v11+s25+$0x0] =	vst.idx.msk $0xffff, v8  }
0x469: {  	v15 =	vld.idx.msk [tilespmem:v9+s25+$0x0], $0xffff;
	_ =	sdelay $0x1  }
0x46a: {  	v8 =	vand.u32 $0x1F, v12  }
0x46b: {  	v11 =	vor.u32 v14, v8;
	_ =	sdelay $0x1  }
0x46c: {  	s31 =	simm.s32 $0x2;
	v12 =	vmul.f32 v15, v7  }
.LBB2_51:
0x46d: {  	_ = 	snop  }
0x46e: {  	s31 =	sadd.s32 $0x2, s31;
	[tilespmem:v9+s25+$0x0] =	vst.idx.msk $0xffff, v12  }
0x46f: {  	p6 =	slt.u32 s31, $0x1E;
	v12 =	vld.idx.msk [tilespmem:v11+s25+$0x0], $0xffff;
	_ =	sdelay $0x2  }
0x470: {  	v9 =	vadd.s32 $0x1, v8  }
0x471: {  	v9 =	vor.u32 v14, v9;
	_ =	sdelay $0x1  }
0x472: {  	v12 =	vmul.f32 v12, v7;
	_ =	sdelay $0x1  }
0x473: {  	[tilespmem:v11+s25+$0x0] =	vst.idx.msk $0xffff, v12  }
0x474: {  	v12 =	vld.idx.msk [tilespmem:v9+s25+$0x0], $0xffff;
	_ =	sdelay $0x1  }
.Ltmp24:
0x475: {  	v8 =	vadd.s32 $0x2, v8;
	(pc) =	sbr.rel @p6 .LBB2_51-.Ltmp24, $3  }
0x476: {  	v8 =	vand.u32 $0x1F, v8  }
0x477: {  	v11 =	vor.u32 v14, v8;
	_ =	sdelay $0x1  }
0x478: {  	v12 =	vmul.f32 v12, v7  }
0x479: {  	_ =	sdelay $0x3  }
0x47a: {  	[tilespmem:v9+s25+$0x0] =	vst.idx.msk $0xffff, v12  }
0x47b: {  	v9 =	vld.idx.msk [tilespmem:v11+s25+$0x0], $0xffff;
	_ =	sdelay $0x1  }
0x47c: {  	v8 =	vadd.s32 $0x1, v8  }
0x47d: {  	v12 =	vor.u32 v14, v8;
	_ =	sdelay $0x1  }
0x47e: {  	v8 =	vmul.f32 v9, v7;
	_ =	sdelay $0x1  }
0x47f: {  	[tilespmem:v11+s25+$0x0] =	vst.idx.msk $0xffff, v8  }
0x480: {  	v9 =	vld.idx.msk [tilespmem:v12+s25+$0x0], $0xffff;
	_ =	sdelay $0x1  }
0x481: {  	v8 =	vor.u32 $0x800, v13  }
0x482: {  	v11 =	vor.u32 v8, v10;
	_ =	sdelay $0x1  }
0x483: {  	v17 =	vadd.s32 $0x1, v10;
	v7 =	vmul.f32 v9, v7  }
0x484: {  	v9 =	vand.u32 $0x1F, v17  }
0x485: {  	v13 =	vor.u32 v8, v9;
	[tilespmem:v12+s25+$0x0] =	vst.idx.msk $0xffff, v7  }
0x486: {  	v12 =	vld.idx.msk [tilespmem:v11+s25+$0x0], $0xffff  }
0x487: {  	v7 =	vadd.s32 $0x2, v10;
	v14 =	vld.idx.msk [tilespmem:v11+s26+$0x0], $0xffff  }
0x488: {  	v15 =	vand.u32 $0x1F, v7;
	v11 =	vld.idx.msk [tilespmem:v11+s28+$0x0], $0xffff  }
0x489: {  	v26 =	vld.idx.msk [tilespmem:v10+s10+$0x0], $0xffff;
	v16 =	vor.u32 v8, v15  }
0x48a: {  	v7 =	vadd.s32 $0x1, v15;
	v18 =	vld.idx.msk [tilespmem:v13+s25+$0x0], $0xffff  }
0x48b: {  	v23 =	vand.u32 $0x1F, v7;
	v19 =	vld.idx.msk [tilespmem:v13+s26+$0x0], $0xffff  }
0x48c: {  	v27 =	vld.idx.msk [tilespmem:v9+s10+$0x0], $0xffff;
	v22 =	vor.u32 v8, v23  }
0x48d: {  	v21 =	vld.idx.msk [tilespmem:v13+s28+$0x0], $0xffff  }
0x48e: {  	v28 =	vld.idx.msk [tilespmem:v16+s25+$0x0], $0xffff  }
0x48f: {  	v9 =	vadd.f32 v14, v12;
	v12 =	vadd.s32 $0x2, v15;
	v29 =	vld.idx.msk [tilespmem:v16+s26+$0x0], $0xffff  }
0x490: {  	v13 =	vand.u32 $0x1F, v12;
	v31 =	vld.idx.msk [tilespmem:v16+s28+$0x0], $0xffff;
	v12 =	vadd.f32 v19, v18  }
0x491: {  	v11 =	vadd.f32 v11, v9;
	v16 =	vor.u32 v8, v13;
	v20 =	vld.idx.msk [tilespmem:v22+s25+$0x0], $0xffff  }
0x492: {  	v14 =	vadd.s32 $0x1, v13;
	v24 =	vld.idx.msk [tilespmem:v22+s26+$0x0], $0xffff;
	v12 =	vadd.f32 v21, v12  }
0x493: {  	v22 =	vld.idx.msk [tilespmem:v22+s28+$0x0], $0xffff;
	v19 =	vmul.f32 $2.000000030e-01, v11;
	v21 =	vand.u32 $0x1F, v14  }
0x494: {  	v18 =	vld.idx.msk [tilespmem:v23+s10+$0x0], $0xffff;
	v25 =	vor.u32 v8, v21;
	v28 =	vadd.f32 v29, v28;
	v32 =	vmul.f32 $2.000000030e-01, v12  }
0x495: {  	v9 =	vimm.f32 $0.0e+00;
	v23 =	vmax.f32 v11, v19;
	v19 =	vld.idx.msk [tilespmem:v15+s10+$0x0], $0xffff;
	v11 =	vadd.s32 $0x2, v13  }
0x496: {  	v30 =	vmul.f32 v23, v26;
	v23 =	vld.idx.msk [tilespmem:v16+s25+$0x0], $0xffff;
	v29 =	vadd.f32 v31, v28;
	v32 =	vmax.f32 v12, v32  }
0x497: {  	s31 =	simm.s32 $0x4;
	v26 =	vld.idx.msk [tilespmem:v16+s26+$0x0], $0xffff;
	v28 =	vimm.f32 $0.0e+00;
	v12 =	vand.u32 $0x1F, v11;
	v31 =	vmul.f32 v32, v27;
	v27 =	vmovc v13  }
.LBB2_53:
0x498: {  	v32 =	vadd.s32 $0x1, v12;
	s31 =	sadd.s32 $0x2, s31;
	v33 =	vld.idx.msk [tilespmem:v16+s28+$0x0], $0xffff;
	v34 =	vadd.f32 v24, v20  }
0x499: {  	v16 =	vor.u32 v8, v12;
	v28 =	vadd.f32 v30, v28;
	v32 =	vand.u32 $0x1F, v32;
	p6 =	slt.u32 s31, $0x1E;
	v20 =	vld.idx.msk [tilespmem:v25+s25+$0x0], $0xffff  }
0x49a: {  	v35 =	vmul.f32 $2.000000030e-01, v29;
	v36 =	vmovc v18;
	v30 =	vor.u32 v8, v32;
	v24 =	vld.idx.msk [tilespmem:v25+s26+$0x0], $0xffff;
	v34 =	vadd.f32 v22, v34  }
.Ltmp25:
0x49b: {  	v28 =	vadd.f32 v31, v28;
	v22 =	vld.idx.msk [tilespmem:v25+s28+$0x0], $0xffff;
	v25 =	vmov v30;
	(pc) =	sbr.rel @p6 .LBB2_53-.Ltmp25, $4  }
0x49c: {  	v29 =	vmax.f32 v29, v35;
	v18 =	vld.idx.msk [tilespmem:v21+s10+$0x0], $0xffff;
	v31 =	vmul.f32 $2.000000030e-01, v34;
	v21 =	vmov v32  }
0x49d: {  	v32 =	vadd.f32 v26, v23;
	v30 =	vmul.f32 v29, v19;
	v19 =	vld.idx.msk [tilespmem:v27+s10+$0x0], $0xffff;
	v27 =	vmov v12  }
0x49e: {  	v12 =	vadd.s32 $0x2, v12;
	v23 =	vld.idx.msk [tilespmem:v16+s25+$0x0], $0xffff;
	v31 =	vmax.f32 v34, v31  }
0x49f: {  	v12 =	vand.u32 $0x1F, v12;
	v29 =	vadd.f32 v33, v32;
	v26 =	vld.idx.msk [tilespmem:v16+s26+$0x0], $0xffff;
	v31 =	vmul.f32 v31, v36  }
0x4a0: {  	_ = 	snop  }
0x4a1: {  	v8 =	vlaneseq.u32  }
0x4a2: {  	v12 =	vmul.u32 $0x80, v8;
	_ =	sdelay $0x1  }
0x4a3: {  	v32 =	vld.idx.msk [tilespmem:v16+s28+$0x0], $0xffff;
	v16 =	vor.u32 $0x820, v12  }
0x4a4: {  	v33 =	vld.idx.msk [tilespmem:v25+s25+$0x0], $0xffff;
	v34 =	vor.u32 v16, v17  }
0x4a5: {  	v35 =	vld.idx.msk [tilespmem:v25+s26+$0x0], $0xffff;
	v36 =	vor.u32 v16, v10  }
0x4a6: {  	v25 =	vld.idx.msk [tilespmem:v25+s28+$0x0], $0xffff;
	v20 =	vadd.f32 v24, v20  }
0x4a7: {  	v21 =	vld.idx.msk [tilespmem:v21+s10+$0x0], $0xffff  }
0x4a8: {  	v24 =	vld.idx.msk [tilespmem:v27+s10+$0x0], $0xffff;
	v20 =	vadd.f32 v22, v20  }
0x4a9: {  	v27 =	vmul.f32 $2.000000030e-01, v29;
	v10 =	vor.u32 $0x20, v10;
	v22 =	vld.idx.msk [tilespmem:v34+s26+$0x0], $0xffff  }
0x4aa: {  	v28 =	vadd.f32 v30, v28;
	v30 =	vmul.f32 $2.000000030e-01, v20;
	v23 =	vadd.f32 v26, v23;
	v38 =	vld.idx.msk [tilespmem:v36+s25+$0x0], $0xffff  }
0x4ab: {  	v27 =	vmax.f32 v29, v27;
	v17 =	vor.u32 $0x20, v17;
	v26 =	vor.u32 v16, v7;
	v29 =	vld.idx.msk [tilespmem:v36+s26+$0x0], $0xffff  }
0x4ac: {  	v20 =	vmax.f32 v20, v30;
	v23 =	vadd.f32 v32, v23;
	v30 =	vadd.f32 v35, v33;
	v37 =	vld.idx.msk [tilespmem:v34+s25+$0x0], $0xffff  }
0x4ad: {  	v28 =	vadd.f32 v31, v28;
	v19 =	vmul.f32 v27, v19;
	v31 =	vor.u32 v16, v15;
	v27 =	vld.idx.msk [tilespmem:v36+s28+$0x0], $0xffff  }
0x4ae: {  	v62 =	vld.idx.msk [tilespmem:v10+s10+$0x0], $0xffff;
	v10 =	vmul.f32 v20, v18;
	v20 =	vadd.f32 v25, v30;
	v25 =	vmul.f32 $2.000000030e-01, v23  }
0x4af: {  	v18 =	vadd.f32 v19, v28;
	v19 =	vld.idx.msk [tilespmem:v34+s28+$0x0], $0xffff;
	v28 =	vor.u32 $0x20, v15  }
0x4b0: {  	v17 =	vld.idx.msk [tilespmem:v17+s10+$0x0], $0xffff;
	v15 =	vmax.f32 v23, v25;
	v23 =	vmul.f32 $2.000000030e-01, v20;
	v29 =	vadd.f32 v29, v38  }
0x4b1: {  	v30 =	vld.idx.msk [tilespmem:v26+s26+$0x0], $0xffff;
	v10 =	vadd.f32 v10, v18;
	v15 =	vmul.f32 v15, v24;
	v24 =	vor.u32 $0x20, v7  }
0x4b2: {  	v63 =	vld.idx.msk [tilespmem:v26+s25+$0x0], $0xffff;
	v20 =	vmax.f32 v20, v23;
	v7 =	vadd.f32 v22, v37;
	v27 =	vadd.f32 v27, v29  }
0x4b3: {  	v18 =	vld.idx.msk [tilespmem:v31+s25+$0x0], $0xffff;
	v20 =	vmul.f32 v20, v21;
	v21 =	vadd.f32 v15, v10  }
0x4b4: {  	v25 =	vor.u32 v16, v14;
	v22 =	vld.idx.msk [tilespmem:v31+s26+$0x0], $0xffff;
	v29 =	vadd.f32 v19, v7;
	v19 =	vmul.f32 $2.000000030e-01, v27  }
0x4b5: {  	v15 =	vld.idx.msk [tilespmem:v31+s28+$0x0], $0xffff;
	v7 =	vadd.f32 v20, v21  }
0x4b6: {  	v21 =	vor.u32 v16, v13;
	v20 =	vor.u32 $0x20, v13;
	v13 =	vld.idx.msk [tilespmem:v24+s10+$0x0], $0xffff;
	v24 =	vmax.f32 v27, v19  }
0x4b7: {  	v10 =	vld.idx.msk [tilespmem:v28+s10+$0x0], $0xffff;
	v28 =	vmul.f32 $2.000000030e-01, v29  }
0x4b8: {  	v23 =	vld.idx.msk [tilespmem:v26+s28+$0x0], $0xffff;
	v26 =	vadd.f32 v30, v63  }
0x4b9: {  	s31 =	simm.s32 $0x6;
	v14 =	vor.u32 $0x20, v14;
	v19 =	vld.idx.msk [tilespmem:v25+s26+$0x0], $0xffff;
	v28 =	vmax.f32 v29, v28;
	v27 =	vmul.f32 v24, v62;
	v24 =	vmovc v25  }
.LBB2_55:
0x4ba: {  	s31 =	sadd.s32 $0x2, s31;
	v29 =	vld.idx.msk [tilespmem:v25+s25+$0x0], $0xffff;
	v11 =	vand.u32 $0x1F, v11;
	v30 =	vadd.f32 v22, v18;
	v17 =	vmul.f32 v28, v17  }
0x4bb: {  	v22 =	vor.u32 $0x820, v12;
	p6 =	slt.u32 s31, $0x1E;
	v28 =	vadd.s32 $0x1, v11;
	v18 =	vld.idx.msk [tilespmem:v21+s25+$0x0], $0xffff;
	v9 =	vadd.f32 v27, v9  }
0x4bc: {  	v27 =	vor.u32 v22, v11;
	v25 =	vor.u32 v22, v28;
	v22 =	vld.idx.msk [tilespmem:v21+s26+$0x0], $0xffff;
	v30 =	vadd.f32 v15, v30  }
.Ltmp26:
0x4bd: {  	v31 =	vor.u32 $0x20, v11;
	v32 =	vadd.f32 v23, v26;
	v15 =	vld.idx.msk [tilespmem:v21+s28+$0x0], $0xffff;
	v9 =	vadd.f32 v17, v9;
	v21 =	vmovc v27;
	(pc) =	sbr.rel @p6 .LBB2_55-.Ltmp26, $4  }
0x4be: {  	v33 =	vmovc v10;
	v27 =	vor.u32 $0x20, v28;
	v28 =	vmul.f32 $2.000000030e-01, v30;
	v10 =	vld.idx.msk [tilespmem:v20+s10+$0x0], $0xffff;
	v20 =	vmovc v31;
	v17 =	vmov v13  }
0x4bf: {  	v11 =	vadd.s32 $0x2, v11;
	v31 =	vmul.f32 $2.000000030e-01, v32;
	v23 =	vld.idx.msk [tilespmem:v24+s28+$0x0], $0xffff;
	v24 =	vmov v25  }
0x4c0: {  	v26 =	vadd.f32 v19, v29;
	v13 =	vld.idx.msk [tilespmem:v14+s10+$0x0], $0xffff;
	v28 =	vmax.f32 v30, v28;
	v14 =	vmov v27  }
0x4c1: {  	v19 =	vld.idx.msk [tilespmem:v25+s26+$0x0], $0xffff;
	v27 =	vmul.f32 v28, v33;
	v28 =	vmax.f32 v32, v31  }
0x4c2: {  	_ =	sdelay $0x3  }
0x4c3: {  	v25 =	vld.idx.msk [tilespmem:v25+s25+$0x0], $0xffff;
	v11 =	vand.u32 $0x1F, v11  }
0x4c4: {  	v30 =	vld.idx.msk [tilespmem:v21+s25+$0x0], $0xffff;
	v29 =	vadd.s32 $0x1, v11  }
0x4c5: {  	v18 =	vadd.f32 v22, v18;
	v31 =	vld.idx.msk [tilespmem:v21+s26+$0x0], $0xffff;
	v22 =	vor.u32 v16, v29  }
0x4c6: {  	v21 =	vld.idx.msk [tilespmem:v21+s28+$0x0], $0xffff  }
0x4c7: {  	v16 =	vor.u32 v16, v11;
	v15 =	vadd.f32 v15, v18;
	v18 =	vld.idx.msk [tilespmem:v20+s10+$0x0], $0xffff  }
0x4c8: {  	v17 =	vmul.f32 v28, v17;
	v9 =	vadd.f32 v27, v9;
	v20 =	vld.idx.msk [tilespmem:v24+s28+$0x0], $0xffff  }
0x4c9: {  	v23 =	vadd.f32 v23, v26;
	v26 =	vld.idx.msk [tilespmem:v14+s10+$0x0], $0xffff;
	v11 =	vor.u32 $0x20, v11;
	v24 =	vmul.f32 $2.000000030e-01, v15  }
0x4ca: {  	v27 =	vor.u32 $0x20, v29;
	v28 =	vld.idx.msk [tilespmem:v22+s26+$0x0], $0xffff  }
0x4cb: {  	v9 =	vadd.f32 v17, v9;
	v29 =	vmul.f32 $2.000000030e-01, v23;
	v14 =	vmax.f32 v15, v24;
	v15 =	vld.idx.msk [tilespmem:v22+s25+$0x0], $0xffff  }
0x4cc: {  	v17 =	vor.u32 $0x840, v12;
	v19 =	vadd.f32 v19, v25;
	v12 =	vadd.f32 v31, v30;
	v24 =	vld.idx.msk [tilespmem:v16+s25+$0x0], $0xffff  }
0x4cd: {  	v30 =	vor.u32 v17, v8;
	v23 =	vmax.f32 v23, v29;
	v10 =	vmul.f32 v14, v10;
	v25 =	vld.idx.msk [tilespmem:v16+s26+$0x0], $0xffff  }
0x4ce: {  	v13 =	vmul.f32 v23, v13;
	v19 =	vadd.f32 v20, v19;
	v20 =	vld.idx.msk [tilespmem:v11+s10+$0x0], $0xffff;
	v23 =	vor.u32 $0x40, v8  }
0x4cf: {  	v14 =	vadd.s32 $0x1, v8;
	v12 =	vadd.f32 v21, v12;
	v21 =	vld.idx.msk [tilespmem:v22+s28+$0x0], $0xffff  }
0x4d0: {  	v31 =	vand.u32 $0x1F, v14;
	v9 =	vadd.f32 v10, v9;
	v10 =	vld.idx.msk [tilespmem:v16+s28+$0x0], $0xffff  }
0x4d1: {  	v22 =	vld.idx.msk [tilespmem:v27+s10+$0x0], $0xffff;
	v16 =	vor.u32 v17, v31  }
0x4d2: {  	v11 =	vmul.f32 $2.000000030e-01, v12;
	v27 =	vld.idx.msk [tilespmem:v30+s28+$0x0], $0xffff;
	v9 =	vadd.f32 v13, v9;
	v13 =	vmul.f32 $2.000000030e-01, v19  }
0x4d3: {  	v15 =	vadd.f32 v28, v15;
	v28 =	vadd.s32 $0x2, v8;
	v24 =	vadd.f32 v25, v24;
	v37 =	vld.idx.msk [tilespmem:v23+s10+$0x0], $0xffff  }
0x4d4: {  	v12 =	vmax.f32 v12, v11;
	v25 =	vor.u32 $0x40, v31;
	v11 =	vand.u32 $0x1F, v28;
	v28 =	vld.idx.msk [tilespmem:v30+s25+$0x0], $0xffff  }
0x4d5: {  	v18 =	vmul.f32 v12, v18;
	v30 =	vld.idx.msk [tilespmem:v30+s26+$0x0], $0xffff;
	v10 =	vadd.f32 v10, v24;
	v24 =	vor.u32 v17, v11  }
0x4d6: {  	v13 =	vmax.f32 v19, v13;
	v32 =	vld.idx.msk [tilespmem:v16+s25+$0x0], $0xffff;
	v12 =	vadd.s32 $0x1, v11;
	v15 =	vadd.f32 v21, v15  }
0x4d7: {  	v19 =	vld.idx.msk [tilespmem:v16+s26+$0x0], $0xffff;
	v13 =	vmul.f32 v13, v26;
	v9 =	vadd.f32 v18, v9;
	v18 =	vmul.f32 $2.000000030e-01, v10  }
0x4d8: {  	v16 =	vld.idx.msk [tilespmem:v16+s28+$0x0], $0xffff;
	v23 =	vor.u32 $0x40, v11;
	v31 =	vand.u32 $0x1F, v12;
	v21 =	vmul.f32 $2.000000030e-01, v15  }
0x4d9: {  	v33 =	vor.u32 v17, v31;
	v9 =	vadd.f32 v13, v9;
	v10 =	vmax.f32 v10, v18;
	v18 =	vld.idx.msk [tilespmem:v25+s10+$0x0], $0xffff  }
0x4da: {  	v31 =	vor.u32 $0x40, v31;
	v13 =	vmax.f32 v15, v21;
	v15 =	vadd.s32 $0x2, v11;
	v21 =	vld.idx.msk [tilespmem:v24+s28+$0x0], $0xffff  }
0x4db: {  	v20 =	vmul.f32 v10, v20;
	v22 =	vmul.f32 v13, v22;
	v10 =	vand.u32 $0x1F, v15;
	v36 =	vld.idx.msk [tilespmem:v24+s25+$0x0], $0xffff  }
0x4dc: {  	v15 =	vadd.f32 v30, v28;
	v38 =	vld.idx.msk [tilespmem:v24+s26+$0x0], $0xffff;
	v28 =	vadd.f32 v19, v32;
	v13 =	vadd.s32 $0x1, v10  }
0x4dd: {  	v19 =	vld.idx.msk [tilespmem:v23+s10+$0x0], $0xffff;
	v25 =	vor.u32 v17, v10;
	v9 =	vadd.f32 v20, v9;
	v20 =	vand.u32 $0x1F, v13  }
0x4de: {  	v29 =	vld.idx.msk [tilespmem:v33+s25+$0x0], $0xffff;
	v27 =	vadd.f32 v27, v15;
	v24 =	vor.u32 v17, v20  }
0x4df: {  	v32 =	vor.u32 $0x40, v10;
	v26 =	vld.idx.msk [tilespmem:v33+s26+$0x0], $0xffff  }
0x4e0: {  	v30 =	vadd.f32 v16, v28;
	v28 =	vor.u32 $0x40, v20;
	v20 =	vld.idx.msk [tilespmem:v31+s10+$0x0], $0xffff;
	v63 =	vmul.f32 $2.000000030e-01, v27  }
0x4e1: {  	v15 =	vimm.f32 $0.0e+00;
	v16 =	vadd.s32 $0x2, v10;
	v9 =	vadd.f32 v22, v9;
	v22 =	vld.idx.msk [tilespmem:v33+s28+$0x0], $0xffff  }
0x4e2: {  	v34 =	vand.u32 $0x1F, v16;
	v35 =	vmul.f32 $2.000000030e-01, v30;
	v23 =	vld.idx.msk [tilespmem:v25+s28+$0x0], $0xffff;
	v31 =	vmax.f32 v27, v63  }
0x4e3: {  	s31 =	simm.s32 $0x4;
	v36 =	vadd.f32 v38, v36;
	v33 =	vmul.f32 v31, v37;
	v31 =	vimm.f32 $0.0e+00;
	v27 =	vld.idx.msk [tilespmem:v24+s25+$0x0], $0xffff  }
.LBB2_57:
0x4e4: {  	v37 =	vadd.s32 $0x1, v34;
	s31 =	sadd.s32 $0x2, s31;
	v38 =	vld.idx.msk [tilespmem:v25+s25+$0x0], $0xffff;
	v29 =	vadd.f32 v26, v29  }
0x4e5: {  	v30 =	vmax.f32 v30, v35;
	v40 =	vmovc v19;
	v37 =	vand.u32 $0x1F, v37;
	p6 =	slt.u32 s31, $0x1E;
	v39 =	vld.idx.msk [tilespmem:v25+s26+$0x0], $0xffff;
	v25 =	vor.u32 v17, v34  }
0x4e6: {  	v35 =	vadd.f32 v21, v36;
	v36 =	vmul.f32 v30, v18;
	v41 =	vor.u32 v17, v37;
	v26 =	vld.idx.msk [tilespmem:v24+s26+$0x0], $0xffff  }
.Ltmp27:
0x4e7: {  	v31 =	vadd.f32 v33, v31;
	v37 =	vor.u32 $0x40, v37;
	v18 =	vmov v20;
	v19 =	vld.idx.msk [tilespmem:v32+s10+$0x0], $0xffff;
	(pc) =	sbr.rel @p6 .LBB2_57-.Ltmp27, $4  }
0x4e8: {  	v30 =	vadd.f32 v22, v29;
	v33 =	vmul.f32 $2.000000030e-01, v35;
	v21 =	vmovc v23;
	v22 =	vld.idx.msk [tilespmem:v24+s28+$0x0], $0xffff;
	v24 =	vmov v41  }
0x4e9: {  	v32 =	vor.u32 $0x40, v34;
	v31 =	vadd.f32 v36, v31;
	v29 =	vmovc v27;
	v20 =	vld.idx.msk [tilespmem:v28+s10+$0x0], $0xffff;
	v28 =	vmov v37  }
0x4ea: {  	v34 =	vadd.s32 $0x2, v34;
	v33 =	vmax.f32 v35, v33;
	v35 =	vmul.f32 $2.000000030e-01, v30;
	v23 =	vld.idx.msk [tilespmem:v25+s28+$0x0], $0xffff  }
0x4eb: {  	v34 =	vand.u32 $0x1F, v34;
	v36 =	vadd.f32 v39, v38;
	v33 =	vmul.f32 v33, v40;
	v27 =	vld.idx.msk [tilespmem:v41+s25+$0x0], $0xffff  }
0x4ec: {  	_ =	sdelay $0x3  }
0x4ed: {  	v17 =	vld.idx.msk [tilespmem:v25+s25+$0x0], $0xffff  }
0x4ee: {  	v49 =	vld.idx.msk [tilespmem:v25+s26+$0x0], $0xffff;
	v34 =	vor.u32 v6, v8  }
0x4ef: {  	v37 =	vld.idx.msk [tilespmem:v24+s26+$0x0], $0xffff  }
0x4f0: {  	v32 =	vld.idx.msk [tilespmem:v32+s10+$0x0], $0xffff  }
0x4f1: {  	v50 =	vld.idx.msk [tilespmem:v24+s28+$0x0], $0xffff;
	v38 =	vor.u32 v6, v14  }
0x4f2: {  	v28 =	vld.idx.msk [tilespmem:v28+s10+$0x0], $0xffff  }
0x4f3: {  	v14 =	vor.u32 $0x60, v14;
	v21 =	vadd.f32 v21, v36;
	v51 =	vld.idx.msk [tilespmem:v34+s26+$0x0], $0xffff  }
0x4f4: {  	v26 =	vadd.f32 v26, v29;
	v30 =	vmax.f32 v30, v35;
	v8 =	vor.u32 $0x60, v8;
	v52 =	vld.idx.msk [tilespmem:v34+s25+$0x0], $0xffff  }
0x4f5: {  	v54 =	vor.u32 v6, v11;
	v56 =	vadd.f32 v33, v31;
	v53 =	vmul.f32 $2.000000030e-01, v21;
	v34 =	vld.idx.msk [tilespmem:v34+s28+$0x0], $0xffff  }
0x4f6: {  	v18 =	vmul.f32 v30, v18;
	v22 =	vadd.f32 v22, v26;
	v17 =	vadd.f32 v49, v17;
	v55 =	vld.idx.msk [tilespmem:v38+s26+$0x0], $0xffff  }
0x4f7: {  	v60 =	vor.u32 $0x60, v11;
	v21 =	vmax.f32 v21, v53;
	v57 =	vld.idx.msk [tilespmem:v38+s25+$0x0], $0xffff;
	v27 =	vadd.f32 v37, v27  }
0x4f8: {  	v58 =	vld.idx.msk [tilespmem:v14+s10+$0x0], $0xffff;
	v14 =	vadd.f32 v18, v56;
	v17 =	vadd.f32 v23, v17;
	v23 =	vmul.f32 $2.000000030e-01, v22  }
0x4f9: {  	v18 =	vmul.f32 v21, v19;
	v19 =	vor.u32 v6, v12;
	v21 =	vld.idx.msk [tilespmem:v38+s28+$0x0], $0xffff;
	v12 =	vor.u32 $0x60, v12  }
0x4fa: {  	v59 =	vld.idx.msk [tilespmem:v8+s10+$0x0], $0xffff;
	v24 =	vadd.f32 v50, v27;
	v22 =	vmax.f32 v22, v23;
	v23 =	vmul.f32 $2.000000030e-01, v17  }
0x4fb: {  	v25 =	vld.idx.msk [tilespmem:v54+s28+$0x0], $0xffff;
	v14 =	vadd.f32 v18, v14;
	v8 =	vmul.f32 v22, v20;
	v20 =	vadd.f32 v51, v52  }
0x4fc: {  	v18 =	vmul.f32 $2.000000030e-01, v24;
	v22 =	vld.idx.msk [tilespmem:v54+s26+$0x0], $0xffff;
	v11 =	vadd.f32 v55, v57;
	v17 =	vmax.f32 v17, v23  }
0x4fd: {  	v23 =	vld.idx.msk [tilespmem:v54+s25+$0x0], $0xffff;
	v20 =	vadd.f32 v34, v20;
	v8 =	vadd.f32 v8, v14;
	v14 =	vmul.f32 v17, v32  }
0x4fe: {  	v61 =	vor.u32 v6, v10;
	v62 =	vld.idx.msk [tilespmem:v19+s26+$0x0], $0xffff;
	v17 =	vmax.f32 v24, v18;
	v21 =	vadd.f32 v21, v11  }
0x4ff: {  	v63 =	vld.idx.msk [tilespmem:v19+s25+$0x0], $0xffff;
	v17 =	vmul.f32 v17, v28;
	v18 =	vmul.f32 $2.000000030e-01, v20;
	v8 =	vadd.f32 v14, v8  }
0x500: {  	v14 =	vld.idx.msk [tilespmem:v19+s28+$0x0], $0xffff;
	v19 =	vmul.f32 $2.000000030e-01, v21  }
0x501: {  	v11 =	vld.idx.msk [tilespmem:v12+s10+$0x0], $0xffff;
	v18 =	vmax.f32 v20, v18;
	v8 =	vadd.f32 v17, v8;
	v17 =	vor.u32 v6, v13  }
0x502: {  	v12 =	vld.idx.msk [tilespmem:v60+s10+$0x0], $0xffff;
	v20 =	vadd.f32 v22, v23;
	v22 =	vmul.f32 v18, v59  }
0x503: {  	v13 =	vor.u32 $0x60, v13;
	v23 =	vmax.f32 v21, v19;
	v19 =	vld.idx.msk [tilespmem:v61+s25+$0x0], $0xffff  }
0x504: {  	v16 =	vand.u32 $0x1F, v16;
	v18 =	vld.idx.msk [tilespmem:v61+s26+$0x0], $0xffff;
	v21 =	vadd.f32 v22, v15;
	v22 =	vmul.f32 v23, v58  }
0x505: {  	s31 =	simm.s32 $0x4;
	v20 =	vadd.f32 v25, v20;
	v15 =	vor.u32 $0x60, v10;
	v10 =	vld.idx.msk [tilespmem:v61+s28+$0x0], $0xffff;
	v23 =	vadd.f32 v62, v63  }
.LBB2_59:
0x506: {  	v24 =	vor.u32 v6, v16;
	s31 =	sadd.s32 $0x2, s31;
	v25 =	vld.idx.msk [tilespmem:v17+s26+$0x0], $0xffff;
	v21 =	vadd.f32 v22, v21;
	v22 =	vmov v11  }
0x507: {  	v26 =	vadd.s32 $0x1, v16;
	v28 =	vmul.f32 $2.000000030e-01, v20;
	p6 =	slt.u32 s31, $0x1E;
	v27 =	vld.idx.msk [tilespmem:v17+s25+$0x0], $0xffff;
	v23 =	vadd.f32 v14, v23  }
0x508: {  	v29 =	vor.u32 v6, v26;
	v11 =	vld.idx.msk [tilespmem:v13+s10+$0x0], $0xffff  }
.Ltmp28:
0x509: {  	v13 =	vmax.f32 v20, v28;
	v14 =	vld.idx.msk [tilespmem:v17+s28+$0x0], $0xffff;
	v20 =	vmul.f32 $2.000000030e-01, v23;
	v17 =	vmov v29;
	(pc) =	sbr.rel @p6 .LBB2_59-.Ltmp28, $4  }
0x50a: {  	v28 =	vadd.f32 v18, v19;
	v29 =	vmul.f32 v13, v12;
	v12 =	vld.idx.msk [tilespmem:v15+s10+$0x0], $0xffff  }
0x50b: {  	v13 =	vor.u32 $0x60, v26;
	v26 =	vadd.s32 $0x2, v16;
	v18 =	vld.idx.msk [tilespmem:v24+s26+$0x0], $0xffff;
	v15 =	vmax.f32 v23, v20  }
0x50c: {  	v20 =	vadd.f32 v10, v28;
	v21 =	vadd.f32 v29, v21;
	v19 =	vld.idx.msk [tilespmem:v24+s25+$0x0], $0xffff;
	v22 =	vmul.f32 v15, v22  }
0x50d: {  	v15 =	vor.u32 $0x60, v16;
	v16 =	vand.u32 $0x1F, v26;
	v23 =	vadd.f32 v25, v27;
	v10 =	vld.idx.msk [tilespmem:v24+s28+$0x0], $0xffff  }
0x50e: {  	_ =	sdelay $0x3  }
0x50f: {  	v16 =	vld.idx.msk [tilespmem:v17+s26+$0x0], $0xffff  }
0x510: {  	v24 =	vld.idx.msk [tilespmem:v17+s25+$0x0], $0xffff;
	_ =	sdelay $0x1  }
0x511: {  	v25 =	vmul.f32 $2.000000030e-01, v20;
	v17 =	vld.idx.msk [tilespmem:v17+s28+$0x0], $0xffff  }
0x512: {  	v14 =	vadd.f32 v14, v23;
	v18 =	vadd.f32 v18, v19  }
0x513: {  	v19 =	vmax.f32 v20, v25  }
0x514: {  	v15 =	vld.idx.msk [tilespmem:v15+s10+$0x0], $0xffff;
	v20 =	vmul.f32 $2.000000030e-01, v14;
	v10 =	vadd.f32 v10, v18;
	v16 =	vadd.f32 v16, v24  }
0x515: {  	v12 =	vmul.f32 v19, v12;
	v18 =	vadd.f32 v22, v21  }
0x516: {  	v13 =	vld.idx.msk [tilespmem:v13+s10+$0x0], $0xffff;
	v14 =	vmax.f32 v14, v20;
	v19 =	vmul.f32 $2.000000030e-01, v10;
	v16 =	vadd.f32 v17, v16  }
0x517: {  	v11 =	vmul.f32 v14, v11;
	v12 =	vadd.f32 v12, v18  }
0x518: {  	v10 =	vmax.f32 v10, v19;
	v14 =	vmul.f32 $2.000000030e-01, v16  }
0x519: {  	v11 =	vadd.f32 v11, v12;
	v10 =	vmul.f32 v10, v15  }
0x51a: {  	v12 =	vmax.f32 v16, v14  }
0x51b: {  	v10 =	vadd.f32 v10, v11;
	v11 =	vmul.f32 v12, v13  }
0x51c: {  	v7 =	vmul.f32 $1.442695020e+00, v7;
	v12 =	vld [tilespmem:$0x8190]  }
0x51d: {  	v9 =	vmul.f32 $1.442695020e+00, v9;
	v10 =	vadd.f32 v11, v10  }
0x51e: {  	(erf) = vpow2.f32 v7;
	v7 =	vmul.f32 $1.442695020e+00, v8  }
0x51f: {  	(erf) = vpow2.f32 v9;
	v11 =	vlaneseq.u32;
	v8 =	vmul.f32 $1.442695020e+00, v10  }
0x520: {  	(erf) = vpow2.f32 v7;
	v7 =	vmul.u32 $0x80, v11  }
0x521: {  	(erf) = vpow2.f32 v8;
	v8 =	vshll.u32 v12, $0x2  }
0x522: {  	v10 =	vor.u32 $0x800, v7;
	v8 =	vand.u32 $0x7C, v8  }
0x523: {  	v9 =	vor.u32 $0x801, v7;
	v13 =	vor.u32 v10, v8  }
0x524: {  	v14 =	vor.u32 v9, v8;
	v9 =	vor.u32 $0x802, v7  }
0x525: {  	v7 =	vor.u32 $0x803, v7;
	v15 =	vor.u32 v9, v8  }
0x526: {  	v16 =	vor.u32 v7, v8  }
0x527: {  	v12 =	vpop (erf);
	v17 =	vor.u32 v10, v11;
	[tilespmem:$0x8580] =	vst v8  }
0x528: {  	v9 =	vpop (erf);
	[tilespmem:v13+s13+$0x0] =	vst.idx.msk $0xffff, v12  }
0x529: {  	v8 =	vpop (erf);
	[tilespmem:v14+s13+$0x0] =	vst.idx.msk $0xffff, v9  }
0x52a: {  	v7 =	vpop (erf);
	[tilespmem:v15+s13+$0x0] =	vst.idx.msk $0xffff, v8  }
0x52b: {  	[tilespmem:v16+s13+$0x0] =	vst.idx.msk $0xffff, v7  }
0x52c: {  	v14 =	vld.idx.msk [tilespmem:v17+s25+$0x0], $0xffff  }
0x52d: {  	v13 =	vadd.s32 $0x1, v11  }
0x52e: {  	v15 =	vand.u32 $0x1F, v13  }
0x52f: {  	v16 =	vor.u32 v10, v15;
	_ =	sdelay $0x1  }
0x530: {  	v14 =	vmul.f32 v14, v12;
	_ =	sdelay $0x1  }
0x531: {  	[tilespmem:v17+s25+$0x0] =	vst.idx.msk $0xffff, v14  }
0x532: {  	v18 =	vld.idx.msk [tilespmem:v16+s25+$0x0], $0xffff  }
0x533: {  	v14 =	vadd.s32 $0x2, v11  }
0x534: {  	v15 =	vand.u32 $0x1F, v14  }
0x535: {  	v17 =	vor.u32 v10, v15;
	_ =	sdelay $0x1  }
0x536: {  	s31 =	simm.s32 $0x2;
	v18 =	vmul.f32 v18, v12  }
.LBB2_61:
0x537: {  	_ = 	snop  }
0x538: {  	s31 =	sadd.s32 $0x2, s31;
	[tilespmem:v16+s25+$0x0] =	vst.idx.msk $0xffff, v18  }
0x539: {  	p6 =	slt.u32 s31, $0x1E;
	v18 =	vld.idx.msk [tilespmem:v17+s25+$0x0], $0xffff;
	_ =	sdelay $0x1  }
0x53a: {  	v16 =	vadd.s32 $0x1, v15  }
0x53b: {  	v16 =	vand.u32 $0x1F, v16  }
0x53c: {  	v16 =	vor.u32 v10, v16;
	_ =	sdelay $0x1  }
0x53d: {  	v18 =	vmul.f32 v18, v12;
	_ =	sdelay $0x1  }
0x53e: {  	[tilespmem:v17+s25+$0x0] =	vst.idx.msk $0xffff, v18  }
0x53f: {  	v18 =	vld.idx.msk [tilespmem:v16+s25+$0x0], $0xffff;
	_ =	sdelay $0x1  }
.Ltmp29:
0x540: {  	v15 =	vadd.s32 $0x2, v15;
	(pc) =	sbr.rel @p6 .LBB2_61-.Ltmp29, $3  }
0x541: {  	v15 =	vand.u32 $0x1F, v15  }
0x542: {  	v17 =	vor.u32 v10, v15;
	_ =	sdelay $0x1  }
0x543: {  	v18 =	vmul.f32 v18, v12  }
0x544: {  	_ =	sdelay $0x3  }
0x545: {  	[tilespmem:v16+s25+$0x0] =	vst.idx.msk $0xffff, v18  }
0x546: {  	v16 =	vld.idx.msk [tilespmem:v17+s25+$0x0], $0xffff  }
0x547: {  	v15 =	vadd.s32 $0x1, v15  }
0x548: {  	v15 =	vand.u32 $0x1F, v15  }
0x549: {  	v18 =	vor.u32 v10, v15;
	_ =	sdelay $0x1  }
0x54a: {  	v10 =	vmul.f32 v16, v12;
	_ =	sdelay $0x1  }
0x54b: {  	[tilespmem:v17+s25+$0x0] =	vst.idx.msk $0xffff, v10;
	v10 =	vlaneseq.u32  }
0x54c: {  	v17 =	vld.idx.msk [tilespmem:v18+s25+$0x0], $0xffff;
	v15 =	vmul.u32 $0x80, v10;
	_ =	sdelay $0x1  }
0x54d: {  	v16 =	vor.u32 $0x820, v15  }
0x54e: {  	v11 =	vor.u32 v16, v11;
	_ =	sdelay $0x1  }
0x54f: {  	v12 =	vmul.f32 v17, v12;
	_ =	sdelay $0x1  }
0x550: {  	[tilespmem:v18+s25+$0x0] =	vst.idx.msk $0xffff, v12  }
0x551: {  	v17 =	vld.idx.msk [tilespmem:v11+s25+$0x0], $0xffff;
	_ =	sdelay $0x2  }
0x552: {  	v12 =	vor.u32 v16, v13;
	_ =	sdelay $0x1  }
0x553: {  	v13 =	vmul.f32 v17, v9;
	_ =	sdelay $0x1  }
0x554: {  	[tilespmem:v11+s25+$0x0] =	vst.idx.msk $0xffff, v13  }
0x555: {  	v17 =	vld.idx.msk [tilespmem:v12+s25+$0x0], $0xffff;
	_ =	sdelay $0x1  }
0x556: {  	v11 =	vand.u32 $0x1F, v14  }
0x557: {  	v13 =	vor.u32 v16, v11;
	_ =	sdelay $0x1  }
0x558: {  	s31 =	simm.s32 $0x2;
	v14 =	vmul.f32 v17, v9  }
.LBB2_63:
0x559: {  	_ = 	snop  }
0x55a: {  	s31 =	sadd.s32 $0x2, s31;
	[tilespmem:v12+s25+$0x0] =	vst.idx.msk $0xffff, v14  }
0x55b: {  	p6 =	slt.u32 s31, $0x1E;
	v14 =	vld.idx.msk [tilespmem:v13+s25+$0x0], $0xffff;
	_ =	sdelay $0x2  }
0x55c: {  	v12 =	vadd.s32 $0x1, v11  }
0x55d: {  	v12 =	vor.u32 v16, v12;
	_ =	sdelay $0x1  }
0x55e: {  	v14 =	vmul.f32 v14, v9;
	_ =	sdelay $0x1  }
0x55f: {  	[tilespmem:v13+s25+$0x0] =	vst.idx.msk $0xffff, v14  }
0x560: {  	v14 =	vld.idx.msk [tilespmem:v12+s25+$0x0], $0xffff;
	_ =	sdelay $0x1  }
.Ltmp30:
0x561: {  	v11 =	vadd.s32 $0x2, v11;
	(pc) =	sbr.rel @p6 .LBB2_63-.Ltmp30, $3  }
0x562: {  	v11 =	vand.u32 $0x1F, v11  }
0x563: {  	v13 =	vor.u32 v16, v11;
	_ =	sdelay $0x1  }
0x564: {  	v14 =	vmul.f32 v14, v9  }
0x565: {  	_ =	sdelay $0x3  }
0x566: {  	[tilespmem:v12+s25+$0x0] =	vst.idx.msk $0xffff, v14  }
0x567: {  	v12 =	vld.idx.msk [tilespmem:v13+s25+$0x0], $0xffff;
	_ =	sdelay $0x1  }
0x568: {  	v11 =	vadd.s32 $0x1, v11  }
0x569: {  	v11 =	vor.u32 v16, v11;
	_ =	sdelay $0x1  }
0x56a: {  	v12 =	vmul.f32 v12, v9;
	_ =	sdelay $0x1  }
0x56b: {  	[tilespmem:v13+s25+$0x0] =	vst.idx.msk $0xffff, v12  }
0x56c: {  	v13 =	vld.idx.msk [tilespmem:v11+s25+$0x0], $0xffff;
	_ =	sdelay $0x1  }
0x56d: {  	v12 =	vor.u32 $0x840, v15  }
0x56e: {  	v15 =	vor.u32 v12, v10;
	_ =	sdelay $0x1  }
0x56f: {  	v9 =	vmul.f32 v13, v9;
	_ =	sdelay $0x1  }
0x570: {  	[tilespmem:v11+s25+$0x0] =	vst.idx.msk $0xffff, v9  }
0x571: {  	v11 =	vld.idx.msk [tilespmem:v15+s25+$0x0], $0xffff  }
0x572: {  	v9 =	vadd.s32 $0x1, v10  }
0x573: {  	v13 =	vand.u32 $0x1F, v9  }
0x574: {  	v14 =	vor.u32 v12, v13;
	_ =	sdelay $0x1  }
0x575: {  	v11 =	vmul.f32 v11, v8;
	_ =	sdelay $0x1  }
0x576: {  	[tilespmem:v15+s25+$0x0] =	vst.idx.msk $0xffff, v11  }
0x577: {  	v16 =	vld.idx.msk [tilespmem:v14+s25+$0x0], $0xffff  }
0x578: {  	v11 =	vadd.s32 $0x2, v10  }
0x579: {  	v13 =	vand.u32 $0x1F, v11  }
0x57a: {  	v15 =	vor.u32 v12, v13;
	_ =	sdelay $0x1  }
0x57b: {  	s31 =	simm.s32 $0x2;
	v16 =	vmul.f32 v16, v8  }
.LBB2_65:
0x57c: {  	_ = 	snop  }
0x57d: {  	s31 =	sadd.s32 $0x2, s31;
	[tilespmem:v14+s25+$0x0] =	vst.idx.msk $0xffff, v16  }
0x57e: {  	p6 =	slt.u32 s31, $0x1E;
	v16 =	vld.idx.msk [tilespmem:v15+s25+$0x0], $0xffff;
	_ =	sdelay $0x1  }
0x57f: {  	v14 =	vadd.s32 $0x1, v13  }
0x580: {  	v14 =	vand.u32 $0x1F, v14  }
0x581: {  	v14 =	vor.u32 v12, v14;
	_ =	sdelay $0x1  }
0x582: {  	v16 =	vmul.f32 v16, v8;
	_ =	sdelay $0x1  }
0x583: {  	[tilespmem:v15+s25+$0x0] =	vst.idx.msk $0xffff, v16  }
0x584: {  	v16 =	vld.idx.msk [tilespmem:v14+s25+$0x0], $0xffff;
	_ =	sdelay $0x1  }
.Ltmp31:
0x585: {  	v13 =	vadd.s32 $0x2, v13;
	(pc) =	sbr.rel @p6 .LBB2_65-.Ltmp31, $3  }
0x586: {  	v13 =	vand.u32 $0x1F, v13  }
0x587: {  	v15 =	vor.u32 v12, v13;
	_ =	sdelay $0x1  }
0x588: {  	v16 =	vmul.f32 v16, v8  }
0x589: {  	_ =	sdelay $0x3  }
0x58a: {  	[tilespmem:v14+s25+$0x0] =	vst.idx.msk $0xffff, v16  }
0x58b: {  	v14 =	vld.idx.msk [tilespmem:v15+s25+$0x0], $0xffff  }
0x58c: {  	v13 =	vadd.s32 $0x1, v13  }
0x58d: {  	v13 =	vand.u32 $0x1F, v13  }
0x58e: {  	v12 =	vor.u32 v12, v13;
	_ =	sdelay $0x1  }
0x58f: {  	v63 =	vmul.f32 v14, v8;
	_ =	sdelay $0x1  }
0x590: {  	[tilespmem:v15+s25+$0x0] =	vst.idx.msk $0xffff, v63  }
0x591: {  	v13 =	vld.idx.msk [tilespmem:v12+s25+$0x0], $0xffff;
	_ =	sdelay $0x2  }
0x592: {  	v10 =	vor.u32 v6, v10;
	_ =	sdelay $0x1  }
0x593: {  	v8 =	vmul.f32 v13, v8;
	_ =	sdelay $0x1  }
0x594: {  	[tilespmem:v12+s25+$0x0] =	vst.idx.msk $0xffff, v8  }
0x595: {  	v8 =	vld.idx.msk [tilespmem:v10+s25+$0x0], $0xffff;
	_ =	sdelay $0x2  }
0x596: {  	v9 =	vor.u32 v6, v9;
	_ =	sdelay $0x1  }
0x597: {  	v8 =	vmul.f32 v8, v7;
	_ =	sdelay $0x1  }
0x598: {  	[tilespmem:v10+s25+$0x0] =	vst.idx.msk $0xffff, v8  }
0x599: {  	v12 =	vld.idx.msk [tilespmem:v9+s25+$0x0], $0xffff;
	_ =	sdelay $0x1  }
0x59a: {  	v8 =	vand.u32 $0x1F, v11  }
0x59b: {  	v10 =	vor.u32 v6, v8;
	_ =	sdelay $0x1  }
0x59c: {  	s31 =	simm.s32 $0x2;
	v11 =	vmul.f32 v12, v7  }
.LBB2_67:
0x59d: {  	_ = 	snop  }
0x59e: {  	s31 =	sadd.s32 $0x2, s31;
	[tilespmem:v9+s25+$0x0] =	vst.idx.msk $0xffff, v11  }
0x59f: {  	p6 =	slt.u32 s31, $0x1E;
	v11 =	vld.idx.msk [tilespmem:v10+s25+$0x0], $0xffff;
	_ =	sdelay $0x2  }
0x5a0: {  	v9 =	vadd.s32 $0x1, v8  }
0x5a1: {  	v9 =	vor.u32 v6, v9;
	_ =	sdelay $0x1  }
0x5a2: {  	v11 =	vmul.f32 v11, v7;
	_ =	sdelay $0x1  }
0x5a3: {  	[tilespmem:v10+s25+$0x0] =	vst.idx.msk $0xffff, v11  }
0x5a4: {  	v11 =	vld.idx.msk [tilespmem:v9+s25+$0x0], $0xffff;
	_ =	sdelay $0x1  }
.Ltmp32:
0x5a5: {  	v8 =	vadd.s32 $0x2, v8;
	(pc) =	sbr.rel @p6 .LBB2_67-.Ltmp32, $3  }
0x5a6: {  	v8 =	vand.u32 $0x1F, v8  }
0x5a7: {  	v10 =	vor.u32 v6, v8;
	_ =	sdelay $0x1  }
0x5a8: {  	v11 =	vmul.f32 v11, v7  }
0x5a9: {  	_ =	sdelay $0x3  }
0x5aa: {  	[tilespmem:v9+s25+$0x0] =	vst.idx.msk $0xffff, v11  }
0x5ab: {  	v9 =	vld.idx.msk [tilespmem:v10+s25+$0x0], $0xffff;
	_ =	sdelay $0x1  }
0x5ac: {  	v8 =	vadd.s32 $0x1, v8  }
0x5ad: {  	v6 =	vor.u32 v6, v8;
	_ =	sdelay $0x1  }
0x5ae: {  	v63 =	vmul.f32 v9, v7;
	_ =	sdelay $0x1  }
0x5af: {  	[tilespmem:v10+s25+$0x0] =	vst.idx.msk $0xffff, v63  }
0x5b0: {  	v8 =	vld.idx.msk [tilespmem:v6+s25+$0x0], $0xffff;
	_ =	sdelay $0x2  }
.Ltmp33:
0x5b1: {  	_ = 	snop;
	(pc) =	sbr.rel @p5 .LBB2_70-.Ltmp33, $3  }
0x5b2: {  	_ = 	snop  }
0x5b3: {  	v7 =	vmul.f32 v8, v7;
	_ =	sdelay $0x1  }
0x5b4: {  	[tilespmem:v6+s25+$0x0] =	vst.idx.msk $0xffff, v7  }
0x5b5: {  	s0 =	rddreg [dreg:$0x12]  }
0x5b6: {  	s0 =	sadd.s32 s30, s0  }
0x5b7: {  	s0 =	sshrl.u32 s0, $0x3  }
0x5b8: {  	s16 =	sadd.s32 s8, s0  }
0x5b9: {  	[tilespmem:s14], [sflag:$0x2] =	stream.linear.gather [hbm4b:s16+s5], $0x20, $0x38;
	[tilespmem:$0x1CA80] =	vst v63  }
0x5ba: {  	s0 =	sadd.s32 s9, s0  }
0x5bb: {  	[tilespmem:s15], [sflag:$0x2] =	stream.linear.gather [hbm4b:s0+s5], $0x20, $0x38;
	[tilespmem:$0x1CA80] =	vst v63  }
.Ltmp34:
0x5bc: {  	_ = 	snop;
	(pc) =	sbr.rel .LBB2_4-.Ltmp34, $4  }
0x5bd: {  	s30 =	simm.s32 $0x8280  }
0x5be: {  	[spmem:s2] =	stream.indirect.scatter.add.f32 [tilespmem:s25], [sflag:$0x6], $0x80, s30, s18, $0xb8;
	[tilespmem:$0x1CA80] =	vst v63  }
0x5bf: {  	s31 =	simm.s32 $0x8380;
	s12 =	sadd.s32 $0x1, s12  }
0x5c0: {  	[spmem:s3] =	stream.indirect.scatter.add.f32 [tilespmem:s13], [sflag:$0x6], $0x80, s31, s18, $0xb8;
	[tilespmem:$0x1CA80] =	vst v63  }
.LBB2_70:
0x5c1: {  	s0 =	simm.s32 $0x8280  }
0x5c2: {  	[spmem:s2] =	stream.indirect.scatter.add.f32 [tilespmem:s25], [sflag:$0x6], $0x80, s0, s18, $0xb8;
	[tilespmem:$0x1CA80] =	vst v63  }
0x5c3: {  	s30 =	simm.s32 $0x8380;
	s31 =	simm.s32 $0x6  }
0x5c4: {  	[spmem:s3] =	stream.indirect.scatter.add.f32 [tilespmem:s13], [sflag:$0x6], $0x80, s30, s18, $0xb8;
	[tilespmem:$0x1CA80] =	vst v63  }
0x5c5: {  	_ =	swait.ge [sflag:s31], $0x1000  }
0x5c6: {  	[sflag:s31] =	ssyncset.done $0x0  }
0x5c7: {  	[sflag:s31] =	ssyncadd.s32 $0xFFFFF000  }
0x5c8: {  	_ =	swait.ge [sflag:s31], $0x1000  }
0x5c9: {  	[sflag:s31] =	ssyncset.done $0x0  }
0x5ca: {  	s16 =	simm.s32 $0x8600;
	s12 =	rddreg [dreg:$0x13];
	[sflag:s31] =	ssyncadd.s32 $0xFFFFF000  }
0x5cb: {  	[tilespmem:s16], [sflag:$0x7] =	stream.linear.gather [hbm4b:s12+s5], $0x10, $0x38;
	[tilespmem:$0x1CA80] =	vst v63  }
0x5cc: {  	s12 =	simm.s32 $0x7  }
0x5cd: {  	_ =	swait.ge [sflag:s12], $0x10  }
0x5ce: {  	[sflag:s12] =	ssyncset.done $0x0  }
0x5cf: {  	s24 =	simm.s32 $0x8680;
	s17 =	rddreg [dreg:$0x14];
	[sflag:s12] =	ssyncadd.s32 $0xFFFFFFF0  }
0x5d0: {  	[tilespmem:s24], [sflag:$0x7] =	stream.linear.gather [hbm4b:s17+s5], $0x10, $0x38;
	[tilespmem:$0x1CA80] =	vst v63  }
0x5d1: {  	_ =	swait.ge [sflag:s12], $0x10  }
0x5d2: {  	[sflag:s12] =	ssyncset.done $0x0  }
0x5d3: {  	s30 =	simm.s32 $0x10;
	[sflag:s12] =	ssyncadd.s32 $0xFFFFFFF0  }
0x5d4: {  	[tilespmem:s5], [sflag:$0x3] =	stream.indirect.gather [hbm4b:s1+s30], $0x80, s16, s30, $0xb8;
	[tilespmem:$0x1CA80] =	vst v63  }
0x5d5: {  	_ = 	snop  }
0x5d6: {  	[tilespmem:s19], [sflag:$0x3] =	stream.indirect.gather [hbm4b:s6+s30], $0x80, s24, s30, $0xb8;
	[tilespmem:$0x1CA80] =	vst v63  }
0x5d7: {  	s0 =	simm.s32 $0x7;
	s31 =	rddreg [dreg:$0x15]  }
0x5d8: {  	[tilespmem:s20], [sflag:$0x7] =	stream.linear.gather [hbm4b:s31+s5], $0x800, $0x38;
	[tilespmem:$0x1CA80] =	vst v63  }
0x5d9: {  	_ =	swait.ge [sflag:s0], $0x800  }
0x5da: {  	[sflag:s0] =	ssyncset.done $0x0  }
0x5db: {  	[sflag:s0] =	ssyncadd.s32 $0xFFFFF800  }
0x5dc: {  	v6 =	vld [tilespmem:$0x8680];
	_ =	sdelay $0x4  }
0x5dd: {  	v14 =	vlaneseq.u32;
	v6 =	vshrl.u32 v6, $0x5  }
0x5de: {  	v7 =	vmul.u32 $0x80, v14;
	[tilespmem:$0x8700] =	vst v6  }
0x5df: {  	_ =	swait.ge [sflag:s21], $0x800  }
0x5e0: {  	v8 =	vor.u32 v7, v14;
	[sflag:s21] =	ssyncset.done $0x0  }
0x5e1: {  	v15 =	vadd.s32 $0x1, v14;
	[sflag:s21] =	ssyncadd.s32 $0xFFFFF800  }
0x5e2: {  	v9 =	vand.u32 $0x1F, v15;
	_ =	swait.ge [sflag:s21], $0x800  }
0x5e3: {  	v10 =	vor.u32 v7, v9;
	[sflag:s21] =	ssyncset.done $0x0  }
0x5e4: {  	v6 =	vadd.s32 $0x2, v14;
	[sflag:s21] =	ssyncadd.s32 $0xFFFFF800  }
0x5e5: {  	v12 =	vand.u32 $0x1F, v6;
	v13 =	vld.idx.msk [tilespmem:v8+s5+$0x0], $0xffff  }
0x5e6: {  	v11 =	vor.u32 v7, v12;
	v16 =	vld.idx.msk [tilespmem:v8+s19+$0x0], $0xffff  }
0x5e7: {  	v8 =	vld.idx.msk [tilespmem:v8+s20+$0x0], $0xffff  }
0x5e8: {  	v6 =	vadd.s32 $0x1, v12;
	v18 =	vld.idx.msk [tilespmem:v10+s5+$0x0], $0xffff  }
0x5e9: {  	v22 =	vand.u32 $0x1F, v6;
	v19 =	vld.idx.msk [tilespmem:v10+s19+$0x0], $0xffff  }
0x5ea: {  	v20 =	vor.u32 v7, v22;
	v21 =	vld.idx.msk [tilespmem:v10+s20+$0x0], $0xffff  }
0x5eb: {  	v23 =	vld.idx.msk [tilespmem:v11+s5+$0x0], $0xffff  }
0x5ec: {  	v10 =	vadd.s32 $0x2, v12;
	v24 =	vld.idx.msk [tilespmem:v11+s19+$0x0], $0xffff  }
0x5ed: {  	v28 =	vld.idx.msk [tilespmem:v11+s20+$0x0], $0xffff;
	v10 =	vand.u32 $0x1F, v10  }
0x5ee: {  	v29 =	vld.idx.msk [tilespmem:v9+s10+$0x0], $0xffff;
	v25 =	vor.u32 v7, v10  }
0x5ef: {  	v26 =	vld.idx.msk [tilespmem:v20+s5+$0x0], $0xffff  }
0x5f0: {  	v11 =	vadd.s32 $0x1, v10;
	v27 =	vld.idx.msk [tilespmem:v20+s19+$0x0], $0xffff  }
0x5f1: {  	v30 =	vld.idx.msk [tilespmem:v14+s10+$0x0], $0xffff;
	v17 =	vand.u32 $0x1F, v11  }
0x5f2: {  	v20 =	vld.idx.msk [tilespmem:v20+s20+$0x0], $0xffff;
	v13 =	vadd.f32 v16, v13;
	v16 =	vor.u32 v7, v17;
	v9 =	vadd.f32 v19, v18  }
0x5f3: {  	v31 =	vld.idx.msk [tilespmem:v25+s5+$0x0], $0xffff  }
0x5f4: {  	v32 =	vadd.f32 v8, v13;
	v33 =	vadd.f32 v21, v9;
	v34 =	vld.idx.msk [tilespmem:v25+s19+$0x0], $0xffff  }
0x5f5: {  	v35 =	vadd.f32 v24, v23;
	v9 =	vadd.s32 $0x2, v10;
	v19 =	vld.idx.msk [tilespmem:v25+s20+$0x0], $0xffff;
	v25 =	vadd.f32 v27, v26  }
0x5f6: {  	v18 =	vand.u32 $0x1F, v9;
	v26 =	vmul.f32 $2.000000030e-01, v32;
	v27 =	vmul.f32 $2.000000030e-01, v33  }
0x5f7: {  	v13 =	vor.u32 v7, v18;
	v24 =	vadd.s32 $0x1, v18;
	v36 =	vadd.f32 v20, v25;
	v21 =	vld.idx.msk [tilespmem:v16+s5+$0x0], $0xffff  }
0x5f8: {  	v23 =	vld.idx.msk [tilespmem:v16+s19+$0x0], $0xffff;
	v25 =	vand.u32 $0x1F, v24;
	v26 =	vmax.f32 v32, v26;
	v27 =	vmax.f32 v33, v27  }
0x5f9: {  	v20 =	vld.idx.msk [tilespmem:v16+s20+$0x0], $0xffff;
	v16 =	vmul.f32 v26, v30;
	v30 =	vmul.f32 v27, v29;
	v29 =	vadd.s32 $0x2, v18  }
0x5fa: {  	v22 =	vld.idx.msk [tilespmem:v22+s10+$0x0], $0xffff;
	v8 =	vimm.f32 $0.0e+00;
	v37 =	vmul.f32 $2.000000030e-01, v36;
	v26 =	vor.u32 v7, v25  }
0x5fb: {  	v31 =	vadd.f32 v34, v31;
	v27 =	vld.idx.msk [tilespmem:v12+s10+$0x0], $0xffff;
	v33 =	vadd.f32 v16, v8  }
0x5fc: {  	s17 =	simm.s32 $0x8680;
	s12 =	simm.s32 $0x6;
	v32 =	vadd.f32 v28, v35;
	v28 =	vmax.f32 v36, v37;
	v24 =	vld.idx.msk [tilespmem:v13+s5+$0x0], $0xffff;
	v16 =	vand.u32 $0x1F, v29;
	v29 =	vmovc v10  }
.LBB2_71:
0x5fd: {  	v34 =	vadd.s32 $0x1, v16;
	s12 =	sadd.s32 $0x2, s12;
	v35 =	vld.idx.msk [tilespmem:v13+s19+$0x0], $0xffff;
	v33 =	vadd.f32 v30, v33;
	v36 =	vmovc v31;
	v37 =	vmov v29  }
0x5fe: {  	v30 =	vadd.f32 v23, v21;
	v29 =	vmovc v18;
	v18 =	vmovc v16;
	v34 =	vand.u32 $0x1F, v34;
	p5 =	slt.u32 s12, $0x1E;
	v38 =	vld.idx.msk [tilespmem:v13+s20+$0x0], $0xffff;
	v31 =	vmul.f32 $2.000000030e-01, v32  }
0x5ff: {  	v13 =	vor.u32 v7, v16;
	v21 =	vld.idx.msk [tilespmem:v26+s5+$0x0], $0xffff  }
.Ltmp35:
0x600: {  	v39 =	vadd.f32 v20, v30;
	v23 =	vld.idx.msk [tilespmem:v26+s19+$0x0], $0xffff;
	v30 =	vmax.f32 v32, v31;
	(pc) =	sbr.rel @p5 .LBB2_71-.Ltmp35, $4  }
0x601: {  	v20 =	vld.idx.msk [tilespmem:v26+s20+$0x0], $0xffff;
	v32 =	vmul.f32 v30, v27  }
0x602: {  	v26 =	vor.u32 v7, v34;
	v40 =	vmul.f32 $2.000000030e-01, v39;
	v30 =	vmul.f32 v28, v22;
	v22 =	vld.idx.msk [tilespmem:v17+s10+$0x0], $0xffff;
	v17 =	vmovc v25  }
0x603: {  	v16 =	vadd.s32 $0x2, v16;
	v31 =	vadd.f32 v35, v24;
	v25 =	vmovc v34;
	v27 =	vld.idx.msk [tilespmem:v37+s10+$0x0], $0xffff;
	v33 =	vadd.f32 v32, v33  }
0x604: {  	v16 =	vand.u32 $0x1F, v16;
	v32 =	vadd.f32 v19, v36;
	v28 =	vmax.f32 v39, v40;
	v19 =	vmovc v38;
	v24 =	vld.idx.msk [tilespmem:v13+s5+$0x0], $0xffff  }
0x605: {  	_ =	sdelay $0x3  }
0x606: {  	v34 =	vld.idx.msk [tilespmem:v13+s19+$0x0], $0xffff;
	v7 =	vlaneseq.u32  }
0x607: {  	v35 =	vld.idx.msk [tilespmem:v13+s20+$0x0], $0xffff;
	v13 =	vmul.u32 $0x80, v7  }
0x608: {  	v36 =	vld.idx.msk [tilespmem:v26+s5+$0x0], $0xffff  }
0x609: {  	v37 =	vld.idx.msk [tilespmem:v26+s19+$0x0], $0xffff;
	v16 =	vor.u32 $0x20, v13  }
0x60a: {  	v26 =	vld.idx.msk [tilespmem:v26+s20+$0x0], $0xffff;
	v38 =	vor.u32 v16, v15  }
0x60b: {  	v17 =	vld.idx.msk [tilespmem:v17+s10+$0x0], $0xffff;
	v21 =	vadd.f32 v23, v21  }
0x60c: {  	v29 =	vld.idx.msk [tilespmem:v29+s10+$0x0], $0xffff;
	v19 =	vadd.f32 v19, v31;
	v39 =	vmul.f32 $2.000000030e-01, v32;
	v40 =	vor.u32 v16, v14  }
0x60d: {  	v25 =	vld.idx.msk [tilespmem:v25+s10+$0x0], $0xffff;
	v30 =	vadd.f32 v30, v33  }
0x60e: {  	v18 =	vld.idx.msk [tilespmem:v18+s10+$0x0], $0xffff;
	v20 =	vadd.f32 v20, v21;
	v21 =	vmul.f32 $2.000000030e-01, v19;
	v32 =	vmax.f32 v32, v39  }
0x60f: {  	v22 =	vmul.f32 v28, v22;
	v27 =	vmul.f32 v32, v27;
	v14 =	vor.u32 $0x20, v14;
	v23 =	vld.idx.msk [tilespmem:v38+s19+$0x0], $0xffff  }
0x610: {  	v15 =	vor.u32 $0x20, v15;
	v19 =	vmax.f32 v19, v21;
	v24 =	vadd.f32 v34, v24;
	v28 =	vld.idx.msk [tilespmem:v38+s5+$0x0], $0xffff  }
0x611: {  	v21 =	vmul.f32 $2.000000030e-01, v20;
	v58 =	vadd.f32 v37, v36;
	v27 =	vadd.f32 v27, v30;
	v56 =	vld.idx.msk [tilespmem:v40+s5+$0x0], $0xffff  }
0x612: {  	v19 =	vmul.f32 v19, v29;
	v29 =	vor.u32 v16, v12;
	v12 =	vor.u32 $0x20, v12;
	v57 =	vld.idx.msk [tilespmem:v40+s19+$0x0], $0xffff  }
0x613: {  	v24 =	vadd.f32 v35, v24;
	v22 =	vadd.f32 v22, v27;
	v27 =	vor.u32 v16, v6;
	v59 =	vld.idx.msk [tilespmem:v40+s20+$0x0], $0xffff  }
0x614: {  	v60 =	vld.idx.msk [tilespmem:v14+s10+$0x0], $0xffff;
	v14 =	vmax.f32 v20, v21;
	v20 =	vadd.f32 v26, v58  }
0x615: {  	v26 =	vld.idx.msk [tilespmem:v38+s20+$0x0], $0xffff;
	v14 =	vmul.f32 v14, v17;
	v17 =	vadd.f32 v19, v22;
	v19 =	vmul.f32 $2.000000030e-01, v24  }
0x616: {  	v15 =	vld.idx.msk [tilespmem:v15+s10+$0x0], $0xffff  }
0x617: {  	v12 =	vld.idx.msk [tilespmem:v12+s10+$0x0], $0xffff;
	v14 =	vadd.f32 v14, v17;
	v17 =	vmax.f32 v24, v19;
	v19 =	vadd.f32 v57, v56  }
0x618: {  	v21 =	vmul.f32 $2.000000030e-01, v20;
	v61 =	vld.idx.msk [tilespmem:v27+s19+$0x0], $0xffff  }
0x619: {  	v63 =	vor.u32 $0x20, v6;
	v62 =	vld.idx.msk [tilespmem:v27+s5+$0x0], $0xffff;
	v6 =	vadd.f32 v23, v28;
	v23 =	vadd.f32 v59, v19  }
0x61a: {  	v24 =	vor.u32 v16, v11;
	v18 =	vmul.f32 v17, v18;
	v17 =	vld.idx.msk [tilespmem:v29+s5+$0x0], $0xffff;
	v20 =	vmax.f32 v20, v21  }
0x61b: {  	v21 =	vld.idx.msk [tilespmem:v29+s19+$0x0], $0xffff;
	v19 =	vmul.f32 v20, v25;
	v25 =	vmul.f32 $2.000000030e-01, v23  }
0x61c: {  	v22 =	vld.idx.msk [tilespmem:v27+s20+$0x0], $0xffff;
	v18 =	vadd.f32 v18, v14;
	v28 =	vadd.f32 v26, v6  }
0x61d: {  	v14 =	vld.idx.msk [tilespmem:v29+s20+$0x0], $0xffff;
	v20 =	vor.u32 v16, v10;
	v23 =	vmax.f32 v23, v25  }
0x61e: {  	v6 =	vadd.f32 v19, v18;
	v27 =	vmul.f32 $2.000000030e-01, v28;
	v19 =	vor.u32 $0x20, v10;
	v10 =	vld.idx.msk [tilespmem:v63+s10+$0x0], $0xffff  }
0x61f: {  	s16 =	rddreg [dreg:$0x6];
	v11 =	vor.u32 $0x20, v11;
	v18 =	vld.idx.msk [tilespmem:v24+s19+$0x0], $0xffff  }
0x620: {  	s12 =	simm.s32 $0x6;
	s30 =	stileid.u32;
	s24 =	rddreg [dreg:$0x19];
	v25 =	vadd.f32 v61, v62;
	v27 =	vmax.f32 v28, v27;
	v26 =	vmul.f32 v23, v60;
	v23 =	vmovc v24  }
.LBB2_73:
0x621: {  	s12 =	sadd.s32 $0x2, s12;
	v28 =	vld.idx.msk [tilespmem:v24+s5+$0x0], $0xffff;
	v9 =	vand.u32 $0x1F, v9;
	v29 =	vadd.f32 v21, v17;
	v15 =	vmul.f32 v27, v15  }
0x622: {  	v21 =	vor.u32 $0x20, v13;
	p5 =	slt.u32 s12, $0x1E;
	v27 =	vadd.s32 $0x1, v9;
	v17 =	vld.idx.msk [tilespmem:v20+s5+$0x0], $0xffff;
	v8 =	vadd.f32 v26, v8  }
0x623: {  	v26 =	vor.u32 v21, v9;
	v24 =	vor.u32 v21, v27;
	v21 =	vld.idx.msk [tilespmem:v20+s19+$0x0], $0xffff;
	v29 =	vadd.f32 v14, v29  }
.Ltmp36:
0x624: {  	v30 =	vor.u32 $0x20, v9;
	v31 =	vadd.f32 v22, v25;
	v14 =	vld.idx.msk [tilespmem:v20+s20+$0x0], $0xffff;
	v8 =	vadd.f32 v15, v8;
	v20 =	vmovc v26;
	(pc) =	sbr.rel @p5 .LBB2_73-.Ltmp36, $4  }
0x625: {  	v32 =	vmovc v12;
	v26 =	vor.u32 $0x20, v27;
	v27 =	vmul.f32 $2.000000030e-01, v29;
	v12 =	vld.idx.msk [tilespmem:v19+s10+$0x0], $0xffff;
	v19 =	vmovc v30;
	v15 =	vmov v10  }
0x626: {  	v9 =	vadd.s32 $0x2, v9;
	v30 =	vmul.f32 $2.000000030e-01, v31;
	v22 =	vld.idx.msk [tilespmem:v23+s20+$0x0], $0xffff;
	v23 =	vmov v24  }
0x627: {  	v25 =	vadd.f32 v18, v28;
	v10 =	vld.idx.msk [tilespmem:v11+s10+$0x0], $0xffff;
	v27 =	vmax.f32 v29, v27;
	v11 =	vmov v26  }
0x628: {  	v18 =	vld.idx.msk [tilespmem:v24+s19+$0x0], $0xffff;
	v26 =	vmul.f32 v27, v32;
	v27 =	vmax.f32 v31, v30  }
0x629: {  	_ =	sdelay $0x3  }
0x62a: {  	v24 =	vld.idx.msk [tilespmem:v24+s5+$0x0], $0xffff  }
0x62b: {  	v9 =	vand.u32 $0x1F, v9;
	v29 =	vld.idx.msk [tilespmem:v20+s5+$0x0], $0xffff  }
0x62c: {  	v17 =	vadd.f32 v21, v17;
	v30 =	vld.idx.msk [tilespmem:v20+s19+$0x0], $0xffff;
	v31 =	vor.u32 v16, v9  }
0x62d: {  	v20 =	vld.idx.msk [tilespmem:v20+s20+$0x0], $0xffff;
	v28 =	vadd.s32 $0x1, v9;
	v9 =	vor.u32 $0x20, v9  }
0x62e: {  	v21 =	vor.u32 v16, v28;
	v14 =	vadd.f32 v14, v17;
	v17 =	vld.idx.msk [tilespmem:v19+s10+$0x0], $0xffff  }
0x62f: {  	v15 =	vmul.f32 v27, v15;
	v8 =	vadd.f32 v26, v8;
	v19 =	vld.idx.msk [tilespmem:v23+s20+$0x0], $0xffff  }
0x630: {  	v22 =	vadd.f32 v22, v25;
	v23 =	vld.idx.msk [tilespmem:v11+s10+$0x0], $0xffff  }
0x631: {  	v11 =	vor.u32 $0x20, v28;
	v8 =	vadd.f32 v15, v8;
	v16 =	vmul.f32 $2.000000030e-01, v14;
	v27 =	vld.idx.msk [tilespmem:v31+s19+$0x0], $0xffff  }
0x632: {  	v25 =	vmul.f32 $2.000000030e-01, v22;
	v18 =	vadd.f32 v18, v24;
	v26 =	vadd.f32 v30, v29;
	v9 =	vld.idx.msk [tilespmem:v9+s10+$0x0], $0xffff  }
0x633: {  	v14 =	vmax.f32 v14, v16;
	v16 =	vor.u32 $0x40, v13;
	v13 =	vadd.s32 $0x1, v7;
	v15 =	vld.idx.msk [tilespmem:v21+s19+$0x0], $0xffff  }
0x634: {  	v22 =	vmax.f32 v22, v25;
	v24 =	vld.idx.msk [tilespmem:v21+s5+$0x0], $0xffff;
	v12 =	vmul.f32 v14, v12;
	v28 =	vor.u32 v16, v7  }
0x635: {  	v14 =	vld.idx.msk [tilespmem:v31+s5+$0x0], $0xffff;
	v29 =	vand.u32 $0x1F, v13;
	v10 =	vmul.f32 v22, v10;
	v18 =	vadd.f32 v19, v18  }
0x636: {  	v20 =	vadd.f32 v20, v26;
	v19 =	vld.idx.msk [tilespmem:v21+s20+$0x0], $0xffff;
	v25 =	vor.u32 v16, v29;
	v8 =	vadd.f32 v12, v8  }
0x637: {  	v12 =	vld.idx.msk [tilespmem:v31+s20+$0x0], $0xffff;
	v21 =	vmul.f32 $2.000000030e-01, v18  }
0x638: {  	v22 =	vld.idx.msk [tilespmem:v11+s10+$0x0], $0xffff;
	v11 =	vadd.s32 $0x2, v7;
	v8 =	vadd.f32 v10, v8;
	v10 =	vmul.f32 $2.000000030e-01, v20  }
0x639: {  	v18 =	vmax.f32 v18, v21;
	v15 =	vadd.f32 v15, v24;
	v24 =	vor.u32 $0x40, v7;
	v26 =	vld.idx.msk [tilespmem:v28+s20+$0x0], $0xffff  }
0x63a: {  	v14 =	vadd.f32 v27, v14;
	v31 =	vld.idx.msk [tilespmem:v28+s19+$0x0], $0xffff;
	v20 =	vmax.f32 v20, v10;
	v10 =	vand.u32 $0x1F, v11  }
0x63b: {  	v27 =	vld.idx.msk [tilespmem:v25+s5+$0x0], $0xffff;
	v17 =	vmul.f32 v20, v17;
	v20 =	vor.u32 $0x40, v29;
	v11 =	vadd.s32 $0x1, v10  }
0x63c: {  	v21 =	vld.idx.msk [tilespmem:v25+s19+$0x0], $0xffff;
	v12 =	vadd.f32 v12, v14;
	v14 =	vor.u32 v16, v10;
	v15 =	vadd.f32 v19, v15  }
0x63d: {  	v18 =	vmul.f32 v18, v23;
	v33 =	vld.idx.msk [tilespmem:v25+s20+$0x0], $0xffff;
	v30 =	vand.u32 $0x1F, v11  }
0x63e: {  	v29 =	vld.idx.msk [tilespmem:v28+s5+$0x0], $0xffff;
	v8 =	vadd.f32 v17, v8;
	v17 =	vmul.f32 $2.000000030e-01, v12;
	v23 =	vmul.f32 $2.000000030e-01, v15  }
0x63f: {  	v19 =	vor.u32 v16, v30;
	v32 =	vld.idx.msk [tilespmem:v24+s10+$0x0], $0xffff  }
0x640: {  	v8 =	vadd.f32 v18, v8;
	v12 =	vmax.f32 v12, v17;
	v15 =	vmax.f32 v15, v23;
	v17 =	vld.idx.msk [tilespmem:v20+s10+$0x0], $0xffff  }
0x641: {  	v18 =	vor.u32 $0x40, v10;
	v23 =	vadd.s32 $0x2, v10;
	v20 =	vld.idx.msk [tilespmem:v14+s20+$0x0], $0xffff;
	v24 =	vmul.f32 v12, v9  }
0x642: {  	v15 =	vmul.f32 v15, v22;
	v9 =	vand.u32 $0x1F, v23;
	v22 =	vor.u32 $0x40, v30;
	v30 =	vld.idx.msk [tilespmem:v14+s5+$0x0], $0xffff  }
0x643: {  	v29 =	vadd.f32 v31, v29;
	v35 =	vld.idx.msk [tilespmem:v14+s19+$0x0], $0xffff;
	v12 =	vadd.s32 $0x1, v9  }
0x644: {  	v28 =	vld.idx.msk [tilespmem:v19+s5+$0x0], $0xffff;
	v8 =	vadd.f32 v24, v8;
	v24 =	vor.u32 v16, v9;
	v31 =	vand.u32 $0x1F, v12  }
0x645: {  	v27 =	vadd.f32 v21, v27;
	v25 =	vld.idx.msk [tilespmem:v19+s19+$0x0], $0xffff;
	v26 =	vadd.f32 v26, v29;
	v23 =	vor.u32 v16, v31  }
0x646: {  	v14 =	vimm.f32 $0.0e+00;
	v21 =	vld.idx.msk [tilespmem:v19+s20+$0x0], $0xffff  }
0x647: {  	v29 =	vadd.f32 v33, v27;
	v27 =	vor.u32 $0x40, v31;
	v18 =	vld.idx.msk [tilespmem:v18+s10+$0x0], $0xffff;
	v34 =	vmul.f32 $2.000000030e-01, v26  }
0x648: {  	v31 =	vor.u32 $0x40, v9;
	v8 =	vadd.f32 v15, v8;
	v15 =	vadd.s32 $0x2, v9;
	v19 =	vld.idx.msk [tilespmem:v22+s10+$0x0], $0xffff  }
0x649: {  	v33 =	vand.u32 $0x1F, v15;
	v35 =	vadd.f32 v35, v30;
	v36 =	vmax.f32 v26, v34;
	v22 =	vld.idx.msk [tilespmem:v24+s20+$0x0], $0xffff  }
0x64a: {  	s12 =	simm.s32 $0x4;
	v30 =	vimm.f32 $0.0e+00;
	v34 =	vmul.f32 $2.000000030e-01, v29;
	v32 =	vmul.f32 v36, v32;
	v26 =	vld.idx.msk [tilespmem:v23+s5+$0x0], $0xffff  }
.LBB2_75:
0x64b: {  	v36 =	vadd.s32 $0x1, v33;
	s12 =	sadd.s32 $0x2, s12;
	v37 =	vld.idx.msk [tilespmem:v24+s5+$0x0], $0xffff;
	v28 =	vadd.f32 v25, v28  }
0x64c: {  	v29 =	vmax.f32 v29, v34;
	v39 =	vmovc v18;
	v36 =	vand.u32 $0x1F, v36;
	p5 =	slt.u32 s12, $0x1E;
	v38 =	vld.idx.msk [tilespmem:v24+s19+$0x0], $0xffff;
	v24 =	vor.u32 v16, v33  }
0x64d: {  	v34 =	vadd.f32 v20, v35;
	v35 =	vmul.f32 v29, v17;
	v40 =	vor.u32 v16, v36;
	v25 =	vld.idx.msk [tilespmem:v23+s19+$0x0], $0xffff  }
.Ltmp37:
0x64e: {  	v30 =	vadd.f32 v32, v30;
	v36 =	vor.u32 $0x40, v36;
	v17 =	vmov v19;
	v18 =	vld.idx.msk [tilespmem:v31+s10+$0x0], $0xffff;
	(pc) =	sbr.rel @p5 .LBB2_75-.Ltmp37, $4  }
0x64f: {  	v29 =	vadd.f32 v21, v28;
	v32 =	vmul.f32 $2.000000030e-01, v34;
	v20 =	vmovc v22;
	v21 =	vld.idx.msk [tilespmem:v23+s20+$0x0], $0xffff;
	v23 =	vmov v40  }
0x650: {  	v31 =	vor.u32 $0x40, v33;
	v30 =	vadd.f32 v35, v30;
	v28 =	vmovc v26;
	v19 =	vld.idx.msk [tilespmem:v27+s10+$0x0], $0xffff;
	v27 =	vmov v36  }
0x651: {  	v33 =	vadd.s32 $0x2, v33;
	v32 =	vmax.f32 v34, v32;
	v34 =	vmul.f32 $2.000000030e-01, v29;
	v22 =	vld.idx.msk [tilespmem:v24+s20+$0x0], $0xffff  }
0x652: {  	v33 =	vand.u32 $0x1F, v33;
	v35 =	vadd.f32 v38, v37;
	v32 =	vmul.f32 v32, v39;
	v26 =	vld.idx.msk [tilespmem:v40+s5+$0x0], $0xffff  }
0x653: {  	_ =	sdelay $0x3  }
0x654: {  	v16 =	vld.idx.msk [tilespmem:v24+s5+$0x0], $0xffff  }
0x655: {  	v51 =	vld.idx.msk [tilespmem:v24+s19+$0x0], $0xffff;
	v33 =	vor.u32 v2, v7  }
0x656: {  	v36 =	vld.idx.msk [tilespmem:v23+s19+$0x0], $0xffff  }
0x657: {  	v31 =	vld.idx.msk [tilespmem:v31+s10+$0x0], $0xffff  }
0x658: {  	v23 =	vld.idx.msk [tilespmem:v23+s20+$0x0], $0xffff;
	v37 =	vor.u32 v2, v13  }
0x659: {  	v27 =	vld.idx.msk [tilespmem:v27+s10+$0x0], $0xffff  }
0x65a: {  	v13 =	vor.u32 $0x60, v13;
	v20 =	vadd.f32 v20, v35;
	v52 =	vld.idx.msk [tilespmem:v33+s19+$0x0], $0xffff  }
0x65b: {  	v25 =	vadd.f32 v25, v28;
	v29 =	vmax.f32 v29, v34;
	v7 =	vor.u32 $0x60, v7;
	v53 =	vld.idx.msk [tilespmem:v33+s5+$0x0], $0xffff  }
0x65c: {  	v55 =	vor.u32 v2, v10;
	v57 =	vadd.f32 v32, v30;
	v54 =	vmul.f32 $2.000000030e-01, v20;
	v33 =	vld.idx.msk [tilespmem:v33+s20+$0x0], $0xffff  }
0x65d: {  	v17 =	vmul.f32 v29, v17;
	v21 =	vadd.f32 v21, v25;
	v16 =	vadd.f32 v51, v16;
	v56 =	vld.idx.msk [tilespmem:v37+s19+$0x0], $0xffff  }
0x65e: {  	v61 =	vor.u32 $0x60, v10;
	v20 =	vmax.f32 v20, v54;
	v58 =	vld.idx.msk [tilespmem:v37+s5+$0x0], $0xffff;
	v26 =	vadd.f32 v36, v26  }
0x65f: {  	v59 =	vld.idx.msk [tilespmem:v13+s10+$0x0], $0xffff;
	v13 =	vadd.f32 v17, v57;
	v16 =	vadd.f32 v22, v16;
	v22 =	vmul.f32 $2.000000030e-01, v21  }
0x660: {  	v17 =	vmul.f32 v20, v18;
	v18 =	vor.u32 v2, v11;
	v20 =	vld.idx.msk [tilespmem:v37+s20+$0x0], $0xffff;
	v11 =	vor.u32 $0x60, v11  }
0x661: {  	v60 =	vld.idx.msk [tilespmem:v7+s10+$0x0], $0xffff;
	v23 =	vadd.f32 v23, v26;
	v21 =	vmax.f32 v21, v22;
	v22 =	vmul.f32 $2.000000030e-01, v16  }
0x662: {  	v24 =	vld.idx.msk [tilespmem:v55+s20+$0x0], $0xffff;
	v13 =	vadd.f32 v17, v13;
	v7 =	vmul.f32 v21, v19;
	v19 =	vadd.f32 v52, v53  }
0x663: {  	v17 =	vmul.f32 $2.000000030e-01, v23;
	v21 =	vld.idx.msk [tilespmem:v55+s19+$0x0], $0xffff;
	v10 =	vadd.f32 v56, v58;
	v16 =	vmax.f32 v16, v22  }
0x664: {  	v22 =	vld.idx.msk [tilespmem:v55+s5+$0x0], $0xffff;
	v19 =	vadd.f32 v33, v19;
	v7 =	vadd.f32 v7, v13;
	v13 =	vmul.f32 v16, v31  }
0x665: {  	v62 =	vor.u32 v2, v9;
	v63 =	vld.idx.msk [tilespmem:v18+s19+$0x0], $0xffff;
	v16 =	vmax.f32 v23, v17;
	v20 =	vadd.f32 v20, v10  }
0x666: {  	v23 =	vld.idx.msk [tilespmem:v18+s5+$0x0], $0xffff;
	v16 =	vmul.f32 v16, v27;
	v17 =	vmul.f32 $2.000000030e-01, v19;
	v7 =	vadd.f32 v13, v7  }
0x667: {  	v13 =	vld.idx.msk [tilespmem:v18+s20+$0x0], $0xffff;
	v18 =	vmul.f32 $2.000000030e-01, v20  }
0x668: {  	v10 =	vld.idx.msk [tilespmem:v11+s10+$0x0], $0xffff;
	v17 =	vmax.f32 v19, v17;
	v7 =	vadd.f32 v16, v7;
	v16 =	vor.u32 v2, v12  }
0x669: {  	v11 =	vld.idx.msk [tilespmem:v61+s10+$0x0], $0xffff;
	v19 =	vadd.f32 v21, v22;
	v21 =	vmul.f32 v17, v60  }
0x66a: {  	v12 =	vor.u32 $0x60, v12;
	v22 =	vmax.f32 v20, v18;
	v18 =	vld.idx.msk [tilespmem:v62+s5+$0x0], $0xffff  }
0x66b: {  	v15 =	vand.u32 $0x1F, v15;
	v17 =	vld.idx.msk [tilespmem:v62+s19+$0x0], $0xffff;
	v20 =	vadd.f32 v21, v14;
	v21 =	vmul.f32 v22, v59  }
0x66c: {  	s12 =	simm.s32 $0x4;
	v19 =	vadd.f32 v24, v19;
	v14 =	vor.u32 $0x60, v9;
	v9 =	vld.idx.msk [tilespmem:v62+s20+$0x0], $0xffff;
	v22 =	vadd.f32 v63, v23  }
.LBB2_77:
0x66d: {  	v23 =	vor.u32 v2, v15;
	s12 =	sadd.s32 $0x2, s12;
	v24 =	vld.idx.msk [tilespmem:v16+s19+$0x0], $0xffff;
	v20 =	vadd.f32 v21, v20;
	v21 =	vmov v10  }
0x66e: {  	v25 =	vadd.s32 $0x1, v15;
	v27 =	vmul.f32 $2.000000030e-01, v19;
	p5 =	slt.u32 s12, $0x1E;
	v26 =	vld.idx.msk [tilespmem:v16+s5+$0x0], $0xffff;
	v22 =	vadd.f32 v13, v22  }
0x66f: {  	v28 =	vor.u32 v2, v25;
	v10 =	vld.idx.msk [tilespmem:v12+s10+$0x0], $0xffff  }
.Ltmp38:
0x670: {  	v12 =	vmax.f32 v19, v27;
	v13 =	vld.idx.msk [tilespmem:v16+s20+$0x0], $0xffff;
	v19 =	vmul.f32 $2.000000030e-01, v22;
	v16 =	vmov v28;
	(pc) =	sbr.rel @p5 .LBB2_77-.Ltmp38, $4  }
0x671: {  	v27 =	vadd.f32 v17, v18;
	v28 =	vmul.f32 v12, v11;
	v11 =	vld.idx.msk [tilespmem:v14+s10+$0x0], $0xffff  }
0x672: {  	v12 =	vor.u32 $0x60, v25;
	v25 =	vadd.s32 $0x2, v15;
	v17 =	vld.idx.msk [tilespmem:v23+s19+$0x0], $0xffff;
	v14 =	vmax.f32 v22, v19  }
0x673: {  	v19 =	vadd.f32 v9, v27;
	v20 =	vadd.f32 v28, v20;
	v18 =	vld.idx.msk [tilespmem:v23+s5+$0x0], $0xffff;
	v21 =	vmul.f32 v14, v21  }
0x674: {  	v14 =	vor.u32 $0x60, v15;
	v15 =	vand.u32 $0x1F, v25;
	v22 =	vadd.f32 v24, v26;
	v9 =	vld.idx.msk [tilespmem:v23+s20+$0x0], $0xffff  }
0x675: {  	_ =	sdelay $0x3  }
0x676: {  	v15 =	vld.idx.msk [tilespmem:v16+s19+$0x0], $0xffff  }
0x677: {  	v23 =	vld.idx.msk [tilespmem:v16+s5+$0x0], $0xffff;
	_ =	sdelay $0x1  }
0x678: {  	v24 =	vmul.f32 $2.000000030e-01, v19;
	v16 =	vld.idx.msk [tilespmem:v16+s20+$0x0], $0xffff  }
0x679: {  	v13 =	vadd.f32 v13, v22;
	v17 =	vadd.f32 v17, v18  }
0x67a: {  	v18 =	vmax.f32 v19, v24  }
0x67b: {  	v14 =	vld.idx.msk [tilespmem:v14+s10+$0x0], $0xffff;
	v19 =	vmul.f32 $2.000000030e-01, v13;
	v9 =	vadd.f32 v9, v17;
	v15 =	vadd.f32 v15, v23  }
0x67c: {  	v11 =	vmul.f32 v18, v11;
	v17 =	vadd.f32 v21, v20  }
0x67d: {  	v12 =	vld.idx.msk [tilespmem:v12+s10+$0x0], $0xffff;
	v13 =	vmax.f32 v13, v19;
	v18 =	vmul.f32 $2.000000030e-01, v9;
	v15 =	vadd.f32 v16, v15  }
0x67e: {  	v10 =	vmul.f32 v13, v10;
	v11 =	vadd.f32 v11, v17  }
0x67f: {  	v9 =	vmax.f32 v9, v18;
	v13 =	vmul.f32 $2.000000030e-01, v15  }
0x680: {  	v10 =	vadd.f32 v10, v11;
	v9 =	vmul.f32 v9, v14  }
0x681: {  	v11 =	vmax.f32 v15, v13  }
0x682: {  	v9 =	vadd.f32 v9, v10;
	v10 =	vmul.f32 v11, v12  }
0x683: {  	v6 =	vmul.f32 $1.442695020e+00, v6;
	v11 =	vld [tilespmem:$0x8680]  }
0x684: {  	v8 =	vmul.f32 $1.442695020e+00, v8;
	v9 =	vadd.f32 v10, v9  }
0x685: {  	(erf) = vpow2.f32 v6;
	v6 =	vmul.f32 $1.442695020e+00, v7  }
0x686: {  	(erf) = vpow2.f32 v8;
	v7 =	vmul.f32 $1.442695020e+00, v9  }
0x687: {  	(erf) = vpow2.f32 v6;
	v10 =	vlaneseq.u32  }
0x688: {  	v9 =	vmul.u32 $0x80, v10;
	v6 =	vshll.u32 v11, $0x2;
	(erf) = vpow2.f32 v7  }
0x689: {  	v6 =	vand.u32 $0x7C, v6  }
0x68a: {  	v8 =	vor.u32 $0x1, v9;
	v7 =	vor.u32 v9, v6  }
0x68b: {  	v12 =	vor.u32 v8, v6;
	v8 =	vor.u32 $0x2, v9  }
0x68c: {  	v13 =	vor.u32 v8, v6;
	v8 =	vor.u32 $0x3, v9  }
0x68d: {  	v14 =	vor.u32 v8, v6  }
0x68e: {  	v11 =	vpop (erf);
	v16 =	vor.u32 v9, v10  }
0x68f: {  	v8 =	vpop (erf);
	[tilespmem:v7+s29+$0x0] =	vst.idx.msk $0xffff, v11  }
0x690: {  	v7 =	vpop (erf);
	[tilespmem:v12+s29+$0x0] =	vst.idx.msk $0xffff, v8  }
0x691: {  	[tilespmem:v13+s29+$0x0] =	vst.idx.msk $0xffff, v7;
	v6 =	vpop (erf)  }
0x692: {  	[tilespmem:v14+s29+$0x0] =	vst.idx.msk $0xffff, v6  }
0x693: {  	v13 =	vld.idx.msk [tilespmem:v16+s5+$0x0], $0xffff  }
0x694: {  	v12 =	vadd.s32 $0x1, v10  }
0x695: {  	v14 =	vand.u32 $0x1F, v12  }
0x696: {  	v15 =	vor.u32 v9, v14;
	_ =	sdelay $0x1  }
0x697: {  	v13 =	vmul.f32 v13, v11;
	_ =	sdelay $0x1  }
0x698: {  	[tilespmem:v16+s5+$0x0] =	vst.idx.msk $0xffff, v13  }
0x699: {  	v17 =	vld.idx.msk [tilespmem:v15+s5+$0x0], $0xffff  }
0x69a: {  	v13 =	vadd.s32 $0x2, v10  }
0x69b: {  	v14 =	vand.u32 $0x1F, v13  }
0x69c: {  	v16 =	vor.u32 v9, v14;
	_ =	sdelay $0x1  }
0x69d: {  	s12 =	simm.s32 $0x2;
	v17 =	vmul.f32 v17, v11  }
.LBB2_79:
0x69e: {  	_ = 	snop  }
0x69f: {  	s12 =	sadd.s32 $0x2, s12;
	[tilespmem:v15+s5+$0x0] =	vst.idx.msk $0xffff, v17  }
0x6a0: {  	p5 =	slt.u32 s12, $0x1E;
	v17 =	vld.idx.msk [tilespmem:v16+s5+$0x0], $0xffff;
	_ =	sdelay $0x1  }
0x6a1: {  	v15 =	vadd.s32 $0x1, v14  }
0x6a2: {  	v15 =	vand.u32 $0x1F, v15  }
0x6a3: {  	v15 =	vor.u32 v9, v15;
	_ =	sdelay $0x1  }
0x6a4: {  	v17 =	vmul.f32 v17, v11;
	_ =	sdelay $0x1  }
0x6a5: {  	[tilespmem:v16+s5+$0x0] =	vst.idx.msk $0xffff, v17  }
0x6a6: {  	v17 =	vld.idx.msk [tilespmem:v15+s5+$0x0], $0xffff;
	_ =	sdelay $0x1  }
.Ltmp39:
0x6a7: {  	v14 =	vadd.s32 $0x2, v14;
	(pc) =	sbr.rel @p5 .LBB2_79-.Ltmp39, $3  }
0x6a8: {  	v14 =	vand.u32 $0x1F, v14  }
0x6a9: {  	v16 =	vor.u32 v9, v14;
	_ =	sdelay $0x1  }
0x6aa: {  	v17 =	vmul.f32 v17, v11  }
0x6ab: {  	_ =	sdelay $0x3  }
0x6ac: {  	[tilespmem:v15+s5+$0x0] =	vst.idx.msk $0xffff, v17  }
0x6ad: {  	v15 =	vld.idx.msk [tilespmem:v16+s5+$0x0], $0xffff  }
0x6ae: {  	v14 =	vadd.s32 $0x1, v14  }
0x6af: {  	v14 =	vand.u32 $0x1F, v14  }
0x6b0: {  	v17 =	vor.u32 v9, v14;
	_ =	sdelay $0x1  }
0x6b1: {  	v9 =	vmul.f32 v15, v11;
	_ =	sdelay $0x1  }
0x6b2: {  	[tilespmem:v16+s5+$0x0] =	vst.idx.msk $0xffff, v9;
	v9 =	vlaneseq.u32  }
0x6b3: {  	v16 =	vld.idx.msk [tilespmem:v17+s5+$0x0], $0xffff;
	v14 =	vmul.u32 $0x80, v9;
	_ =	sdelay $0x1  }
0x6b4: {  	v15 =	vor.u32 $0x20, v14  }
0x6b5: {  	v10 =	vor.u32 v15, v10;
	_ =	sdelay $0x1  }
0x6b6: {  	v11 =	vmul.f32 v16, v11;
	_ =	sdelay $0x1  }
0x6b7: {  	[tilespmem:v17+s5+$0x0] =	vst.idx.msk $0xffff, v11  }
0x6b8: {  	v16 =	vld.idx.msk [tilespmem:v10+s5+$0x0], $0xffff;
	_ =	sdelay $0x2  }
0x6b9: {  	v11 =	vor.u32 v15, v12;
	_ =	sdelay $0x1  }
0x6ba: {  	v12 =	vmul.f32 v16, v8;
	_ =	sdelay $0x1  }
0x6bb: {  	[tilespmem:v10+s5+$0x0] =	vst.idx.msk $0xffff, v12  }
0x6bc: {  	v16 =	vld.idx.msk [tilespmem:v11+s5+$0x0], $0xffff;
	_ =	sdelay $0x1  }
0x6bd: {  	v10 =	vand.u32 $0x1F, v13  }
0x6be: {  	v12 =	vor.u32 v15, v10;
	_ =	sdelay $0x1  }
0x6bf: {  	s12 =	simm.s32 $0x2;
	v13 =	vmul.f32 v16, v8  }
.LBB2_81:
0x6c0: {  	_ = 	snop  }
0x6c1: {  	s12 =	sadd.s32 $0x2, s12;
	[tilespmem:v11+s5+$0x0] =	vst.idx.msk $0xffff, v13  }
0x6c2: {  	p5 =	slt.u32 s12, $0x1E;
	v13 =	vld.idx.msk [tilespmem:v12+s5+$0x0], $0xffff;
	_ =	sdelay $0x2  }
0x6c3: {  	v11 =	vadd.s32 $0x1, v10  }
0x6c4: {  	v11 =	vor.u32 v15, v11;
	_ =	sdelay $0x1  }
0x6c5: {  	v13 =	vmul.f32 v13, v8;
	_ =	sdelay $0x1  }
0x6c6: {  	[tilespmem:v12+s5+$0x0] =	vst.idx.msk $0xffff, v13  }
0x6c7: {  	v13 =	vld.idx.msk [tilespmem:v11+s5+$0x0], $0xffff;
	_ =	sdelay $0x1  }
.Ltmp40:
0x6c8: {  	v10 =	vadd.s32 $0x2, v10;
	(pc) =	sbr.rel @p5 .LBB2_81-.Ltmp40, $3  }
0x6c9: {  	v10 =	vand.u32 $0x1F, v10  }
0x6ca: {  	v12 =	vor.u32 v15, v10;
	_ =	sdelay $0x1  }
0x6cb: {  	v13 =	vmul.f32 v13, v8  }
0x6cc: {  	_ =	sdelay $0x3  }
0x6cd: {  	[tilespmem:v11+s5+$0x0] =	vst.idx.msk $0xffff, v13  }
0x6ce: {  	v11 =	vld.idx.msk [tilespmem:v12+s5+$0x0], $0xffff;
	_ =	sdelay $0x1  }
0x6cf: {  	v10 =	vadd.s32 $0x1, v10  }
0x6d0: {  	v10 =	vor.u32 v15, v10;
	_ =	sdelay $0x1  }
0x6d1: {  	v11 =	vmul.f32 v11, v8;
	_ =	sdelay $0x1  }
0x6d2: {  	[tilespmem:v12+s5+$0x0] =	vst.idx.msk $0xffff, v11  }
0x6d3: {  	v12 =	vld.idx.msk [tilespmem:v10+s5+$0x0], $0xffff;
	_ =	sdelay $0x1  }
0x6d4: {  	v11 =	vor.u32 $0x40, v14  }
0x6d5: {  	v14 =	vor.u32 v11, v9;
	_ =	sdelay $0x1  }
0x6d6: {  	v8 =	vmul.f32 v12, v8;
	_ =	sdelay $0x1  }
0x6d7: {  	[tilespmem:v10+s5+$0x0] =	vst.idx.msk $0xffff, v8  }
0x6d8: {  	v10 =	vld.idx.msk [tilespmem:v14+s5+$0x0], $0xffff  }
0x6d9: {  	v8 =	vadd.s32 $0x1, v9  }
0x6da: {  	v12 =	vand.u32 $0x1F, v8  }
0x6db: {  	v13 =	vor.u32 v11, v12;
	_ =	sdelay $0x1  }
0x6dc: {  	v10 =	vmul.f32 v10, v7;
	_ =	sdelay $0x1  }
0x6dd: {  	[tilespmem:v14+s5+$0x0] =	vst.idx.msk $0xffff, v10  }
0x6de: {  	v15 =	vld.idx.msk [tilespmem:v13+s5+$0x0], $0xffff  }
0x6df: {  	v10 =	vadd.s32 $0x2, v9  }
0x6e0: {  	v12 =	vand.u32 $0x1F, v10  }
0x6e1: {  	v14 =	vor.u32 v11, v12;
	_ =	sdelay $0x1  }
0x6e2: {  	s12 =	simm.s32 $0x2;
	v15 =	vmul.f32 v15, v7  }
.LBB2_83:
0x6e3: {  	_ = 	snop  }
0x6e4: {  	s12 =	sadd.s32 $0x2, s12;
	[tilespmem:v13+s5+$0x0] =	vst.idx.msk $0xffff, v15  }
0x6e5: {  	p5 =	slt.u32 s12, $0x1E;
	v15 =	vld.idx.msk [tilespmem:v14+s5+$0x0], $0xffff;
	_ =	sdelay $0x1  }
0x6e6: {  	v13 =	vadd.s32 $0x1, v12  }
0x6e7: {  	v13 =	vand.u32 $0x1F, v13  }
0x6e8: {  	v13 =	vor.u32 v11, v13;
	_ =	sdelay $0x1  }
0x6e9: {  	v15 =	vmul.f32 v15, v7;
	_ =	sdelay $0x1  }
0x6ea: {  	[tilespmem:v14+s5+$0x0] =	vst.idx.msk $0xffff, v15  }
0x6eb: {  	v15 =	vld.idx.msk [tilespmem:v13+s5+$0x0], $0xffff;
	_ =	sdelay $0x1  }
.Ltmp41:
0x6ec: {  	v12 =	vadd.s32 $0x2, v12;
	(pc) =	sbr.rel @p5 .LBB2_83-.Ltmp41, $3  }
0x6ed: {  	v12 =	vand.u32 $0x1F, v12  }
0x6ee: {  	v14 =	vor.u32 v11, v12;
	_ =	sdelay $0x1  }
0x6ef: {  	v15 =	vmul.f32 v15, v7  }
0x6f0: {  	_ =	sdelay $0x3  }
0x6f1: {  	[tilespmem:v13+s5+$0x0] =	vst.idx.msk $0xffff, v15  }
0x6f2: {  	v13 =	vld.idx.msk [tilespmem:v14+s5+$0x0], $0xffff  }
0x6f3: {  	v12 =	vadd.s32 $0x1, v12  }
0x6f4: {  	v12 =	vand.u32 $0x1F, v12  }
0x6f5: {  	v11 =	vor.u32 v11, v12;
	_ =	sdelay $0x1  }
0x6f6: {  	v63 =	vmul.f32 v13, v7;
	_ =	sdelay $0x1  }
0x6f7: {  	[tilespmem:v14+s5+$0x0] =	vst.idx.msk $0xffff, v63  }
0x6f8: {  	v12 =	vld.idx.msk [tilespmem:v11+s5+$0x0], $0xffff;
	_ =	sdelay $0x2  }
0x6f9: {  	v9 =	vor.u32 v2, v9;
	_ =	sdelay $0x1  }
0x6fa: {  	v7 =	vmul.f32 v12, v7;
	_ =	sdelay $0x1  }
0x6fb: {  	[tilespmem:v11+s5+$0x0] =	vst.idx.msk $0xffff, v7  }
0x6fc: {  	v7 =	vld.idx.msk [tilespmem:v9+s5+$0x0], $0xffff;
	_ =	sdelay $0x2  }
0x6fd: {  	v8 =	vor.u32 v2, v8;
	_ =	sdelay $0x1  }
0x6fe: {  	v7 =	vmul.f32 v7, v6;
	_ =	sdelay $0x1  }
0x6ff: {  	[tilespmem:v9+s5+$0x0] =	vst.idx.msk $0xffff, v7  }
0x700: {  	v11 =	vld.idx.msk [tilespmem:v8+s5+$0x0], $0xffff;
	_ =	sdelay $0x1  }
0x701: {  	v7 =	vand.u32 $0x1F, v10  }
0x702: {  	v9 =	vor.u32 v2, v7;
	_ =	sdelay $0x1  }
0x703: {  	s12 =	simm.s32 $0x2;
	v10 =	vmul.f32 v11, v6  }
.LBB2_85:
0x704: {  	_ = 	snop  }
0x705: {  	s12 =	sadd.s32 $0x2, s12;
	[tilespmem:v8+s5+$0x0] =	vst.idx.msk $0xffff, v10  }
0x706: {  	p5 =	slt.u32 s12, $0x1E;
	v10 =	vld.idx.msk [tilespmem:v9+s5+$0x0], $0xffff;
	_ =	sdelay $0x2  }
0x707: {  	v8 =	vadd.s32 $0x1, v7  }
0x708: {  	v8 =	vor.u32 v2, v8;
	_ =	sdelay $0x1  }
0x709: {  	v10 =	vmul.f32 v10, v6;
	_ =	sdelay $0x1  }
0x70a: {  	[tilespmem:v9+s5+$0x0] =	vst.idx.msk $0xffff, v10  }
0x70b: {  	v10 =	vld.idx.msk [tilespmem:v8+s5+$0x0], $0xffff;
	_ =	sdelay $0x1  }
.Ltmp42:
0x70c: {  	v7 =	vadd.s32 $0x2, v7;
	(pc) =	sbr.rel @p5 .LBB2_85-.Ltmp42, $3  }
0x70d: {  	v7 =	vand.u32 $0x1F, v7  }
0x70e: {  	v9 =	vor.u32 v2, v7;
	_ =	sdelay $0x1  }
0x70f: {  	v10 =	vmul.f32 v10, v6  }
0x710: {  	_ =	sdelay $0x3  }
0x711: {  	[tilespmem:v8+s5+$0x0] =	vst.idx.msk $0xffff, v10  }
0x712: {  	v8 =	vld.idx.msk [tilespmem:v9+s5+$0x0], $0xffff;
	_ =	sdelay $0x1  }
0x713: {  	v7 =	vadd.s32 $0x1, v7  }
0x714: {  	v7 =	vor.u32 v2, v7;
	_ =	sdelay $0x1  }
0x715: {  	v8 =	vmul.f32 v8, v6;
	_ =	sdelay $0x1  }
0x716: {  	[tilespmem:v9+s5+$0x0] =	vst.idx.msk $0xffff, v8  }
0x717: {  	v8 =	vld.idx.msk [tilespmem:v7+s5+$0x0], $0xffff;
	_ =	sdelay $0x4  }
0x718: {  	v61 =	vmul.f32 v8, v6;
	_ =	sdelay $0x1  }
0x719: {  	s12 =	simm.s32 $0x10;
	[tilespmem:v7+s5+$0x0] =	vst.idx.msk $0xffff, v61  }
0x71a: {  	[spmem:s2] =	stream.indirect.scatter.add.f32 [tilespmem:s5], [sflag:$0x7], $0x80, s17, s12, $0xb8;
	[tilespmem:$0x1CA80] =	vst v63  }
0x71b: {  	_ =	swait.ge [sflag:s0], $0x800  }
0x71c: {  	[sflag:s0] =	ssyncset.done $0x0  }
0x71d: {  	s17 =	simm.s32 $0x8700;
	[sflag:s0] =	ssyncadd.s32 $0xFFFFF800  }
0x71e: {  	[spmem:s3] =	stream.indirect.scatter.add.f32 [tilespmem:s29], [sflag:$0x7], $0x80, s17, s12, $0xb8;
	[tilespmem:$0x1CA80] =	vst v63  }
0x71f: {  	_ =	swait.ge [sflag:s0], $0x800  }
0x720: {  	[sflag:s0] =	ssyncset.done $0x0  }
0x721: {  	[sflag:s0] =	ssyncadd.s32 $0xFFFFF800  }
0x722: {  	v62 =	vld [tilespmem:$0x8680];
	_ =	sdelay $0x4  }
0x723: {  	v6 =	vshll.u32 v62, $0x2  }
0x724: {  	v6 =	vand.u32 $0x7C, v6  }
0x725: {  	v63 =	vor.u32 v0, v6  }
0x726: {  	v3 =	vor.u32 v3, v6  }
0x727: {  	v4 =	vor.u32 v4, v6  }
0x728: {  	v5 =	vor.u32 v5, v6;
	_ =	sdelay $0x1  }
0x729: {  	[tilespmem:v63+s29+$0x0] =	vst.idx.msk $0xffff, v1  }
0x72a: {  	[tilespmem:v3+s29+$0x0] =	vst.idx.msk $0xffff, v1  }
0x72b: {  	[tilespmem:v4+s29+$0x0] =	vst.idx.msk $0xffff, v1  }
0x72c: {  	[tilespmem:v5+s29+$0x0] =	vst.idx.msk $0xffff, v1  }
0x72d: {  	[bflag:$0x0] =	sbarrier.arrive $0xFFFF  }
0x72e: {  	s12 =	simm.s32 @p3 $0x1FC7;
	s0 =	sshrl.u32 @p3 s24, $0x3;
	s17 =	rddreg [dreg:$0x16]  }
0x72f: {  	[hbm:s17], [sflag:s12] =	dma.local @p3 [spmem:s0], $0x2080  }
0x730: {  	s0 =	simm.s32 @p3 $0x7  }
0x731: {  	_ =	swait.ge @p3 [sflag:s0], $0x2080  }
0x732: {  	s12 =	sshll.u32 @!p3 s30, $0x6;
	[sflag:s0] =	ssyncset.done @p3 $0x0;
	s17 =	rddreg [dreg:$0xb]  }
0x733: {  	[sflag:s0] =	ssyncadd.s32 @p3 $0xFFFFDF80;
	s0 =	sor.u32 @!p3 $0x1C07, s12;
	s12 =	sshrl.u32 @!p3 s16, $0x3  }
0x734: {  	[hbm:s17], [sflag:s0] =	dma.local @!p3 [spmem:s12], $0x2780  }
0x735: {  	s0 =	simm.s32 @!p3 $0x7  }
0x736: {  	_ =	swait.ge @!p3 [sflag:s0], $0x2780  }
0x737: {  	s3 =	rddreg [dreg:$0x8]  }
0x738: {  	s12 =	sshll.u32 @p4 s30, $0x6;
	[sflag:s0] =	ssyncset.done @!p3 $0x0;
	s17 =	rddreg [dreg:$0x17]  }
0x739: {  	[sflag:s0] =	ssyncadd.s32 @!p3 $0xFFFFD880;
	s0 =	sor.u32 @p4 $0x1C07, s12;
	s12 =	sshrl.u32 @p4 s3, $0x3  }
0x73a: {  	[hbm:s17], [sflag:s0] =	dma.local @p4 [spmem:s12], $0xA00  }
0x73b: {  	s0 =	simm.s32 @p4 $0x7  }
0x73c: {  	_ =	swait.ge @p4 [sflag:s0], $0xA00  }
0x73d: {  	s12 =	rddreg [dreg:$0x1a]  }
0x73e: {  	s17 =	sadd.s32 $0x1, s12;
	s12 =	rddreg [dreg:$0x18]  }
0x73f: {  	p5 =	sne.s32 s17, s12  }
.Ltmp43:
0x740: {  	_ = 	snop;
	(pc) =	sbr.rel @p5 .LBB2_1-.Ltmp43, $3  }
0x741: {  	_ =	sdelay $0x1  }
0x742: {  	[sflag:s0] =	ssyncset.done @p4 $0x0  }
0x743: {  	s31 =	simm.s32 $0x7;
	[sflag:s0] =	ssyncadd.s32 @p4 $0xFFFFF600  }
0x744: {  	_ =	sfence.sel $0x180000  }
0x745: {  	[bflag:$0x0] =	sbarrier.arrive $0xFFFF  }
0x746: {  	_ =	strace $0x90000047  }
0x747: {  	[bflag:$0x2] =	sbarrier.arrive $0xFFFF  }
0x748: {  	p0 =	sne.s32 s30, $0x0;
	s0 =	rddreg [dreg:$0x4]  }
0x749: {  	s0 =	sadd.s32 @!p0 $0x100000, s0  }
0x74a: {  	[sflag:s0] =	ssyncadd.tile.s32 @!p0 $0x1;
	_ =	shalt  }
.Lfunc_end2:
_tile_overlayer_lowered:
.L_overlay_start_2:
0x74b: {  	(tag) =	ssettag $0x2  }
0x74c: {  	s0 =	rddreg [dreg:$0x0];
	s2 =	stileid.u32  }
0x74d: {  	s1 =	rddreg [dreg:$0x1];
	p0 =	sne.s32 s2, $0x0  }
0x74e: {  	s3 =	rddreg [dreg:$0x2];
	[bflag:$0x3] =	sbarrier.arrive $0xFFFF;
	s2 =	simm.s32 @!p0 $0x1C07  }
0x74f: {  	[timem:s3], [sflag:s2] =	dma.local @!p0 [hbm:s0], s1  }
0x750: {  	s0 =	simm.s32 @!p0 $0x7  }
0x751: {  	_ =	swait.ge @!p0 [sflag:s0], s1  }
0x752: {  	s1 =	ssub.s32 @!p0 $0x0, s1;
	[sflag:s0] =	ssyncset.done @!p0 $0x0  }
0x753: {  	[sflag:s0] =	ssyncadd.s32 @!p0 s1  }
0x754: {  	[bflag:$0x3] =	sbarrier.arrive $0xFFFF  }
0x755: {  	_ =	shalt  }

</sc_bundles>
